<compile_context>
chip_gen: v7x
topology: tpu7x:2x2x1
jax: 0.10.2.dev20260603
libtpu: 0.0.44.dev20260713+nightly
codegen_flags: <defaults>
</compile_context>

<pallas_src>
import functools

import jax
import jax.numpy as jnp
from jax import lax
from jax.experimental import pallas as pl
from jax.experimental.pallas import tpu as pltpu
from jax.experimental.pallas import tpu_sc as plsc

L = 16
K = 64
NBUF = 3
CSPLIT = (0.30, 0.70)
DSH = 14


def _stage1_body(state_ref, goal_ref, mem_ref, wp_ref, bp_ref, wg_ref, a2_ref,
                 x_ref, h_ref, asd_ref):
    x = jnp.dot(state_ref[...], wp_ref[...], preferred_element_type=jnp.float32)
    x = x + bp_ref[...] + goal_ref[...] + mem_ref[...]
    h = jnp.dot(x, wg_ref[...], preferred_element_type=jnp.float32)
    x_ref[...] = x
    h_ref[...] = h
    asd_ref[...] = lax.dot_general(a2_ref[...], h, (((1,), (1,)), ((), ())),
                                   preferred_element_type=jnp.float32)


def _stage2_body(x_ref, mem_ref, acc_ref, den_ref, bgat_ref,
                 wih_ref, whh_ref, bih_ref, bhh_ref, out_ref):
    m = mem_ref.shape[-1]
    ctx = (acc_ref[0] + acc_ref[1]) / (den_ref[0] + den_ref[1] + 1e-16)
    mi = x_ref[...] + ctx + bgat_ref[...]
    gi = jnp.dot(mi, wih_ref[...], preferred_element_type=jnp.float32) + bih_ref[...]
    gh = jnp.dot(mem_ref[...], whh_ref[...], preferred_element_type=jnp.float32) + bhh_ref[...]
    r = jax.nn.sigmoid(gi[:, :m] + gh[:, :m])
    z = jax.nn.sigmoid(gi[:, m:2 * m] + gh[:, m:2 * m])
    nl = jnp.tanh(gi[:, 2 * m:] + r * gh[:, 2 * m:])
    out_ref[...] = (1.0 - z) * nl + z * mem_ref[...]


def _make_sc_kernel(n, m, n_pad, ne, chunks0, chunks1):
    mesh = plsc.VectorSubcoreMesh(core_axis_name="c", subcore_axis_name="s")
    rows_per_tile = n_pad // 16
    zcopies = rows_per_tile // K
    cmax = max(chunks0, chunks1)

    @functools.partial(
        pl.kernel,
        out_type=(jax.ShapeDtypeStruct((2, n_pad, m), jnp.float32),
                  jax.ShapeDtypeStruct((2, n_pad), jnp.float32)),
        mesh=mesh,
        compiler_params=pltpu.CompilerParams(needs_layout_passes=False),
        scratch_types=[
            pltpu.VMEM_SHARED((n_pad, m), jnp.float32),
            pltpu.VMEM_SHARED((n_pad,), jnp.float32),
            pltpu.VMEM(((cmax + NBUF) * K,), jnp.int32),
            [pltpu.VMEM((K,), jnp.int32) for _ in range(NBUF)],
            [pltpu.VMEM((K,), jnp.int32) for _ in range(NBUF)],
            [pltpu.VMEM((K, m), jnp.float32) for _ in range(NBUF)],
            [pltpu.VMEM((K,), jnp.float32) for _ in range(NBUF)],
            [pltpu.VMEM((K,), jnp.float32) for _ in range(NBUF)],
            [pltpu.VMEM((K,), jnp.float32) for _ in range(NBUF)],
            pltpu.VMEM((n_pad // 16,), jnp.float32),
            [pltpu.SemaphoreType.DMA for _ in range(NBUF)],
            [pltpu.SemaphoreType.DMA for _ in range(NBUF)],
            [pltpu.SemaphoreType.DMA for _ in range(NBUF)],
            [pltpu.SemaphoreType.DMA for _ in range(NBUF)],
        ],
    )
    def sc_edges(sd_hbm, as_hbm, ad_hbm, h_hbm, acc_out, den_out,
                 acc_sh, den_sh, sd_v, sib, dib, rows, asb, adb, wbufs, zb_v,
                 semg, sema, sems, semw):
        c = lax.axis_index("c")
        s = lax.axis_index("s")
        wid = c * 16 + s
        zero16 = jnp.zeros((L,), jnp.float32)

        def _zrow(i, _):
            for t in range(m // L):
                rows[0][i, pl.ds(t * L, L)] = zero16
            return 0
        lax.fori_loop(0, K, _zrow, 0)

        def _zb(i, _):
            zb_v[pl.ds(i * L, L)] = zero16
            return 0
        lax.fori_loop(0, rows_per_tile // L, _zb, 0)
        row0 = s * rows_per_tile
        for j in range(zcopies):
            pltpu.sync_copy(rows[0], acc_sh.at[pl.ds(row0 + j * K, K)])
        pltpu.sync_copy(zb_v, den_sh.at[pl.ds(row0, rows_per_tile)])

        myck = jnp.where(c == 0, chunks0, chunks1)
        first = jnp.where(c == 0, s * chunks0, 16 * chunks0 + s * chunks1)

        pltpu.sync_copy(sd_hbm.at[pl.ds(first * K, (cmax + NBUF - 1) * K)],
                        sd_v.at[pl.ds(0, (cmax + NBUF - 1) * K)])
        plsc.subcore_barrier()

        base = first * K

        def _unpack(ch, b):
            for j in range(K // L):
                p16 = sd_v[pl.ds(ch * K + j * L, L)]
                sib[b][pl.ds(j * L, L)] = lax.bitwise_and(p16, (1 << DSH) - 1)
                dib[b][pl.ds(j * L, L)] = lax.shift_right_logical(p16, DSH)

        def _issue(ch, b):
            pltpu.async_copy(h_hbm.at[sib[b]], rows[b], semg[b])
            pltpu.async_copy(as_hbm.at[sib[b]], asb[b], sema[b])
            pltpu.async_copy(ad_hbm.at[dib[b]], adb[b], sema[b])

        def _wait_gathers(b):
            pltpu.make_async_copy(h_hbm.at[pl.ds(0, K)], rows[b], semg[b]).wait()
            pltpu.make_async_copy(as_hbm.at[pl.ds(0, K)], asb[b], sema[b]).wait()
            pltpu.make_async_copy(as_hbm.at[pl.ds(0, K)], adb[b], sema[b]).wait()

        def _wait_scatter(b):
            pltpu.make_async_copy(h_hbm.at[pl.ds(0, K)], rows[b], sems[b]).wait()
            pltpu.make_async_copy(as_hbm.at[pl.ds(0, K)], wbufs[b], semw[b]).wait()

        def _compute(ch, b):
            off = base + ch * K
            for j in range(K // L):
                sl = pl.ds(j * L, L)
                ev = asb[b][sl] + adb[b][sl]
                ev = jnp.where(ev >= 0.0, ev, 0.2 * ev)
                w = jnp.exp(ev)
                pos = off + j * L + lax.iota(jnp.int32, L)
                wbufs[b][sl] = jnp.where(pos < ne, w, 0.0)

            def _scale(i4, _):
                for u in range(4):
                    i = i4 * 4 + u
                    wi = plsc.load_gather(wbufs[b], [jnp.full((L,), i, jnp.int32)])
                    for t in range(m // L):
                        rows[b][i, pl.ds(t * L, L)] = rows[b][i, pl.ds(t * L, L)] * wi
                return 0
            lax.fori_loop(0, K // 4, _scale, 0)

        for ch0 in range(NBUF - 1):
            _unpack(ch0, ch0)
            _issue(ch0, ch0)

        def _group(g, _):
            for b in range(NBUF):
                ch = g * NBUF + b
                bn = (b + NBUF - 1) % NBUF
                _wait_gathers(b)
                if b == 0:
                    pl.when(g > 0)(lambda: _wait_scatter(bn))
                else:
                    _wait_scatter(bn)
                _unpack(ch + NBUF - 1, bn)
                _issue(ch + NBUF - 1, bn)
                _compute(ch, b)
                pltpu.async_copy(rows[b], acc_sh.at[dib[b]], sems[b], add=True)
                pltpu.async_copy(wbufs[b], den_sh.at[dib[b]], semw[b], add=True)
            return 0
        lax.fori_loop(0, myck // NBUF, _group, 0)

        _wait_scatter(NBUF - 1)
        for b in range(NBUF - 1):
            _wait_gathers(b)

        plsc.subcore_barrier()
        for j in range(zcopies):
            sl = pl.ds(row0 + j * K, K)
            pltpu.sync_copy(acc_sh.at[sl], rows[j % NBUF])
            pltpu.sync_copy(rows[j % NBUF], acc_out.at[c, sl])
        slr = pl.ds(row0, rows_per_tile)
        pltpu.sync_copy(den_sh.at[slr], zb_v)
        pltpu.sync_copy(zb_v, den_out.at[c, slr])

    return sc_edges


def kernel(state, abstract_goal, memory_state, edge_index, W_proj, b_proj,
           W_gat, a_src, a_dst, b_gat, W_ih, W_hh, b_ih, b_hh):
    n, d = state.shape
    m = W_proj.shape[0]
    e = edge_index.shape[1]
    ne = e + n
    n_pad = -(-n // (16 * K)) * (16 * K)

    per_pair = -(-ne // (16 * K))
    c0 = NBUF * max(1, round(CSPLIT[0] * per_pair / NBUF))
    c1 = NBUF * -(-(per_pair - c0) // NBUF)

    rows_total = 16 * c0 + 15 * c1 + max(c0, c1) + NBUF - 1
    loop = jnp.arange(n, dtype=edge_index.dtype)
    pad = jnp.zeros((rows_total * K - ne,), edge_index.dtype)
    src = jnp.concatenate([edge_index[0], loop, pad])
    dst = jnp.concatenate([edge_index[1], loop, pad])
    sd = src | (dst << DSH)

    a2 = jnp.zeros((8, m), jnp.float32).at[0].set(a_src).at[1].set(a_dst)
    blk = 1024
    f32 = jnp.float32
    x, h, asd = pl.pallas_call(
        _stage1_body,
        grid=(-(-n // blk),),
        in_specs=[
            pl.BlockSpec((blk, d), lambda i: (i, 0)),
            pl.BlockSpec((blk, m), lambda i: (i, 0)),
            pl.BlockSpec((blk, m), lambda i: (i, 0)),
            pl.BlockSpec((d, m), lambda i: (0, 0)),
            pl.BlockSpec((1, m), lambda i: (0, 0)),
            pl.BlockSpec((m, m), lambda i: (0, 0)),
            pl.BlockSpec((8, m), lambda i: (0, 0)),
        ],
        out_specs=[
            pl.BlockSpec((blk, m), lambda i: (i, 0)),
            pl.BlockSpec((blk, m), lambda i: (i, 0)),
            pl.BlockSpec((8, blk), lambda i: (0, i)),
        ],
        out_shape=[
            jax.ShapeDtypeStruct((n, m), f32),
            jax.ShapeDtypeStruct((n, m), f32),
            jax.ShapeDtypeStruct((8, n), f32),
        ],
    )(state, abstract_goal, memory_state, W_proj.T, b_proj.reshape(1, m),
      W_gat.T, a2)

    sc_edges = _make_sc_kernel(n, m, n_pad, ne, c0, c1)
    as_flat = jnp.pad(asd[0], (0, n_pad - n))
    ad_flat = jnp.pad(asd[1], (0, n_pad - n))
    acc2, den2 = sc_edges(sd, as_flat, ad_flat, h)
    den3 = den2.reshape(2, n_pad, 1)

    new_memory = pl.pallas_call(
        _stage2_body,
        grid=(-(-n // blk),),
        in_specs=[
            pl.BlockSpec((blk, m), lambda i: (i, 0)),
            pl.BlockSpec((blk, m), lambda i: (i, 0)),
            pl.BlockSpec((2, blk, m), lambda i: (0, i, 0)),
            pl.BlockSpec((2, blk, 1), lambda i: (0, i, 0)),
            pl.BlockSpec((1, m), lambda i: (0, 0)),
            pl.BlockSpec((m, 3 * m), lambda i: (0, 0)),
            pl.BlockSpec((m, 3 * m), lambda i: (0, 0)),
            pl.BlockSpec((1, 3 * m), lambda i: (0, 0)),
            pl.BlockSpec((1, 3 * m), lambda i: (0, 0)),
        ],
        out_specs=pl.BlockSpec((blk, m), lambda i: (i, 0)),
        out_shape=jax.ShapeDtypeStruct((n, m), f32),
    )(x, memory_state, acc2, den3, b_gat.reshape(1, m),
      W_ih.T, W_hh.T, b_ih.reshape(1, 3 * m), b_hh.reshape(1, 3 * m))

    return new_memory

# --- scband reference (transcript-rebuilt; emitter-appended) ---
"""Pipeline reference for scband-graph-memory-module-9964324127104 (READ-ONLY COPY).

The authoritative reference and input builder live on the scoring server;
editing this copy changes nothing except your own understanding.
"""

import jax, jax.numpy as jnp
import numpy as np

N = 10000
E = 320000
D = 128
M = 128


def setup_inputs(seed: int = 0) -> dict:
    key = jax.random.key(seed)
    ks = jax.random.split(key, 16)
    s = 0.05
    inp = {}
    inp["state"] = jax.random.normal(ks[0], (N, D), dtype=jnp.float32)
    inp["abstract_goal"] = jax.random.normal(ks[1], (N, M), dtype=jnp.float32)
    inp["memory_state"] = jax.random.normal(ks[2], (N, M), dtype=jnp.float32)
    inp["edge_index"] = jax.random.randint(ks[3], (2, E), 0, N, dtype=jnp.int32)
    # input_proj: Linear(node_dim -> memory_size)
    inp["W_proj"] = jax.random.normal(ks[4], (M, D), dtype=jnp.float32) * s
    inp["b_proj"] = jax.random.normal(ks[5], (M,), dtype=jnp.float32) * s
    # GATConv(memory_size -> memory_size, heads=1, concat=False)
    inp["W_gat"] = jax.random.normal(ks[6], (M, M), dtype=jnp.float32) * s
    inp["a_src"] = jax.random.normal(ks[7], (M,), dtype=jnp.float32) * s
    inp["a_dst"] = jax.random.normal(ks[8], (M,), dtype=jnp.float32) * s
    inp["b_gat"] = jax.random.normal(ks[9], (M,), dtype=jnp.float32) * s
    # GRUCell(memory_size, memory_size): gate order r, z, n
    inp["W_ih"] = jax.random.normal(ks[10], (3 * M, M), dtype=jnp.float32) * s
    inp["W_hh"] = jax.random.normal(ks[11], (3 * M, M), dtype=jnp.float32) * s
    inp["b_ih"] = jax.random.normal(ks[12], (3 * M,), dtype=jnp.float32) * s
    inp["b_hh"] = jax.random.normal(ks[13], (3 * M,), dtype=jnp.float32) * s
    return inp


def _gat_conv(x, edge_index, W_gat, a_src, a_dst, b_gat):
    n = x.shape[0]
    loop = jnp.arange(n, dtype=edge_index.dtype)
    src = jnp.concatenate([edge_index[0], loop])  # PyG default add_self_loops=True
    dst = jnp.concatenate([edge_index[1], loop])
    h = x @ W_gat.T  # [N, M]
    alpha_s = (h * a_src).sum(-1)  # [N]
    alpha_d = (h * a_dst).sum(-1)  # [N]
    e = alpha_s[src] + alpha_d[dst]  # [E+N]
    e = jax.nn.leaky_relu(e, 0.2)
    e_max = jax.ops.segment_max(e, dst, num_segments=n)
    e_max = jnp.where(jnp.isfinite(e_max), e_max, 0.0)
    e_max = jax.lax.stop_gradient(e_max)
    ex = jnp.exp(e - e_max[dst])
    denom = jax.ops.segment_sum(ex, dst, num_segments=n)
    alpha = ex / (denom[dst] + 1e-16)
    out = jax.ops.segment_sum(h[src] * alpha[:, None], dst, num_segments=n)
    return out + b_gat


def _gru_cell(x, h, W_ih, W_hh, b_ih, b_hh):
    m = h.shape[-1]
    gi = x @ W_ih.T + b_ih
    gh = h @ W_hh.T + b_hh
    i_r, i_z, i_n = gi[:, :m], gi[:, m:2 * m], gi[:, 2 * m:]
    h_r, h_z, h_n = gh[:, :m], gh[:, m:2 * m], gh[:, 2 * m:]
    r = jax.nn.sigmoid(i_r + h_r)
    z = jax.nn.sigmoid(i_z + h_z)
    nl = jnp.tanh(i_n + r * h_n)
    return (1.0 - z) * nl + z * h


def reference(state, abstract_goal, memory_state, edge_index, W_proj, b_proj, W_gat, a_src, a_dst, b_gat, W_ih, W_hh, b_ih, b_hh):
    projected_state = state @ W_proj.T + b_proj
    combined_state = projected_state + abstract_goal
    memory_enhanced = combined_state + memory_state
    neighbor_context = _gat_conv(memory_enhanced, edge_index, W_gat, a_src, a_dst, b_gat)
    memory_input = memory_enhanced + neighbor_context
    new_memory = _gru_cell(memory_input, memory_state, W_ih, W_hh, b_ih, b_hh)
    return new_memory

if __name__ == "__main__":
    import jax
    _d = setup_inputs()
    print(jax.jit(kernel)(*tuple(_d.values())))

</pallas_src>

<mosaic_0001>
#map = affine_map<(d0, d1) -> (0)>
#map1 = affine_map<(d0, d1) -> (0, 0)>
#map2 = affine_map<(d0, d1) -> (0, 0, 0)>
module attributes {stable_mosaic.version = 14 : i64} {
  func.func @sc_edges(%arg0: i32, %arg1: i32, %arg2: memref<331904xi32, #tpu.memory_space<hbm>>, %arg3: memref<10240xf32, #tpu.memory_space<hbm>>, %arg4: memref<10240xf32, #tpu.memory_space<hbm>>, %arg5: memref<10000x128xf32, #tpu.memory_space<hbm>>, %arg6: memref<2x10240x128xf32, #tpu.memory_space<hbm>>, %arg7: memref<2x10240xf32, #tpu.memory_space<hbm>>, %arg8: memref<10240x128xf32, #tpu.memory_space<vmem_shared>>, %arg9: memref<10240xf32, #tpu.memory_space<vmem_shared>>, %arg10: memref<14784xi32, #tpu.memory_space<vmem>>, %arg11: memref<64xi32, #tpu.memory_space<vmem>>, %arg12: memref<64xi32, #tpu.memory_space<vmem>>, %arg13: memref<64xi32, #tpu.memory_space<vmem>>, %arg14: memref<64xi32, #tpu.memory_space<vmem>>, %arg15: memref<64xi32, #tpu.memory_space<vmem>>, %arg16: memref<64xi32, #tpu.memory_space<vmem>>, %arg17: memref<64x128xf32, #tpu.memory_space<vmem>>, %arg18: memref<64x128xf32, #tpu.memory_space<vmem>>, %arg19: memref<64x128xf32, #tpu.memory_space<vmem>>, %arg20: memref<64xf32, #tpu.memory_space<vmem>>, %arg21: memref<64xf32, #tpu.memory_space<vmem>>, %arg22: memref<64xf32, #tpu.memory_space<vmem>>, %arg23: memref<64xf32, #tpu.memory_space<vmem>>, %arg24: memref<64xf32, #tpu.memory_space<vmem>>, %arg25: memref<64xf32, #tpu.memory_space<vmem>>, %arg26: memref<64xf32, #tpu.memory_space<vmem>>, %arg27: memref<64xf32, #tpu.memory_space<vmem>>, %arg28: memref<64xf32, #tpu.memory_space<vmem>>, %arg29: memref<640xf32, #tpu.memory_space<vmem>>, %arg30: memref<!tpu.dma_semaphore, #tpu.memory_space<semaphore_mem>>, %arg31: memref<!tpu.dma_semaphore, #tpu.memory_space<semaphore_mem>>, %arg32: memref<!tpu.dma_semaphore, #tpu.memory_space<semaphore_mem>>, %arg33: memref<!tpu.dma_semaphore, #tpu.memory_space<semaphore_mem>>, %arg34: memref<!tpu.dma_semaphore, #tpu.memory_space<semaphore_mem>>, %arg35: memref<!tpu.dma_semaphore, #tpu.memory_space<semaphore_mem>>, %arg36: memref<!tpu.dma_semaphore, #tpu.memory_space<semaphore_mem>>, %arg37: memref<!tpu.dma_semaphore, #tpu.memory_space<semaphore_mem>>, %arg38: memref<!tpu.dma_semaphore, #tpu.memory_space<semaphore_mem>>, %arg39: memref<!tpu.dma_semaphore, #tpu.memory_space<semaphore_mem>>, %arg40: memref<!tpu.dma_semaphore, #tpu.memory_space<semaphore_mem>>, %arg41: memref<!tpu.dma_semaphore, #tpu.memory_space<semaphore_mem>>) attributes {dimension_semantics = [#tpu.dimension_semantics<core_parallel>, #tpu.dimension_semantics<subcore_parallel>], iteration_bounds = array<i64: 2, 16>, scalar_prefetch = 0 : i64, scratch_operands = 34 : i64, tpu.core_type = #tpu.core_type<sc_vector_subcore>, window_params = [{transform_indices = #map}, {transform_indices = #map}, {transform_indices = #map}, {transform_indices = #map1}, {transform_indices = #map2}, {transform_indices = #map1}]} {
    %mul3A = arith.constant 16 : i32
    %mul3A_0 = arith.muli %arg0, %mul3A : i32
    %add3A = arith.addi %mul3A_0, %arg1 : i32
    %broadcast_in_dim3A = arith.constant 0.000000e+00 : f32
    %broadcast_in_dim3A_1 = vector.broadcast %broadcast_in_dim3A : f32 to vector<16xf32>
    %scan3A = arith.constant 0 : i32
    %scan3A_2 = arith.constant 0 : i32
    %scan3A_3 = arith.constant 64 : i32
    %scan3A_4 = arith.addi %scan3A_2, %scan3A_3 : i32
    %scan3A_5 = arith.constant 1 : i32
    %scan3A_6 = scf.for %scan3A_245 = %scan3A_2 to %scan3A_4 step %scan3A_5 iter_args(%scan3A_246 = %scan3A) -> (i32)  : i32 {
      %swap3A_247 = arith.index_cast %scan3A_245 : i32 to index
      %swap3A_248 = arith.constant 0 : index
      %swap3A_249 = tpu.vector_load %arg17[%swap3A_247, %swap3A_248] {strides = array<i32>} : memref<64x128xf32, #tpu.memory_space<vmem>>, vector<16xf32>,
      tpu.vector_store %arg17[%swap3A_247, %swap3A_248], %broadcast_in_dim3A_1 {strides = array<i32>} : memref<64x128xf32, #tpu.memory_space<vmem>>, vector<16xf32>,
      %swap3A_250 = arith.index_cast %scan3A_245 : i32 to index
      %swap3A_251 = arith.constant 16 : index
      %swap3A_252 = tpu.vector_load %arg17[%swap3A_250, %swap3A_251] {strides = array<i32>} : memref<64x128xf32, #tpu.memory_space<vmem>>, vector<16xf32>,
      tpu.vector_store %arg17[%swap3A_250, %swap3A_251], %broadcast_in_dim3A_1 {strides = array<i32>} : memref<64x128xf32, #tpu.memory_space<vmem>>, vector<16xf32>,
      %swap3A_253 = arith.index_cast %scan3A_245 : i32 to index
      %swap3A_254 = arith.constant 32 : index
      %swap3A_255 = tpu.vector_load %arg17[%swap3A_253, %swap3A_254] {strides = array<i32>} : memref<64x128xf32, #tpu.memory_space<vmem>>, vector<16xf32>,
      tpu.vector_store %arg17[%swap3A_253, %swap3A_254], %broadcast_in_dim3A_1 {strides = array<i32>} : memref<64x128xf32, #tpu.memory_space<vmem>>, vector<16xf32>,
      %swap3A_256 = arith.index_cast %scan3A_245 : i32 to index
      %swap3A_257 = arith.constant 48 : index
      %swap3A_258 = tpu.vector_load %arg17[%swap3A_256, %swap3A_257] {strides = array<i32>} : memref<64x128xf32, #tpu.memory_space<vmem>>, vector<16xf32>,
      tpu.vector_store %arg17[%swap3A_256, %swap3A_257], %broadcast_in_dim3A_1 {strides = array<i32>} : memref<64x128xf32, #tpu.memory_space<vmem>>, vector<16xf32>,
      %swap3A_259 = arith.index_cast %scan3A_245 : i32 to index
      %swap3A_260 = arith.constant 64 : index
      %swap3A_261 = tpu.vector_load %arg17[%swap3A_259, %swap3A_260] {strides = array<i32>} : memref<64x128xf32, #tpu.memory_space<vmem>>, vector<16xf32>,
      tpu.vector_store %arg17[%swap3A_259, %swap3A_260], %broadcast_in_dim3A_1 {strides = array<i32>} : memref<64x128xf32, #tpu.memory_space<vmem>>, vector<16xf32>,
      %swap3A_262 = arith.index_cast %scan3A_245 : i32 to index
      %swap3A_263 = arith.constant 80 : index
      %swap3A_264 = tpu.vector_load %arg17[%swap3A_262, %swap3A_263] {strides = array<i32>} : memref<64x128xf32, #tpu.memory_space<vmem>>, vector<16xf32>,
      tpu.vector_store %arg17[%swap3A_262, %swap3A_263], %broadcast_in_dim3A_1 {strides = array<i32>} : memref<64x128xf32, #tpu.memory_space<vmem>>, vector<16xf32>,
      %swap3A_265 = arith.index_cast %scan3A_245 : i32 to index
      %swap3A_266 = arith.constant 96 : index
      %swap3A_267 = tpu.vector_load %arg17[%swap3A_265, %swap3A_266] {strides = array<i32>} : memref<64x128xf32, #tpu.memory_space<vmem>>, vector<16xf32>,
      tpu.vector_store %arg17[%swap3A_265, %swap3A_266], %broadcast_in_dim3A_1 {strides = array<i32>} : memref<64x128xf32, #tpu.memory_space<vmem>>, vector<16xf32>,
      %swap3A_268 = arith.index_cast %scan3A_245 : i32 to index
      %swap3A_269 = arith.constant 112 : index
      %swap3A_270 = tpu.vector_load %arg17[%swap3A_268, %swap3A_269] {strides = array<i32>} : memref<64x128xf32, #tpu.memory_space<vmem>>, vector<16xf32>,
      tpu.vector_store %arg17[%swap3A_268, %swap3A_269], %broadcast_in_dim3A_1 {strides = array<i32>} : memref<64x128xf32, #tpu.memory_space<vmem>>, vector<16xf32>,
      %scan3A_271 = arith.constant 0 : i32
      scf.yield %scan3A_271 : i32
    }
    %scan3A_7 = arith.constant 64 : i32
    %scan3A_8 = arith.constant 0 : i32
    %scan3A_9 = arith.constant 0 : i32
    %scan3A_10 = arith.constant 40 : i32
    %scan3A_11 = arith.addi %scan3A_9, %scan3A_10 : i32
    %scan3A_12 = arith.constant 1 : i32
    %scan3A_13 = scf.for %scan3A_245 = %scan3A_9 to %scan3A_11 step %scan3A_12 iter_args(%scan3A_246 = %scan3A_8) -> (i32)  : i32 {
      %mul3A_247 = arith.constant 16 : i32
      %mul3A_248 = arith.muli %scan3A_245, %mul3A_247 : i32
      %swap3A_249 = arith.index_cast %mul3A_248 : i32 to index
      %swap3A_250 = tpu.vector_load %arg29[%swap3A_249] {strides = array<i32>} : memref<640xf32, #tpu.memory_space<vmem>>, vector<16xf32>,
      tpu.vector_store %arg29[%swap3A_249], %broadcast_in_dim3A_1 {strides = array<i32>} : memref<640xf32, #tpu.memory_space<vmem>>, vector<16xf32>,
      %scan3A_251 = arith.constant 0 : i32
      scf.yield %scan3A_251 : i32
    }
    %scan3A_14 = arith.constant 40 : i32
    %mul3A_15 = arith.constant 640 : i32
    %mul3A_16 = arith.muli %arg1, %mul3A_15 : i32
    %add3A_17 = arith.constant 0 : i32
    %add3A_18 = arith.addi %mul3A_16, %add3A_17 : i32
    "tpu.region"() ({
      %run_scoped3A = tpu.sem_alloc : memref<!tpu.dma_semaphore, #tpu.memory_space<semaphore_mem>>
      %dma_start3A_245 = arith.constant 0 : i32
      %dma_start3A_246 = tpu.memref_slice %arg8[%add3A_18, %dma_start3A_245] : memref<10240x128xf32, #tpu.memory_space<vmem_shared>> -> memref<64x128xf32, #tpu.memory_space<vmem_shared>>
      %dma_start3A_247 = arith.constant 0 : i32
      %dma_start3A_248 = tpu.memref_slice %arg8[%add3A_18, %dma_start3A_247] : memref<10240x128xf32, #tpu.memory_space<vmem_shared>> -> memref<64x128xf32, #tpu.memory_space<vmem_shared>>
      tpu.enqueue_dma source(%arg17 : memref<64x128xf32, #tpu.memory_space<vmem>>) target(%dma_start3A_248 : memref<64x128xf32, #tpu.memory_space<vmem_shared>>) target_semaphore(%run_scoped3A : memref<!tpu.dma_semaphore, #tpu.memory_space<semaphore_mem>>)
      %dma_wait3A_249 = arith.constant 0 : i32
      %dma_wait3A_250 = tpu.memref_slice %arg8[%add3A_18, %dma_wait3A_249] : memref<10240x128xf32, #tpu.memory_space<vmem_shared>> -> memref<64x128xf32, #tpu.memory_space<vmem_shared>>
      %dma_wait3A_251 = arith.constant 0 : i32
      %dma_wait3A_252 = tpu.memref_slice %arg8[%add3A_18, %dma_wait3A_251] : memref<10240x128xf32, #tpu.memory_space<vmem_shared>> -> memref<64x128xf32, #tpu.memory_space<vmem_shared>>
      tpu.wait_dma2 semaphore(%run_scoped3A : memref<!tpu.dma_semaphore, #tpu.memory_space<semaphore_mem>>) src(%arg17 : memref<64x128xf32, #tpu.memory_space<vmem>>) dst(%dma_wait3A_252 : memref<64x128xf32, #tpu.memory_space<vmem_shared>>)
      tpu.yield
    }) : () -> ()
    %add3A_19 = arith.constant 64 : i32
    %add3A_20 = arith.addi %mul3A_16, %add3A_19 : i32
    "tpu.region"() ({
      %run_scoped3A = tpu.sem_alloc : memref<!tpu.dma_semaphore, #tpu.memory_space<semaphore_mem>>
      %dma_start3A_245 = arith.constant 0 : i32
      %dma_start3A_246 = tpu.memref_slice %arg8[%add3A_20, %dma_start3A_245] : memref<10240x128xf32, #tpu.memory_space<vmem_shared>> -> memref<64x128xf32, #tpu.memory_space<vmem_shared>>
      %dma_start3A_247 = arith.constant 0 : i32
      %dma_start3A_248 = tpu.memref_slice %arg8[%add3A_20, %dma_start3A_247] : memref<10240x128xf32, #tpu.memory_space<vmem_shared>> -> memref<64x128xf32, #tpu.memory_space<vmem_shared>>
      tpu.enqueue_dma source(%arg17 : memref<64x128xf32, #tpu.memory_space<vmem>>) target(%dma_start3A_248 : memref<64x128xf32, #tpu.memory_space<vmem_shared>>) target_semaphore(%run_scoped3A : memref<!tpu.dma_semaphore, #tpu.memory_space<semaphore_mem>>)
      %dma_wait3A_249 = arith.constant 0 : i32
      %dma_wait3A_250 = tpu.memref_slice %arg8[%add3A_20, %dma_wait3A_249] : memref<10240x128xf32, #tpu.memory_space<vmem_shared>> -> memref<64x128xf32, #tpu.memory_space<vmem_shared>>
      %dma_wait3A_251 = arith.constant 0 : i32
      %dma_wait3A_252 = tpu.memref_slice %arg8[%add3A_20, %dma_wait3A_251] : memref<10240x128xf32, #tpu.memory_space<vmem_shared>> -> memref<64x128xf32, #tpu.memory_space<vmem_shared>>
      tpu.wait_dma2 semaphore(%run_scoped3A : memref<!tpu.dma_semaphore, #tpu.memory_space<semaphore_mem>>) src(%arg17 : memref<64x128xf32, #tpu.memory_space<vmem>>) dst(%dma_wait3A_252 : memref<64x128xf32, #tpu.memory_space<vmem_shared>>)
      tpu.yield
    }) : () -> ()
    %add3A_21 = arith.constant 128 : i32
    %add3A_22 = arith.addi %mul3A_16, %add3A_21 : i32
    "tpu.region"() ({
      %run_scoped3A = tpu.sem_alloc : memref<!tpu.dma_semaphore, #tpu.memory_space<semaphore_mem>>
      %dma_start3A_245 = arith.constant 0 : i32
      %dma_start3A_246 = tpu.memref_slice %arg8[%add3A_22, %dma_start3A_245] : memref<10240x128xf32, #tpu.memory_space<vmem_shared>> -> memref<64x128xf32, #tpu.memory_space<vmem_shared>>
      %dma_start3A_247 = arith.constant 0 : i32
      %dma_start3A_248 = tpu.memref_slice %arg8[%add3A_22, %dma_start3A_247] : memref<10240x128xf32, #tpu.memory_space<vmem_shared>> -> memref<64x128xf32, #tpu.memory_space<vmem_shared>>
      tpu.enqueue_dma source(%arg17 : memref<64x128xf32, #tpu.memory_space<vmem>>) target(%dma_start3A_248 : memref<64x128xf32, #tpu.memory_space<vmem_shared>>) target_semaphore(%run_scoped3A : memref<!tpu.dma_semaphore, #tpu.memory_space<semaphore_mem>>)
      %dma_wait3A_249 = arith.constant 0 : i32
      %dma_wait3A_250 = tpu.memref_slice %arg8[%add3A_22, %dma_wait3A_249] : memref<10240x128xf32, #tpu.memory_space<vmem_shared>> -> memref<64x128xf32, #tpu.memory_space<vmem_shared>>
      %dma_wait3A_251 = arith.constant 0 : i32
      %dma_wait3A_252 = tpu.memref_slice %arg8[%add3A_22, %dma_wait3A_251] : memref<10240x128xf32, #tpu.memory_space<vmem_shared>> -> memref<64x128xf32, #tpu.memory_space<vmem_shared>>
      tpu.wait_dma2 semaphore(%run_scoped3A : memref<!tpu.dma_semaphore, #tpu.memory_space<semaphore_mem>>) src(%arg17 : memref<64x128xf32, #tpu.memory_space<vmem>>) dst(%dma_wait3A_252 : memref<64x128xf32, #tpu.memory_space<vmem_shared>>)
      tpu.yield
    }) : () -> ()
    %add3A_23 = arith.constant 192 : i32
    %add3A_24 = arith.addi %mul3A_16, %add3A_23 : i32
    "tpu.region"() ({
      %run_scoped3A = tpu.sem_alloc : memref<!tpu.dma_semaphore, #tpu.memory_space<semaphore_mem>>
      %dma_start3A_245 = arith.constant 0 : i32
      %dma_start3A_246 = tpu.memref_slice %arg8[%add3A_24, %dma_start3A_245] : memref<10240x128xf32, #tpu.memory_space<vmem_shared>> -> memref<64x128xf32, #tpu.memory_space<vmem_shared>>
      %dma_start3A_247 = arith.constant 0 : i32
      %dma_start3A_248 = tpu.memref_slice %arg8[%add3A_24, %dma_start3A_247] : memref<10240x128xf32, #tpu.memory_space<vmem_shared>> -> memref<64x128xf32, #tpu.memory_space<vmem_shared>>
      tpu.enqueue_dma source(%arg17 : memref<64x128xf32, #tpu.memory_space<vmem>>) target(%dma_start3A_248 : memref<64x128xf32, #tpu.memory_space<vmem_shared>>) target_semaphore(%run_scoped3A : memref<!tpu.dma_semaphore, #tpu.memory_space<semaphore_mem>>)
      %dma_wait3A_249 = arith.constant 0 : i32
      %dma_wait3A_250 = tpu.memref_slice %arg8[%add3A_24, %dma_wait3A_249] : memref<10240x128xf32, #tpu.memory_space<vmem_shared>> -> memref<64x128xf32, #tpu.memory_space<vmem_shared>>
      %dma_wait3A_251 = arith.constant 0 : i32
      %dma_wait3A_252 = tpu.memref_slice %arg8[%add3A_24, %dma_wait3A_251] : memref<10240x128xf32, #tpu.memory_space<vmem_shared>> -> memref<64x128xf32, #tpu.memory_space<vmem_shared>>
      tpu.wait_dma2 semaphore(%run_scoped3A : memref<!tpu.dma_semaphore, #tpu.memory_space<semaphore_mem>>) src(%arg17 : memref<64x128xf32, #tpu.memory_space<vmem>>) dst(%dma_wait3A_252 : memref<64x128xf32, #tpu.memory_space<vmem_shared>>)
      tpu.yield
    }) : () -> ()
    %add3A_25 = arith.constant 256 : i32
    %add3A_26 = arith.addi %mul3A_16, %add3A_25 : i32
    "tpu.region"() ({
      %run_scoped3A = tpu.sem_alloc : memref<!tpu.dma_semaphore, #tpu.memory_space<semaphore_mem>>
      %dma_start3A_245 = arith.constant 0 : i32
      %dma_start3A_246 = tpu.memref_slice %arg8[%add3A_26, %dma_start3A_245] : memref<10240x128xf32, #tpu.memory_space<vmem_shared>> -> memref<64x128xf32, #tpu.memory_space<vmem_shared>>
      %dma_start3A_247 = arith.constant 0 : i32
      %dma_start3A_248 = tpu.memref_slice %arg8[%add3A_26, %dma_start3A_247] : memref<10240x128xf32, #tpu.memory_space<vmem_shared>> -> memref<64x128xf32, #tpu.memory_space<vmem_shared>>
      tpu.enqueue_dma source(%arg17 : memref<64x128xf32, #tpu.memory_space<vmem>>) target(%dma_start3A_248 : memref<64x128xf32, #tpu.memory_space<vmem_shared>>) target_semaphore(%run_scoped3A : memref<!tpu.dma_semaphore, #tpu.memory_space<semaphore_mem>>)
      %dma_wait3A_249 = arith.constant 0 : i32
      %dma_wait3A_250 = tpu.memref_slice %arg8[%add3A_26, %dma_wait3A_249] : memref<10240x128xf32, #tpu.memory_space<vmem_shared>> -> memref<64x128xf32, #tpu.memory_space<vmem_shared>>
      %dma_wait3A_251 = arith.constant 0 : i32
      %dma_wait3A_252 = tpu.memref_slice %arg8[%add3A_26, %dma_wait3A_251] : memref<10240x128xf32, #tpu.memory_space<vmem_shared>> -> memref<64x128xf32, #tpu.memory_space<vmem_shared>>
      tpu.wait_dma2 semaphore(%run_scoped3A : memref<!tpu.dma_semaphore, #tpu.memory_space<semaphore_mem>>) src(%arg17 : memref<64x128xf32, #tpu.memory_space<vmem>>) dst(%dma_wait3A_252 : memref<64x128xf32, #tpu.memory_space<vmem_shared>>)
      tpu.yield
    }) : () -> ()
    %add3A_27 = arith.constant 320 : i32
    %add3A_28 = arith.addi %mul3A_16, %add3A_27 : i32
    "tpu.region"() ({
      %run_scoped3A = tpu.sem_alloc : memref<!tpu.dma_semaphore, #tpu.memory_space<semaphore_mem>>
      %dma_start3A_245 = arith.constant 0 : i32
      %dma_start3A_246 = tpu.memref_slice %arg8[%add3A_28, %dma_start3A_245] : memref<10240x128xf32, #tpu.memory_space<vmem_shared>> -> memref<64x128xf32, #tpu.memory_space<vmem_shared>>
      %dma_start3A_247 = arith.constant 0 : i32
      %dma_start3A_248 = tpu.memref_slice %arg8[%add3A_28, %dma_start3A_247] : memref<10240x128xf32, #tpu.memory_space<vmem_shared>> -> memref<64x128xf32, #tpu.memory_space<vmem_shared>>
      tpu.enqueue_dma source(%arg17 : memref<64x128xf32, #tpu.memory_space<vmem>>) target(%dma_start3A_248 : memref<64x128xf32, #tpu.memory_space<vmem_shared>>) target_semaphore(%run_scoped3A : memref<!tpu.dma_semaphore, #tpu.memory_space<semaphore_mem>>)
      %dma_wait3A_249 = arith.constant 0 : i32
      %dma_wait3A_250 = tpu.memref_slice %arg8[%add3A_28, %dma_wait3A_249] : memref<10240x128xf32, #tpu.memory_space<vmem_shared>> -> memref<64x128xf32, #tpu.memory_space<vmem_shared>>
      %dma_wait3A_251 = arith.constant 0 : i32
      %dma_wait3A_252 = tpu.memref_slice %arg8[%add3A_28, %dma_wait3A_251] : memref<10240x128xf32, #tpu.memory_space<vmem_shared>> -> memref<64x128xf32, #tpu.memory_space<vmem_shared>>
      tpu.wait_dma2 semaphore(%run_scoped3A : memref<!tpu.dma_semaphore, #tpu.memory_space<semaphore_mem>>) src(%arg17 : memref<64x128xf32, #tpu.memory_space<vmem>>) dst(%dma_wait3A_252 : memref<64x128xf32, #tpu.memory_space<vmem_shared>>)
      tpu.yield
    }) : () -> ()
    %add3A_29 = arith.constant 384 : i32
    %add3A_30 = arith.addi %mul3A_16, %add3A_29 : i32
    "tpu.region"() ({
      %run_scoped3A = tpu.sem_alloc : memref<!tpu.dma_semaphore, #tpu.memory_space<semaphore_mem>>
      %dma_start3A_245 = arith.constant 0 : i32
      %dma_start3A_246 = tpu.memref_slice %arg8[%add3A_30, %dma_start3A_245] : memref<10240x128xf32, #tpu.memory_space<vmem_shared>> -> memref<64x128xf32, #tpu.memory_space<vmem_shared>>
      %dma_start3A_247 = arith.constant 0 : i32
      %dma_start3A_248 = tpu.memref_slice %arg8[%add3A_30, %dma_start3A_247] : memref<10240x128xf32, #tpu.memory_space<vmem_shared>> -> memref<64x128xf32, #tpu.memory_space<vmem_shared>>
      tpu.enqueue_dma source(%arg17 : memref<64x128xf32, #tpu.memory_space<vmem>>) target(%dma_start3A_248 : memref<64x128xf32, #tpu.memory_space<vmem_shared>>) target_semaphore(%run_scoped3A : memref<!tpu.dma_semaphore, #tpu.memory_space<semaphore_mem>>)
      %dma_wait3A_249 = arith.constant 0 : i32
      %dma_wait3A_250 = tpu.memref_slice %arg8[%add3A_30, %dma_wait3A_249] : memref<10240x128xf32, #tpu.memory_space<vmem_shared>> -> memref<64x128xf32, #tpu.memory_space<vmem_shared>>
      %dma_wait3A_251 = arith.constant 0 : i32
      %dma_wait3A_252 = tpu.memref_slice %arg8[%add3A_30, %dma_wait3A_251] : memref<10240x128xf32, #tpu.memory_space<vmem_shared>> -> memref<64x128xf32, #tpu.memory_space<vmem_shared>>
      tpu.wait_dma2 semaphore(%run_scoped3A : memref<!tpu.dma_semaphore, #tpu.memory_space<semaphore_mem>>) src(%arg17 : memref<64x128xf32, #tpu.memory_space<vmem>>) dst(%dma_wait3A_252 : memref<64x128xf32, #tpu.memory_space<vmem_shared>>)
      tpu.yield
    }) : () -> ()
    %add3A_31 = arith.constant 448 : i32
    %add3A_32 = arith.addi %mul3A_16, %add3A_31 : i32
    "tpu.region"() ({
      %run_scoped3A = tpu.sem_alloc : memref<!tpu.dma_semaphore, #tpu.memory_space<semaphore_mem>>
      %dma_start3A_245 = arith.constant 0 : i32
      %dma_start3A_246 = tpu.memref_slice %arg8[%add3A_32, %dma_start3A_245] : memref<10240x128xf32, #tpu.memory_space<vmem_shared>> -> memref<64x128xf32, #tpu.memory_space<vmem_shared>>
      %dma_start3A_247 = arith.constant 0 : i32
      %dma_start3A_248 = tpu.memref_slice %arg8[%add3A_32, %dma_start3A_247] : memref<10240x128xf32, #tpu.memory_space<vmem_shared>> -> memref<64x128xf32, #tpu.memory_space<vmem_shared>>
      tpu.enqueue_dma source(%arg17 : memref<64x128xf32, #tpu.memory_space<vmem>>) target(%dma_start3A_248 : memref<64x128xf32, #tpu.memory_space<vmem_shared>>) target_semaphore(%run_scoped3A : memref<!tpu.dma_semaphore, #tpu.memory_space<semaphore_mem>>)
      %dma_wait3A_249 = arith.constant 0 : i32
      %dma_wait3A_250 = tpu.memref_slice %arg8[%add3A_32, %dma_wait3A_249] : memref<10240x128xf32, #tpu.memory_space<vmem_shared>> -> memref<64x128xf32, #tpu.memory_space<vmem_shared>>
      %dma_wait3A_251 = arith.constant 0 : i32
      %dma_wait3A_252 = tpu.memref_slice %arg8[%add3A_32, %dma_wait3A_251] : memref<10240x128xf32, #tpu.memory_space<vmem_shared>> -> memref<64x128xf32, #tpu.memory_space<vmem_shared>>
      tpu.wait_dma2 semaphore(%run_scoped3A : memref<!tpu.dma_semaphore, #tpu.memory_space<semaphore_mem>>) src(%arg17 : memref<64x128xf32, #tpu.memory_space<vmem>>) dst(%dma_wait3A_252 : memref<64x128xf32, #tpu.memory_space<vmem_shared>>)
      tpu.yield
    }) : () -> ()
    %add3A_33 = arith.constant 512 : i32
    %add3A_34 = arith.addi %mul3A_16, %add3A_33 : i32
    "tpu.region"() ({
      %run_scoped3A = tpu.sem_alloc : memref<!tpu.dma_semaphore, #tpu.memory_space<semaphore_mem>>
      %dma_start3A_245 = arith.constant 0 : i32
      %dma_start3A_246 = tpu.memref_slice %arg8[%add3A_34, %dma_start3A_245] : memref<10240x128xf32, #tpu.memory_space<vmem_shared>> -> memref<64x128xf32, #tpu.memory_space<vmem_shared>>
      %dma_start3A_247 = arith.constant 0 : i32
      %dma_start3A_248 = tpu.memref_slice %arg8[%add3A_34, %dma_start3A_247] : memref<10240x128xf32, #tpu.memory_space<vmem_shared>> -> memref<64x128xf32, #tpu.memory_space<vmem_shared>>
      tpu.enqueue_dma source(%arg17 : memref<64x128xf32, #tpu.memory_space<vmem>>) target(%dma_start3A_248 : memref<64x128xf32, #tpu.memory_space<vmem_shared>>) target_semaphore(%run_scoped3A : memref<!tpu.dma_semaphore, #tpu.memory_space<semaphore_mem>>)
      %dma_wait3A_249 = arith.constant 0 : i32
      %dma_wait3A_250 = tpu.memref_slice %arg8[%add3A_34, %dma_wait3A_249] : memref<10240x128xf32, #tpu.memory_space<vmem_shared>> -> memref<64x128xf32, #tpu.memory_space<vmem_shared>>
      %dma_wait3A_251 = arith.constant 0 : i32
      %dma_wait3A_252 = tpu.memref_slice %arg8[%add3A_34, %dma_wait3A_251] : memref<10240x128xf32, #tpu.memory_space<vmem_shared>> -> memref<64x128xf32, #tpu.memory_space<vmem_shared>>
      tpu.wait_dma2 semaphore(%run_scoped3A : memref<!tpu.dma_semaphore, #tpu.memory_space<semaphore_mem>>) src(%arg17 : memref<64x128xf32, #tpu.memory_space<vmem>>) dst(%dma_wait3A_252 : memref<64x128xf32, #tpu.memory_space<vmem_shared>>)
      tpu.yield
    }) : () -> ()
    %add3A_35 = arith.constant 576 : i32
    %add3A_36 = arith.addi %mul3A_16, %add3A_35 : i32
    "tpu.region"() ({
      %run_scoped3A = tpu.sem_alloc : memref<!tpu.dma_semaphore, #tpu.memory_space<semaphore_mem>>
      %dma_start3A_245 = arith.constant 0 : i32
      %dma_start3A_246 = tpu.memref_slice %arg8[%add3A_36, %dma_start3A_245] : memref<10240x128xf32, #tpu.memory_space<vmem_shared>> -> memref<64x128xf32, #tpu.memory_space<vmem_shared>>
      %dma_start3A_247 = arith.constant 0 : i32
      %dma_start3A_248 = tpu.memref_slice %arg8[%add3A_36, %dma_start3A_247] : memref<10240x128xf32, #tpu.memory_space<vmem_shared>> -> memref<64x128xf32, #tpu.memory_space<vmem_shared>>
      tpu.enqueue_dma source(%arg17 : memref<64x128xf32, #tpu.memory_space<vmem>>) target(%dma_start3A_248 : memref<64x128xf32, #tpu.memory_space<vmem_shared>>) target_semaphore(%run_scoped3A : memref<!tpu.dma_semaphore, #tpu.memory_space<semaphore_mem>>)
      %dma_wait3A_249 = arith.constant 0 : i32
      %dma_wait3A_250 = tpu.memref_slice %arg8[%add3A_36, %dma_wait3A_249] : memref<10240x128xf32, #tpu.memory_space<vmem_shared>> -> memref<64x128xf32, #tpu.memory_space<vmem_shared>>
      %dma_wait3A_251 = arith.constant 0 : i32
      %dma_wait3A_252 = tpu.memref_slice %arg8[%add3A_36, %dma_wait3A_251] : memref<10240x128xf32, #tpu.memory_space<vmem_shared>> -> memref<64x128xf32, #tpu.memory_space<vmem_shared>>
      tpu.wait_dma2 semaphore(%run_scoped3A : memref<!tpu.dma_semaphore, #tpu.memory_space<semaphore_mem>>) src(%arg17 : memref<64x128xf32, #tpu.memory_space<vmem>>) dst(%dma_wait3A_252 : memref<64x128xf32, #tpu.memory_space<vmem_shared>>)
      tpu.yield
    }) : () -> ()
    "tpu.region"() ({
      %run_scoped3A = tpu.sem_alloc : memref<!tpu.dma_semaphore, #tpu.memory_space<semaphore_mem>>
      %dma_start3A_245 = tpu.memref_slice %arg9[%mul3A_16] : memref<10240xf32, #tpu.memory_space<vmem_shared>> -> memref<640xf32, #tpu.memory_space<vmem_shared>>
      %dma_start3A_246 = tpu.memref_slice %arg9[%mul3A_16] : memref<10240xf32, #tpu.memory_space<vmem_shared>> -> memref<640xf32, #tpu.memory_space<vmem_shared>>
      tpu.enqueue_dma source(%arg29 : memref<640xf32, #tpu.memory_space<vmem>>) target(%dma_start3A_246 : memref<640xf32, #tpu.memory_space<vmem_shared>>) target_semaphore(%run_scoped3A : memref<!tpu.dma_semaphore, #tpu.memory_space<semaphore_mem>>)
      %dma_wait3A_247 = tpu.memref_slice %arg9[%mul3A_16] : memref<10240xf32, #tpu.memory_space<vmem_shared>> -> memref<640xf32, #tpu.memory_space<vmem_shared>>
      %dma_wait3A_248 = tpu.memref_slice %arg9[%mul3A_16] : memref<10240xf32, #tpu.memory_space<vmem_shared>> -> memref<640xf32, #tpu.memory_space<vmem_shared>>
      tpu.wait_dma2 semaphore(%run_scoped3A : memref<!tpu.dma_semaphore, #tpu.memory_space<semaphore_mem>>) src(%arg29 : memref<640xf32, #tpu.memory_space<vmem>>) dst(%dma_wait3A_248 : memref<640xf32, #tpu.memory_space<vmem_shared>>)
      tpu.yield
    }) : () -> ()
    %eq3A = arith.constant 0 : i32
    %eq3A_37 = arith.cmpi eq, %arg0, %eq3A : i32
    %jit3A = arith.constant 96 : i32
    %jit3A_38 = arith.constant 228 : i32
    %select_n3A = arith.select %eq3A_37, %jit3A, %jit3A_38 : i32
    %eq3A_39 = arith.constant 0 : i32
    %eq3A_40 = arith.cmpi eq, %arg0, %eq3A_39 : i32
    %mul3A_41 = arith.constant 96 : i32
    %mul3A_42 = arith.muli %arg1, %mul3A_41 : i32
    %mul3A_43 = arith.constant 228 : i32
    %mul3A_44 = arith.muli %arg1, %mul3A_43 : i32
    %add3A_45 = arith.constant 1536 : i32
    %add3A_46 = arith.addi %add3A_45, %mul3A_44 : i32
    %select_n3A_47 = arith.select %eq3A_40, %mul3A_42, %add3A_46 : i32
    %mul3A_48 = arith.constant 64 : i32
    %mul3A_49 = arith.muli %select_n3A_47, %mul3A_48 : i32
    "tpu.region"() ({
      %run_scoped3A = tpu.sem_alloc : memref<!tpu.dma_semaphore, #tpu.memory_space<semaphore_mem>>
      %dma_start3A_245 = arith.constant 0 : i32
      %dma_start3A_246 = tpu.memref_slice %arg10[%dma_start3A_245] : memref<14784xi32, #tpu.memory_space<vmem>> -> memref<14720xi32, #tpu.memory_space<vmem>>
      %dma_start3A_247 = tpu.memref_slice %arg2[%mul3A_49] : memref<331904xi32, #tpu.memory_space<hbm>> -> memref<14720xi32, #tpu.memory_space<hbm>>
      %dma_start3A_248 = arith.constant 0 : i32
      %dma_start3A_249 = tpu.memref_slice %arg10[%dma_start3A_248] : memref<14784xi32, #tpu.memory_space<vmem>> -> memref<14720xi32, #tpu.memory_space<vmem>>
      %dma_start3A_250 = tpu.memref_slice %arg2[%mul3A_49] : memref<331904xi32, #tpu.memory_space<hbm>> -> memref<14720xi32, #tpu.memory_space<hbm>>
      tpu.enqueue_dma source(%dma_start3A_250 : memref<14720xi32, #tpu.memory_space<hbm>>) target(%dma_start3A_249 : memref<14720xi32, #tpu.memory_space<vmem>>) target_semaphore(%run_scoped3A : memref<!tpu.dma_semaphore, #tpu.memory_space<semaphore_mem>>)
      %dma_wait3A_251 = arith.constant 0 : i32
      %dma_wait3A_252 = tpu.memref_slice %arg10[%dma_wait3A_251] : memref<14784xi32, #tpu.memory_space<vmem>> -> memref<14720xi32, #tpu.memory_space<vmem>>
      %dma_wait3A_253 = tpu.memref_slice %arg2[%mul3A_49] : memref<331904xi32, #tpu.memory_space<hbm>> -> memref<14720xi32, #tpu.memory_space<hbm>>
      %dma_wait3A_254 = arith.constant 0 : i32
      %dma_wait3A_255 = tpu.memref_slice %arg10[%dma_wait3A_254] : memref<14784xi32, #tpu.memory_space<vmem>> -> memref<14720xi32, #tpu.memory_space<vmem>>
      %dma_wait3A_256 = tpu.memref_slice %arg2[%mul3A_49] : memref<331904xi32, #tpu.memory_space<hbm>> -> memref<14720xi32, #tpu.memory_space<hbm>>
      tpu.wait_dma2 semaphore(%run_scoped3A : memref<!tpu.dma_semaphore, #tpu.memory_space<semaphore_mem>>) src(%dma_wait3A_256 : memref<14720xi32, #tpu.memory_space<hbm>>) dst(%dma_wait3A_255 : memref<14720xi32, #tpu.memory_space<vmem>>)
      tpu.yield
    }) : () -> ()
    %barrier3A = arith.constant 0 : index
    tpu.barrier barrier_id(%barrier3A)
    %mul3A_50 = arith.constant 64 : i32
    %mul3A_51 = arith.muli %select_n3A_47, %mul3A_50 : i32
    %get3A = arith.constant 0 : index
    %get3A_52 = tpu.vector_load %arg10[%get3A] {strides = array<i32>} : memref<14784xi32, #tpu.memory_space<vmem>>, vector<16xi32>,
    %and3A = arith.constant 16383 : i32
    %and3A_53 = vector.broadcast %and3A : i32 to vector<16xi32>
    %and3A_54 = arith.andi %get3A_52, %and3A_53 : vector<16xi32>
    %swap3A = arith.constant 0 : index
    %swap3A_55 = tpu.vector_load %arg11[%swap3A] {strides = array<i32>} : memref<64xi32, #tpu.memory_space<vmem>>, vector<16xi32>,
    tpu.vector_store %arg11[%swap3A], %and3A_54 {strides = array<i32>} : memref<64xi32, #tpu.memory_space<vmem>>, vector<16xi32>,
    %shift_right_logical3A = arith.constant 14 : i32
    %shift_right_logical3A_56 = vector.broadcast %shift_right_logical3A : i32 to vector<16xi32>
    %shift_right_logical3A_57 = arith.shrui %get3A_52, %shift_right_logical3A_56 : vector<16xi32>
    %swap3A_58 = arith.constant 0 : index
    %swap3A_59 = tpu.vector_load %arg14[%swap3A_58] {strides = array<i32>} : memref<64xi32, #tpu.memory_space<vmem>>, vector<16xi32>,
    tpu.vector_store %arg14[%swap3A_58], %shift_right_logical3A_57 {strides = array<i32>} : memref<64xi32, #tpu.memory_space<vmem>>, vector<16xi32>,
    %get3A_60 = arith.constant 16 : index
    %get3A_61 = tpu.vector_load %arg10[%get3A_60] {strides = array<i32>} : memref<14784xi32, #tpu.memory_space<vmem>>, vector<16xi32>,
    %and3A_62 = arith.constant 16383 : i32
    %and3A_63 = vector.broadcast %and3A_62 : i32 to vector<16xi32>
    %and3A_64 = arith.andi %get3A_61, %and3A_63 : vector<16xi32>
    %swap3A_65 = arith.constant 16 : index
    %swap3A_66 = tpu.vector_load %arg11[%swap3A_65] {strides = array<i32>} : memref<64xi32, #tpu.memory_space<vmem>>, vector<16xi32>,
    tpu.vector_store %arg11[%swap3A_65], %and3A_64 {strides = array<i32>} : memref<64xi32, #tpu.memory_space<vmem>>, vector<16xi32>,
    %shift_right_logical3A_67 = arith.constant 14 : i32
    %shift_right_logical3A_68 = vector.broadcast %shift_right_logical3A_67 : i32 to vector<16xi32>
    %shift_right_logical3A_69 = arith.shrui %get3A_61, %shift_right_logical3A_68 : vector<16xi32>
    %swap3A_70 = arith.constant 16 : index
    %swap3A_71 = tpu.vector_load %arg14[%swap3A_70] {strides = array<i32>} : memref<64xi32, #tpu.memory_space<vmem>>, vector<16xi32>,
    tpu.vector_store %arg14[%swap3A_70], %shift_right_logical3A_69 {strides = array<i32>} : memref<64xi32, #tpu.memory_space<vmem>>, vector<16xi32>,
    %get3A_72 = arith.constant 32 : index
    %get3A_73 = tpu.vector_load %arg10[%get3A_72] {strides = array<i32>} : memref<14784xi32, #tpu.memory_space<vmem>>, vector<16xi32>,
    %and3A_74 = arith.constant 16383 : i32
    %and3A_75 = vector.broadcast %and3A_74 : i32 to vector<16xi32>
    %and3A_76 = arith.andi %get3A_73, %and3A_75 : vector<16xi32>
    %swap3A_77 = arith.constant 32 : index
    %swap3A_78 = tpu.vector_load %arg11[%swap3A_77] {strides = array<i32>} : memref<64xi32, #tpu.memory_space<vmem>>, vector<16xi32>,
    tpu.vector_store %arg11[%swap3A_77], %and3A_76 {strides = array<i32>} : memref<64xi32, #tpu.memory_space<vmem>>, vector<16xi32>,
    %shift_right_logical3A_79 = arith.constant 14 : i32
    %shift_right_logical3A_80 = vector.broadcast %shift_right_logical3A_79 : i32 to vector<16xi32>
    %shift_right_logical3A_81 = arith.shrui %get3A_73, %shift_right_logical3A_80 : vector<16xi32>
    %swap3A_82 = arith.constant 32 : index
    %swap3A_83 = tpu.vector_load %arg14[%swap3A_82] {strides = array<i32>} : memref<64xi32, #tpu.memory_space<vmem>>, vector<16xi32>,
    tpu.vector_store %arg14[%swap3A_82], %shift_right_logical3A_81 {strides = array<i32>} : memref<64xi32, #tpu.memory_space<vmem>>, vector<16xi32>,
    %get3A_84 = arith.constant 48 : index
    %get3A_85 = tpu.vector_load %arg10[%get3A_84] {strides = array<i32>} : memref<14784xi32, #tpu.memory_space<vmem>>, vector<16xi32>,
    %and3A_86 = arith.constant 16383 : i32
    %and3A_87 = vector.broadcast %and3A_86 : i32 to vector<16xi32>
    %and3A_88 = arith.andi %get3A_85, %and3A_87 : vector<16xi32>
    %swap3A_89 = arith.constant 48 : index
    %swap3A_90 = tpu.vector_load %arg11[%swap3A_89] {strides = array<i32>} : memref<64xi32, #tpu.memory_space<vmem>>, vector<16xi32>,
    tpu.vector_store %arg11[%swap3A_89], %and3A_88 {strides = array<i32>} : memref<64xi32, #tpu.memory_space<vmem>>, vector<16xi32>,
    %shift_right_logical3A_91 = arith.constant 14 : i32
    %shift_right_logical3A_92 = vector.broadcast %shift_right_logical3A_91 : i32 to vector<16xi32>
    %shift_right_logical3A_93 = arith.shrui %get3A_85, %shift_right_logical3A_92 : vector<16xi32>
    %swap3A_94 = arith.constant 48 : index
    %swap3A_95 = tpu.vector_load %arg14[%swap3A_94] {strides = array<i32>} : memref<64xi32, #tpu.memory_space<vmem>>, vector<16xi32>,
    tpu.vector_store %arg14[%swap3A_94], %shift_right_logical3A_93 {strides = array<i32>} : memref<64xi32, #tpu.memory_space<vmem>>, vector<16xi32>,
    %dma_start3A = arith.constant 0 : i32
    %dma_start3A_96 = arith.constant 0 : i32
    %dma_start3A_97 = tpu.memref_slice %arg5[%dma_start3A, %dma_start3A_96] : memref<10000x128xf32, #tpu.memory_space<hbm>> -> memref<10000x128xf32, #tpu.memory_space<hbm>>
    tpu.enqueue_indirect_dma source(%dma_start3A_97 : memref<10000x128xf32, #tpu.memory_space<hbm>>) target(%arg17 : memref<64x128xf32, #tpu.memory_space<vmem>>) offsets(%arg11 : memref<64xi32, #tpu.memory_space<vmem>>) semaphore(%arg30 : memref<!tpu.dma_semaphore, #tpu.memory_space<semaphore_mem>>)
    %dma_start3A_98 = arith.constant 0 : i32
    %dma_start3A_99 = tpu.memref_slice %arg3[%dma_start3A_98] : memref<10240xf32, #tpu.memory_space<hbm>> -> memref<10240xf32, #tpu.memory_space<hbm>>
    tpu.enqueue_indirect_dma source(%dma_start3A_99 : memref<10240xf32, #tpu.memory_space<hbm>>) target(%arg20 : memref<64xf32, #tpu.memory_space<vmem>>) offsets(%arg11 : memref<64xi32, #tpu.memory_space<vmem>>) semaphore(%arg33 : memref<!tpu.dma_semaphore, #tpu.memory_space<semaphore_mem>>)
    %dma_start3A_100 = arith.constant 0 : i32
    %dma_start3A_101 = tpu.memref_slice %arg4[%dma_start3A_100] : memref<10240xf32, #tpu.memory_space<hbm>> -> memref<10240xf32, #tpu.memory_space<hbm>>
    tpu.enqueue_indirect_dma source(%dma_start3A_101 : memref<10240xf32, #tpu.memory_space<hbm>>) target(%arg23 : memref<64xf32, #tpu.memory_space<vmem>>) offsets(%arg14 : memref<64xi32, #tpu.memory_space<vmem>>) semaphore(%arg33 : memref<!tpu.dma_semaphore, #tpu.memory_space<semaphore_mem>>)
    %get3A_102 = arith.constant 64 : index
    %get3A_103 = tpu.vector_load %arg10[%get3A_102] {strides = array<i32>} : memref<14784xi32, #tpu.memory_space<vmem>>, vector<16xi32>,
    %and3A_104 = arith.constant 16383 : i32
    %and3A_105 = vector.broadcast %and3A_104 : i32 to vector<16xi32>
    %and3A_106 = arith.andi %get3A_103, %and3A_105 : vector<16xi32>
    %swap3A_107 = arith.constant 0 : index
    %swap3A_108 = tpu.vector_load %arg12[%swap3A_107] {strides = array<i32>} : memref<64xi32, #tpu.memory_space<vmem>>, vector<16xi32>,
    tpu.vector_store %arg12[%swap3A_107], %and3A_106 {strides = array<i32>} : memref<64xi32, #tpu.memory_space<vmem>>, vector<16xi32>,
    %shift_right_logical3A_109 = arith.constant 14 : i32
    %shift_right_logical3A_110 = vector.broadcast %shift_right_logical3A_109 : i32 to vector<16xi32>
    %shift_right_logical3A_111 = arith.shrui %get3A_103, %shift_right_logical3A_110 : vector<16xi32>
    %swap3A_112 = arith.constant 0 : index
    %swap3A_113 = tpu.vector_load %arg15[%swap3A_112] {strides = array<i32>} : memref<64xi32, #tpu.memory_space<vmem>>, vector<16xi32>,
    tpu.vector_store %arg15[%swap3A_112], %shift_right_logical3A_111 {strides = array<i32>} : memref<64xi32, #tpu.memory_space<vmem>>, vector<16xi32>,
    %get3A_114 = arith.constant 80 : index
    %get3A_115 = tpu.vector_load %arg10[%get3A_114] {strides = array<i32>} : memref<14784xi32, #tpu.memory_space<vmem>>, vector<16xi32>,
    %and3A_116 = arith.constant 16383 : i32
    %and3A_117 = vector.broadcast %and3A_116 : i32 to vector<16xi32>
    %and3A_118 = arith.andi %get3A_115, %and3A_117 : vector<16xi32>
    %swap3A_119 = arith.constant 16 : index
    %swap3A_120 = tpu.vector_load %arg12[%swap3A_119] {strides = array<i32>} : memref<64xi32, #tpu.memory_space<vmem>>, vector<16xi32>,
    tpu.vector_store %arg12[%swap3A_119], %and3A_118 {strides = array<i32>} : memref<64xi32, #tpu.memory_space<vmem>>, vector<16xi32>,
    %shift_right_logical3A_121 = arith.constant 14 : i32
    %shift_right_logical3A_122 = vector.broadcast %shift_right_logical3A_121 : i32 to vector<16xi32>
    %shift_right_logical3A_123 = arith.shrui %get3A_115, %shift_right_logical3A_122 : vector<16xi32>
    %swap3A_124 = arith.constant 16 : index
    %swap3A_125 = tpu.vector_load %arg15[%swap3A_124] {strides = array<i32>} : memref<64xi32, #tpu.memory_space<vmem>>, vector<16xi32>,
    tpu.vector_store %arg15[%swap3A_124], %shift_right_logical3A_123 {strides = array<i32>} : memref<64xi32, #tpu.memory_space<vmem>>, vector<16xi32>,
    %get3A_126 = arith.constant 96 : index
    %get3A_127 = tpu.vector_load %arg10[%get3A_126] {strides = array<i32>} : memref<14784xi32, #tpu.memory_space<vmem>>, vector<16xi32>,
    %and3A_128 = arith.constant 16383 : i32
    %and3A_129 = vector.broadcast %and3A_128 : i32 to vector<16xi32>
    %and3A_130 = arith.andi %get3A_127, %and3A_129 : vector<16xi32>
    %swap3A_131 = arith.constant 32 : index
    %swap3A_132 = tpu.vector_load %arg12[%swap3A_131] {strides = array<i32>} : memref<64xi32, #tpu.memory_space<vmem>>, vector<16xi32>,
    tpu.vector_store %arg12[%swap3A_131], %and3A_130 {strides = array<i32>} : memref<64xi32, #tpu.memory_space<vmem>>, vector<16xi32>,
    %shift_right_logical3A_133 = arith.constant 14 : i32
    %shift_right_logical3A_134 = vector.broadcast %shift_right_logical3A_133 : i32 to vector<16xi32>
    %shift_right_logical3A_135 = arith.shrui %get3A_127, %shift_right_logical3A_134 : vector<16xi32>
    %swap3A_136 = arith.constant 32 : index
    %swap3A_137 = tpu.vector_load %arg15[%swap3A_136] {strides = array<i32>} : memref<64xi32, #tpu.memory_space<vmem>>, vector<16xi32>,
    tpu.vector_store %arg15[%swap3A_136], %shift_right_logical3A_135 {strides = array<i32>} : memref<64xi32, #tpu.memory_space<vmem>>, vector<16xi32>,
    %get3A_138 = arith.constant 112 : index
    %get3A_139 = tpu.vector_load %arg10[%get3A_138] {strides = array<i32>} : memref<14784xi32, #tpu.memory_space<vmem>>, vector<16xi32>,
    %and3A_140 = arith.constant 16383 : i32
    %and3A_141 = vector.broadcast %and3A_140 : i32 to vector<16xi32>
    %and3A_142 = arith.andi %get3A_139, %and3A_141 : vector<16xi32>
    %swap3A_143 = arith.constant 48 : index
    %swap3A_144 = tpu.vector_load %arg12[%swap3A_143] {strides = array<i32>} : memref<64xi32, #tpu.memory_space<vmem>>, vector<16xi32>,
    tpu.vector_store %arg12[%swap3A_143], %and3A_142 {strides = array<i32>} : memref<64xi32, #tpu.memory_space<vmem>>, vector<16xi32>,
    %shift_right_logical3A_145 = arith.constant 14 : i32
    %shift_right_logical3A_146 = vector.broadcast %shift_right_logical3A_145 : i32 to vector<16xi32>
    %shift_right_logical3A_147 = arith.shrui %get3A_139, %shift_right_logical3A_146 : vector<16xi32>
    %swap3A_148 = arith.constant 48 : index
    %swap3A_149 = tpu.vector_load %arg15[%swap3A_148] {strides = array<i32>} : memref<64xi32, #tpu.memory_space<vmem>>, vector<16xi32>,
    tpu.vector_store %arg15[%swap3A_148], %shift_right_logical3A_147 {strides = array<i32>} : memref<64xi32, #tpu.memory_space<vmem>>, vector<16xi32>,
    %dma_start3A_150 = arith.constant 0 : i32
    %dma_start3A_151 = arith.constant 0 : i32
    %dma_start3A_152 = tpu.memref_slice %arg5[%dma_start3A_150, %dma_start3A_151] : memref<10000x128xf32, #tpu.memory_space<hbm>> -> memref<10000x128xf32, #tpu.memory_space<hbm>>
    tpu.enqueue_indirect_dma source(%dma_start3A_152 : memref<10000x128xf32, #tpu.memory_space<hbm>>) target(%arg18 : memref<64x128xf32, #tpu.memory_space<vmem>>) offsets(%arg12 : memref<64xi32, #tpu.memory_space<vmem>>) semaphore(%arg31 : memref<!tpu.dma_semaphore, #tpu.memory_space<semaphore_mem>>)
    %dma_start3A_153 = arith.constant 0 : i32
    %dma_start3A_154 = tpu.memref_slice %arg3[%dma_start3A_153] : memref<10240xf32, #tpu.memory_space<hbm>> -> memref<10240xf32, #tpu.memory_space<hbm>>
    tpu.enqueue_indirect_dma source(%dma_start3A_154 : memref<10240xf32, #tpu.memory_space<hbm>>) target(%arg21 : memref<64xf32, #tpu.memory_space<vmem>>) offsets(%arg12 : memref<64xi32, #tpu.memory_space<vmem>>) semaphore(%arg34 : memref<!tpu.dma_semaphore, #tpu.memory_space<semaphore_mem>>)
    %dma_start3A_155 = arith.constant 0 : i32
    %dma_start3A_156 = tpu.memref_slice %arg4[%dma_start3A_155] : memref<10240xf32, #tpu.memory_space<hbm>> -> memref<10240xf32, #tpu.memory_space<hbm>>
    tpu.enqueue_indirect_dma source(%dma_start3A_156 : memref<10240xf32, #tpu.memory_space<hbm>>) target(%arg24 : memref<64xf32, #tpu.memory_space<vmem>>) offsets(%arg15 : memref<64xi32, #tpu.memory_space<vmem>>) semaphore(%arg34 : memref<!tpu.dma_semaphore, #tpu.memory_space<semaphore_mem>>)
    %jit3A_157 = arith.constant 3 : i32
    %div3A = arith.divsi %select_n3A, %jit3A_157 : i32
    %sign3A = arith.constant 0 : i32
    %sign3A_158 = arith.cmpi sgt, %select_n3A, %sign3A : i32
    %sign3A_159 = arith.extui %sign3A_158 : i1 to i32
    %sign3A_160 = arith.constant 0 : i32
    %sign3A_161 = arith.cmpi slt, %select_n3A, %sign3A_160 : i32
    %sign3A_162 = arith.extui %sign3A_161 : i1 to i32
    %sign3A_163 = arith.subi %sign3A_159, %sign3A_162 : i32
    %sign3A_164 = arith.constant 0 : i32
    %sign3A_165 = arith.cmpi sgt, %jit3A_157, %sign3A_164 : i32
    %sign3A_166 = arith.extui %sign3A_165 : i1 to i32
    %sign3A_167 = arith.constant 0 : i32
    %sign3A_168 = arith.cmpi slt, %jit3A_157, %sign3A_167 : i32
    %sign3A_169 = arith.extui %sign3A_168 : i1 to i32
    %sign3A_170 = arith.subi %sign3A_166, %sign3A_169 : i32
    %ne3A = arith.cmpi ne, %sign3A_163, %sign3A_170 : i32
    %rem3A = arith.remsi %select_n3A, %jit3A_157 : i32
    %ne3A_171 = arith.constant 0 : i32
    %ne3A_172 = arith.cmpi ne, %rem3A, %ne3A_171 : i32
    %and3A_173 = arith.andi %ne3A, %ne3A_172 : i1
    %sub3A = arith.constant 1 : i32
    %sub3A_174 = arith.subi %div3A, %sub3A : i32
    %select_n3A_175 = arith.select %and3A_173, %sub3A_174, %div3A : i32
    %while3A = arith.constant 0 : i32
    %while3A_176 = arith.constant 0 : i32
    %while3A_177 = arith.subi %select_n3A_175, %while3A : i32
    %while3A_178 = arith.addi %while3A, %while3A_177 : i32
    %while3A_179 = arith.constant 1 : i32
    %while3A_180 = arith.divsi %while3A_177, %while3A_179 : i32
    %while3A_181 = arith.muli %while3A_180, %while3A_179 : i32
    %while3A_182 = arith.addi %while3A, %while3A_181 : i32
    %while3A_183 = arith.constant 1 : i32
    %while3A_184 = scf.for %while3A_245 = %while3A to %while3A_182 step %while3A_183 iter_args(%while3A_246 = %while3A_176) -> (i32)  : i32 {
      %mul3A_247 = arith.constant 3 : i32
      %mul3A_248 = arith.muli %while3A_245, %mul3A_247 : i32
      %add3A_249 = arith.constant 0 : i32
      %add3A_250 = arith.addi %mul3A_248, %add3A_249 : i32
      %dma_wait3A_251 = arith.constant 0 : i32
      %dma_wait3A_252 = arith.constant 0 : i32
      %dma_wait3A_253 = tpu.memref_slice %arg5[%dma_wait3A_251, %dma_wait3A_252] : memref<10000x128xf32, #tpu.memory_space<hbm>> -> memref<64x128xf32, #tpu.memory_space<hbm>>
      %dma_wait3A_254 = arith.constant 0 : i32
      %dma_wait3A_255 = arith.constant 0 : i32
      %dma_wait3A_256 = tpu.memref_slice %arg5[%dma_wait3A_254, %dma_wait3A_255] : memref<10000x128xf32, #tpu.memory_space<hbm>> -> memref<64x128xf32, #tpu.memory_space<hbm>>
      tpu.wait_dma2 semaphore(%arg30 : memref<!tpu.dma_semaphore, #tpu.memory_space<semaphore_mem>>) src(%dma_wait3A_256 : memref<64x128xf32, #tpu.memory_space<hbm>>) dst(%arg17 : memref<64x128xf32, #tpu.memory_space<vmem>>)
      %dma_wait3A_257 = arith.constant 0 : i32
      %dma_wait3A_258 = tpu.memref_slice %arg3[%dma_wait3A_257] : memref<10240xf32, #tpu.memory_space<hbm>> -> memref<64xf32, #tpu.memory_space<hbm>>
      %dma_wait3A_259 = arith.constant 0 : i32
      %dma_wait3A_260 = tpu.memref_slice %arg3[%dma_wait3A_259] : memref<10240xf32, #tpu.memory_space<hbm>> -> memref<64xf32, #tpu.memory_space<hbm>>
      tpu.wait_dma2 semaphore(%arg33 : memref<!tpu.dma_semaphore, #tpu.memory_space<semaphore_mem>>) src(%dma_wait3A_260 : memref<64xf32, #tpu.memory_space<hbm>>) dst(%arg20 : memref<64xf32, #tpu.memory_space<vmem>>)
      %dma_wait3A_261 = arith.constant 0 : i32
      %dma_wait3A_262 = tpu.memref_slice %arg3[%dma_wait3A_261] : memref<10240xf32, #tpu.memory_space<hbm>> -> memref<64xf32, #tpu.memory_space<hbm>>
      %dma_wait3A_263 = arith.constant 0 : i32
      %dma_wait3A_264 = tpu.memref_slice %arg3[%dma_wait3A_263] : memref<10240xf32, #tpu.memory_space<hbm>> -> memref<64xf32, #tpu.memory_space<hbm>>
      tpu.wait_dma2 semaphore(%arg33 : memref<!tpu.dma_semaphore, #tpu.memory_space<semaphore_mem>>) src(%dma_wait3A_264 : memref<64xf32, #tpu.memory_space<hbm>>) dst(%arg23 : memref<64xf32, #tpu.memory_space<vmem>>)
      %gt3A = arith.constant 0 : i32
      %gt3A_265 = arith.cmpi sgt, %while3A_245, %gt3A : i32
      %convert_element_type3A = arith.extui %gt3A_265 : i1 to i32
      %cond3A = arith.constant 0 : i32
      %cond3A_266 = arith.cmpi ne, %convert_element_type3A, %cond3A : i32
      scf.if %cond3A_266 {
        %dma_wait3A_914 = arith.constant 0 : i32
        %dma_wait3A_915 = arith.constant 0 : i32
        %dma_wait3A_916 = tpu.memref_slice %arg5[%dma_wait3A_914, %dma_wait3A_915] : memref<10000x128xf32, #tpu.memory_space<hbm>> -> memref<64x128xf32, #tpu.memory_space<hbm>>
        %dma_wait3A_917 = arith.constant 0 : i32
        %dma_wait3A_918 = arith.constant 0 : i32
        %dma_wait3A_919 = tpu.memref_slice %arg5[%dma_wait3A_917, %dma_wait3A_918] : memref<10000x128xf32, #tpu.memory_space<hbm>> -> memref<64x128xf32, #tpu.memory_space<hbm>>
        tpu.wait_dma2 semaphore(%arg38 : memref<!tpu.dma_semaphore, #tpu.memory_space<semaphore_mem>>) src(%dma_wait3A_919 : memref<64x128xf32, #tpu.memory_space<hbm>>) dst(%arg19 : memref<64x128xf32, #tpu.memory_space<vmem>>)
        %dma_wait3A_920 = arith.constant 0 : i32
        %dma_wait3A_921 = tpu.memref_slice %arg3[%dma_wait3A_920] : memref<10240xf32, #tpu.memory_space<hbm>> -> memref<64xf32, #tpu.memory_space<hbm>>
        %dma_wait3A_922 = arith.constant 0 : i32
        %dma_wait3A_923 = tpu.memref_slice %arg3[%dma_wait3A_922] : memref<10240xf32, #tpu.memory_space<hbm>> -> memref<64xf32, #tpu.memory_space<hbm>>
        tpu.wait_dma2 semaphore(%arg41 : memref<!tpu.dma_semaphore, #tpu.memory_space<semaphore_mem>>) src(%dma_wait3A_923 : memref<64xf32, #tpu.memory_space<hbm>>) dst(%arg28 : memref<64xf32, #tpu.memory_space<vmem>>)
      } else {
      }
      %add3A_267 = arith.constant 3 : i32
      %add3A_268 = arith.addi %add3A_250, %add3A_267 : i32
      %sub3A_269 = arith.constant 1 : i32
      %sub3A_270 = arith.subi %add3A_268, %sub3A_269 : i32
      %mul3A_271 = arith.constant 64 : i32
      %mul3A_272 = arith.muli %sub3A_270, %mul3A_271 : i32
      %add3A_273 = arith.constant 0 : i32
      %add3A_274 = arith.addi %mul3A_272, %add3A_273 : i32
      %get3A_275 = arith.index_cast %add3A_274 : i32 to index
      %get3A_276 = tpu.vector_load %arg10[%get3A_275] {strides = array<i32>} : memref<14784xi32, #tpu.memory_space<vmem>>, vector<16xi32>,
      %and3A_277 = arith.constant 16383 : i32
      %and3A_278 = vector.broadcast %and3A_277 : i32 to vector<16xi32>
      %and3A_279 = arith.andi %get3A_276, %and3A_278 : vector<16xi32>
      %swap3A_280 = arith.constant 0 : index
      %swap3A_281 = tpu.vector_load %arg13[%swap3A_280] {strides = array<i32>} : memref<64xi32, #tpu.memory_space<vmem>>, vector<16xi32>,
      tpu.vector_store %arg13[%swap3A_280], %and3A_279 {strides = array<i32>} : memref<64xi32, #tpu.memory_space<vmem>>, vector<16xi32>,
      %shift_right_logical3A_282 = arith.constant 14 : i32
      %shift_right_logical3A_283 = vector.broadcast %shift_right_logical3A_282 : i32 to vector<16xi32>
      %shift_right_logical3A_284 = arith.shrui %get3A_276, %shift_right_logical3A_283 : vector<16xi32>
      %swap3A_285 = arith.constant 0 : index
      %swap3A_286 = tpu.vector_load %arg16[%swap3A_285] {strides = array<i32>} : memref<64xi32, #tpu.memory_space<vmem>>, vector<16xi32>,
      tpu.vector_store %arg16[%swap3A_285], %shift_right_logical3A_284 {strides = array<i32>} : memref<64xi32, #tpu.memory_space<vmem>>, vector<16xi32>,
      %mul3A_287 = arith.constant 64 : i32
      %mul3A_288 = arith.muli %sub3A_270, %mul3A_287 : i32
      %add3A_289 = arith.constant 16 : i32
      %add3A_290 = arith.addi %mul3A_288, %add3A_289 : i32
      %get3A_291 = arith.index_cast %add3A_290 : i32 to index
      %get3A_292 = tpu.vector_load %arg10[%get3A_291] {strides = array<i32>} : memref<14784xi32, #tpu.memory_space<vmem>>, vector<16xi32>,
      %and3A_293 = arith.constant 16383 : i32
      %and3A_294 = vector.broadcast %and3A_293 : i32 to vector<16xi32>
      %and3A_295 = arith.andi %get3A_292, %and3A_294 : vector<16xi32>
      %swap3A_296 = arith.constant 16 : index
      %swap3A_297 = tpu.vector_load %arg13[%swap3A_296] {strides = array<i32>} : memref<64xi32, #tpu.memory_space<vmem>>, vector<16xi32>,
      tpu.vector_store %arg13[%swap3A_296], %and3A_295 {strides = array<i32>} : memref<64xi32, #tpu.memory_space<vmem>>, vector<16xi32>,
      %shift_right_logical3A_298 = arith.constant 14 : i32
      %shift_right_logical3A_299 = vector.broadcast %shift_right_logical3A_298 : i32 to vector<16xi32>
      %shift_right_logical3A_300 = arith.shrui %get3A_292, %shift_right_logical3A_299 : vector<16xi32>
      %swap3A_301 = arith.constant 16 : index
      %swap3A_302 = tpu.vector_load %arg16[%swap3A_301] {strides = array<i32>} : memref<64xi32, #tpu.memory_space<vmem>>, vector<16xi32>,
      tpu.vector_store %arg16[%swap3A_301], %shift_right_logical3A_300 {strides = array<i32>} : memref<64xi32, #tpu.memory_space<vmem>>, vector<16xi32>,
      %mul3A_303 = arith.constant 64 : i32
      %mul3A_304 = arith.muli %sub3A_270, %mul3A_303 : i32
      %add3A_305 = arith.constant 32 : i32
      %add3A_306 = arith.addi %mul3A_304, %add3A_305 : i32
      %get3A_307 = arith.index_cast %add3A_306 : i32 to index
      %get3A_308 = tpu.vector_load %arg10[%get3A_307] {strides = array<i32>} : memref<14784xi32, #tpu.memory_space<vmem>>, vector<16xi32>,
      %and3A_309 = arith.constant 16383 : i32
      %and3A_310 = vector.broadcast %and3A_309 : i32 to vector<16xi32>
      %and3A_311 = arith.andi %get3A_308, %and3A_310 : vector<16xi32>
      %swap3A_312 = arith.constant 32 : index
      %swap3A_313 = tpu.vector_load %arg13[%swap3A_312] {strides = array<i32>} : memref<64xi32, #tpu.memory_space<vmem>>, vector<16xi32>,
      tpu.vector_store %arg13[%swap3A_312], %and3A_311 {strides = array<i32>} : memref<64xi32, #tpu.memory_space<vmem>>, vector<16xi32>,
      %shift_right_logical3A_314 = arith.constant 14 : i32
      %shift_right_logical3A_315 = vector.broadcast %shift_right_logical3A_314 : i32 to vector<16xi32>
      %shift_right_logical3A_316 = arith.shrui %get3A_308, %shift_right_logical3A_315 : vector<16xi32>
      %swap3A_317 = arith.constant 32 : index
      %swap3A_318 = tpu.vector_load %arg16[%swap3A_317] {strides = array<i32>} : memref<64xi32, #tpu.memory_space<vmem>>, vector<16xi32>,
      tpu.vector_store %arg16[%swap3A_317], %shift_right_logical3A_316 {strides = array<i32>} : memref<64xi32, #tpu.memory_space<vmem>>, vector<16xi32>,
      %mul3A_319 = arith.constant 64 : i32
      %mul3A_320 = arith.muli %sub3A_270, %mul3A_319 : i32
      %add3A_321 = arith.constant 48 : i32
      %add3A_322 = arith.addi %mul3A_320, %add3A_321 : i32
      %get3A_323 = arith.index_cast %add3A_322 : i32 to index
      %get3A_324 = tpu.vector_load %arg10[%get3A_323] {strides = array<i32>} : memref<14784xi32, #tpu.memory_space<vmem>>, vector<16xi32>,
      %and3A_325 = arith.constant 16383 : i32
      %and3A_326 = vector.broadcast %and3A_325 : i32 to vector<16xi32>
      %and3A_327 = arith.andi %get3A_324, %and3A_326 : vector<16xi32>
      %swap3A_328 = arith.constant 48 : index
      %swap3A_329 = tpu.vector_load %arg13[%swap3A_328] {strides = array<i32>} : memref<64xi32, #tpu.memory_space<vmem>>, vector<16xi32>,
      tpu.vector_store %arg13[%swap3A_328], %and3A_327 {strides = array<i32>} : memref<64xi32, #tpu.memory_space<vmem>>, vector<16xi32>,
      %shift_right_logical3A_330 = arith.constant 14 : i32
      %shift_right_logical3A_331 = vector.broadcast %shift_right_logical3A_330 : i32 to vector<16xi32>
      %shift_right_logical3A_332 = arith.shrui %get3A_324, %shift_right_logical3A_331 : vector<16xi32>
      %swap3A_333 = arith.constant 48 : index
      %swap3A_334 = tpu.vector_load %arg16[%swap3A_333] {strides = array<i32>} : memref<64xi32, #tpu.memory_space<vmem>>, vector<16xi32>,
      tpu.vector_store %arg16[%swap3A_333], %shift_right_logical3A_332 {strides = array<i32>} : memref<64xi32, #tpu.memory_space<vmem>>, vector<16xi32>,
      %add3A_335 = arith.constant 3 : i32
      %add3A_336 = arith.addi %add3A_250, %add3A_335 : i32
      %sub3A_337 = arith.constant 1 : i32
      %sub3A_338 = arith.subi %add3A_336, %sub3A_337 : i32
      %dma_start3A_339 = arith.constant 0 : i32
      %dma_start3A_340 = arith.constant 0 : i32
      %dma_start3A_341 = tpu.memref_slice %arg5[%dma_start3A_339, %dma_start3A_340] : memref<10000x128xf32, #tpu.memory_space<hbm>> -> memref<10000x128xf32, #tpu.memory_space<hbm>>
      tpu.enqueue_indirect_dma source(%dma_start3A_341 : memref<10000x128xf32, #tpu.memory_space<hbm>>) target(%arg19 : memref<64x128xf32, #tpu.memory_space<vmem>>) offsets(%arg13 : memref<64xi32, #tpu.memory_space<vmem>>) semaphore(%arg32 : memref<!tpu.dma_semaphore, #tpu.memory_space<semaphore_mem>>)
      %dma_start3A_342 = arith.constant 0 : i32
      %dma_start3A_343 = tpu.memref_slice %arg3[%dma_start3A_342] : memref<10240xf32, #tpu.memory_space<hbm>> -> memref<10240xf32, #tpu.memory_space<hbm>>
      tpu.enqueue_indirect_dma source(%dma_start3A_343 : memref<10240xf32, #tpu.memory_space<hbm>>) target(%arg22 : memref<64xf32, #tpu.memory_space<vmem>>) offsets(%arg13 : memref<64xi32, #tpu.memory_space<vmem>>) semaphore(%arg35 : memref<!tpu.dma_semaphore, #tpu.memory_space<semaphore_mem>>)
      %dma_start3A_344 = arith.constant 0 : i32
      %dma_start3A_345 = tpu.memref_slice %arg4[%dma_start3A_344] : memref<10240xf32, #tpu.memory_space<hbm>> -> memref<10240xf32, #tpu.memory_space<hbm>>
      tpu.enqueue_indirect_dma source(%dma_start3A_345 : memref<10240xf32, #tpu.memory_space<hbm>>) target(%arg25 : memref<64xf32, #tpu.memory_space<vmem>>) offsets(%arg16 : memref<64xi32, #tpu.memory_space<vmem>>) semaphore(%arg35 : memref<!tpu.dma_semaphore, #tpu.memory_space<semaphore_mem>>)
      %mul3A_346 = arith.constant 64 : i32
      %mul3A_347 = arith.muli %add3A_250, %mul3A_346 : i32
      %add3A_348 = arith.addi %mul3A_51, %mul3A_347 : i32
      %get3A_349 = arith.constant 0 : index
      %get3A_350 = tpu.vector_load %arg20[%get3A_349] {strides = array<i32>} : memref<64xf32, #tpu.memory_space<vmem>>, vector<16xf32>,
      %get3A_351 = arith.constant 0 : index
      %get3A_352 = tpu.vector_load %arg23[%get3A_351] {strides = array<i32>} : memref<64xf32, #tpu.memory_space<vmem>>, vector<16xf32>,
      %add3A_353 = arith.addf %get3A_350, %get3A_352 : vector<16xf32>
      %ge3A = arith.constant 0.000000e+00 : f32
      %ge3A_354 = vector.broadcast %ge3A : f32 to vector<16xf32>
      %ge3A_355 = arith.cmpf oge, %add3A_353, %ge3A_354 : vector<16xf32>
      %mul3A_356 = arith.constant 2.000000e-01 : f32
      %mul3A_357 = vector.broadcast %mul3A_356 : f32 to vector<16xf32>
      %mul3A_358 = arith.mulf %mul3A_357, %add3A_353 : vector<16xf32>
      %select_n3A_359 = arith.select %ge3A_355, %add3A_353, %mul3A_358 : vector<16xi1>, vector<16xf32>
      %exp3A = math.exp %select_n3A_359 : vector<16xf32>
      %add3A_360 = arith.constant 0 : i32
      %add3A_361 = arith.addi %add3A_348, %add3A_360 : i32
      %iota3A = tpu.iota {dimensions = array<i32: 0>} : vector<16xi32>
      %add3A_362 = vector.broadcast %add3A_361 : i32 to vector<16xi32>
      %add3A_363 = arith.addi %add3A_362, %iota3A : vector<16xi32>
      %lt3A = arith.constant 330000 : i32
      %lt3A_364 = vector.broadcast %lt3A : i32 to vector<16xi32>
      %lt3A_365 = arith.cmpi slt, %add3A_363, %lt3A_364 : vector<16xi32>
      %jit3A_366 = arith.constant 0.000000e+00 : f32
      %broadcast_in_dim3A_367 = vector.broadcast %jit3A_366 : f32 to vector<16xf32>
      %select_n3A_368 = arith.select %lt3A_365, %exp3A, %broadcast_in_dim3A_367 : vector<16xi1>, vector<16xf32>
      %swap3A_369 = arith.constant 0 : index
      %swap3A_370 = tpu.vector_load %arg26[%swap3A_369] {strides = array<i32>} : memref<64xf32, #tpu.memory_space<vmem>>, vector<16xf32>,
      tpu.vector_store %arg26[%swap3A_369], %select_n3A_368 {strides = array<i32>} : memref<64xf32, #tpu.memory_space<vmem>>, vector<16xf32>,
      %get3A_371 = arith.constant 16 : index
      %get3A_372 = tpu.vector_load %arg20[%get3A_371] {strides = array<i32>} : memref<64xf32, #tpu.memory_space<vmem>>, vector<16xf32>,
      %get3A_373 = arith.constant 16 : index
      %get3A_374 = tpu.vector_load %arg23[%get3A_373] {strides = array<i32>} : memref<64xf32, #tpu.memory_space<vmem>>, vector<16xf32>,
      %add3A_375 = arith.addf %get3A_372, %get3A_374 : vector<16xf32>
      %ge3A_376 = arith.constant 0.000000e+00 : f32
      %ge3A_377 = vector.broadcast %ge3A_376 : f32 to vector<16xf32>
      %ge3A_378 = arith.cmpf oge, %add3A_375, %ge3A_377 : vector<16xf32>
      %mul3A_379 = arith.constant 2.000000e-01 : f32
      %mul3A_380 = vector.broadcast %mul3A_379 : f32 to vector<16xf32>
      %mul3A_381 = arith.mulf %mul3A_380, %add3A_375 : vector<16xf32>
      %select_n3A_382 = arith.select %ge3A_378, %add3A_375, %mul3A_381 : vector<16xi1>, vector<16xf32>
      %exp3A_383 = math.exp %select_n3A_382 : vector<16xf32>
      %add3A_384 = arith.constant 16 : i32
      %add3A_385 = arith.addi %add3A_348, %add3A_384 : i32
      %iota3A_386 = tpu.iota {dimensions = array<i32: 0>} : vector<16xi32>
      %add3A_387 = vector.broadcast %add3A_385 : i32 to vector<16xi32>
      %add3A_388 = arith.addi %add3A_387, %iota3A_386 : vector<16xi32>
      %lt3A_389 = arith.constant 330000 : i32
      %lt3A_390 = vector.broadcast %lt3A_389 : i32 to vector<16xi32>
      %lt3A_391 = arith.cmpi slt, %add3A_388, %lt3A_390 : vector<16xi32>
      %jit3A_392 = arith.constant 0.000000e+00 : f32
      %broadcast_in_dim3A_393 = vector.broadcast %jit3A_392 : f32 to vector<16xf32>
      %select_n3A_394 = arith.select %lt3A_391, %exp3A_383, %broadcast_in_dim3A_393 : vector<16xi1>, vector<16xf32>
      %swap3A_395 = arith.constant 16 : index
      %swap3A_396 = tpu.vector_load %arg26[%swap3A_395] {strides = array<i32>} : memref<64xf32, #tpu.memory_space<vmem>>, vector<16xf32>,
      tpu.vector_store %arg26[%swap3A_395], %select_n3A_394 {strides = array<i32>} : memref<64xf32, #tpu.memory_space<vmem>>, vector<16xf32>,
      %get3A_397 = arith.constant 32 : index
      %get3A_398 = tpu.vector_load %arg20[%get3A_397] {strides = array<i32>} : memref<64xf32, #tpu.memory_space<vmem>>, vector<16xf32>,
      %get3A_399 = arith.constant 32 : index
      %get3A_400 = tpu.vector_load %arg23[%get3A_399] {strides = array<i32>} : memref<64xf32, #tpu.memory_space<vmem>>, vector<16xf32>,
      %add3A_401 = arith.addf %get3A_398, %get3A_400 : vector<16xf32>
      %ge3A_402 = arith.constant 0.000000e+00 : f32
      %ge3A_403 = vector.broadcast %ge3A_402 : f32 to vector<16xf32>
      %ge3A_404 = arith.cmpf oge, %add3A_401, %ge3A_403 : vector<16xf32>
      %mul3A_405 = arith.constant 2.000000e-01 : f32
      %mul3A_406 = vector.broadcast %mul3A_405 : f32 to vector<16xf32>
      %mul3A_407 = arith.mulf %mul3A_406, %add3A_401 : vector<16xf32>
      %select_n3A_408 = arith.select %ge3A_404, %add3A_401, %mul3A_407 : vector<16xi1>, vector<16xf32>
      %exp3A_409 = math.exp %select_n3A_408 : vector<16xf32>
      %add3A_410 = arith.constant 32 : i32
      %add3A_411 = arith.addi %add3A_348, %add3A_410 : i32
      %iota3A_412 = tpu.iota {dimensions = array<i32: 0>} : vector<16xi32>
      %add3A_413 = vector.broadcast %add3A_411 : i32 to vector<16xi32>
      %add3A_414 = arith.addi %add3A_413, %iota3A_412 : vector<16xi32>
      %lt3A_415 = arith.constant 330000 : i32
      %lt3A_416 = vector.broadcast %lt3A_415 : i32 to vector<16xi32>
      %lt3A_417 = arith.cmpi slt, %add3A_414, %lt3A_416 : vector<16xi32>
      %jit3A_418 = arith.constant 0.000000e+00 : f32
      %broadcast_in_dim3A_419 = vector.broadcast %jit3A_418 : f32 to vector<16xf32>
      %select_n3A_420 = arith.select %lt3A_417, %exp3A_409, %broadcast_in_dim3A_419 : vector<16xi1>, vector<16xf32>
      %swap3A_421 = arith.constant 32 : index
      %swap3A_422 = tpu.vector_load %arg26[%swap3A_421] {strides = array<i32>} : memref<64xf32, #tpu.memory_space<vmem>>, vector<16xf32>,
      tpu.vector_store %arg26[%swap3A_421], %select_n3A_420 {strides = array<i32>} : memref<64xf32, #tpu.memory_space<vmem>>, vector<16xf32>,
      %get3A_423 = arith.constant 48 : index
      %get3A_424 = tpu.vector_load %arg20[%get3A_423] {strides = array<i32>} : memref<64xf32, #tpu.memory_space<vmem>>, vector<16xf32>,
      %get3A_425 = arith.constant 48 : index
      %get3A_426 = tpu.vector_load %arg23[%get3A_425] {strides = array<i32>} : memref<64xf32, #tpu.memory_space<vmem>>, vector<16xf32>,
      %add3A_427 = arith.addf %get3A_424, %get3A_426 : vector<16xf32>
      %ge3A_428 = arith.constant 0.000000e+00 : f32
      %ge3A_429 = vector.broadcast %ge3A_428 : f32 to vector<16xf32>
      %ge3A_430 = arith.cmpf oge, %add3A_427, %ge3A_429 : vector<16xf32>
      %mul3A_431 = arith.constant 2.000000e-01 : f32
      %mul3A_432 = vector.broadcast %mul3A_431 : f32 to vector<16xf32>
      %mul3A_433 = arith.mulf %mul3A_432, %add3A_427 : vector<16xf32>
      %select_n3A_434 = arith.select %ge3A_430, %add3A_427, %mul3A_433 : vector<16xi1>, vector<16xf32>
      %exp3A_435 = math.exp %select_n3A_434 : vector<16xf32>
      %add3A_436 = arith.constant 48 : i32
      %add3A_437 = arith.addi %add3A_348, %add3A_436 : i32
      %iota3A_438 = tpu.iota {dimensions = array<i32: 0>} : vector<16xi32>
      %add3A_439 = vector.broadcast %add3A_437 : i32 to vector<16xi32>
      %add3A_440 = arith.addi %add3A_439, %iota3A_438 : vector<16xi32>
      %lt3A_441 = arith.constant 330000 : i32
      %lt3A_442 = vector.broadcast %lt3A_441 : i32 to vector<16xi32>
      %lt3A_443 = arith.cmpi slt, %add3A_440, %lt3A_442 : vector<16xi32>
      %jit3A_444 = arith.constant 0.000000e+00 : f32
      %broadcast_in_dim3A_445 = vector.broadcast %jit3A_444 : f32 to vector<16xf32>
      %select_n3A_446 = arith.select %lt3A_443, %exp3A_435, %broadcast_in_dim3A_445 : vector<16xi1>, vector<16xf32>
      %swap3A_447 = arith.constant 48 : index
      %swap3A_448 = tpu.vector_load %arg26[%swap3A_447] {strides = array<i32>} : memref<64xf32, #tpu.memory_space<vmem>>, vector<16xf32>,
      tpu.vector_store %arg26[%swap3A_447], %select_n3A_446 {strides = array<i32>} : memref<64xf32, #tpu.memory_space<vmem>>, vector<16xf32>,
      %scan3A_449 = arith.constant 0 : i32
      %scan3A_450 = arith.constant 0 : i32
      %scan3A_451 = arith.constant 16 : i32
      %scan3A_452 = arith.addi %scan3A_450, %scan3A_451 : i32
      %scan3A_453 = arith.constant 1 : i32
      %scan3A_454 = scf.for %scan3A_914 = %scan3A_450 to %scan3A_452 step %scan3A_453 iter_args(%scan3A_915 = %scan3A_449) -> (i32)  : i32 {
        %mul3A_916 = arith.constant 4 : i32
        %mul3A_917 = arith.muli %scan3A_914, %mul3A_916 : i32
        %add3A_918 = arith.constant 0 : i32
        %add3A_919 = arith.addi %mul3A_917, %add3A_918 : i32
        %broadcast_in_dim3A_920 = vector.broadcast %add3A_919 : i32 to vector<16xi32>
        %gather3A = tpu.vector_load_idx %arg26[%broadcast_in_dim3A_920] : memref<64xf32, #tpu.memory_space<vmem>>[vector<16xi32>], vector<16xf32>,
        %get3A_921 = arith.index_cast %add3A_919 : i32 to index
        %get3A_922 = arith.constant 0 : index
        %get3A_923 = tpu.vector_load %arg17[%get3A_921, %get3A_922] {strides = array<i32>} : memref<64x128xf32, #tpu.memory_space<vmem>>, vector<16xf32>,
        %mul3A_924 = arith.mulf %get3A_923, %gather3A : vector<16xf32>
        %swap3A_925 = arith.index_cast %add3A_919 : i32 to index
        %swap3A_926 = arith.constant 0 : index
        %swap3A_927 = tpu.vector_load %arg17[%swap3A_925, %swap3A_926] {strides = array<i32>} : memref<64x128xf32, #tpu.memory_space<vmem>>, vector<16xf32>,
        tpu.vector_store %arg17[%swap3A_925, %swap3A_926], %mul3A_924 {strides = array<i32>} : memref<64x128xf32, #tpu.memory_space<vmem>>, vector<16xf32>,
        %get3A_928 = arith.index_cast %add3A_919 : i32 to index
        %get3A_929 = arith.constant 16 : index
        %get3A_930 = tpu.vector_load %arg17[%get3A_928, %get3A_929] {strides = array<i32>} : memref<64x128xf32, #tpu.memory_space<vmem>>, vector<16xf32>,
        %mul3A_931 = arith.mulf %get3A_930, %gather3A : vector<16xf32>
        %swap3A_932 = arith.index_cast %add3A_919 : i32 to index
        %swap3A_933 = arith.constant 16 : index
        %swap3A_934 = tpu.vector_load %arg17[%swap3A_932, %swap3A_933] {strides = array<i32>} : memref<64x128xf32, #tpu.memory_space<vmem>>, vector<16xf32>,
        tpu.vector_store %arg17[%swap3A_932, %swap3A_933], %mul3A_931 {strides = array<i32>} : memref<64x128xf32, #tpu.memory_space<vmem>>, vector<16xf32>,
        %get3A_935 = arith.index_cast %add3A_919 : i32 to index
        %get3A_936 = arith.constant 32 : index
        %get3A_937 = tpu.vector_load %arg17[%get3A_935, %get3A_936] {strides = array<i32>} : memref<64x128xf32, #tpu.memory_space<vmem>>, vector<16xf32>,
        %mul3A_938 = arith.mulf %get3A_937, %gather3A : vector<16xf32>
        %swap3A_939 = arith.index_cast %add3A_919 : i32 to index
        %swap3A_940 = arith.constant 32 : index
        %swap3A_941 = tpu.vector_load %arg17[%swap3A_939, %swap3A_940] {strides = array<i32>} : memref<64x128xf32, #tpu.memory_space<vmem>>, vector<16xf32>,
        tpu.vector_store %arg17[%swap3A_939, %swap3A_940], %mul3A_938 {strides = array<i32>} : memref<64x128xf32, #tpu.memory_space<vmem>>, vector<16xf32>,
        %get3A_942 = arith.index_cast %add3A_919 : i32 to index
        %get3A_943 = arith.constant 48 : index
        %get3A_944 = tpu.vector_load %arg17[%get3A_942, %get3A_943] {strides = array<i32>} : memref<64x128xf32, #tpu.memory_space<vmem>>, vector<16xf32>,
        %mul3A_945 = arith.mulf %get3A_944, %gather3A : vector<16xf32>
        %swap3A_946 = arith.index_cast %add3A_919 : i32 to index
        %swap3A_947 = arith.constant 48 : index
        %swap3A_948 = tpu.vector_load %arg17[%swap3A_946, %swap3A_947] {strides = array<i32>} : memref<64x128xf32, #tpu.memory_space<vmem>>, vector<16xf32>,
        tpu.vector_store %arg17[%swap3A_946, %swap3A_947], %mul3A_945 {strides = array<i32>} : memref<64x128xf32, #tpu.memory_space<vmem>>, vector<16xf32>,
        %get3A_949 = arith.index_cast %add3A_919 : i32 to index
        %get3A_950 = arith.constant 64 : index
        %get3A_951 = tpu.vector_load %arg17[%get3A_949, %get3A_950] {strides = array<i32>} : memref<64x128xf32, #tpu.memory_space<vmem>>, vector<16xf32>,
        %mul3A_952 = arith.mulf %get3A_951, %gather3A : vector<16xf32>
        %swap3A_953 = arith.index_cast %add3A_919 : i32 to index
        %swap3A_954 = arith.constant 64 : index
        %swap3A_955 = tpu.vector_load %arg17[%swap3A_953, %swap3A_954] {strides = array<i32>} : memref<64x128xf32, #tpu.memory_space<vmem>>, vector<16xf32>,
        tpu.vector_store %arg17[%swap3A_953, %swap3A_954], %mul3A_952 {strides = array<i32>} : memref<64x128xf32, #tpu.memory_space<vmem>>, vector<16xf32>,
        %get3A_956 = arith.index_cast %add3A_919 : i32 to index
        %get3A_957 = arith.constant 80 : index
        %get3A_958 = tpu.vector_load %arg17[%get3A_956, %get3A_957] {strides = array<i32>} : memref<64x128xf32, #tpu.memory_space<vmem>>, vector<16xf32>,
        %mul3A_959 = arith.mulf %get3A_958, %gather3A : vector<16xf32>
        %swap3A_960 = arith.index_cast %add3A_919 : i32 to index
        %swap3A_961 = arith.constant 80 : index
        %swap3A_962 = tpu.vector_load %arg17[%swap3A_960, %swap3A_961] {strides = array<i32>} : memref<64x128xf32, #tpu.memory_space<vmem>>, vector<16xf32>,
        tpu.vector_store %arg17[%swap3A_960, %swap3A_961], %mul3A_959 {strides = array<i32>} : memref<64x128xf32, #tpu.memory_space<vmem>>, vector<16xf32>,
        %get3A_963 = arith.index_cast %add3A_919 : i32 to index
        %get3A_964 = arith.constant 96 : index
        %get3A_965 = tpu.vector_load %arg17[%get3A_963, %get3A_964] {strides = array<i32>} : memref<64x128xf32, #tpu.memory_space<vmem>>, vector<16xf32>,
        %mul3A_966 = arith.mulf %get3A_965, %gather3A : vector<16xf32>
        %swap3A_967 = arith.index_cast %add3A_919 : i32 to index
        %swap3A_968 = arith.constant 96 : index
        %swap3A_969 = tpu.vector_load %arg17[%swap3A_967, %swap3A_968] {strides = array<i32>} : memref<64x128xf32, #tpu.memory_space<vmem>>, vector<16xf32>,
        tpu.vector_store %arg17[%swap3A_967, %swap3A_968], %mul3A_966 {strides = array<i32>} : memref<64x128xf32, #tpu.memory_space<vmem>>, vector<16xf32>,
        %get3A_970 = arith.index_cast %add3A_919 : i32 to index
        %get3A_971 = arith.constant 112 : index
        %get3A_972 = tpu.vector_load %arg17[%get3A_970, %get3A_971] {strides = array<i32>} : memref<64x128xf32, #tpu.memory_space<vmem>>, vector<16xf32>,
        %mul3A_973 = arith.mulf %get3A_972, %gather3A : vector<16xf32>
        %swap3A_974 = arith.index_cast %add3A_919 : i32 to index
        %swap3A_975 = arith.constant 112 : index
        %swap3A_976 = tpu.vector_load %arg17[%swap3A_974, %swap3A_975] {strides = array<i32>} : memref<64x128xf32, #tpu.memory_space<vmem>>, vector<16xf32>,
        tpu.vector_store %arg17[%swap3A_974, %swap3A_975], %mul3A_973 {strides = array<i32>} : memref<64x128xf32, #tpu.memory_space<vmem>>, vector<16xf32>,
        %mul3A_977 = arith.constant 4 : i32
        %mul3A_978 = arith.muli %scan3A_914, %mul3A_977 : i32
        %add3A_979 = arith.constant 1 : i32
        %add3A_980 = arith.addi %mul3A_978, %add3A_979 : i32
        %broadcast_in_dim3A_981 = vector.broadcast %add3A_980 : i32 to vector<16xi32>
        %gather3A_982 = tpu.vector_load_idx %arg26[%broadcast_in_dim3A_981] : memref<64xf32, #tpu.memory_space<vmem>>[vector<16xi32>], vector<16xf32>,
        %get3A_983 = arith.index_cast %add3A_980 : i32 to index
        %get3A_984 = arith.constant 0 : index
        %get3A_985 = tpu.vector_load %arg17[%get3A_983, %get3A_984] {strides = array<i32>} : memref<64x128xf32, #tpu.memory_space<vmem>>, vector<16xf32>,
        %mul3A_986 = arith.mulf %get3A_985, %gather3A_982 : vector<16xf32>
        %swap3A_987 = arith.index_cast %add3A_980 : i32 to index
        %swap3A_988 = arith.constant 0 : index
        %swap3A_989 = tpu.vector_load %arg17[%swap3A_987, %swap3A_988] {strides = array<i32>} : memref<64x128xf32, #tpu.memory_space<vmem>>, vector<16xf32>,
        tpu.vector_store %arg17[%swap3A_987, %swap3A_988], %mul3A_986 {strides = array<i32>} : memref<64x128xf32, #tpu.memory_space<vmem>>, vector<16xf32>,
        %get3A_990 = arith.index_cast %add3A_980 : i32 to index
        %get3A_991 = arith.constant 16 : index
        %get3A_992 = tpu.vector_load %arg17[%get3A_990, %get3A_991] {strides = array<i32>} : memref<64x128xf32, #tpu.memory_space<vmem>>, vector<16xf32>,
        %mul3A_993 = arith.mulf %get3A_992, %gather3A_982 : vector<16xf32>
        %swap3A_994 = arith.index_cast %add3A_980 : i32 to index
        %swap3A_995 = arith.constant 16 : index
        %swap3A_996 = tpu.vector_load %arg17[%swap3A_994, %swap3A_995] {strides = array<i32>} : memref<64x128xf32, #tpu.memory_space<vmem>>, vector<16xf32>,
        tpu.vector_store %arg17[%swap3A_994, %swap3A_995], %mul3A_993 {strides = array<i32>} : memref<64x128xf32, #tpu.memory_space<vmem>>, vector<16xf32>,
        %get3A_997 = arith.index_cast %add3A_980 : i32 to index
        %get3A_998 = arith.constant 32 : index
        %get3A_999 = tpu.vector_load %arg17[%get3A_997, %get3A_998] {strides = array<i32>} : memref<64x128xf32, #tpu.memory_space<vmem>>, vector<16xf32>,
        %mul3A_1000 = arith.mulf %get3A_999, %gather3A_982 : vector<16xf32>
        %swap3A_1001 = arith.index_cast %add3A_980 : i32 to index
        %swap3A_1002 = arith.constant 32 : index
        %swap3A_1003 = tpu.vector_load %arg17[%swap3A_1001, %swap3A_1002] {strides = array<i32>} : memref<64x128xf32, #tpu.memory_space<vmem>>, vector<16xf32>,
        tpu.vector_store %arg17[%swap3A_1001, %swap3A_1002], %mul3A_1000 {strides = array<i32>} : memref<64x128xf32, #tpu.memory_space<vmem>>, vector<16xf32>,
        %get3A_1004 = arith.index_cast %add3A_980 : i32 to index
        %get3A_1005 = arith.constant 48 : index
        %get3A_1006 = tpu.vector_load %arg17[%get3A_1004, %get3A_1005] {strides = array<i32>} : memref<64x128xf32, #tpu.memory_space<vmem>>, vector<16xf32>,
        %mul3A_1007 = arith.mulf %get3A_1006, %gather3A_982 : vector<16xf32>
        %swap3A_1008 = arith.index_cast %add3A_980 : i32 to index
        %swap3A_1009 = arith.constant 48 : index
        %swap3A_1010 = tpu.vector_load %arg17[%swap3A_1008, %swap3A_1009] {strides = array<i32>} : memref<64x128xf32, #tpu.memory_space<vmem>>, vector<16xf32>,
        tpu.vector_store %arg17[%swap3A_1008, %swap3A_1009], %mul3A_1007 {strides = array<i32>} : memref<64x128xf32, #tpu.memory_space<vmem>>, vector<16xf32>,
        %get3A_1011 = arith.index_cast %add3A_980 : i32 to index
        %get3A_1012 = arith.constant 64 : index
        %get3A_1013 = tpu.vector_load %arg17[%get3A_1011, %get3A_1012] {strides = array<i32>} : memref<64x128xf32, #tpu.memory_space<vmem>>, vector<16xf32>,
        %mul3A_1014 = arith.mulf %get3A_1013, %gather3A_982 : vector<16xf32>
        %swap3A_1015 = arith.index_cast %add3A_980 : i32 to index
        %swap3A_1016 = arith.constant 64 : index
        %swap3A_1017 = tpu.vector_load %arg17[%swap3A_1015, %swap3A_1016] {strides = array<i32>} : memref<64x128xf32, #tpu.memory_space<vmem>>, vector<16xf32>,
        tpu.vector_store %arg17[%swap3A_1015, %swap3A_1016], %mul3A_1014 {strides = array<i32>} : memref<64x128xf32, #tpu.memory_space<vmem>>, vector<16xf32>,
        %get3A_1018 = arith.index_cast %add3A_980 : i32 to index
        %get3A_1019 = arith.constant 80 : index
        %get3A_1020 = tpu.vector_load %arg17[%get3A_1018, %get3A_1019] {strides = array<i32>} : memref<64x128xf32, #tpu.memory_space<vmem>>, vector<16xf32>,
        %mul3A_1021 = arith.mulf %get3A_1020, %gather3A_982 : vector<16xf32>
        %swap3A_1022 = arith.index_cast %add3A_980 : i32 to index
        %swap3A_1023 = arith.constant 80 : index
        %swap3A_1024 = tpu.vector_load %arg17[%swap3A_1022, %swap3A_1023] {strides = array<i32>} : memref<64x128xf32, #tpu.memory_space<vmem>>, vector<16xf32>,
        tpu.vector_store %arg17[%swap3A_1022, %swap3A_1023], %mul3A_1021 {strides = array<i32>} : memref<64x128xf32, #tpu.memory_space<vmem>>, vector<16xf32>,
        %get3A_1025 = arith.index_cast %add3A_980 : i32 to index
        %get3A_1026 = arith.constant 96 : index
        %get3A_1027 = tpu.vector_load %arg17[%get3A_1025, %get3A_1026] {strides = array<i32>} : memref<64x128xf32, #tpu.memory_space<vmem>>, vector<16xf32>,
        %mul3A_1028 = arith.mulf %get3A_1027, %gather3A_982 : vector<16xf32>
        %swap3A_1029 = arith.index_cast %add3A_980 : i32 to index
        %swap3A_1030 = arith.constant 96 : index
        %swap3A_1031 = tpu.vector_load %arg17[%swap3A_1029, %swap3A_1030] {strides = array<i32>} : memref<64x128xf32, #tpu.memory_space<vmem>>, vector<16xf32>,
        tpu.vector_store %arg17[%swap3A_1029, %swap3A_1030], %mul3A_1028 {strides = array<i32>} : memref<64x128xf32, #tpu.memory_space<vmem>>, vector<16xf32>,
        %get3A_1032 = arith.index_cast %add3A_980 : i32 to index
        %get3A_1033 = arith.constant 112 : index
        %get3A_1034 = tpu.vector_load %arg17[%get3A_1032, %get3A_1033] {strides = array<i32>} : memref<64x128xf32, #tpu.memory_space<vmem>>, vector<16xf32>,
        %mul3A_1035 = arith.mulf %get3A_1034, %gather3A_982 : vector<16xf32>
        %swap3A_1036 = arith.index_cast %add3A_980 : i32 to index
        %swap3A_1037 = arith.constant 112 : index
        %swap3A_1038 = tpu.vector_load %arg17[%swap3A_1036, %swap3A_1037] {strides = array<i32>} : memref<64x128xf32, #tpu.memory_space<vmem>>, vector<16xf32>,
        tpu.vector_store %arg17[%swap3A_1036, %swap3A_1037], %mul3A_1035 {strides = array<i32>} : memref<64x128xf32, #tpu.memory_space<vmem>>, vector<16xf32>,
        %mul3A_1039 = arith.constant 4 : i32
        %mul3A_1040 = arith.muli %scan3A_914, %mul3A_1039 : i32
        %add3A_1041 = arith.constant 2 : i32
        %add3A_1042 = arith.addi %mul3A_1040, %add3A_1041 : i32
        %broadcast_in_dim3A_1043 = vector.broadcast %add3A_1042 : i32 to vector<16xi32>
        %gather3A_1044 = tpu.vector_load_idx %arg26[%broadcast_in_dim3A_1043] : memref<64xf32, #tpu.memory_space<vmem>>[vector<16xi32>], vector<16xf32>,
        %get3A_1045 = arith.index_cast %add3A_1042 : i32 to index
        %get3A_1046 = arith.constant 0 : index
        %get3A_1047 = tpu.vector_load %arg17[%get3A_1045, %get3A_1046] {strides = array<i32>} : memref<64x128xf32, #tpu.memory_space<vmem>>, vector<16xf32>,
        %mul3A_1048 = arith.mulf %get3A_1047, %gather3A_1044 : vector<16xf32>
        %swap3A_1049 = arith.index_cast %add3A_1042 : i32 to index
        %swap3A_1050 = arith.constant 0 : index
        %swap3A_1051 = tpu.vector_load %arg17[%swap3A_1049, %swap3A_1050] {strides = array<i32>} : memref<64x128xf32, #tpu.memory_space<vmem>>, vector<16xf32>,
        tpu.vector_store %arg17[%swap3A_1049, %swap3A_1050], %mul3A_1048 {strides = array<i32>} : memref<64x128xf32, #tpu.memory_space<vmem>>, vector<16xf32>,
        %get3A_1052 = arith.index_cast %add3A_1042 : i32 to index
        %get3A_1053 = arith.constant 16 : index
        %get3A_1054 = tpu.vector_load %arg17[%get3A_1052, %get3A_1053] {strides = array<i32>} : memref<64x128xf32, #tpu.memory_space<vmem>>, vector<16xf32>,
        %mul3A_1055 = arith.mulf %get3A_1054, %gather3A_1044 : vector<16xf32>
        %swap3A_1056 = arith.index_cast %add3A_1042 : i32 to index
        %swap3A_1057 = arith.constant 16 : index
        %swap3A_1058 = tpu.vector_load %arg17[%swap3A_1056, %swap3A_1057] {strides = array<i32>} : memref<64x128xf32, #tpu.memory_space<vmem>>, vector<16xf32>,
        tpu.vector_store %arg17[%swap3A_1056, %swap3A_1057], %mul3A_1055 {strides = array<i32>} : memref<64x128xf32, #tpu.memory_space<vmem>>, vector<16xf32>,
        %get3A_1059 = arith.index_cast %add3A_1042 : i32 to index
        %get3A_1060 = arith.constant 32 : index
        %get3A_1061 = tpu.vector_load %arg17[%get3A_1059, %get3A_1060] {strides = array<i32>} : memref<64x128xf32, #tpu.memory_space<vmem>>, vector<16xf32>,
        %mul3A_1062 = arith.mulf %get3A_1061, %gather3A_1044 : vector<16xf32>
        %swap3A_1063 = arith.index_cast %add3A_1042 : i32 to index
        %swap3A_1064 = arith.constant 32 : index
        %swap3A_1065 = tpu.vector_load %arg17[%swap3A_1063, %swap3A_1064] {strides = array<i32>} : memref<64x128xf32, #tpu.memory_space<vmem>>, vector<16xf32>,
        tpu.vector_store %arg17[%swap3A_1063, %swap3A_1064], %mul3A_1062 {strides = array<i32>} : memref<64x128xf32, #tpu.memory_space<vmem>>, vector<16xf32>,
        %get3A_1066 = arith.index_cast %add3A_1042 : i32 to index
        %get3A_1067 = arith.constant 48 : index
        %get3A_1068 = tpu.vector_load %arg17[%get3A_1066, %get3A_1067] {strides = array<i32>} : memref<64x128xf32, #tpu.memory_space<vmem>>, vector<16xf32>,
        %mul3A_1069 = arith.mulf %get3A_1068, %gather3A_1044 : vector<16xf32>
        %swap3A_1070 = arith.index_cast %add3A_1042 : i32 to index
        %swap3A_1071 = arith.constant 48 : index
        %swap3A_1072 = tpu.vector_load %arg17[%swap3A_1070, %swap3A_1071] {strides = array<i32>} : memref<64x128xf32, #tpu.memory_space<vmem>>, vector<16xf32>,
        tpu.vector_store %arg17[%swap3A_1070, %swap3A_1071], %mul3A_1069 {strides = array<i32>} : memref<64x128xf32, #tpu.memory_space<vmem>>, vector<16xf32>,
        %get3A_1073 = arith.index_cast %add3A_1042 : i32 to index
        %get3A_1074 = arith.constant 64 : index
        %get3A_1075 = tpu.vector_load %arg17[%get3A_1073, %get3A_1074] {strides = array<i32>} : memref<64x128xf32, #tpu.memory_space<vmem>>, vector<16xf32>,
        %mul3A_1076 = arith.mulf %get3A_1075, %gather3A_1044 : vector<16xf32>
        %swap3A_1077 = arith.index_cast %add3A_1042 : i32 to index
        %swap3A_1078 = arith.constant 64 : index
        %swap3A_1079 = tpu.vector_load %arg17[%swap3A_1077, %swap3A_1078] {strides = array<i32>} : memref<64x128xf32, #tpu.memory_space<vmem>>, vector<16xf32>,
        tpu.vector_store %arg17[%swap3A_1077, %swap3A_1078], %mul3A_1076 {strides = array<i32>} : memref<64x128xf32, #tpu.memory_space<vmem>>, vector<16xf32>,
        %get3A_1080 = arith.index_cast %add3A_1042 : i32 to index
        %get3A_1081 = arith.constant 80 : index
        %get3A_1082 = tpu.vector_load %arg17[%get3A_1080, %get3A_1081] {strides = array<i32>} : memref<64x128xf32, #tpu.memory_space<vmem>>, vector<16xf32>,
        %mul3A_1083 = arith.mulf %get3A_1082, %gather3A_1044 : vector<16xf32>
        %swap3A_1084 = arith.index_cast %add3A_1042 : i32 to index
        %swap3A_1085 = arith.constant 80 : index
        %swap3A_1086 = tpu.vector_load %arg17[%swap3A_1084, %swap3A_1085] {strides = array<i32>} : memref<64x128xf32, #tpu.memory_space<vmem>>, vector<16xf32>,
        tpu.vector_store %arg17[%swap3A_1084, %swap3A_1085], %mul3A_1083 {strides = array<i32>} : memref<64x128xf32, #tpu.memory_space<vmem>>, vector<16xf32>,
        %get3A_1087 = arith.index_cast %add3A_1042 : i32 to index
        %get3A_1088 = arith.constant 96 : index
        %get3A_1089 = tpu.vector_load %arg17[%get3A_1087, %get3A_1088] {strides = array<i32>} : memref<64x128xf32, #tpu.memory_space<vmem>>, vector<16xf32>,
        %mul3A_1090 = arith.mulf %get3A_1089, %gather3A_1044 : vector<16xf32>
        %swap3A_1091 = arith.index_cast %add3A_1042 : i32 to index
        %swap3A_1092 = arith.constant 96 : index
        %swap3A_1093 = tpu.vector_load %arg17[%swap3A_1091, %swap3A_1092] {strides = array<i32>} : memref<64x128xf32, #tpu.memory_space<vmem>>, vector<16xf32>,
        tpu.vector_store %arg17[%swap3A_1091, %swap3A_1092], %mul3A_1090 {strides = array<i32>} : memref<64x128xf32, #tpu.memory_space<vmem>>, vector<16xf32>,
        %get3A_1094 = arith.index_cast %add3A_1042 : i32 to index
        %get3A_1095 = arith.constant 112 : index
        %get3A_1096 = tpu.vector_load %arg17[%get3A_1094, %get3A_1095] {strides = array<i32>} : memref<64x128xf32, #tpu.memory_space<vmem>>, vector<16xf32>,
        %mul3A_1097 = arith.mulf %get3A_1096, %gather3A_1044 : vector<16xf32>
        %swap3A_1098 = arith.index_cast %add3A_1042 : i32 to index
        %swap3A_1099 = arith.constant 112 : index
        %swap3A_1100 = tpu.vector_load %arg17[%swap3A_1098, %swap3A_1099] {strides = array<i32>} : memref<64x128xf32, #tpu.memory_space<vmem>>, vector<16xf32>,
        tpu.vector_store %arg17[%swap3A_1098, %swap3A_1099], %mul3A_1097 {strides = array<i32>} : memref<64x128xf32, #tpu.memory_space<vmem>>, vector<16xf32>,
        %mul3A_1101 = arith.constant 4 : i32
        %mul3A_1102 = arith.muli %scan3A_914, %mul3A_1101 : i32
        %add3A_1103 = arith.constant 3 : i32
        %add3A_1104 = arith.addi %mul3A_1102, %add3A_1103 : i32
        %broadcast_in_dim3A_1105 = vector.broadcast %add3A_1104 : i32 to vector<16xi32>
        %gather3A_1106 = tpu.vector_load_idx %arg26[%broadcast_in_dim3A_1105] : memref<64xf32, #tpu.memory_space<vmem>>[vector<16xi32>], vector<16xf32>,
        %get3A_1107 = arith.index_cast %add3A_1104 : i32 to index
        %get3A_1108 = arith.constant 0 : index
        %get3A_1109 = tpu.vector_load %arg17[%get3A_1107, %get3A_1108] {strides = array<i32>} : memref<64x128xf32, #tpu.memory_space<vmem>>, vector<16xf32>,
        %mul3A_1110 = arith.mulf %get3A_1109, %gather3A_1106 : vector<16xf32>
        %swap3A_1111 = arith.index_cast %add3A_1104 : i32 to index
        %swap3A_1112 = arith.constant 0 : index
        %swap3A_1113 = tpu.vector_load %arg17[%swap3A_1111, %swap3A_1112] {strides = array<i32>} : memref<64x128xf32, #tpu.memory_space<vmem>>, vector<16xf32>,
        tpu.vector_store %arg17[%swap3A_1111, %swap3A_1112], %mul3A_1110 {strides = array<i32>} : memref<64x128xf32, #tpu.memory_space<vmem>>, vector<16xf32>,
        %get3A_1114 = arith.index_cast %add3A_1104 : i32 to index
        %get3A_1115 = arith.constant 16 : index
        %get3A_1116 = tpu.vector_load %arg17[%get3A_1114, %get3A_1115] {strides = array<i32>} : memref<64x128xf32, #tpu.memory_space<vmem>>, vector<16xf32>,
        %mul3A_1117 = arith.mulf %get3A_1116, %gather3A_1106 : vector<16xf32>
        %swap3A_1118 = arith.index_cast %add3A_1104 : i32 to index
        %swap3A_1119 = arith.constant 16 : index
        %swap3A_1120 = tpu.vector_load %arg17[%swap3A_1118, %swap3A_1119] {strides = array<i32>} : memref<64x128xf32, #tpu.memory_space<vmem>>, vector<16xf32>,
        tpu.vector_store %arg17[%swap3A_1118, %swap3A_1119], %mul3A_1117 {strides = array<i32>} : memref<64x128xf32, #tpu.memory_space<vmem>>, vector<16xf32>,
        %get3A_1121 = arith.index_cast %add3A_1104 : i32 to index
        %get3A_1122 = arith.constant 32 : index
        %get3A_1123 = tpu.vector_load %arg17[%get3A_1121, %get3A_1122] {strides = array<i32>} : memref<64x128xf32, #tpu.memory_space<vmem>>, vector<16xf32>,
        %mul3A_1124 = arith.mulf %get3A_1123, %gather3A_1106 : vector<16xf32>
        %swap3A_1125 = arith.index_cast %add3A_1104 : i32 to index
        %swap3A_1126 = arith.constant 32 : index
        %swap3A_1127 = tpu.vector_load %arg17[%swap3A_1125, %swap3A_1126] {strides = array<i32>} : memref<64x128xf32, #tpu.memory_space<vmem>>, vector<16xf32>,
        tpu.vector_store %arg17[%swap3A_1125, %swap3A_1126], %mul3A_1124 {strides = array<i32>} : memref<64x128xf32, #tpu.memory_space<vmem>>, vector<16xf32>,
        %get3A_1128 = arith.index_cast %add3A_1104 : i32 to index
        %get3A_1129 = arith.constant 48 : index
        %get3A_1130 = tpu.vector_load %arg17[%get3A_1128, %get3A_1129] {strides = array<i32>} : memref<64x128xf32, #tpu.memory_space<vmem>>, vector<16xf32>,
        %mul3A_1131 = arith.mulf %get3A_1130, %gather3A_1106 : vector<16xf32>
        %swap3A_1132 = arith.index_cast %add3A_1104 : i32 to index
        %swap3A_1133 = arith.constant 48 : index
        %swap3A_1134 = tpu.vector_load %arg17[%swap3A_1132, %swap3A_1133] {strides = array<i32>} : memref<64x128xf32, #tpu.memory_space<vmem>>, vector<16xf32>,
        tpu.vector_store %arg17[%swap3A_1132, %swap3A_1133], %mul3A_1131 {strides = array<i32>} : memref<64x128xf32, #tpu.memory_space<vmem>>, vector<16xf32>,
        %get3A_1135 = arith.index_cast %add3A_1104 : i32 to index
        %get3A_1136 = arith.constant 64 : index
        %get3A_1137 = tpu.vector_load %arg17[%get3A_1135, %get3A_1136] {strides = array<i32>} : memref<64x128xf32, #tpu.memory_space<vmem>>, vector<16xf32>,
        %mul3A_1138 = arith.mulf %get3A_1137, %gather3A_1106 : vector<16xf32>
        %swap3A_1139 = arith.index_cast %add3A_1104 : i32 to index
        %swap3A_1140 = arith.constant 64 : index
        %swap3A_1141 = tpu.vector_load %arg17[%swap3A_1139, %swap3A_1140] {strides = array<i32>} : memref<64x128xf32, #tpu.memory_space<vmem>>, vector<16xf32>,
        tpu.vector_store %arg17[%swap3A_1139, %swap3A_1140], %mul3A_1138 {strides = array<i32>} : memref<64x128xf32, #tpu.memory_space<vmem>>, vector<16xf32>,
        %get3A_1142 = arith.index_cast %add3A_1104 : i32 to index
        %get3A_1143 = arith.constant 80 : index
        %get3A_1144 = tpu.vector_load %arg17[%get3A_1142, %get3A_1143] {strides = array<i32>} : memref<64x128xf32, #tpu.memory_space<vmem>>, vector<16xf32>,
        %mul3A_1145 = arith.mulf %get3A_1144, %gather3A_1106 : vector<16xf32>
        %swap3A_1146 = arith.index_cast %add3A_1104 : i32 to index
        %swap3A_1147 = arith.constant 80 : index
        %swap3A_1148 = tpu.vector_load %arg17[%swap3A_1146, %swap3A_1147] {strides = array<i32>} : memref<64x128xf32, #tpu.memory_space<vmem>>, vector<16xf32>,
        tpu.vector_store %arg17[%swap3A_1146, %swap3A_1147], %mul3A_1145 {strides = array<i32>} : memref<64x128xf32, #tpu.memory_space<vmem>>, vector<16xf32>,
        %get3A_1149 = arith.index_cast %add3A_1104 : i32 to index
        %get3A_1150 = arith.constant 96 : index
        %get3A_1151 = tpu.vector_load %arg17[%get3A_1149, %get3A_1150] {strides = array<i32>} : memref<64x128xf32, #tpu.memory_space<vmem>>, vector<16xf32>,
        %mul3A_1152 = arith.mulf %get3A_1151, %gather3A_1106 : vector<16xf32>
        %swap3A_1153 = arith.index_cast %add3A_1104 : i32 to index
        %swap3A_1154 = arith.constant 96 : index
        %swap3A_1155 = tpu.vector_load %arg17[%swap3A_1153, %swap3A_1154] {strides = array<i32>} : memref<64x128xf32, #tpu.memory_space<vmem>>, vector<16xf32>,
        tpu.vector_store %arg17[%swap3A_1153, %swap3A_1154], %mul3A_1152 {strides = array<i32>} : memref<64x128xf32, #tpu.memory_space<vmem>>, vector<16xf32>,
        %get3A_1156 = arith.index_cast %add3A_1104 : i32 to index
        %get3A_1157 = arith.constant 112 : index
        %get3A_1158 = tpu.vector_load %arg17[%get3A_1156, %get3A_1157] {strides = array<i32>} : memref<64x128xf32, #tpu.memory_space<vmem>>, vector<16xf32>,
        %mul3A_1159 = arith.mulf %get3A_1158, %gather3A_1106 : vector<16xf32>
        %swap3A_1160 = arith.index_cast %add3A_1104 : i32 to index
        %swap3A_1161 = arith.constant 112 : index
        %swap3A_1162 = tpu.vector_load %arg17[%swap3A_1160, %swap3A_1161] {strides = array<i32>} : memref<64x128xf32, #tpu.memory_space<vmem>>, vector<16xf32>,
        tpu.vector_store %arg17[%swap3A_1160, %swap3A_1161], %mul3A_1159 {strides = array<i32>} : memref<64x128xf32, #tpu.memory_space<vmem>>, vector<16xf32>,
        %scan3A_1163 = arith.constant 0 : i32
        scf.yield %scan3A_1163 : i32
      }
      %scan3A_455 = arith.constant 16 : i32
      %dma_start3A_456 = arith.constant 0 : i32
      %dma_start3A_457 = arith.constant 0 : i32
      %dma_start3A_458 = tpu.memref_slice %arg8[%dma_start3A_456, %dma_start3A_457] : memref<10240x128xf32, #tpu.memory_space<vmem_shared>> -> memref<10240x128xf32, #tpu.memory_space<vmem_shared>>
      tpu.enqueue_indirect_dma source(%arg17 : memref<64x128xf32, #tpu.memory_space<vmem>>) target(%dma_start3A_458 : memref<10240x128xf32, #tpu.memory_space<vmem_shared>>) offsets(%arg14 : memref<64xi32, #tpu.memory_space<vmem>>) semaphore(%arg36 : memref<!tpu.dma_semaphore, #tpu.memory_space<semaphore_mem>>) {add = true}
      %dma_start3A_459 = arith.constant 0 : i32
      %dma_start3A_460 = tpu.memref_slice %arg9[%dma_start3A_459] : memref<10240xf32, #tpu.memory_space<vmem_shared>> -> memref<10240xf32, #tpu.memory_space<vmem_shared>>
      tpu.enqueue_indirect_dma source(%arg26 : memref<64xf32, #tpu.memory_space<vmem>>) target(%dma_start3A_460 : memref<10240xf32, #tpu.memory_space<vmem_shared>>) offsets(%arg14 : memref<64xi32, #tpu.memory_space<vmem>>) semaphore(%arg39 : memref<!tpu.dma_semaphore, #tpu.memory_space<semaphore_mem>>) {add = true}
      %mul3A_461 = arith.constant 3 : i32
      %mul3A_462 = arith.muli %while3A_245, %mul3A_461 : i32
      %add3A_463 = arith.constant 1 : i32
      %add3A_464 = arith.addi %mul3A_462, %add3A_463 : i32
      %dma_wait3A_465 = arith.constant 0 : i32
      %dma_wait3A_466 = arith.constant 0 : i32
      %dma_wait3A_467 = tpu.memref_slice %arg5[%dma_wait3A_465, %dma_wait3A_466] : memref<10000x128xf32, #tpu.memory_space<hbm>> -> memref<64x128xf32, #tpu.memory_space<hbm>>
      %dma_wait3A_468 = arith.constant 0 : i32
      %dma_wait3A_469 = arith.constant 0 : i32
      %dma_wait3A_470 = tpu.memref_slice %arg5[%dma_wait3A_468, %dma_wait3A_469] : memref<10000x128xf32, #tpu.memory_space<hbm>> -> memref<64x128xf32, #tpu.memory_space<hbm>>
      tpu.wait_dma2 semaphore(%arg31 : memref<!tpu.dma_semaphore, #tpu.memory_space<semaphore_mem>>) src(%dma_wait3A_470 : memref<64x128xf32, #tpu.memory_space<hbm>>) dst(%arg18 : memref<64x128xf32, #tpu.memory_space<vmem>>)
      %dma_wait3A_471 = arith.constant 0 : i32
      %dma_wait3A_472 = tpu.memref_slice %arg3[%dma_wait3A_471] : memref<10240xf32, #tpu.memory_space<hbm>> -> memref<64xf32, #tpu.memory_space<hbm>>
      %dma_wait3A_473 = arith.constant 0 : i32
      %dma_wait3A_474 = tpu.memref_slice %arg3[%dma_wait3A_473] : memref<10240xf32, #tpu.memory_space<hbm>> -> memref<64xf32, #tpu.memory_space<hbm>>
      tpu.wait_dma2 semaphore(%arg34 : memref<!tpu.dma_semaphore, #tpu.memory_space<semaphore_mem>>) src(%dma_wait3A_474 : memref<64xf32, #tpu.memory_space<hbm>>) dst(%arg21 : memref<64xf32, #tpu.memory_space<vmem>>)
      %dma_wait3A_475 = arith.constant 0 : i32
      %dma_wait3A_476 = tpu.memref_slice %arg3[%dma_wait3A_475] : memref<10240xf32, #tpu.memory_space<hbm>> -> memref<64xf32, #tpu.memory_space<hbm>>
      %dma_wait3A_477 = arith.constant 0 : i32
      %dma_wait3A_478 = tpu.memref_slice %arg3[%dma_wait3A_477] : memref<10240xf32, #tpu.memory_space<hbm>> -> memref<64xf32, #tpu.memory_space<hbm>>
      tpu.wait_dma2 semaphore(%arg34 : memref<!tpu.dma_semaphore, #tpu.memory_space<semaphore_mem>>) src(%dma_wait3A_478 : memref<64xf32, #tpu.memory_space<hbm>>) dst(%arg24 : memref<64xf32, #tpu.memory_space<vmem>>)
      %dma_wait3A_479 = arith.constant 0 : i32
      %dma_wait3A_480 = arith.constant 0 : i32
      %dma_wait3A_481 = tpu.memref_slice %arg5[%dma_wait3A_479, %dma_wait3A_480] : memref<10000x128xf32, #tpu.memory_space<hbm>> -> memref<64x128xf32, #tpu.memory_space<hbm>>
      %dma_wait3A_482 = arith.constant 0 : i32
      %dma_wait3A_483 = arith.constant 0 : i32
      %dma_wait3A_484 = tpu.memref_slice %arg5[%dma_wait3A_482, %dma_wait3A_483] : memref<10000x128xf32, #tpu.memory_space<hbm>> -> memref<64x128xf32, #tpu.memory_space<hbm>>
      tpu.wait_dma2 semaphore(%arg36 : memref<!tpu.dma_semaphore, #tpu.memory_space<semaphore_mem>>) src(%dma_wait3A_484 : memref<64x128xf32, #tpu.memory_space<hbm>>) dst(%arg17 : memref<64x128xf32, #tpu.memory_space<vmem>>)
      %dma_wait3A_485 = arith.constant 0 : i32
      %dma_wait3A_486 = tpu.memref_slice %arg3[%dma_wait3A_485] : memref<10240xf32, #tpu.memory_space<hbm>> -> memref<64xf32, #tpu.memory_space<hbm>>
      %dma_wait3A_487 = arith.constant 0 : i32
      %dma_wait3A_488 = tpu.memref_slice %arg3[%dma_wait3A_487] : memref<10240xf32, #tpu.memory_space<hbm>> -> memref<64xf32, #tpu.memory_space<hbm>>
      tpu.wait_dma2 semaphore(%arg39 : memref<!tpu.dma_semaphore, #tpu.memory_space<semaphore_mem>>) src(%dma_wait3A_488 : memref<64xf32, #tpu.memory_space<hbm>>) dst(%arg26 : memref<64xf32, #tpu.memory_space<vmem>>)
      %add3A_489 = arith.constant 3 : i32
      %add3A_490 = arith.addi %add3A_464, %add3A_489 : i32
      %sub3A_491 = arith.constant 1 : i32
      %sub3A_492 = arith.subi %add3A_490, %sub3A_491 : i32
      %mul3A_493 = arith.constant 64 : i32
      %mul3A_494 = arith.muli %sub3A_492, %mul3A_493 : i32
      %add3A_495 = arith.constant 0 : i32
      %add3A_496 = arith.addi %mul3A_494, %add3A_495 : i32
      %get3A_497 = arith.index_cast %add3A_496 : i32 to index
      %get3A_498 = tpu.vector_load %arg10[%get3A_497] {strides = array<i32>} : memref<14784xi32, #tpu.memory_space<vmem>>, vector<16xi32>,
      %and3A_499 = arith.constant 16383 : i32
      %and3A_500 = vector.broadcast %and3A_499 : i32 to vector<16xi32>
      %and3A_501 = arith.andi %get3A_498, %and3A_500 : vector<16xi32>
      %swap3A_502 = arith.constant 0 : index
      %swap3A_503 = tpu.vector_load %arg11[%swap3A_502] {strides = array<i32>} : memref<64xi32, #tpu.memory_space<vmem>>, vector<16xi32>,
      tpu.vector_store %arg11[%swap3A_502], %and3A_501 {strides = array<i32>} : memref<64xi32, #tpu.memory_space<vmem>>, vector<16xi32>,
      %shift_right_logical3A_504 = arith.constant 14 : i32
      %shift_right_logical3A_505 = vector.broadcast %shift_right_logical3A_504 : i32 to vector<16xi32>
      %shift_right_logical3A_506 = arith.shrui %get3A_498, %shift_right_logical3A_505 : vector<16xi32>
      %swap3A_507 = arith.constant 0 : index
      %swap3A_508 = tpu.vector_load %arg14[%swap3A_507] {strides = array<i32>} : memref<64xi32, #tpu.memory_space<vmem>>, vector<16xi32>,
      tpu.vector_store %arg14[%swap3A_507], %shift_right_logical3A_506 {strides = array<i32>} : memref<64xi32, #tpu.memory_space<vmem>>, vector<16xi32>,
      %mul3A_509 = arith.constant 64 : i32
      %mul3A_510 = arith.muli %sub3A_492, %mul3A_509 : i32
      %add3A_511 = arith.constant 16 : i32
      %add3A_512 = arith.addi %mul3A_510, %add3A_511 : i32
      %get3A_513 = arith.index_cast %add3A_512 : i32 to index
      %get3A_514 = tpu.vector_load %arg10[%get3A_513] {strides = array<i32>} : memref<14784xi32, #tpu.memory_space<vmem>>, vector<16xi32>,
      %and3A_515 = arith.constant 16383 : i32
      %and3A_516 = vector.broadcast %and3A_515 : i32 to vector<16xi32>
      %and3A_517 = arith.andi %get3A_514, %and3A_516 : vector<16xi32>
      %swap3A_518 = arith.constant 16 : index
      %swap3A_519 = tpu.vector_load %arg11[%swap3A_518] {strides = array<i32>} : memref<64xi32, #tpu.memory_space<vmem>>, vector<16xi32>,
      tpu.vector_store %arg11[%swap3A_518], %and3A_517 {strides = array<i32>} : memref<64xi32, #tpu.memory_space<vmem>>, vector<16xi32>,
      %shift_right_logical3A_520 = arith.constant 14 : i32
      %shift_right_logical3A_521 = vector.broadcast %shift_right_logical3A_520 : i32 to vector<16xi32>
      %shift_right_logical3A_522 = arith.shrui %get3A_514, %shift_right_logical3A_521 : vector<16xi32>
      %swap3A_523 = arith.constant 16 : index
      %swap3A_524 = tpu.vector_load %arg14[%swap3A_523] {strides = array<i32>} : memref<64xi32, #tpu.memory_space<vmem>>, vector<16xi32>,
      tpu.vector_store %arg14[%swap3A_523], %shift_right_logical3A_522 {strides = array<i32>} : memref<64xi32, #tpu.memory_space<vmem>>, vector<16xi32>,
      %mul3A_525 = arith.constant 64 : i32
      %mul3A_526 = arith.muli %sub3A_492, %mul3A_525 : i32
      %add3A_527 = arith.constant 32 : i32
      %add3A_528 = arith.addi %mul3A_526, %add3A_527 : i32
      %get3A_529 = arith.index_cast %add3A_528 : i32 to index
      %get3A_530 = tpu.vector_load %arg10[%get3A_529] {strides = array<i32>} : memref<14784xi32, #tpu.memory_space<vmem>>, vector<16xi32>,
      %and3A_531 = arith.constant 16383 : i32
      %and3A_532 = vector.broadcast %and3A_531 : i32 to vector<16xi32>
      %and3A_533 = arith.andi %get3A_530, %and3A_532 : vector<16xi32>
      %swap3A_534 = arith.constant 32 : index
      %swap3A_535 = tpu.vector_load %arg11[%swap3A_534] {strides = array<i32>} : memref<64xi32, #tpu.memory_space<vmem>>, vector<16xi32>,
      tpu.vector_store %arg11[%swap3A_534], %and3A_533 {strides = array<i32>} : memref<64xi32, #tpu.memory_space<vmem>>, vector<16xi32>,
      %shift_right_logical3A_536 = arith.constant 14 : i32
      %shift_right_logical3A_537 = vector.broadcast %shift_right_logical3A_536 : i32 to vector<16xi32>
      %shift_right_logical3A_538 = arith.shrui %get3A_530, %shift_right_logical3A_537 : vector<16xi32>
      %swap3A_539 = arith.constant 32 : index
      %swap3A_540 = tpu.vector_load %arg14[%swap3A_539] {strides = array<i32>} : memref<64xi32, #tpu.memory_space<vmem>>, vector<16xi32>,
      tpu.vector_store %arg14[%swap3A_539], %shift_right_logical3A_538 {strides = array<i32>} : memref<64xi32, #tpu.memory_space<vmem>>, vector<16xi32>,
      %mul3A_541 = arith.constant 64 : i32
      %mul3A_542 = arith.muli %sub3A_492, %mul3A_541 : i32
      %add3A_543 = arith.constant 48 : i32
      %add3A_544 = arith.addi %mul3A_542, %add3A_543 : i32
      %get3A_545 = arith.index_cast %add3A_544 : i32 to index
      %get3A_546 = tpu.vector_load %arg10[%get3A_545] {strides = array<i32>} : memref<14784xi32, #tpu.memory_space<vmem>>, vector<16xi32>,
      %and3A_547 = arith.constant 16383 : i32
      %and3A_548 = vector.broadcast %and3A_547 : i32 to vector<16xi32>
      %and3A_549 = arith.andi %get3A_546, %and3A_548 : vector<16xi32>
      %swap3A_550 = arith.constant 48 : index
      %swap3A_551 = tpu.vector_load %arg11[%swap3A_550] {strides = array<i32>} : memref<64xi32, #tpu.memory_space<vmem>>, vector<16xi32>,
      tpu.vector_store %arg11[%swap3A_550], %and3A_549 {strides = array<i32>} : memref<64xi32, #tpu.memory_space<vmem>>, vector<16xi32>,
      %shift_right_logical3A_552 = arith.constant 14 : i32
      %shift_right_logical3A_553 = vector.broadcast %shift_right_logical3A_552 : i32 to vector<16xi32>
      %shift_right_logical3A_554 = arith.shrui %get3A_546, %shift_right_logical3A_553 : vector<16xi32>
      %swap3A_555 = arith.constant 48 : index
      %swap3A_556 = tpu.vector_load %arg14[%swap3A_555] {strides = array<i32>} : memref<64xi32, #tpu.memory_space<vmem>>, vector<16xi32>,
      tpu.vector_store %arg14[%swap3A_555], %shift_right_logical3A_554 {strides = array<i32>} : memref<64xi32, #tpu.memory_space<vmem>>, vector<16xi32>,
      %add3A_557 = arith.constant 3 : i32
      %add3A_558 = arith.addi %add3A_464, %add3A_557 : i32
      %sub3A_559 = arith.constant 1 : i32
      %sub3A_560 = arith.subi %add3A_558, %sub3A_559 : i32
      %dma_start3A_561 = arith.constant 0 : i32
      %dma_start3A_562 = arith.constant 0 : i32
      %dma_start3A_563 = tpu.memref_slice %arg5[%dma_start3A_561, %dma_start3A_562] : memref<10000x128xf32, #tpu.memory_space<hbm>> -> memref<10000x128xf32, #tpu.memory_space<hbm>>
      tpu.enqueue_indirect_dma source(%dma_start3A_563 : memref<10000x128xf32, #tpu.memory_space<hbm>>) target(%arg17 : memref<64x128xf32, #tpu.memory_space<vmem>>) offsets(%arg11 : memref<64xi32, #tpu.memory_space<vmem>>) semaphore(%arg30 : memref<!tpu.dma_semaphore, #tpu.memory_space<semaphore_mem>>)
      %dma_start3A_564 = arith.constant 0 : i32
      %dma_start3A_565 = tpu.memref_slice %arg3[%dma_start3A_564] : memref<10240xf32, #tpu.memory_space<hbm>> -> memref<10240xf32, #tpu.memory_space<hbm>>
      tpu.enqueue_indirect_dma source(%dma_start3A_565 : memref<10240xf32, #tpu.memory_space<hbm>>) target(%arg20 : memref<64xf32, #tpu.memory_space<vmem>>) offsets(%arg11 : memref<64xi32, #tpu.memory_space<vmem>>) semaphore(%arg33 : memref<!tpu.dma_semaphore, #tpu.memory_space<semaphore_mem>>)
      %dma_start3A_566 = arith.constant 0 : i32
      %dma_start3A_567 = tpu.memref_slice %arg4[%dma_start3A_566] : memref<10240xf32, #tpu.memory_space<hbm>> -> memref<10240xf32, #tpu.memory_space<hbm>>
      tpu.enqueue_indirect_dma source(%dma_start3A_567 : memref<10240xf32, #tpu.memory_space<hbm>>) target(%arg23 : memref<64xf32, #tpu.memory_space<vmem>>) offsets(%arg14 : memref<64xi32, #tpu.memory_space<vmem>>) semaphore(%arg33 : memref<!tpu.dma_semaphore, #tpu.memory_space<semaphore_mem>>)
      %mul3A_568 = arith.constant 64 : i32
      %mul3A_569 = arith.muli %add3A_464, %mul3A_568 : i32
      %add3A_570 = arith.addi %mul3A_51, %mul3A_569 : i32
      %get3A_571 = arith.constant 0 : index
      %get3A_572 = tpu.vector_load %arg21[%get3A_571] {strides = array<i32>} : memref<64xf32, #tpu.memory_space<vmem>>, vector<16xf32>,
      %get3A_573 = arith.constant 0 : index
      %get3A_574 = tpu.vector_load %arg24[%get3A_573] {strides = array<i32>} : memref<64xf32, #tpu.memory_space<vmem>>, vector<16xf32>,
      %add3A_575 = arith.addf %get3A_572, %get3A_574 : vector<16xf32>
      %ge3A_576 = arith.constant 0.000000e+00 : f32
      %ge3A_577 = vector.broadcast %ge3A_576 : f32 to vector<16xf32>
      %ge3A_578 = arith.cmpf oge, %add3A_575, %ge3A_577 : vector<16xf32>
      %mul3A_579 = arith.constant 2.000000e-01 : f32
      %mul3A_580 = vector.broadcast %mul3A_579 : f32 to vector<16xf32>
      %mul3A_581 = arith.mulf %mul3A_580, %add3A_575 : vector<16xf32>
      %select_n3A_582 = arith.select %ge3A_578, %add3A_575, %mul3A_581 : vector<16xi1>, vector<16xf32>
      %exp3A_583 = math.exp %select_n3A_582 : vector<16xf32>
      %add3A_584 = arith.constant 0 : i32
      %add3A_585 = arith.addi %add3A_570, %add3A_584 : i32
      %iota3A_586 = tpu.iota {dimensions = array<i32: 0>} : vector<16xi32>
      %add3A_587 = vector.broadcast %add3A_585 : i32 to vector<16xi32>
      %add3A_588 = arith.addi %add3A_587, %iota3A_586 : vector<16xi32>
      %lt3A_589 = arith.constant 330000 : i32
      %lt3A_590 = vector.broadcast %lt3A_589 : i32 to vector<16xi32>
      %lt3A_591 = arith.cmpi slt, %add3A_588, %lt3A_590 : vector<16xi32>
      %jit3A_592 = arith.constant 0.000000e+00 : f32
      %broadcast_in_dim3A_593 = vector.broadcast %jit3A_592 : f32 to vector<16xf32>
      %select_n3A_594 = arith.select %lt3A_591, %exp3A_583, %broadcast_in_dim3A_593 : vector<16xi1>, vector<16xf32>
      %swap3A_595 = arith.constant 0 : index
      %swap3A_596 = tpu.vector_load %arg27[%swap3A_595] {strides = array<i32>} : memref<64xf32, #tpu.memory_space<vmem>>, vector<16xf32>,
      tpu.vector_store %arg27[%swap3A_595], %select_n3A_594 {strides = array<i32>} : memref<64xf32, #tpu.memory_space<vmem>>, vector<16xf32>,
      %get3A_597 = arith.constant 16 : index
      %get3A_598 = tpu.vector_load %arg21[%get3A_597] {strides = array<i32>} : memref<64xf32, #tpu.memory_space<vmem>>, vector<16xf32>,
      %get3A_599 = arith.constant 16 : index
      %get3A_600 = tpu.vector_load %arg24[%get3A_599] {strides = array<i32>} : memref<64xf32, #tpu.memory_space<vmem>>, vector<16xf32>,
      %add3A_601 = arith.addf %get3A_598, %get3A_600 : vector<16xf32>
      %ge3A_602 = arith.constant 0.000000e+00 : f32
      %ge3A_603 = vector.broadcast %ge3A_602 : f32 to vector<16xf32>
      %ge3A_604 = arith.cmpf oge, %add3A_601, %ge3A_603 : vector<16xf32>
      %mul3A_605 = arith.constant 2.000000e-01 : f32
      %mul3A_606 = vector.broadcast %mul3A_605 : f32 to vector<16xf32>
      %mul3A_607 = arith.mulf %mul3A_606, %add3A_601 : vector<16xf32>
      %select_n3A_608 = arith.select %ge3A_604, %add3A_601, %mul3A_607 : vector<16xi1>, vector<16xf32>
      %exp3A_609 = math.exp %select_n3A_608 : vector<16xf32>
      %add3A_610 = arith.constant 16 : i32
      %add3A_611 = arith.addi %add3A_570, %add3A_610 : i32
      %iota3A_612 = tpu.iota {dimensions = array<i32: 0>} : vector<16xi32>
      %add3A_613 = vector.broadcast %add3A_611 : i32 to vector<16xi32>
      %add3A_614 = arith.addi %add3A_613, %iota3A_612 : vector<16xi32>
      %lt3A_615 = arith.constant 330000 : i32
      %lt3A_616 = vector.broadcast %lt3A_615 : i32 to vector<16xi32>
      %lt3A_617 = arith.cmpi slt, %add3A_614, %lt3A_616 : vector<16xi32>
      %jit3A_618 = arith.constant 0.000000e+00 : f32
      %broadcast_in_dim3A_619 = vector.broadcast %jit3A_618 : f32 to vector<16xf32>
      %select_n3A_620 = arith.select %lt3A_617, %exp3A_609, %broadcast_in_dim3A_619 : vector<16xi1>, vector<16xf32>
      %swap3A_621 = arith.constant 16 : index
      %swap3A_622 = tpu.vector_load %arg27[%swap3A_621] {strides = array<i32>} : memref<64xf32, #tpu.memory_space<vmem>>, vector<16xf32>,
      tpu.vector_store %arg27[%swap3A_621], %select_n3A_620 {strides = array<i32>} : memref<64xf32, #tpu.memory_space<vmem>>, vector<16xf32>,
      %get3A_623 = arith.constant 32 : index
      %get3A_624 = tpu.vector_load %arg21[%get3A_623] {strides = array<i32>} : memref<64xf32, #tpu.memory_space<vmem>>, vector<16xf32>,
      %get3A_625 = arith.constant 32 : index
      %get3A_626 = tpu.vector_load %arg24[%get3A_625] {strides = array<i32>} : memref<64xf32, #tpu.memory_space<vmem>>, vector<16xf32>,
      %add3A_627 = arith.addf %get3A_624, %get3A_626 : vector<16xf32>
      %ge3A_628 = arith.constant 0.000000e+00 : f32
      %ge3A_629 = vector.broadcast %ge3A_628 : f32 to vector<16xf32>
      %ge3A_630 = arith.cmpf oge, %add3A_627, %ge3A_629 : vector<16xf32>
      %mul3A_631 = arith.constant 2.000000e-01 : f32
      %mul3A_632 = vector.broadcast %mul3A_631 : f32 to vector<16xf32>
      %mul3A_633 = arith.mulf %mul3A_632, %add3A_627 : vector<16xf32>
      %select_n3A_634 = arith.select %ge3A_630, %add3A_627, %mul3A_633 : vector<16xi1>, vector<16xf32>
      %exp3A_635 = math.exp %select_n3A_634 : vector<16xf32>
      %add3A_636 = arith.constant 32 : i32
      %add3A_637 = arith.addi %add3A_570, %add3A_636 : i32
      %iota3A_638 = tpu.iota {dimensions = array<i32: 0>} : vector<16xi32>
      %add3A_639 = vector.broadcast %add3A_637 : i32 to vector<16xi32>
      %add3A_640 = arith.addi %add3A_639, %iota3A_638 : vector<16xi32>
      %lt3A_641 = arith.constant 330000 : i32
      %lt3A_642 = vector.broadcast %lt3A_641 : i32 to vector<16xi32>
      %lt3A_643 = arith.cmpi slt, %add3A_640, %lt3A_642 : vector<16xi32>
      %jit3A_644 = arith.constant 0.000000e+00 : f32
      %broadcast_in_dim3A_645 = vector.broadcast %jit3A_644 : f32 to vector<16xf32>
      %select_n3A_646 = arith.select %lt3A_643, %exp3A_635, %broadcast_in_dim3A_645 : vector<16xi1>, vector<16xf32>
      %swap3A_647 = arith.constant 32 : index
      %swap3A_648 = tpu.vector_load %arg27[%swap3A_647] {strides = array<i32>} : memref<64xf32, #tpu.memory_space<vmem>>, vector<16xf32>,
      tpu.vector_store %arg27[%swap3A_647], %select_n3A_646 {strides = array<i32>} : memref<64xf32, #tpu.memory_space<vmem>>, vector<16xf32>,
      %get3A_649 = arith.constant 48 : index
      %get3A_650 = tpu.vector_load %arg21[%get3A_649] {strides = array<i32>} : memref<64xf32, #tpu.memory_space<vmem>>, vector<16xf32>,
      %get3A_651 = arith.constant 48 : index
      %get3A_652 = tpu.vector_load %arg24[%get3A_651] {strides = array<i32>} : memref<64xf32, #tpu.memory_space<vmem>>, vector<16xf32>,
      %add3A_653 = arith.addf %get3A_650, %get3A_652 : vector<16xf32>
      %ge3A_654 = arith.constant 0.000000e+00 : f32
      %ge3A_655 = vector.broadcast %ge3A_654 : f32 to vector<16xf32>
      %ge3A_656 = arith.cmpf oge, %add3A_653, %ge3A_655 : vector<16xf32>
      %mul3A_657 = arith.constant 2.000000e-01 : f32
      %mul3A_658 = vector.broadcast %mul3A_657 : f32 to vector<16xf32>
      %mul3A_659 = arith.mulf %mul3A_658, %add3A_653 : vector<16xf32>
      %select_n3A_660 = arith.select %ge3A_656, %add3A_653, %mul3A_659 : vector<16xi1>, vector<16xf32>
      %exp3A_661 = math.exp %select_n3A_660 : vector<16xf32>
      %add3A_662 = arith.constant 48 : i32
      %add3A_663 = arith.addi %add3A_570, %add3A_662 : i32
      %iota3A_664 = tpu.iota {dimensions = array<i32: 0>} : vector<16xi32>
      %add3A_665 = vector.broadcast %add3A_663 : i32 to vector<16xi32>
      %add3A_666 = arith.addi %add3A_665, %iota3A_664 : vector<16xi32>
      %lt3A_667 = arith.constant 330000 : i32
      %lt3A_668 = vector.broadcast %lt3A_667 : i32 to vector<16xi32>
      %lt3A_669 = arith.cmpi slt, %add3A_666, %lt3A_668 : vector<16xi32>
      %jit3A_670 = arith.constant 0.000000e+00 : f32
      %broadcast_in_dim3A_671 = vector.broadcast %jit3A_670 : f32 to vector<16xf32>
      %select_n3A_672 = arith.select %lt3A_669, %exp3A_661, %broadcast_in_dim3A_671 : vector<16xi1>, vector<16xf32>
      %swap3A_673 = arith.constant 48 : index
      %swap3A_674 = tpu.vector_load %arg27[%swap3A_673] {strides = array<i32>} : memref<64xf32, #tpu.memory_space<vmem>>, vector<16xf32>,
      tpu.vector_store %arg27[%swap3A_673], %select_n3A_672 {strides = array<i32>} : memref<64xf32, #tpu.memory_space<vmem>>, vector<16xf32>,
      %scan3A_675 = arith.constant 0 : i32
      %scan3A_676 = arith.constant 0 : i32
      %scan3A_677 = arith.constant 16 : i32
      %scan3A_678 = arith.addi %scan3A_676, %scan3A_677 : i32
      %scan3A_679 = arith.constant 1 : i32
      %scan3A_680 = scf.for %scan3A_914 = %scan3A_676 to %scan3A_678 step %scan3A_679 iter_args(%scan3A_915 = %scan3A_675) -> (i32)  : i32 {
        %mul3A_916 = arith.constant 4 : i32
        %mul3A_917 = arith.muli %scan3A_914, %mul3A_916 : i32
        %add3A_918 = arith.constant 0 : i32
        %add3A_919 = arith.addi %mul3A_917, %add3A_918 : i32
        %broadcast_in_dim3A_920 = vector.broadcast %add3A_919 : i32 to vector<16xi32>
        %gather3A = tpu.vector_load_idx %arg27[%broadcast_in_dim3A_920] : memref<64xf32, #tpu.memory_space<vmem>>[vector<16xi32>], vector<16xf32>,
        %get3A_921 = arith.index_cast %add3A_919 : i32 to index
        %get3A_922 = arith.constant 0 : index
        %get3A_923 = tpu.vector_load %arg18[%get3A_921, %get3A_922] {strides = array<i32>} : memref<64x128xf32, #tpu.memory_space<vmem>>, vector<16xf32>,
        %mul3A_924 = arith.mulf %get3A_923, %gather3A : vector<16xf32>
        %swap3A_925 = arith.index_cast %add3A_919 : i32 to index
        %swap3A_926 = arith.constant 0 : index
        %swap3A_927 = tpu.vector_load %arg18[%swap3A_925, %swap3A_926] {strides = array<i32>} : memref<64x128xf32, #tpu.memory_space<vmem>>, vector<16xf32>,
        tpu.vector_store %arg18[%swap3A_925, %swap3A_926], %mul3A_924 {strides = array<i32>} : memref<64x128xf32, #tpu.memory_space<vmem>>, vector<16xf32>,
        %get3A_928 = arith.index_cast %add3A_919 : i32 to index
        %get3A_929 = arith.constant 16 : index
        %get3A_930 = tpu.vector_load %arg18[%get3A_928, %get3A_929] {strides = array<i32>} : memref<64x128xf32, #tpu.memory_space<vmem>>, vector<16xf32>,
        %mul3A_931 = arith.mulf %get3A_930, %gather3A : vector<16xf32>
        %swap3A_932 = arith.index_cast %add3A_919 : i32 to index
        %swap3A_933 = arith.constant 16 : index
        %swap3A_934 = tpu.vector_load %arg18[%swap3A_932, %swap3A_933] {strides = array<i32>} : memref<64x128xf32, #tpu.memory_space<vmem>>, vector<16xf32>,
        tpu.vector_store %arg18[%swap3A_932, %swap3A_933], %mul3A_931 {strides = array<i32>} : memref<64x128xf32, #tpu.memory_space<vmem>>, vector<16xf32>,
        %get3A_935 = arith.index_cast %add3A_919 : i32 to index
        %get3A_936 = arith.constant 32 : index
        %get3A_937 = tpu.vector_load %arg18[%get3A_935, %get3A_936] {strides = array<i32>} : memref<64x128xf32, #tpu.memory_space<vmem>>, vector<16xf32>,
        %mul3A_938 = arith.mulf %get3A_937, %gather3A : vector<16xf32>
        %swap3A_939 = arith.index_cast %add3A_919 : i32 to index
        %swap3A_940 = arith.constant 32 : index
        %swap3A_941 = tpu.vector_load %arg18[%swap3A_939, %swap3A_940] {strides = array<i32>} : memref<64x128xf32, #tpu.memory_space<vmem>>, vector<16xf32>,
        tpu.vector_store %arg18[%swap3A_939, %swap3A_940], %mul3A_938 {strides = array<i32>} : memref<64x128xf32, #tpu.memory_space<vmem>>, vector<16xf32>,
        %get3A_942 = arith.index_cast %add3A_919 : i32 to index
        %get3A_943 = arith.constant 48 : index
        %get3A_944 = tpu.vector_load %arg18[%get3A_942, %get3A_943] {strides = array<i32>} : memref<64x128xf32, #tpu.memory_space<vmem>>, vector<16xf32>,
        %mul3A_945 = arith.mulf %get3A_944, %gather3A : vector<16xf32>
        %swap3A_946 = arith.index_cast %add3A_919 : i32 to index
        %swap3A_947 = arith.constant 48 : index
        %swap3A_948 = tpu.vector_load %arg18[%swap3A_946, %swap3A_947] {strides = array<i32>} : memref<64x128xf32, #tpu.memory_space<vmem>>, vector<16xf32>,
        tpu.vector_store %arg18[%swap3A_946, %swap3A_947], %mul3A_945 {strides = array<i32>} : memref<64x128xf32, #tpu.memory_space<vmem>>, vector<16xf32>,
        %get3A_949 = arith.index_cast %add3A_919 : i32 to index
        %get3A_950 = arith.constant 64 : index
        %get3A_951 = tpu.vector_load %arg18[%get3A_949, %get3A_950] {strides = array<i32>} : memref<64x128xf32, #tpu.memory_space<vmem>>, vector<16xf32>,
        %mul3A_952 = arith.mulf %get3A_951, %gather3A : vector<16xf32>
        %swap3A_953 = arith.index_cast %add3A_919 : i32 to index
        %swap3A_954 = arith.constant 64 : index
        %swap3A_955 = tpu.vector_load %arg18[%swap3A_953, %swap3A_954] {strides = array<i32>} : memref<64x128xf32, #tpu.memory_space<vmem>>, vector<16xf32>,
        tpu.vector_store %arg18[%swap3A_953, %swap3A_954], %mul3A_952 {strides = array<i32>} : memref<64x128xf32, #tpu.memory_space<vmem>>, vector<16xf32>,
        %get3A_956 = arith.index_cast %add3A_919 : i32 to index
        %get3A_957 = arith.constant 80 : index
        %get3A_958 = tpu.vector_load %arg18[%get3A_956, %get3A_957] {strides = array<i32>} : memref<64x128xf32, #tpu.memory_space<vmem>>, vector<16xf32>,
        %mul3A_959 = arith.mulf %get3A_958, %gather3A : vector<16xf32>
        %swap3A_960 = arith.index_cast %add3A_919 : i32 to index
        %swap3A_961 = arith.constant 80 : index
        %swap3A_962 = tpu.vector_load %arg18[%swap3A_960, %swap3A_961] {strides = array<i32>} : memref<64x128xf32, #tpu.memory_space<vmem>>, vector<16xf32>,
        tpu.vector_store %arg18[%swap3A_960, %swap3A_961], %mul3A_959 {strides = array<i32>} : memref<64x128xf32, #tpu.memory_space<vmem>>, vector<16xf32>,
        %get3A_963 = arith.index_cast %add3A_919 : i32 to index
        %get3A_964 = arith.constant 96 : index
        %get3A_965 = tpu.vector_load %arg18[%get3A_963, %get3A_964] {strides = array<i32>} : memref<64x128xf32, #tpu.memory_space<vmem>>, vector<16xf32>,
        %mul3A_966 = arith.mulf %get3A_965, %gather3A : vector<16xf32>
        %swap3A_967 = arith.index_cast %add3A_919 : i32 to index
        %swap3A_968 = arith.constant 96 : index
        %swap3A_969 = tpu.vector_load %arg18[%swap3A_967, %swap3A_968] {strides = array<i32>} : memref<64x128xf32, #tpu.memory_space<vmem>>, vector<16xf32>,
        tpu.vector_store %arg18[%swap3A_967, %swap3A_968], %mul3A_966 {strides = array<i32>} : memref<64x128xf32, #tpu.memory_space<vmem>>, vector<16xf32>,
        %get3A_970 = arith.index_cast %add3A_919 : i32 to index
        %get3A_971 = arith.constant 112 : index
        %get3A_972 = tpu.vector_load %arg18[%get3A_970, %get3A_971] {strides = array<i32>} : memref<64x128xf32, #tpu.memory_space<vmem>>, vector<16xf32>,
        %mul3A_973 = arith.mulf %get3A_972, %gather3A : vector<16xf32>
        %swap3A_974 = arith.index_cast %add3A_919 : i32 to index
        %swap3A_975 = arith.constant 112 : index
        %swap3A_976 = tpu.vector_load %arg18[%swap3A_974, %swap3A_975] {strides = array<i32>} : memref<64x128xf32, #tpu.memory_space<vmem>>, vector<16xf32>,
        tpu.vector_store %arg18[%swap3A_974, %swap3A_975], %mul3A_973 {strides = array<i32>} : memref<64x128xf32, #tpu.memory_space<vmem>>, vector<16xf32>,
        %mul3A_977 = arith.constant 4 : i32
        %mul3A_978 = arith.muli %scan3A_914, %mul3A_977 : i32
        %add3A_979 = arith.constant 1 : i32
        %add3A_980 = arith.addi %mul3A_978, %add3A_979 : i32
        %broadcast_in_dim3A_981 = vector.broadcast %add3A_980 : i32 to vector<16xi32>
        %gather3A_982 = tpu.vector_load_idx %arg27[%broadcast_in_dim3A_981] : memref<64xf32, #tpu.memory_space<vmem>>[vector<16xi32>], vector<16xf32>,
        %get3A_983 = arith.index_cast %add3A_980 : i32 to index
        %get3A_984 = arith.constant 0 : index
        %get3A_985 = tpu.vector_load %arg18[%get3A_983, %get3A_984] {strides = array<i32>} : memref<64x128xf32, #tpu.memory_space<vmem>>, vector<16xf32>,
        %mul3A_986 = arith.mulf %get3A_985, %gather3A_982 : vector<16xf32>
        %swap3A_987 = arith.index_cast %add3A_980 : i32 to index
        %swap3A_988 = arith.constant 0 : index
        %swap3A_989 = tpu.vector_load %arg18[%swap3A_987, %swap3A_988] {strides = array<i32>} : memref<64x128xf32, #tpu.memory_space<vmem>>, vector<16xf32>,
        tpu.vector_store %arg18[%swap3A_987, %swap3A_988], %mul3A_986 {strides = array<i32>} : memref<64x128xf32, #tpu.memory_space<vmem>>, vector<16xf32>,
        %get3A_990 = arith.index_cast %add3A_980 : i32 to index
        %get3A_991 = arith.constant 16 : index
        %get3A_992 = tpu.vector_load %arg18[%get3A_990, %get3A_991] {strides = array<i32>} : memref<64x128xf32, #tpu.memory_space<vmem>>, vector<16xf32>,
        %mul3A_993 = arith.mulf %get3A_992, %gather3A_982 : vector<16xf32>
        %swap3A_994 = arith.index_cast %add3A_980 : i32 to index
        %swap3A_995 = arith.constant 16 : index
        %swap3A_996 = tpu.vector_load %arg18[%swap3A_994, %swap3A_995] {strides = array<i32>} : memref<64x128xf32, #tpu.memory_space<vmem>>, vector<16xf32>,
        tpu.vector_store %arg18[%swap3A_994, %swap3A_995], %mul3A_993 {strides = array<i32>} : memref<64x128xf32, #tpu.memory_space<vmem>>, vector<16xf32>,
        %get3A_997 = arith.index_cast %add3A_980 : i32 to index
        %get3A_998 = arith.constant 32 : index
        %get3A_999 = tpu.vector_load %arg18[%get3A_997, %get3A_998] {strides = array<i32>} : memref<64x128xf32, #tpu.memory_space<vmem>>, vector<16xf32>,
        %mul3A_1000 = arith.mulf %get3A_999, %gather3A_982 : vector<16xf32>
        %swap3A_1001 = arith.index_cast %add3A_980 : i32 to index
        %swap3A_1002 = arith.constant 32 : index
        %swap3A_1003 = tpu.vector_load %arg18[%swap3A_1001, %swap3A_1002] {strides = array<i32>} : memref<64x128xf32, #tpu.memory_space<vmem>>, vector<16xf32>,
        tpu.vector_store %arg18[%swap3A_1001, %swap3A_1002], %mul3A_1000 {strides = array<i32>} : memref<64x128xf32, #tpu.memory_space<vmem>>, vector<16xf32>,
        %get3A_1004 = arith.index_cast %add3A_980 : i32 to index
        %get3A_1005 = arith.constant 48 : index
        %get3A_1006 = tpu.vector_load %arg18[%get3A_1004, %get3A_1005] {strides = array<i32>} : memref<64x128xf32, #tpu.memory_space<vmem>>, vector<16xf32>,
        %mul3A_1007 = arith.mulf %get3A_1006, %gather3A_982 : vector<16xf32>
        %swap3A_1008 = arith.index_cast %add3A_980 : i32 to index
        %swap3A_1009 = arith.constant 48 : index
        %swap3A_1010 = tpu.vector_load %arg18[%swap3A_1008, %swap3A_1009] {strides = array<i32>} : memref<64x128xf32, #tpu.memory_space<vmem>>, vector<16xf32>,
        tpu.vector_store %arg18[%swap3A_1008, %swap3A_1009], %mul3A_1007 {strides = array<i32>} : memref<64x128xf32, #tpu.memory_space<vmem>>, vector<16xf32>,
        %get3A_1011 = arith.index_cast %add3A_980 : i32 to index
        %get3A_1012 = arith.constant 64 : index
        %get3A_1013 = tpu.vector_load %arg18[%get3A_1011, %get3A_1012] {strides = array<i32>} : memref<64x128xf32, #tpu.memory_space<vmem>>, vector<16xf32>,
        %mul3A_1014 = arith.mulf %get3A_1013, %gather3A_982 : vector<16xf32>
        %swap3A_1015 = arith.index_cast %add3A_980 : i32 to index
        %swap3A_1016 = arith.constant 64 : index
        %swap3A_1017 = tpu.vector_load %arg18[%swap3A_1015, %swap3A_1016] {strides = array<i32>} : memref<64x128xf32, #tpu.memory_space<vmem>>, vector<16xf32>,
        tpu.vector_store %arg18[%swap3A_1015, %swap3A_1016], %mul3A_1014 {strides = array<i32>} : memref<64x128xf32, #tpu.memory_space<vmem>>, vector<16xf32>,
        %get3A_1018 = arith.index_cast %add3A_980 : i32 to index
        %get3A_1019 = arith.constant 80 : index
        %get3A_1020 = tpu.vector_load %arg18[%get3A_1018, %get3A_1019] {strides = array<i32>} : memref<64x128xf32, #tpu.memory_space<vmem>>, vector<16xf32>,
        %mul3A_1021 = arith.mulf %get3A_1020, %gather3A_982 : vector<16xf32>
        %swap3A_1022 = arith.index_cast %add3A_980 : i32 to index
        %swap3A_1023 = arith.constant 80 : index
        %swap3A_1024 = tpu.vector_load %arg18[%swap3A_1022, %swap3A_1023] {strides = array<i32>} : memref<64x128xf32, #tpu.memory_space<vmem>>, vector<16xf32>,
        tpu.vector_store %arg18[%swap3A_1022, %swap3A_1023], %mul3A_1021 {strides = array<i32>} : memref<64x128xf32, #tpu.memory_space<vmem>>, vector<16xf32>,
        %get3A_1025 = arith.index_cast %add3A_980 : i32 to index
        %get3A_1026 = arith.constant 96 : index
        %get3A_1027 = tpu.vector_load %arg18[%get3A_1025, %get3A_1026] {strides = array<i32>} : memref<64x128xf32, #tpu.memory_space<vmem>>, vector<16xf32>,
        %mul3A_1028 = arith.mulf %get3A_1027, %gather3A_982 : vector<16xf32>
        %swap3A_1029 = arith.index_cast %add3A_980 : i32 to index
        %swap3A_1030 = arith.constant 96 : index
        %swap3A_1031 = tpu.vector_load %arg18[%swap3A_1029, %swap3A_1030] {strides = array<i32>} : memref<64x128xf32, #tpu.memory_space<vmem>>, vector<16xf32>,
        tpu.vector_store %arg18[%swap3A_1029, %swap3A_1030], %mul3A_1028 {strides = array<i32>} : memref<64x128xf32, #tpu.memory_space<vmem>>, vector<16xf32>,
        %get3A_1032 = arith.index_cast %add3A_980 : i32 to index
        %get3A_1033 = arith.constant 112 : index
        %get3A_1034 = tpu.vector_load %arg18[%get3A_1032, %get3A_1033] {strides = array<i32>} : memref<64x128xf32, #tpu.memory_space<vmem>>, vector<16xf32>,
        %mul3A_1035 = arith.mulf %get3A_1034, %gather3A_982 : vector<16xf32>
        %swap3A_1036 = arith.index_cast %add3A_980 : i32 to index
        %swap3A_1037 = arith.constant 112 : index
        %swap3A_1038 = tpu.vector_load %arg18[%swap3A_1036, %swap3A_1037] {strides = array<i32>} : memref<64x128xf32, #tpu.memory_space<vmem>>, vector<16xf32>,
        tpu.vector_store %arg18[%swap3A_1036, %swap3A_1037], %mul3A_1035 {strides = array<i32>} : memref<64x128xf32, #tpu.memory_space<vmem>>, vector<16xf32>,
        %mul3A_1039 = arith.constant 4 : i32
        %mul3A_1040 = arith.muli %scan3A_914, %mul3A_1039 : i32
        %add3A_1041 = arith.constant 2 : i32
        %add3A_1042 = arith.addi %mul3A_1040, %add3A_1041 : i32
        %broadcast_in_dim3A_1043 = vector.broadcast %add3A_1042 : i32 to vector<16xi32>
        %gather3A_1044 = tpu.vector_load_idx %arg27[%broadcast_in_dim3A_1043] : memref<64xf32, #tpu.memory_space<vmem>>[vector<16xi32>], vector<16xf32>,
        %get3A_1045 = arith.index_cast %add3A_1042 : i32 to index
        %get3A_1046 = arith.constant 0 : index
        %get3A_1047 = tpu.vector_load %arg18[%get3A_1045, %get3A_1046] {strides = array<i32>} : memref<64x128xf32, #tpu.memory_space<vmem>>, vector<16xf32>,
        %mul3A_1048 = arith.mulf %get3A_1047, %gather3A_1044 : vector<16xf32>
        %swap3A_1049 = arith.index_cast %add3A_1042 : i32 to index
        %swap3A_1050 = arith.constant 0 : index
        %swap3A_1051 = tpu.vector_load %arg18[%swap3A_1049, %swap3A_1050] {strides = array<i32>} : memref<64x128xf32, #tpu.memory_space<vmem>>, vector<16xf32>,
        tpu.vector_store %arg18[%swap3A_1049, %swap3A_1050], %mul3A_1048 {strides = array<i32>} : memref<64x128xf32, #tpu.memory_space<vmem>>, vector<16xf32>,
        %get3A_1052 = arith.index_cast %add3A_1042 : i32 to index
        %get3A_1053 = arith.constant 16 : index
        %get3A_1054 = tpu.vector_load %arg18[%get3A_1052, %get3A_1053] {strides = array<i32>} : memref<64x128xf32, #tpu.memory_space<vmem>>, vector<16xf32>,
        %mul3A_1055 = arith.mulf %get3A_1054, %gather3A_1044 : vector<16xf32>
        %swap3A_1056 = arith.index_cast %add3A_1042 : i32 to index
        %swap3A_1057 = arith.constant 16 : index
        %swap3A_1058 = tpu.vector_load %arg18[%swap3A_1056, %swap3A_1057] {strides = array<i32>} : memref<64x128xf32, #tpu.memory_space<vmem>>, vector<16xf32>,
        tpu.vector_store %arg18[%swap3A_1056, %swap3A_1057], %mul3A_1055 {strides = array<i32>} : memref<64x128xf32, #tpu.memory_space<vmem>>, vector<16xf32>,
        %get3A_1059 = arith.index_cast %add3A_1042 : i32 to index
        %get3A_1060 = arith.constant 32 : index
        %get3A_1061 = tpu.vector_load %arg18[%get3A_1059, %get3A_1060] {strides = array<i32>} : memref<64x128xf32, #tpu.memory_space<vmem>>, vector<16xf32>,
        %mul3A_1062 = arith.mulf %get3A_1061, %gather3A_1044 : vector<16xf32>
        %swap3A_1063 = arith.index_cast %add3A_1042 : i32 to index
        %swap3A_1064 = arith.constant 32 : index
        %swap3A_1065 = tpu.vector_load %arg18[%swap3A_1063, %swap3A_1064] {strides = array<i32>} : memref<64x128xf32, #tpu.memory_space<vmem>>, vector<16xf32>,
        tpu.vector_store %arg18[%swap3A_1063, %swap3A_1064], %mul3A_1062 {strides = array<i32>} : memref<64x128xf32, #tpu.memory_space<vmem>>, vector<16xf32>,
        %get3A_1066 = arith.index_cast %add3A_1042 : i32 to index
        %get3A_1067 = arith.constant 48 : index
        %get3A_1068 = tpu.vector_load %arg18[%get3A_1066, %get3A_1067] {strides = array<i32>} : memref<64x128xf32, #tpu.memory_space<vmem>>, vector<16xf32>,
        %mul3A_1069 = arith.mulf %get3A_1068, %gather3A_1044 : vector<16xf32>
        %swap3A_1070 = arith.index_cast %add3A_1042 : i32 to index
        %swap3A_1071 = arith.constant 48 : index
        %swap3A_1072 = tpu.vector_load %arg18[%swap3A_1070, %swap3A_1071] {strides = array<i32>} : memref<64x128xf32, #tpu.memory_space<vmem>>, vector<16xf32>,
        tpu.vector_store %arg18[%swap3A_1070, %swap3A_1071], %mul3A_1069 {strides = array<i32>} : memref<64x128xf32, #tpu.memory_space<vmem>>, vector<16xf32>,
        %get3A_1073 = arith.index_cast %add3A_1042 : i32 to index
        %get3A_1074 = arith.constant 64 : index
        %get3A_1075 = tpu.vector_load %arg18[%get3A_1073, %get3A_1074] {strides = array<i32>} : memref<64x128xf32, #tpu.memory_space<vmem>>, vector<16xf32>,
        %mul3A_1076 = arith.mulf %get3A_1075, %gather3A_1044 : vector<16xf32>
        %swap3A_1077 = arith.index_cast %add3A_1042 : i32 to index
        %swap3A_1078 = arith.constant 64 : index
        %swap3A_1079 = tpu.vector_load %arg18[%swap3A_1077, %swap3A_1078] {strides = array<i32>} : memref<64x128xf32, #tpu.memory_space<vmem>>, vector<16xf32>,
        tpu.vector_store %arg18[%swap3A_1077, %swap3A_1078], %mul3A_1076 {strides = array<i32>} : memref<64x128xf32, #tpu.memory_space<vmem>>, vector<16xf32>,
        %get3A_1080 = arith.index_cast %add3A_1042 : i32 to index
        %get3A_1081 = arith.constant 80 : index
        %get3A_1082 = tpu.vector_load %arg18[%get3A_1080, %get3A_1081] {strides = array<i32>} : memref<64x128xf32, #tpu.memory_space<vmem>>, vector<16xf32>,
        %mul3A_1083 = arith.mulf %get3A_1082, %gather3A_1044 : vector<16xf32>
        %swap3A_1084 = arith.index_cast %add3A_1042 : i32 to index
        %swap3A_1085 = arith.constant 80 : index
        %swap3A_1086 = tpu.vector_load %arg18[%swap3A_1084, %swap3A_1085] {strides = array<i32>} : memref<64x128xf32, #tpu.memory_space<vmem>>, vector<16xf32>,
        tpu.vector_store %arg18[%swap3A_1084, %swap3A_1085], %mul3A_1083 {strides = array<i32>} : memref<64x128xf32, #tpu.memory_space<vmem>>, vector<16xf32>,
        %get3A_1087 = arith.index_cast %add3A_1042 : i32 to index
        %get3A_1088 = arith.constant 96 : index
        %get3A_1089 = tpu.vector_load %arg18[%get3A_1087, %get3A_1088] {strides = array<i32>} : memref<64x128xf32, #tpu.memory_space<vmem>>, vector<16xf32>,
        %mul3A_1090 = arith.mulf %get3A_1089, %gather3A_1044 : vector<16xf32>
        %swap3A_1091 = arith.index_cast %add3A_1042 : i32 to index
        %swap3A_1092 = arith.constant 96 : index
        %swap3A_1093 = tpu.vector_load %arg18[%swap3A_1091, %swap3A_1092] {strides = array<i32>} : memref<64x128xf32, #tpu.memory_space<vmem>>, vector<16xf32>,
        tpu.vector_store %arg18[%swap3A_1091, %swap3A_1092], %mul3A_1090 {strides = array<i32>} : memref<64x128xf32, #tpu.memory_space<vmem>>, vector<16xf32>,
        %get3A_1094 = arith.index_cast %add3A_1042 : i32 to index
        %get3A_1095 = arith.constant 112 : index
        %get3A_1096 = tpu.vector_load %arg18[%get3A_1094, %get3A_1095] {strides = array<i32>} : memref<64x128xf32, #tpu.memory_space<vmem>>, vector<16xf32>,
        %mul3A_1097 = arith.mulf %get3A_1096, %gather3A_1044 : vector<16xf32>
        %swap3A_1098 = arith.index_cast %add3A_1042 : i32 to index
        %swap3A_1099 = arith.constant 112 : index
        %swap3A_1100 = tpu.vector_load %arg18[%swap3A_1098, %swap3A_1099] {strides = array<i32>} : memref<64x128xf32, #tpu.memory_space<vmem>>, vector<16xf32>,
        tpu.vector_store %arg18[%swap3A_1098, %swap3A_1099], %mul3A_1097 {strides = array<i32>} : memref<64x128xf32, #tpu.memory_space<vmem>>, vector<16xf32>,
        %mul3A_1101 = arith.constant 4 : i32
        %mul3A_1102 = arith.muli %scan3A_914, %mul3A_1101 : i32
        %add3A_1103 = arith.constant 3 : i32
        %add3A_1104 = arith.addi %mul3A_1102, %add3A_1103 : i32
        %broadcast_in_dim3A_1105 = vector.broadcast %add3A_1104 : i32 to vector<16xi32>
        %gather3A_1106 = tpu.vector_load_idx %arg27[%broadcast_in_dim3A_1105] : memref<64xf32, #tpu.memory_space<vmem>>[vector<16xi32>], vector<16xf32>,
        %get3A_1107 = arith.index_cast %add3A_1104 : i32 to index
        %get3A_1108 = arith.constant 0 : index
        %get3A_1109 = tpu.vector_load %arg18[%get3A_1107, %get3A_1108] {strides = array<i32>} : memref<64x128xf32, #tpu.memory_space<vmem>>, vector<16xf32>,
        %mul3A_1110 = arith.mulf %get3A_1109, %gather3A_1106 : vector<16xf32>
        %swap3A_1111 = arith.index_cast %add3A_1104 : i32 to index
        %swap3A_1112 = arith.constant 0 : index
        %swap3A_1113 = tpu.vector_load %arg18[%swap3A_1111, %swap3A_1112] {strides = array<i32>} : memref<64x128xf32, #tpu.memory_space<vmem>>, vector<16xf32>,
        tpu.vector_store %arg18[%swap3A_1111, %swap3A_1112], %mul3A_1110 {strides = array<i32>} : memref<64x128xf32, #tpu.memory_space<vmem>>, vector<16xf32>,
        %get3A_1114 = arith.index_cast %add3A_1104 : i32 to index
        %get3A_1115 = arith.constant 16 : index
        %get3A_1116 = tpu.vector_load %arg18[%get3A_1114, %get3A_1115] {strides = array<i32>} : memref<64x128xf32, #tpu.memory_space<vmem>>, vector<16xf32>,
        %mul3A_1117 = arith.mulf %get3A_1116, %gather3A_1106 : vector<16xf32>
        %swap3A_1118 = arith.index_cast %add3A_1104 : i32 to index
        %swap3A_1119 = arith.constant 16 : index
        %swap3A_1120 = tpu.vector_load %arg18[%swap3A_1118, %swap3A_1119] {strides = array<i32>} : memref<64x128xf32, #tpu.memory_space<vmem>>, vector<16xf32>,
        tpu.vector_store %arg18[%swap3A_1118, %swap3A_1119], %mul3A_1117 {strides = array<i32>} : memref<64x128xf32, #tpu.memory_space<vmem>>, vector<16xf32>,
        %get3A_1121 = arith.index_cast %add3A_1104 : i32 to index
        %get3A_1122 = arith.constant 32 : index
        %get3A_1123 = tpu.vector_load %arg18[%get3A_1121, %get3A_1122] {strides = array<i32>} : memref<64x128xf32, #tpu.memory_space<vmem>>, vector<16xf32>,
        %mul3A_1124 = arith.mulf %get3A_1123, %gather3A_1106 : vector<16xf32>
        %swap3A_1125 = arith.index_cast %add3A_1104 : i32 to index
        %swap3A_1126 = arith.constant 32 : index
        %swap3A_1127 = tpu.vector_load %arg18[%swap3A_1125, %swap3A_1126] {strides = array<i32>} : memref<64x128xf32, #tpu.memory_space<vmem>>, vector<16xf32>,
        tpu.vector_store %arg18[%swap3A_1125, %swap3A_1126], %mul3A_1124 {strides = array<i32>} : memref<64x128xf32, #tpu.memory_space<vmem>>, vector<16xf32>,
        %get3A_1128 = arith.index_cast %add3A_1104 : i32 to index
        %get3A_1129 = arith.constant 48 : index
        %get3A_1130 = tpu.vector_load %arg18[%get3A_1128, %get3A_1129] {strides = array<i32>} : memref<64x128xf32, #tpu.memory_space<vmem>>, vector<16xf32>,
        %mul3A_1131 = arith.mulf %get3A_1130, %gather3A_1106 : vector<16xf32>
        %swap3A_1132 = arith.index_cast %add3A_1104 : i32 to index
        %swap3A_1133 = arith.constant 48 : index
        %swap3A_1134 = tpu.vector_load %arg18[%swap3A_1132, %swap3A_1133] {strides = array<i32>} : memref<64x128xf32, #tpu.memory_space<vmem>>, vector<16xf32>,
        tpu.vector_store %arg18[%swap3A_1132, %swap3A_1133], %mul3A_1131 {strides = array<i32>} : memref<64x128xf32, #tpu.memory_space<vmem>>, vector<16xf32>,
        %get3A_1135 = arith.index_cast %add3A_1104 : i32 to index
        %get3A_1136 = arith.constant 64 : index
        %get3A_1137 = tpu.vector_load %arg18[%get3A_1135, %get3A_1136] {strides = array<i32>} : memref<64x128xf32, #tpu.memory_space<vmem>>, vector<16xf32>,
        %mul3A_1138 = arith.mulf %get3A_1137, %gather3A_1106 : vector<16xf32>
        %swap3A_1139 = arith.index_cast %add3A_1104 : i32 to index
        %swap3A_1140 = arith.constant 64 : index
        %swap3A_1141 = tpu.vector_load %arg18[%swap3A_1139, %swap3A_1140] {strides = array<i32>} : memref<64x128xf32, #tpu.memory_space<vmem>>, vector<16xf32>,
        tpu.vector_store %arg18[%swap3A_1139, %swap3A_1140], %mul3A_1138 {strides = array<i32>} : memref<64x128xf32, #tpu.memory_space<vmem>>, vector<16xf32>,
        %get3A_1142 = arith.index_cast %add3A_1104 : i32 to index
        %get3A_1143 = arith.constant 80 : index
        %get3A_1144 = tpu.vector_load %arg18[%get3A_1142, %get3A_1143] {strides = array<i32>} : memref<64x128xf32, #tpu.memory_space<vmem>>, vector<16xf32>,
        %mul3A_1145 = arith.mulf %get3A_1144, %gather3A_1106 : vector<16xf32>
        %swap3A_1146 = arith.index_cast %add3A_1104 : i32 to index
        %swap3A_1147 = arith.constant 80 : index
        %swap3A_1148 = tpu.vector_load %arg18[%swap3A_1146, %swap3A_1147] {strides = array<i32>} : memref<64x128xf32, #tpu.memory_space<vmem>>, vector<16xf32>,
        tpu.vector_store %arg18[%swap3A_1146, %swap3A_1147], %mul3A_1145 {strides = array<i32>} : memref<64x128xf32, #tpu.memory_space<vmem>>, vector<16xf32>,
        %get3A_1149 = arith.index_cast %add3A_1104 : i32 to index
        %get3A_1150 = arith.constant 96 : index
        %get3A_1151 = tpu.vector_load %arg18[%get3A_1149, %get3A_1150] {strides = array<i32>} : memref<64x128xf32, #tpu.memory_space<vmem>>, vector<16xf32>,
        %mul3A_1152 = arith.mulf %get3A_1151, %gather3A_1106 : vector<16xf32>
        %swap3A_1153 = arith.index_cast %add3A_1104 : i32 to index
        %swap3A_1154 = arith.constant 96 : index
        %swap3A_1155 = tpu.vector_load %arg18[%swap3A_1153, %swap3A_1154] {strides = array<i32>} : memref<64x128xf32, #tpu.memory_space<vmem>>, vector<16xf32>,
        tpu.vector_store %arg18[%swap3A_1153, %swap3A_1154], %mul3A_1152 {strides = array<i32>} : memref<64x128xf32, #tpu.memory_space<vmem>>, vector<16xf32>,
        %get3A_1156 = arith.index_cast %add3A_1104 : i32 to index
        %get3A_1157 = arith.constant 112 : index
        %get3A_1158 = tpu.vector_load %arg18[%get3A_1156, %get3A_1157] {strides = array<i32>} : memref<64x128xf32, #tpu.memory_space<vmem>>, vector<16xf32>,
        %mul3A_1159 = arith.mulf %get3A_1158, %gather3A_1106 : vector<16xf32>
        %swap3A_1160 = arith.index_cast %add3A_1104 : i32 to index
        %swap3A_1161 = arith.constant 112 : index
        %swap3A_1162 = tpu.vector_load %arg18[%swap3A_1160, %swap3A_1161] {strides = array<i32>} : memref<64x128xf32, #tpu.memory_space<vmem>>, vector<16xf32>,
        tpu.vector_store %arg18[%swap3A_1160, %swap3A_1161], %mul3A_1159 {strides = array<i32>} : memref<64x128xf32, #tpu.memory_space<vmem>>, vector<16xf32>,
        %scan3A_1163 = arith.constant 0 : i32
        scf.yield %scan3A_1163 : i32
      }
      %scan3A_681 = arith.constant 16 : i32
      %dma_start3A_682 = arith.constant 0 : i32
      %dma_start3A_683 = arith.constant 0 : i32
      %dma_start3A_684 = tpu.memref_slice %arg8[%dma_start3A_682, %dma_start3A_683] : memref<10240x128xf32, #tpu.memory_space<vmem_shared>> -> memref<10240x128xf32, #tpu.memory_space<vmem_shared>>
      tpu.enqueue_indirect_dma source(%arg18 : memref<64x128xf32, #tpu.memory_space<vmem>>) target(%dma_start3A_684 : memref<10240x128xf32, #tpu.memory_space<vmem_shared>>) offsets(%arg15 : memref<64xi32, #tpu.memory_space<vmem>>) semaphore(%arg37 : memref<!tpu.dma_semaphore, #tpu.memory_space<semaphore_mem>>) {add = true}
      %dma_start3A_685 = arith.constant 0 : i32
      %dma_start3A_686 = tpu.memref_slice %arg9[%dma_start3A_685] : memref<10240xf32, #tpu.memory_space<vmem_shared>> -> memref<10240xf32, #tpu.memory_space<vmem_shared>>
      tpu.enqueue_indirect_dma source(%arg27 : memref<64xf32, #tpu.memory_space<vmem>>) target(%dma_start3A_686 : memref<10240xf32, #tpu.memory_space<vmem_shared>>) offsets(%arg15 : memref<64xi32, #tpu.memory_space<vmem>>) semaphore(%arg40 : memref<!tpu.dma_semaphore, #tpu.memory_space<semaphore_mem>>) {add = true}
      %mul3A_687 = arith.constant 3 : i32
      %mul3A_688 = arith.muli %while3A_245, %mul3A_687 : i32
      %add3A_689 = arith.constant 2 : i32
      %add3A_690 = arith.addi %mul3A_688, %add3A_689 : i32
      %dma_wait3A_691 = arith.constant 0 : i32
      %dma_wait3A_692 = arith.constant 0 : i32
      %dma_wait3A_693 = tpu.memref_slice %arg5[%dma_wait3A_691, %dma_wait3A_692] : memref<10000x128xf32, #tpu.memory_space<hbm>> -> memref<64x128xf32, #tpu.memory_space<hbm>>
      %dma_wait3A_694 = arith.constant 0 : i32
      %dma_wait3A_695 = arith.constant 0 : i32
      %dma_wait3A_696 = tpu.memref_slice %arg5[%dma_wait3A_694, %dma_wait3A_695] : memref<10000x128xf32, #tpu.memory_space<hbm>> -> memref<64x128xf32, #tpu.memory_space<hbm>>
      tpu.wait_dma2 semaphore(%arg32 : memref<!tpu.dma_semaphore, #tpu.memory_space<semaphore_mem>>) src(%dma_wait3A_696 : memref<64x128xf32, #tpu.memory_space<hbm>>) dst(%arg19 : memref<64x128xf32, #tpu.memory_space<vmem>>)
      %dma_wait3A_697 = arith.constant 0 : i32
      %dma_wait3A_698 = tpu.memref_slice %arg3[%dma_wait3A_697] : memref<10240xf32, #tpu.memory_space<hbm>> -> memref<64xf32, #tpu.memory_space<hbm>>
      %dma_wait3A_699 = arith.constant 0 : i32
      %dma_wait3A_700 = tpu.memref_slice %arg3[%dma_wait3A_699] : memref<10240xf32, #tpu.memory_space<hbm>> -> memref<64xf32, #tpu.memory_space<hbm>>
      tpu.wait_dma2 semaphore(%arg35 : memref<!tpu.dma_semaphore, #tpu.memory_space<semaphore_mem>>) src(%dma_wait3A_700 : memref<64xf32, #tpu.memory_space<hbm>>) dst(%arg22 : memref<64xf32, #tpu.memory_space<vmem>>)
      %dma_wait3A_701 = arith.constant 0 : i32
      %dma_wait3A_702 = tpu.memref_slice %arg3[%dma_wait3A_701] : memref<10240xf32, #tpu.memory_space<hbm>> -> memref<64xf32, #tpu.memory_space<hbm>>
      %dma_wait3A_703 = arith.constant 0 : i32
      %dma_wait3A_704 = tpu.memref_slice %arg3[%dma_wait3A_703] : memref<10240xf32, #tpu.memory_space<hbm>> -> memref<64xf32, #tpu.memory_space<hbm>>
      tpu.wait_dma2 semaphore(%arg35 : memref<!tpu.dma_semaphore, #tpu.memory_space<semaphore_mem>>) src(%dma_wait3A_704 : memref<64xf32, #tpu.memory_space<hbm>>) dst(%arg25 : memref<64xf32, #tpu.memory_space<vmem>>)
      %dma_wait3A_705 = arith.constant 0 : i32
      %dma_wait3A_706 = arith.constant 0 : i32
      %dma_wait3A_707 = tpu.memref_slice %arg5[%dma_wait3A_705, %dma_wait3A_706] : memref<10000x128xf32, #tpu.memory_space<hbm>> -> memref<64x128xf32, #tpu.memory_space<hbm>>
      %dma_wait3A_708 = arith.constant 0 : i32
      %dma_wait3A_709 = arith.constant 0 : i32
      %dma_wait3A_710 = tpu.memref_slice %arg5[%dma_wait3A_708, %dma_wait3A_709] : memref<10000x128xf32, #tpu.memory_space<hbm>> -> memref<64x128xf32, #tpu.memory_space<hbm>>
      tpu.wait_dma2 semaphore(%arg37 : memref<!tpu.dma_semaphore, #tpu.memory_space<semaphore_mem>>) src(%dma_wait3A_710 : memref<64x128xf32, #tpu.memory_space<hbm>>) dst(%arg18 : memref<64x128xf32, #tpu.memory_space<vmem>>)
      %dma_wait3A_711 = arith.constant 0 : i32
      %dma_wait3A_712 = tpu.memref_slice %arg3[%dma_wait3A_711] : memref<10240xf32, #tpu.memory_space<hbm>> -> memref<64xf32, #tpu.memory_space<hbm>>
      %dma_wait3A_713 = arith.constant 0 : i32
      %dma_wait3A_714 = tpu.memref_slice %arg3[%dma_wait3A_713] : memref<10240xf32, #tpu.memory_space<hbm>> -> memref<64xf32, #tpu.memory_space<hbm>>
      tpu.wait_dma2 semaphore(%arg40 : memref<!tpu.dma_semaphore, #tpu.memory_space<semaphore_mem>>) src(%dma_wait3A_714 : memref<64xf32, #tpu.memory_space<hbm>>) dst(%arg27 : memref<64xf32, #tpu.memory_space<vmem>>)
      %add3A_715 = arith.constant 3 : i32
      %add3A_716 = arith.addi %add3A_690, %add3A_715 : i32
      %sub3A_717 = arith.constant 1 : i32
      %sub3A_718 = arith.subi %add3A_716, %sub3A_717 : i32
      %mul3A_719 = arith.constant 64 : i32
      %mul3A_720 = arith.muli %sub3A_718, %mul3A_719 : i32
      %add3A_721 = arith.constant 0 : i32
      %add3A_722 = arith.addi %mul3A_720, %add3A_721 : i32
      %get3A_723 = arith.index_cast %add3A_722 : i32 to index
      %get3A_724 = tpu.vector_load %arg10[%get3A_723] {strides = array<i32>} : memref<14784xi32, #tpu.memory_space<vmem>>, vector<16xi32>,
      %and3A_725 = arith.constant 16383 : i32
      %and3A_726 = vector.broadcast %and3A_725 : i32 to vector<16xi32>
      %and3A_727 = arith.andi %get3A_724, %and3A_726 : vector<16xi32>
      %swap3A_728 = arith.constant 0 : index
      %swap3A_729 = tpu.vector_load %arg12[%swap3A_728] {strides = array<i32>} : memref<64xi32, #tpu.memory_space<vmem>>, vector<16xi32>,
      tpu.vector_store %arg12[%swap3A_728], %and3A_727 {strides = array<i32>} : memref<64xi32, #tpu.memory_space<vmem>>, vector<16xi32>,
      %shift_right_logical3A_730 = arith.constant 14 : i32
      %shift_right_logical3A_731 = vector.broadcast %shift_right_logical3A_730 : i32 to vector<16xi32>
      %shift_right_logical3A_732 = arith.shrui %get3A_724, %shift_right_logical3A_731 : vector<16xi32>
      %swap3A_733 = arith.constant 0 : index
      %swap3A_734 = tpu.vector_load %arg15[%swap3A_733] {strides = array<i32>} : memref<64xi32, #tpu.memory_space<vmem>>, vector<16xi32>,
      tpu.vector_store %arg15[%swap3A_733], %shift_right_logical3A_732 {strides = array<i32>} : memref<64xi32, #tpu.memory_space<vmem>>, vector<16xi32>,
      %mul3A_735 = arith.constant 64 : i32
      %mul3A_736 = arith.muli %sub3A_718, %mul3A_735 : i32
      %add3A_737 = arith.constant 16 : i32
      %add3A_738 = arith.addi %mul3A_736, %add3A_737 : i32
      %get3A_739 = arith.index_cast %add3A_738 : i32 to index
      %get3A_740 = tpu.vector_load %arg10[%get3A_739] {strides = array<i32>} : memref<14784xi32, #tpu.memory_space<vmem>>, vector<16xi32>,
      %and3A_741 = arith.constant 16383 : i32
      %and3A_742 = vector.broadcast %and3A_741 : i32 to vector<16xi32>
      %and3A_743 = arith.andi %get3A_740, %and3A_742 : vector<16xi32>
      %swap3A_744 = arith.constant 16 : index
      %swap3A_745 = tpu.vector_load %arg12[%swap3A_744] {strides = array<i32>} : memref<64xi32, #tpu.memory_space<vmem>>, vector<16xi32>,
      tpu.vector_store %arg12[%swap3A_744], %and3A_743 {strides = array<i32>} : memref<64xi32, #tpu.memory_space<vmem>>, vector<16xi32>,
      %shift_right_logical3A_746 = arith.constant 14 : i32
      %shift_right_logical3A_747 = vector.broadcast %shift_right_logical3A_746 : i32 to vector<16xi32>
      %shift_right_logical3A_748 = arith.shrui %get3A_740, %shift_right_logical3A_747 : vector<16xi32>
      %swap3A_749 = arith.constant 16 : index
      %swap3A_750 = tpu.vector_load %arg15[%swap3A_749] {strides = array<i32>} : memref<64xi32, #tpu.memory_space<vmem>>, vector<16xi32>,
      tpu.vector_store %arg15[%swap3A_749], %shift_right_logical3A_748 {strides = array<i32>} : memref<64xi32, #tpu.memory_space<vmem>>, vector<16xi32>,
      %mul3A_751 = arith.constant 64 : i32
      %mul3A_752 = arith.muli %sub3A_718, %mul3A_751 : i32
      %add3A_753 = arith.constant 32 : i32
      %add3A_754 = arith.addi %mul3A_752, %add3A_753 : i32
      %get3A_755 = arith.index_cast %add3A_754 : i32 to index
      %get3A_756 = tpu.vector_load %arg10[%get3A_755] {strides = array<i32>} : memref<14784xi32, #tpu.memory_space<vmem>>, vector<16xi32>,
      %and3A_757 = arith.constant 16383 : i32
      %and3A_758 = vector.broadcast %and3A_757 : i32 to vector<16xi32>
      %and3A_759 = arith.andi %get3A_756, %and3A_758 : vector<16xi32>
      %swap3A_760 = arith.constant 32 : index
      %swap3A_761 = tpu.vector_load %arg12[%swap3A_760] {strides = array<i32>} : memref<64xi32, #tpu.memory_space<vmem>>, vector<16xi32>,
      tpu.vector_store %arg12[%swap3A_760], %and3A_759 {strides = array<i32>} : memref<64xi32, #tpu.memory_space<vmem>>, vector<16xi32>,
      %shift_right_logical3A_762 = arith.constant 14 : i32
      %shift_right_logical3A_763 = vector.broadcast %shift_right_logical3A_762 : i32 to vector<16xi32>
      %shift_right_logical3A_764 = arith.shrui %get3A_756, %shift_right_logical3A_763 : vector<16xi32>
      %swap3A_765 = arith.constant 32 : index
      %swap3A_766 = tpu.vector_load %arg15[%swap3A_765] {strides = array<i32>} : memref<64xi32, #tpu.memory_space<vmem>>, vector<16xi32>,
      tpu.vector_store %arg15[%swap3A_765], %shift_right_logical3A_764 {strides = array<i32>} : memref<64xi32, #tpu.memory_space<vmem>>, vector<16xi32>,
      %mul3A_767 = arith.constant 64 : i32
      %mul3A_768 = arith.muli %sub3A_718, %mul3A_767 : i32
      %add3A_769 = arith.constant 48 : i32
      %add3A_770 = arith.addi %mul3A_768, %add3A_769 : i32
      %get3A_771 = arith.index_cast %add3A_770 : i32 to index
      %get3A_772 = tpu.vector_load %arg10[%get3A_771] {strides = array<i32>} : memref<14784xi32, #tpu.memory_space<vmem>>, vector<16xi32>,
      %and3A_773 = arith.constant 16383 : i32
      %and3A_774 = vector.broadcast %and3A_773 : i32 to vector<16xi32>
      %and3A_775 = arith.andi %get3A_772, %and3A_774 : vector<16xi32>
      %swap3A_776 = arith.constant 48 : index
      %swap3A_777 = tpu.vector_load %arg12[%swap3A_776] {strides = array<i32>} : memref<64xi32, #tpu.memory_space<vmem>>, vector<16xi32>,
      tpu.vector_store %arg12[%swap3A_776], %and3A_775 {strides = array<i32>} : memref<64xi32, #tpu.memory_space<vmem>>, vector<16xi32>,
      %shift_right_logical3A_778 = arith.constant 14 : i32
      %shift_right_logical3A_779 = vector.broadcast %shift_right_logical3A_778 : i32 to vector<16xi32>
      %shift_right_logical3A_780 = arith.shrui %get3A_772, %shift_right_logical3A_779 : vector<16xi32>
      %swap3A_781 = arith.constant 48 : index
      %swap3A_782 = tpu.vector_load %arg15[%swap3A_781] {strides = array<i32>} : memref<64xi32, #tpu.memory_space<vmem>>, vector<16xi32>,
      tpu.vector_store %arg15[%swap3A_781], %shift_right_logical3A_780 {strides = array<i32>} : memref<64xi32, #tpu.memory_space<vmem>>, vector<16xi32>,
      %add3A_783 = arith.constant 3 : i32
      %add3A_784 = arith.addi %add3A_690, %add3A_783 : i32
      %sub3A_785 = arith.constant 1 : i32
      %sub3A_786 = arith.subi %add3A_784, %sub3A_785 : i32
      %dma_start3A_787 = arith.constant 0 : i32
      %dma_start3A_788 = arith.constant 0 : i32
      %dma_start3A_789 = tpu.memref_slice %arg5[%dma_start3A_787, %dma_start3A_788] : memref<10000x128xf32, #tpu.memory_space<hbm>> -> memref<10000x128xf32, #tpu.memory_space<hbm>>
      tpu.enqueue_indirect_dma source(%dma_start3A_789 : memref<10000x128xf32, #tpu.memory_space<hbm>>) target(%arg18 : memref<64x128xf32, #tpu.memory_space<vmem>>) offsets(%arg12 : memref<64xi32, #tpu.memory_space<vmem>>) semaphore(%arg31 : memref<!tpu.dma_semaphore, #tpu.memory_space<semaphore_mem>>)
      %dma_start3A_790 = arith.constant 0 : i32
      %dma_start3A_791 = tpu.memref_slice %arg3[%dma_start3A_790] : memref<10240xf32, #tpu.memory_space<hbm>> -> memref<10240xf32, #tpu.memory_space<hbm>>
      tpu.enqueue_indirect_dma source(%dma_start3A_791 : memref<10240xf32, #tpu.memory_space<hbm>>) target(%arg21 : memref<64xf32, #tpu.memory_space<vmem>>) offsets(%arg12 : memref<64xi32, #tpu.memory_space<vmem>>) semaphore(%arg34 : memref<!tpu.dma_semaphore, #tpu.memory_space<semaphore_mem>>)
      %dma_start3A_792 = arith.constant 0 : i32
      %dma_start3A_793 = tpu.memref_slice %arg4[%dma_start3A_792] : memref<10240xf32, #tpu.memory_space<hbm>> -> memref<10240xf32, #tpu.memory_space<hbm>>
      tpu.enqueue_indirect_dma source(%dma_start3A_793 : memref<10240xf32, #tpu.memory_space<hbm>>) target(%arg24 : memref<64xf32, #tpu.memory_space<vmem>>) offsets(%arg15 : memref<64xi32, #tpu.memory_space<vmem>>) semaphore(%arg34 : memref<!tpu.dma_semaphore, #tpu.memory_space<semaphore_mem>>)
      %mul3A_794 = arith.constant 64 : i32
      %mul3A_795 = arith.muli %add3A_690, %mul3A_794 : i32
      %add3A_796 = arith.addi %mul3A_51, %mul3A_795 : i32
      %get3A_797 = arith.constant 0 : index
      %get3A_798 = tpu.vector_load %arg22[%get3A_797] {strides = array<i32>} : memref<64xf32, #tpu.memory_space<vmem>>, vector<16xf32>,
      %get3A_799 = arith.constant 0 : index
      %get3A_800 = tpu.vector_load %arg25[%get3A_799] {strides = array<i32>} : memref<64xf32, #tpu.memory_space<vmem>>, vector<16xf32>,
      %add3A_801 = arith.addf %get3A_798, %get3A_800 : vector<16xf32>
      %ge3A_802 = arith.constant 0.000000e+00 : f32
      %ge3A_803 = vector.broadcast %ge3A_802 : f32 to vector<16xf32>
      %ge3A_804 = arith.cmpf oge, %add3A_801, %ge3A_803 : vector<16xf32>
      %mul3A_805 = arith.constant 2.000000e-01 : f32
      %mul3A_806 = vector.broadcast %mul3A_805 : f32 to vector<16xf32>
      %mul3A_807 = arith.mulf %mul3A_806, %add3A_801 : vector<16xf32>
      %select_n3A_808 = arith.select %ge3A_804, %add3A_801, %mul3A_807 : vector<16xi1>, vector<16xf32>
      %exp3A_809 = math.exp %select_n3A_808 : vector<16xf32>
      %add3A_810 = arith.constant 0 : i32
      %add3A_811 = arith.addi %add3A_796, %add3A_810 : i32
      %iota3A_812 = tpu.iota {dimensions = array<i32: 0>} : vector<16xi32>
      %add3A_813 = vector.broadcast %add3A_811 : i32 to vector<16xi32>
      %add3A_814 = arith.addi %add3A_813, %iota3A_812 : vector<16xi32>
      %lt3A_815 = arith.constant 330000 : i32
      %lt3A_816 = vector.broadcast %lt3A_815 : i32 to vector<16xi32>
      %lt3A_817 = arith.cmpi slt, %add3A_814, %lt3A_816 : vector<16xi32>
      %jit3A_818 = arith.constant 0.000000e+00 : f32
      %broadcast_in_dim3A_819 = vector.broadcast %jit3A_818 : f32 to vector<16xf32>
      %select_n3A_820 = arith.select %lt3A_817, %exp3A_809, %broadcast_in_dim3A_819 : vector<16xi1>, vector<16xf32>
      %swap3A_821 = arith.constant 0 : index
      %swap3A_822 = tpu.vector_load %arg28[%swap3A_821] {strides = array<i32>} : memref<64xf32, #tpu.memory_space<vmem>>, vector<16xf32>,
      tpu.vector_store %arg28[%swap3A_821], %select_n3A_820 {strides = array<i32>} : memref<64xf32, #tpu.memory_space<vmem>>, vector<16xf32>,
      %get3A_823 = arith.constant 16 : index
      %get3A_824 = tpu.vector_load %arg22[%get3A_823] {strides = array<i32>} : memref<64xf32, #tpu.memory_space<vmem>>, vector<16xf32>,
      %get3A_825 = arith.constant 16 : index
      %get3A_826 = tpu.vector_load %arg25[%get3A_825] {strides = array<i32>} : memref<64xf32, #tpu.memory_space<vmem>>, vector<16xf32>,
      %add3A_827 = arith.addf %get3A_824, %get3A_826 : vector<16xf32>
      %ge3A_828 = arith.constant 0.000000e+00 : f32
      %ge3A_829 = vector.broadcast %ge3A_828 : f32 to vector<16xf32>
      %ge3A_830 = arith.cmpf oge, %add3A_827, %ge3A_829 : vector<16xf32>
      %mul3A_831 = arith.constant 2.000000e-01 : f32
      %mul3A_832 = vector.broadcast %mul3A_831 : f32 to vector<16xf32>
      %mul3A_833 = arith.mulf %mul3A_832, %add3A_827 : vector<16xf32>
      %select_n3A_834 = arith.select %ge3A_830, %add3A_827, %mul3A_833 : vector<16xi1>, vector<16xf32>
      %exp3A_835 = math.exp %select_n3A_834 : vector<16xf32>
      %add3A_836 = arith.constant 16 : i32
      %add3A_837 = arith.addi %add3A_796, %add3A_836 : i32
      %iota3A_838 = tpu.iota {dimensions = array<i32: 0>} : vector<16xi32>
      %add3A_839 = vector.broadcast %add3A_837 : i32 to vector<16xi32>
      %add3A_840 = arith.addi %add3A_839, %iota3A_838 : vector<16xi32>
      %lt3A_841 = arith.constant 330000 : i32
      %lt3A_842 = vector.broadcast %lt3A_841 : i32 to vector<16xi32>
      %lt3A_843 = arith.cmpi slt, %add3A_840, %lt3A_842 : vector<16xi32>
      %jit3A_844 = arith.constant 0.000000e+00 : f32
      %broadcast_in_dim3A_845 = vector.broadcast %jit3A_844 : f32 to vector<16xf32>
      %select_n3A_846 = arith.select %lt3A_843, %exp3A_835, %broadcast_in_dim3A_845 : vector<16xi1>, vector<16xf32>
      %swap3A_847 = arith.constant 16 : index
      %swap3A_848 = tpu.vector_load %arg28[%swap3A_847] {strides = array<i32>} : memref<64xf32, #tpu.memory_space<vmem>>, vector<16xf32>,
      tpu.vector_store %arg28[%swap3A_847], %select_n3A_846 {strides = array<i32>} : memref<64xf32, #tpu.memory_space<vmem>>, vector<16xf32>,
      %get3A_849 = arith.constant 32 : index
      %get3A_850 = tpu.vector_load %arg22[%get3A_849] {strides = array<i32>} : memref<64xf32, #tpu.memory_space<vmem>>, vector<16xf32>,
      %get3A_851 = arith.constant 32 : index
      %get3A_852 = tpu.vector_load %arg25[%get3A_851] {strides = array<i32>} : memref<64xf32, #tpu.memory_space<vmem>>, vector<16xf32>,
      %add3A_853 = arith.addf %get3A_850, %get3A_852 : vector<16xf32>
      %ge3A_854 = arith.constant 0.000000e+00 : f32
      %ge3A_855 = vector.broadcast %ge3A_854 : f32 to vector<16xf32>
      %ge3A_856 = arith.cmpf oge, %add3A_853, %ge3A_855 : vector<16xf32>
      %mul3A_857 = arith.constant 2.000000e-01 : f32
      %mul3A_858 = vector.broadcast %mul3A_857 : f32 to vector<16xf32>
      %mul3A_859 = arith.mulf %mul3A_858, %add3A_853 : vector<16xf32>
      %select_n3A_860 = arith.select %ge3A_856, %add3A_853, %mul3A_859 : vector<16xi1>, vector<16xf32>
      %exp3A_861 = math.exp %select_n3A_860 : vector<16xf32>
      %add3A_862 = arith.constant 32 : i32
      %add3A_863 = arith.addi %add3A_796, %add3A_862 : i32
      %iota3A_864 = tpu.iota {dimensions = array<i32: 0>} : vector<16xi32>
      %add3A_865 = vector.broadcast %add3A_863 : i32 to vector<16xi32>
      %add3A_866 = arith.addi %add3A_865, %iota3A_864 : vector<16xi32>
      %lt3A_867 = arith.constant 330000 : i32
      %lt3A_868 = vector.broadcast %lt3A_867 : i32 to vector<16xi32>
      %lt3A_869 = arith.cmpi slt, %add3A_866, %lt3A_868 : vector<16xi32>
      %jit3A_870 = arith.constant 0.000000e+00 : f32
      %broadcast_in_dim3A_871 = vector.broadcast %jit3A_870 : f32 to vector<16xf32>
      %select_n3A_872 = arith.select %lt3A_869, %exp3A_861, %broadcast_in_dim3A_871 : vector<16xi1>, vector<16xf32>
      %swap3A_873 = arith.constant 32 : index
      %swap3A_874 = tpu.vector_load %arg28[%swap3A_873] {strides = array<i32>} : memref<64xf32, #tpu.memory_space<vmem>>, vector<16xf32>,
      tpu.vector_store %arg28[%swap3A_873], %select_n3A_872 {strides = array<i32>} : memref<64xf32, #tpu.memory_space<vmem>>, vector<16xf32>,
      %get3A_875 = arith.constant 48 : index
      %get3A_876 = tpu.vector_load %arg22[%get3A_875] {strides = array<i32>} : memref<64xf32, #tpu.memory_space<vmem>>, vector<16xf32>,
      %get3A_877 = arith.constant 48 : index
      %get3A_878 = tpu.vector_load %arg25[%get3A_877] {strides = array<i32>} : memref<64xf32, #tpu.memory_space<vmem>>, vector<16xf32>,
      %add3A_879 = arith.addf %get3A_876, %get3A_878 : vector<16xf32>
      %ge3A_880 = arith.constant 0.000000e+00 : f32
      %ge3A_881 = vector.broadcast %ge3A_880 : f32 to vector<16xf32>
      %ge3A_882 = arith.cmpf oge, %add3A_879, %ge3A_881 : vector<16xf32>
      %mul3A_883 = arith.constant 2.000000e-01 : f32
      %mul3A_884 = vector.broadcast %mul3A_883 : f32 to vector<16xf32>
      %mul3A_885 = arith.mulf %mul3A_884, %add3A_879 : vector<16xf32>
      %select_n3A_886 = arith.select %ge3A_882, %add3A_879, %mul3A_885 : vector<16xi1>, vector<16xf32>
      %exp3A_887 = math.exp %select_n3A_886 : vector<16xf32>
      %add3A_888 = arith.constant 48 : i32
      %add3A_889 = arith.addi %add3A_796, %add3A_888 : i32
      %iota3A_890 = tpu.iota {dimensions = array<i32: 0>} : vector<16xi32>
      %add3A_891 = vector.broadcast %add3A_889 : i32 to vector<16xi32>
      %add3A_892 = arith.addi %add3A_891, %iota3A_890 : vector<16xi32>
      %lt3A_893 = arith.constant 330000 : i32
      %lt3A_894 = vector.broadcast %lt3A_893 : i32 to vector<16xi32>
      %lt3A_895 = arith.cmpi slt, %add3A_892, %lt3A_894 : vector<16xi32>
      %jit3A_896 = arith.constant 0.000000e+00 : f32
      %broadcast_in_dim3A_897 = vector.broadcast %jit3A_896 : f32 to vector<16xf32>
      %select_n3A_898 = arith.select %lt3A_895, %exp3A_887, %broadcast_in_dim3A_897 : vector<16xi1>, vector<16xf32>
      %swap3A_899 = arith.constant 48 : index
      %swap3A_900 = tpu.vector_load %arg28[%swap3A_899] {strides = array<i32>} : memref<64xf32, #tpu.memory_space<vmem>>, vector<16xf32>,
      tpu.vector_store %arg28[%swap3A_899], %select_n3A_898 {strides = array<i32>} : memref<64xf32, #tpu.memory_space<vmem>>, vector<16xf32>,
      %scan3A_901 = arith.constant 0 : i32
      %scan3A_902 = arith.constant 0 : i32
      %scan3A_903 = arith.constant 16 : i32
      %scan3A_904 = arith.addi %scan3A_902, %scan3A_903 : i32
      %scan3A_905 = arith.constant 1 : i32
      %scan3A_906 = scf.for %scan3A_914 = %scan3A_902 to %scan3A_904 step %scan3A_905 iter_args(%scan3A_915 = %scan3A_901) -> (i32)  : i32 {
        %mul3A_916 = arith.constant 4 : i32
        %mul3A_917 = arith.muli %scan3A_914, %mul3A_916 : i32
        %add3A_918 = arith.constant 0 : i32
        %add3A_919 = arith.addi %mul3A_917, %add3A_918 : i32
        %broadcast_in_dim3A_920 = vector.broadcast %add3A_919 : i32 to vector<16xi32>
        %gather3A = tpu.vector_load_idx %arg28[%broadcast_in_dim3A_920] : memref<64xf32, #tpu.memory_space<vmem>>[vector<16xi32>], vector<16xf32>,
        %get3A_921 = arith.index_cast %add3A_919 : i32 to index
        %get3A_922 = arith.constant 0 : index
        %get3A_923 = tpu.vector_load %arg19[%get3A_921, %get3A_922] {strides = array<i32>} : memref<64x128xf32, #tpu.memory_space<vmem>>, vector<16xf32>,
        %mul3A_924 = arith.mulf %get3A_923, %gather3A : vector<16xf32>
        %swap3A_925 = arith.index_cast %add3A_919 : i32 to index
        %swap3A_926 = arith.constant 0 : index
        %swap3A_927 = tpu.vector_load %arg19[%swap3A_925, %swap3A_926] {strides = array<i32>} : memref<64x128xf32, #tpu.memory_space<vmem>>, vector<16xf32>,
        tpu.vector_store %arg19[%swap3A_925, %swap3A_926], %mul3A_924 {strides = array<i32>} : memref<64x128xf32, #tpu.memory_space<vmem>>, vector<16xf32>,
        %get3A_928 = arith.index_cast %add3A_919 : i32 to index
        %get3A_929 = arith.constant 16 : index
        %get3A_930 = tpu.vector_load %arg19[%get3A_928, %get3A_929] {strides = array<i32>} : memref<64x128xf32, #tpu.memory_space<vmem>>, vector<16xf32>,
        %mul3A_931 = arith.mulf %get3A_930, %gather3A : vector<16xf32>
        %swap3A_932 = arith.index_cast %add3A_919 : i32 to index
        %swap3A_933 = arith.constant 16 : index
        %swap3A_934 = tpu.vector_load %arg19[%swap3A_932, %swap3A_933] {strides = array<i32>} : memref<64x128xf32, #tpu.memory_space<vmem>>, vector<16xf32>,
        tpu.vector_store %arg19[%swap3A_932, %swap3A_933], %mul3A_931 {strides = array<i32>} : memref<64x128xf32, #tpu.memory_space<vmem>>, vector<16xf32>,
        %get3A_935 = arith.index_cast %add3A_919 : i32 to index
        %get3A_936 = arith.constant 32 : index
        %get3A_937 = tpu.vector_load %arg19[%get3A_935, %get3A_936] {strides = array<i32>} : memref<64x128xf32, #tpu.memory_space<vmem>>, vector<16xf32>,
        %mul3A_938 = arith.mulf %get3A_937, %gather3A : vector<16xf32>
        %swap3A_939 = arith.index_cast %add3A_919 : i32 to index
        %swap3A_940 = arith.constant 32 : index
        %swap3A_941 = tpu.vector_load %arg19[%swap3A_939, %swap3A_940] {strides = array<i32>} : memref<64x128xf32, #tpu.memory_space<vmem>>, vector<16xf32>,
        tpu.vector_store %arg19[%swap3A_939, %swap3A_940], %mul3A_938 {strides = array<i32>} : memref<64x128xf32, #tpu.memory_space<vmem>>, vector<16xf32>,
        %get3A_942 = arith.index_cast %add3A_919 : i32 to index
        %get3A_943 = arith.constant 48 : index
        %get3A_944 = tpu.vector_load %arg19[%get3A_942, %get3A_943] {strides = array<i32>} : memref<64x128xf32, #tpu.memory_space<vmem>>, vector<16xf32>,
        %mul3A_945 = arith.mulf %get3A_944, %gather3A : vector<16xf32>
        %swap3A_946 = arith.index_cast %add3A_919 : i32 to index
        %swap3A_947 = arith.constant 48 : index
        %swap3A_948 = tpu.vector_load %arg19[%swap3A_946, %swap3A_947] {strides = array<i32>} : memref<64x128xf32, #tpu.memory_space<vmem>>, vector<16xf32>,
        tpu.vector_store %arg19[%swap3A_946, %swap3A_947], %mul3A_945 {strides = array<i32>} : memref<64x128xf32, #tpu.memory_space<vmem>>, vector<16xf32>,
        %get3A_949 = arith.index_cast %add3A_919 : i32 to index
        %get3A_950 = arith.constant 64 : index
        %get3A_951 = tpu.vector_load %arg19[%get3A_949, %get3A_950] {strides = array<i32>} : memref<64x128xf32, #tpu.memory_space<vmem>>, vector<16xf32>,
        %mul3A_952 = arith.mulf %get3A_951, %gather3A : vector<16xf32>
        %swap3A_953 = arith.index_cast %add3A_919 : i32 to index
        %swap3A_954 = arith.constant 64 : index
        %swap3A_955 = tpu.vector_load %arg19[%swap3A_953, %swap3A_954] {strides = array<i32>} : memref<64x128xf32, #tpu.memory_space<vmem>>, vector<16xf32>,
        tpu.vector_store %arg19[%swap3A_953, %swap3A_954], %mul3A_952 {strides = array<i32>} : memref<64x128xf32, #tpu.memory_space<vmem>>, vector<16xf32>,
        %get3A_956 = arith.index_cast %add3A_919 : i32 to index
        %get3A_957 = arith.constant 80 : index
        %get3A_958 = tpu.vector_load %arg19[%get3A_956, %get3A_957] {strides = array<i32>} : memref<64x128xf32, #tpu.memory_space<vmem>>, vector<16xf32>,
        %mul3A_959 = arith.mulf %get3A_958, %gather3A : vector<16xf32>
        %swap3A_960 = arith.index_cast %add3A_919 : i32 to index
        %swap3A_961 = arith.constant 80 : index
        %swap3A_962 = tpu.vector_load %arg19[%swap3A_960, %swap3A_961] {strides = array<i32>} : memref<64x128xf32, #tpu.memory_space<vmem>>, vector<16xf32>,
        tpu.vector_store %arg19[%swap3A_960, %swap3A_961], %mul3A_959 {strides = array<i32>} : memref<64x128xf32, #tpu.memory_space<vmem>>, vector<16xf32>,
        %get3A_963 = arith.index_cast %add3A_919 : i32 to index
        %get3A_964 = arith.constant 96 : index
        %get3A_965 = tpu.vector_load %arg19[%get3A_963, %get3A_964] {strides = array<i32>} : memref<64x128xf32, #tpu.memory_space<vmem>>, vector<16xf32>,
        %mul3A_966 = arith.mulf %get3A_965, %gather3A : vector<16xf32>
        %swap3A_967 = arith.index_cast %add3A_919 : i32 to index
        %swap3A_968 = arith.constant 96 : index
        %swap3A_969 = tpu.vector_load %arg19[%swap3A_967, %swap3A_968] {strides = array<i32>} : memref<64x128xf32, #tpu.memory_space<vmem>>, vector<16xf32>,
        tpu.vector_store %arg19[%swap3A_967, %swap3A_968], %mul3A_966 {strides = array<i32>} : memref<64x128xf32, #tpu.memory_space<vmem>>, vector<16xf32>,
        %get3A_970 = arith.index_cast %add3A_919 : i32 to index
        %get3A_971 = arith.constant 112 : index
        %get3A_972 = tpu.vector_load %arg19[%get3A_970, %get3A_971] {strides = array<i32>} : memref<64x128xf32, #tpu.memory_space<vmem>>, vector<16xf32>,
        %mul3A_973 = arith.mulf %get3A_972, %gather3A : vector<16xf32>
        %swap3A_974 = arith.index_cast %add3A_919 : i32 to index
        %swap3A_975 = arith.constant 112 : index
        %swap3A_976 = tpu.vector_load %arg19[%swap3A_974, %swap3A_975] {strides = array<i32>} : memref<64x128xf32, #tpu.memory_space<vmem>>, vector<16xf32>,
        tpu.vector_store %arg19[%swap3A_974, %swap3A_975], %mul3A_973 {strides = array<i32>} : memref<64x128xf32, #tpu.memory_space<vmem>>, vector<16xf32>,
        %mul3A_977 = arith.constant 4 : i32
        %mul3A_978 = arith.muli %scan3A_914, %mul3A_977 : i32
        %add3A_979 = arith.constant 1 : i32
        %add3A_980 = arith.addi %mul3A_978, %add3A_979 : i32
        %broadcast_in_dim3A_981 = vector.broadcast %add3A_980 : i32 to vector<16xi32>
        %gather3A_982 = tpu.vector_load_idx %arg28[%broadcast_in_dim3A_981] : memref<64xf32, #tpu.memory_space<vmem>>[vector<16xi32>], vector<16xf32>,
        %get3A_983 = arith.index_cast %add3A_980 : i32 to index
        %get3A_984 = arith.constant 0 : index
        %get3A_985 = tpu.vector_load %arg19[%get3A_983, %get3A_984] {strides = array<i32>} : memref<64x128xf32, #tpu.memory_space<vmem>>, vector<16xf32>,
        %mul3A_986 = arith.mulf %get3A_985, %gather3A_982 : vector<16xf32>
        %swap3A_987 = arith.index_cast %add3A_980 : i32 to index
        %swap3A_988 = arith.constant 0 : index
        %swap3A_989 = tpu.vector_load %arg19[%swap3A_987, %swap3A_988] {strides = array<i32>} : memref<64x128xf32, #tpu.memory_space<vmem>>, vector<16xf32>,
        tpu.vector_store %arg19[%swap3A_987, %swap3A_988], %mul3A_986 {strides = array<i32>} : memref<64x128xf32, #tpu.memory_space<vmem>>, vector<16xf32>,
        %get3A_990 = arith.index_cast %add3A_980 : i32 to index
        %get3A_991 = arith.constant 16 : index
        %get3A_992 = tpu.vector_load %arg19[%get3A_990, %get3A_991] {strides = array<i32>} : memref<64x128xf32, #tpu.memory_space<vmem>>, vector<16xf32>,
        %mul3A_993 = arith.mulf %get3A_992, %gather3A_982 : vector<16xf32>
        %swap3A_994 = arith.index_cast %add3A_980 : i32 to index
        %swap3A_995 = arith.constant 16 : index
        %swap3A_996 = tpu.vector_load %arg19[%swap3A_994, %swap3A_995] {strides = array<i32>} : memref<64x128xf32, #tpu.memory_space<vmem>>, vector<16xf32>,
        tpu.vector_store %arg19[%swap3A_994, %swap3A_995], %mul3A_993 {strides = array<i32>} : memref<64x128xf32, #tpu.memory_space<vmem>>, vector<16xf32>,
        %get3A_997 = arith.index_cast %add3A_980 : i32 to index
        %get3A_998 = arith.constant 32 : index
        %get3A_999 = tpu.vector_load %arg19[%get3A_997, %get3A_998] {strides = array<i32>} : memref<64x128xf32, #tpu.memory_space<vmem>>, vector<16xf32>,
        %mul3A_1000 = arith.mulf %get3A_999, %gather3A_982 : vector<16xf32>
        %swap3A_1001 = arith.index_cast %add3A_980 : i32 to index
        %swap3A_1002 = arith.constant 32 : index
        %swap3A_1003 = tpu.vector_load %arg19[%swap3A_1001, %swap3A_1002] {strides = array<i32>} : memref<64x128xf32, #tpu.memory_space<vmem>>, vector<16xf32>,
        tpu.vector_store %arg19[%swap3A_1001, %swap3A_1002], %mul3A_1000 {strides = array<i32>} : memref<64x128xf32, #tpu.memory_space<vmem>>, vector<16xf32>,
        %get3A_1004 = arith.index_cast %add3A_980 : i32 to index
        %get3A_1005 = arith.constant 48 : index
        %get3A_1006 = tpu.vector_load %arg19[%get3A_1004, %get3A_1005] {strides = array<i32>} : memref<64x128xf32, #tpu.memory_space<vmem>>, vector<16xf32>,
        %mul3A_1007 = arith.mulf %get3A_1006, %gather3A_982 : vector<16xf32>
        %swap3A_1008 = arith.index_cast %add3A_980 : i32 to index
        %swap3A_1009 = arith.constant 48 : index
        %swap3A_1010 = tpu.vector_load %arg19[%swap3A_1008, %swap3A_1009] {strides = array<i32>} : memref<64x128xf32, #tpu.memory_space<vmem>>, vector<16xf32>,
        tpu.vector_store %arg19[%swap3A_1008, %swap3A_1009], %mul3A_1007 {strides = array<i32>} : memref<64x128xf32, #tpu.memory_space<vmem>>, vector<16xf32>,
        %get3A_1011 = arith.index_cast %add3A_980 : i32 to index
        %get3A_1012 = arith.constant 64 : index
        %get3A_1013 = tpu.vector_load %arg19[%get3A_1011, %get3A_1012] {strides = array<i32>} : memref<64x128xf32, #tpu.memory_space<vmem>>, vector<16xf32>,
        %mul3A_1014 = arith.mulf %get3A_1013, %gather3A_982 : vector<16xf32>
        %swap3A_1015 = arith.index_cast %add3A_980 : i32 to index
        %swap3A_1016 = arith.constant 64 : index
        %swap3A_1017 = tpu.vector_load %arg19[%swap3A_1015, %swap3A_1016] {strides = array<i32>} : memref<64x128xf32, #tpu.memory_space<vmem>>, vector<16xf32>,
        tpu.vector_store %arg19[%swap3A_1015, %swap3A_1016], %mul3A_1014 {strides = array<i32>} : memref<64x128xf32, #tpu.memory_space<vmem>>, vector<16xf32>,
        %get3A_1018 = arith.index_cast %add3A_980 : i32 to index
        %get3A_1019 = arith.constant 80 : index
        %get3A_1020 = tpu.vector_load %arg19[%get3A_1018, %get3A_1019] {strides = array<i32>} : memref<64x128xf32, #tpu.memory_space<vmem>>, vector<16xf32>,
        %mul3A_1021 = arith.mulf %get3A_1020, %gather3A_982 : vector<16xf32>
        %swap3A_1022 = arith.index_cast %add3A_980 : i32 to index
        %swap3A_1023 = arith.constant 80 : index
        %swap3A_1024 = tpu.vector_load %arg19[%swap3A_1022, %swap3A_1023] {strides = array<i32>} : memref<64x128xf32, #tpu.memory_space<vmem>>, vector<16xf32>,
        tpu.vector_store %arg19[%swap3A_1022, %swap3A_1023], %mul3A_1021 {strides = array<i32>} : memref<64x128xf32, #tpu.memory_space<vmem>>, vector<16xf32>,
        %get3A_1025 = arith.index_cast %add3A_980 : i32 to index
        %get3A_1026 = arith.constant 96 : index
        %get3A_1027 = tpu.vector_load %arg19[%get3A_1025, %get3A_1026] {strides = array<i32>} : memref<64x128xf32, #tpu.memory_space<vmem>>, vector<16xf32>,
        %mul3A_1028 = arith.mulf %get3A_1027, %gather3A_982 : vector<16xf32>
        %swap3A_1029 = arith.index_cast %add3A_980 : i32 to index
        %swap3A_1030 = arith.constant 96 : index
        %swap3A_1031 = tpu.vector_load %arg19[%swap3A_1029, %swap3A_1030] {strides = array<i32>} : memref<64x128xf32, #tpu.memory_space<vmem>>, vector<16xf32>,
        tpu.vector_store %arg19[%swap3A_1029, %swap3A_1030], %mul3A_1028 {strides = array<i32>} : memref<64x128xf32, #tpu.memory_space<vmem>>, vector<16xf32>,
        %get3A_1032 = arith.index_cast %add3A_980 : i32 to index
        %get3A_1033 = arith.constant 112 : index
        %get3A_1034 = tpu.vector_load %arg19[%get3A_1032, %get3A_1033] {strides = array<i32>} : memref<64x128xf32, #tpu.memory_space<vmem>>, vector<16xf32>,
        %mul3A_1035 = arith.mulf %get3A_1034, %gather3A_982 : vector<16xf32>
        %swap3A_1036 = arith.index_cast %add3A_980 : i32 to index
        %swap3A_1037 = arith.constant 112 : index
        %swap3A_1038 = tpu.vector_load %arg19[%swap3A_1036, %swap3A_1037] {strides = array<i32>} : memref<64x128xf32, #tpu.memory_space<vmem>>, vector<16xf32>,
        tpu.vector_store %arg19[%swap3A_1036, %swap3A_1037], %mul3A_1035 {strides = array<i32>} : memref<64x128xf32, #tpu.memory_space<vmem>>, vector<16xf32>,
        %mul3A_1039 = arith.constant 4 : i32
        %mul3A_1040 = arith.muli %scan3A_914, %mul3A_1039 : i32
        %add3A_1041 = arith.constant 2 : i32
        %add3A_1042 = arith.addi %mul3A_1040, %add3A_1041 : i32
        %broadcast_in_dim3A_1043 = vector.broadcast %add3A_1042 : i32 to vector<16xi32>
        %gather3A_1044 = tpu.vector_load_idx %arg28[%broadcast_in_dim3A_1043] : memref<64xf32, #tpu.memory_space<vmem>>[vector<16xi32>], vector<16xf32>,
        %get3A_1045 = arith.index_cast %add3A_1042 : i32 to index
        %get3A_1046 = arith.constant 0 : index
        %get3A_1047 = tpu.vector_load %arg19[%get3A_1045, %get3A_1046] {strides = array<i32>} : memref<64x128xf32, #tpu.memory_space<vmem>>, vector<16xf32>,
        %mul3A_1048 = arith.mulf %get3A_1047, %gather3A_1044 : vector<16xf32>
        %swap3A_1049 = arith.index_cast %add3A_1042 : i32 to index
        %swap3A_1050 = arith.constant 0 : index
        %swap3A_1051 = tpu.vector_load %arg19[%swap3A_1049, %swap3A_1050] {strides = array<i32>} : memref<64x128xf32, #tpu.memory_space<vmem>>, vector<16xf32>,
        tpu.vector_store %arg19[%swap3A_1049, %swap3A_1050], %mul3A_1048 {strides = array<i32>} : memref<64x128xf32, #tpu.memory_space<vmem>>, vector<16xf32>,
        %get3A_1052 = arith.index_cast %add3A_1042 : i32 to index
        %get3A_1053 = arith.constant 16 : index
        %get3A_1054 = tpu.vector_load %arg19[%get3A_1052, %get3A_1053] {strides = array<i32>} : memref<64x128xf32, #tpu.memory_space<vmem>>, vector<16xf32>,
        %mul3A_1055 = arith.mulf %get3A_1054, %gather3A_1044 : vector<16xf32>
        %swap3A_1056 = arith.index_cast %add3A_1042 : i32 to index
        %swap3A_1057 = arith.constant 16 : index
        %swap3A_1058 = tpu.vector_load %arg19[%swap3A_1056, %swap3A_1057] {strides = array<i32>} : memref<64x128xf32, #tpu.memory_space<vmem>>, vector<16xf32>,
        tpu.vector_store %arg19[%swap3A_1056, %swap3A_1057], %mul3A_1055 {strides = array<i32>} : memref<64x128xf32, #tpu.memory_space<vmem>>, vector<16xf32>,
        %get3A_1059 = arith.index_cast %add3A_1042 : i32 to index
        %get3A_1060 = arith.constant 32 : index
        %get3A_1061 = tpu.vector_load %arg19[%get3A_1059, %get3A_1060] {strides = array<i32>} : memref<64x128xf32, #tpu.memory_space<vmem>>, vector<16xf32>,
        %mul3A_1062 = arith.mulf %get3A_1061, %gather3A_1044 : vector<16xf32>
        %swap3A_1063 = arith.index_cast %add3A_1042 : i32 to index
        %swap3A_1064 = arith.constant 32 : index
        %swap3A_1065 = tpu.vector_load %arg19[%swap3A_1063, %swap3A_1064] {strides = array<i32>} : memref<64x128xf32, #tpu.memory_space<vmem>>, vector<16xf32>,
        tpu.vector_store %arg19[%swap3A_1063, %swap3A_1064], %mul3A_1062 {strides = array<i32>} : memref<64x128xf32, #tpu.memory_space<vmem>>, vector<16xf32>,
        %get3A_1066 = arith.index_cast %add3A_1042 : i32 to index
        %get3A_1067 = arith.constant 48 : index
        %get3A_1068 = tpu.vector_load %arg19[%get3A_1066, %get3A_1067] {strides = array<i32>} : memref<64x128xf32, #tpu.memory_space<vmem>>, vector<16xf32>,
        %mul3A_1069 = arith.mulf %get3A_1068, %gather3A_1044 : vector<16xf32>
        %swap3A_1070 = arith.index_cast %add3A_1042 : i32 to index
        %swap3A_1071 = arith.constant 48 : index
        %swap3A_1072 = tpu.vector_load %arg19[%swap3A_1070, %swap3A_1071] {strides = array<i32>} : memref<64x128xf32, #tpu.memory_space<vmem>>, vector<16xf32>,
        tpu.vector_store %arg19[%swap3A_1070, %swap3A_1071], %mul3A_1069 {strides = array<i32>} : memref<64x128xf32, #tpu.memory_space<vmem>>, vector<16xf32>,
        %get3A_1073 = arith.index_cast %add3A_1042 : i32 to index
        %get3A_1074 = arith.constant 64 : index
        %get3A_1075 = tpu.vector_load %arg19[%get3A_1073, %get3A_1074] {strides = array<i32>} : memref<64x128xf32, #tpu.memory_space<vmem>>, vector<16xf32>,
        %mul3A_1076 = arith.mulf %get3A_1075, %gather3A_1044 : vector<16xf32>
        %swap3A_1077 = arith.index_cast %add3A_1042 : i32 to index
        %swap3A_1078 = arith.constant 64 : index
        %swap3A_1079 = tpu.vector_load %arg19[%swap3A_1077, %swap3A_1078] {strides = array<i32>} : memref<64x128xf32, #tpu.memory_space<vmem>>, vector<16xf32>,
        tpu.vector_store %arg19[%swap3A_1077, %swap3A_1078], %mul3A_1076 {strides = array<i32>} : memref<64x128xf32, #tpu.memory_space<vmem>>, vector<16xf32>,
        %get3A_1080 = arith.index_cast %add3A_1042 : i32 to index
        %get3A_1081 = arith.constant 80 : index
        %get3A_1082 = tpu.vector_load %arg19[%get3A_1080, %get3A_1081] {strides = array<i32>} : memref<64x128xf32, #tpu.memory_space<vmem>>, vector<16xf32>,
        %mul3A_1083 = arith.mulf %get3A_1082, %gather3A_1044 : vector<16xf32>
        %swap3A_1084 = arith.index_cast %add3A_1042 : i32 to index
        %swap3A_1085 = arith.constant 80 : index
        %swap3A_1086 = tpu.vector_load %arg19[%swap3A_1084, %swap3A_1085] {strides = array<i32>} : memref<64x128xf32, #tpu.memory_space<vmem>>, vector<16xf32>,
        tpu.vector_store %arg19[%swap3A_1084, %swap3A_1085], %mul3A_1083 {strides = array<i32>} : memref<64x128xf32, #tpu.memory_space<vmem>>, vector<16xf32>,
        %get3A_1087 = arith.index_cast %add3A_1042 : i32 to index
        %get3A_1088 = arith.constant 96 : index
        %get3A_1089 = tpu.vector_load %arg19[%get3A_1087, %get3A_1088] {strides = array<i32>} : memref<64x128xf32, #tpu.memory_space<vmem>>, vector<16xf32>,
        %mul3A_1090 = arith.mulf %get3A_1089, %gather3A_1044 : vector<16xf32>
        %swap3A_1091 = arith.index_cast %add3A_1042 : i32 to index
        %swap3A_1092 = arith.constant 96 : index
        %swap3A_1093 = tpu.vector_load %arg19[%swap3A_1091, %swap3A_1092] {strides = array<i32>} : memref<64x128xf32, #tpu.memory_space<vmem>>, vector<16xf32>,
        tpu.vector_store %arg19[%swap3A_1091, %swap3A_1092], %mul3A_1090 {strides = array<i32>} : memref<64x128xf32, #tpu.memory_space<vmem>>, vector<16xf32>,
        %get3A_1094 = arith.index_cast %add3A_1042 : i32 to index
        %get3A_1095 = arith.constant 112 : index
        %get3A_1096 = tpu.vector_load %arg19[%get3A_1094, %get3A_1095] {strides = array<i32>} : memref<64x128xf32, #tpu.memory_space<vmem>>, vector<16xf32>,
        %mul3A_1097 = arith.mulf %get3A_1096, %gather3A_1044 : vector<16xf32>
        %swap3A_1098 = arith.index_cast %add3A_1042 : i32 to index
        %swap3A_1099 = arith.constant 112 : index
        %swap3A_1100 = tpu.vector_load %arg19[%swap3A_1098, %swap3A_1099] {strides = array<i32>} : memref<64x128xf32, #tpu.memory_space<vmem>>, vector<16xf32>,
        tpu.vector_store %arg19[%swap3A_1098, %swap3A_1099], %mul3A_1097 {strides = array<i32>} : memref<64x128xf32, #tpu.memory_space<vmem>>, vector<16xf32>,
        %mul3A_1101 = arith.constant 4 : i32
        %mul3A_1102 = arith.muli %scan3A_914, %mul3A_1101 : i32
        %add3A_1103 = arith.constant 3 : i32
        %add3A_1104 = arith.addi %mul3A_1102, %add3A_1103 : i32
        %broadcast_in_dim3A_1105 = vector.broadcast %add3A_1104 : i32 to vector<16xi32>
        %gather3A_1106 = tpu.vector_load_idx %arg28[%broadcast_in_dim3A_1105] : memref<64xf32, #tpu.memory_space<vmem>>[vector<16xi32>], vector<16xf32>,
        %get3A_1107 = arith.index_cast %add3A_1104 : i32 to index
        %get3A_1108 = arith.constant 0 : index
        %get3A_1109 = tpu.vector_load %arg19[%get3A_1107, %get3A_1108] {strides = array<i32>} : memref<64x128xf32, #tpu.memory_space<vmem>>, vector<16xf32>,
        %mul3A_1110 = arith.mulf %get3A_1109, %gather3A_1106 : vector<16xf32>
        %swap3A_1111 = arith.index_cast %add3A_1104 : i32 to index
        %swap3A_1112 = arith.constant 0 : index
        %swap3A_1113 = tpu.vector_load %arg19[%swap3A_1111, %swap3A_1112] {strides = array<i32>} : memref<64x128xf32, #tpu.memory_space<vmem>>, vector<16xf32>,
        tpu.vector_store %arg19[%swap3A_1111, %swap3A_1112], %mul3A_1110 {strides = array<i32>} : memref<64x128xf32, #tpu.memory_space<vmem>>, vector<16xf32>,
        %get3A_1114 = arith.index_cast %add3A_1104 : i32 to index
        %get3A_1115 = arith.constant 16 : index
        %get3A_1116 = tpu.vector_load %arg19[%get3A_1114, %get3A_1115] {strides = array<i32>} : memref<64x128xf32, #tpu.memory_space<vmem>>, vector<16xf32>,
        %mul3A_1117 = arith.mulf %get3A_1116, %gather3A_1106 : vector<16xf32>
        %swap3A_1118 = arith.index_cast %add3A_1104 : i32 to index
        %swap3A_1119 = arith.constant 16 : index
        %swap3A_1120 = tpu.vector_load %arg19[%swap3A_1118, %swap3A_1119] {strides = array<i32>} : memref<64x128xf32, #tpu.memory_space<vmem>>, vector<16xf32>,
        tpu.vector_store %arg19[%swap3A_1118, %swap3A_1119], %mul3A_1117 {strides = array<i32>} : memref<64x128xf32, #tpu.memory_space<vmem>>, vector<16xf32>,
        %get3A_1121 = arith.index_cast %add3A_1104 : i32 to index
        %get3A_1122 = arith.constant 32 : index
        %get3A_1123 = tpu.vector_load %arg19[%get3A_1121, %get3A_1122] {strides = array<i32>} : memref<64x128xf32, #tpu.memory_space<vmem>>, vector<16xf32>,
        %mul3A_1124 = arith.mulf %get3A_1123, %gather3A_1106 : vector<16xf32>
        %swap3A_1125 = arith.index_cast %add3A_1104 : i32 to index
        %swap3A_1126 = arith.constant 32 : index
        %swap3A_1127 = tpu.vector_load %arg19[%swap3A_1125, %swap3A_1126] {strides = array<i32>} : memref<64x128xf32, #tpu.memory_space<vmem>>, vector<16xf32>,
        tpu.vector_store %arg19[%swap3A_1125, %swap3A_1126], %mul3A_1124 {strides = array<i32>} : memref<64x128xf32, #tpu.memory_space<vmem>>, vector<16xf32>,
        %get3A_1128 = arith.index_cast %add3A_1104 : i32 to index
        %get3A_1129 = arith.constant 48 : index
        %get3A_1130 = tpu.vector_load %arg19[%get3A_1128, %get3A_1129] {strides = array<i32>} : memref<64x128xf32, #tpu.memory_space<vmem>>, vector<16xf32>,
        %mul3A_1131 = arith.mulf %get3A_1130, %gather3A_1106 : vector<16xf32>
        %swap3A_1132 = arith.index_cast %add3A_1104 : i32 to index
        %swap3A_1133 = arith.constant 48 : index
        %swap3A_1134 = tpu.vector_load %arg19[%swap3A_1132, %swap3A_1133] {strides = array<i32>} : memref<64x128xf32, #tpu.memory_space<vmem>>, vector<16xf32>,
        tpu.vector_store %arg19[%swap3A_1132, %swap3A_1133], %mul3A_1131 {strides = array<i32>} : memref<64x128xf32, #tpu.memory_space<vmem>>, vector<16xf32>,
        %get3A_1135 = arith.index_cast %add3A_1104 : i32 to index
        %get3A_1136 = arith.constant 64 : index
        %get3A_1137 = tpu.vector_load %arg19[%get3A_1135, %get3A_1136] {strides = array<i32>} : memref<64x128xf32, #tpu.memory_space<vmem>>, vector<16xf32>,
        %mul3A_1138 = arith.mulf %get3A_1137, %gather3A_1106 : vector<16xf32>
        %swap3A_1139 = arith.index_cast %add3A_1104 : i32 to index
        %swap3A_1140 = arith.constant 64 : index
        %swap3A_1141 = tpu.vector_load %arg19[%swap3A_1139, %swap3A_1140] {strides = array<i32>} : memref<64x128xf32, #tpu.memory_space<vmem>>, vector<16xf32>,
        tpu.vector_store %arg19[%swap3A_1139, %swap3A_1140], %mul3A_1138 {strides = array<i32>} : memref<64x128xf32, #tpu.memory_space<vmem>>, vector<16xf32>,
        %get3A_1142 = arith.index_cast %add3A_1104 : i32 to index
        %get3A_1143 = arith.constant 80 : index
        %get3A_1144 = tpu.vector_load %arg19[%get3A_1142, %get3A_1143] {strides = array<i32>} : memref<64x128xf32, #tpu.memory_space<vmem>>, vector<16xf32>,
        %mul3A_1145 = arith.mulf %get3A_1144, %gather3A_1106 : vector<16xf32>
        %swap3A_1146 = arith.index_cast %add3A_1104 : i32 to index
        %swap3A_1147 = arith.constant 80 : index
        %swap3A_1148 = tpu.vector_load %arg19[%swap3A_1146, %swap3A_1147] {strides = array<i32>} : memref<64x128xf32, #tpu.memory_space<vmem>>, vector<16xf32>,
        tpu.vector_store %arg19[%swap3A_1146, %swap3A_1147], %mul3A_1145 {strides = array<i32>} : memref<64x128xf32, #tpu.memory_space<vmem>>, vector<16xf32>,
        %get3A_1149 = arith.index_cast %add3A_1104 : i32 to index
        %get3A_1150 = arith.constant 96 : index
        %get3A_1151 = tpu.vector_load %arg19[%get3A_1149, %get3A_1150] {strides = array<i32>} : memref<64x128xf32, #tpu.memory_space<vmem>>, vector<16xf32>,
        %mul3A_1152 = arith.mulf %get3A_1151, %gather3A_1106 : vector<16xf32>
        %swap3A_1153 = arith.index_cast %add3A_1104 : i32 to index
        %swap3A_1154 = arith.constant 96 : index
        %swap3A_1155 = tpu.vector_load %arg19[%swap3A_1153, %swap3A_1154] {strides = array<i32>} : memref<64x128xf32, #tpu.memory_space<vmem>>, vector<16xf32>,
        tpu.vector_store %arg19[%swap3A_1153, %swap3A_1154], %mul3A_1152 {strides = array<i32>} : memref<64x128xf32, #tpu.memory_space<vmem>>, vector<16xf32>,
        %get3A_1156 = arith.index_cast %add3A_1104 : i32 to index
        %get3A_1157 = arith.constant 112 : index
        %get3A_1158 = tpu.vector_load %arg19[%get3A_1156, %get3A_1157] {strides = array<i32>} : memref<64x128xf32, #tpu.memory_space<vmem>>, vector<16xf32>,
        %mul3A_1159 = arith.mulf %get3A_1158, %gather3A_1106 : vector<16xf32>
        %swap3A_1160 = arith.index_cast %add3A_1104 : i32 to index
        %swap3A_1161 = arith.constant 112 : index
        %swap3A_1162 = tpu.vector_load %arg19[%swap3A_1160, %swap3A_1161] {strides = array<i32>} : memref<64x128xf32, #tpu.memory_space<vmem>>, vector<16xf32>,
        tpu.vector_store %arg19[%swap3A_1160, %swap3A_1161], %mul3A_1159 {strides = array<i32>} : memref<64x128xf32, #tpu.memory_space<vmem>>, vector<16xf32>,
        %scan3A_1163 = arith.constant 0 : i32
        scf.yield %scan3A_1163 : i32
      }
      %scan3A_907 = arith.constant 16 : i32
      %dma_start3A_908 = arith.constant 0 : i32
      %dma_start3A_909 = arith.constant 0 : i32
      %dma_start3A_910 = tpu.memref_slice %arg8[%dma_start3A_908, %dma_start3A_909] : memref<10240x128xf32, #tpu.memory_space<vmem_shared>> -> memref<10240x128xf32, #tpu.memory_space<vmem_shared>>
      tpu.enqueue_indirect_dma source(%arg19 : memref<64x128xf32, #tpu.memory_space<vmem>>) target(%dma_start3A_910 : memref<10240x128xf32, #tpu.memory_space<vmem_shared>>) offsets(%arg16 : memref<64xi32, #tpu.memory_space<vmem>>) semaphore(%arg38 : memref<!tpu.dma_semaphore, #tpu.memory_space<semaphore_mem>>) {add = true}
      %dma_start3A_911 = arith.constant 0 : i32
      %dma_start3A_912 = tpu.memref_slice %arg9[%dma_start3A_911] : memref<10240xf32, #tpu.memory_space<vmem_shared>> -> memref<10240xf32, #tpu.memory_space<vmem_shared>>
      tpu.enqueue_indirect_dma source(%arg28 : memref<64xf32, #tpu.memory_space<vmem>>) target(%dma_start3A_912 : memref<10240xf32, #tpu.memory_space<vmem_shared>>) offsets(%arg16 : memref<64xi32, #tpu.memory_space<vmem>>) semaphore(%arg41 : memref<!tpu.dma_semaphore, #tpu.memory_space<semaphore_mem>>) {add = true}
      %while3A_913 = arith.constant 0 : i32
      scf.yield %while3A_913 : i32
    }
    %while3A_185 = arith.constant 1 : i32
    %while3A_186 = scf.for %while3A_245 = %while3A_182 to %while3A_178 step %while3A_185 iter_args(%while3A_246 = %while3A_184) -> (i32)  : i32 {
      %mul3A_247 = arith.constant 3 : i32
      %mul3A_248 = arith.muli %while3A_245, %mul3A_247 : i32
      %add3A_249 = arith.constant 0 : i32
      %add3A_250 = arith.addi %mul3A_248, %add3A_249 : i32
      %dma_wait3A_251 = arith.constant 0 : i32
      %dma_wait3A_252 = arith.constant 0 : i32
      %dma_wait3A_253 = tpu.memref_slice %arg5[%dma_wait3A_251, %dma_wait3A_252] : memref<10000x128xf32, #tpu.memory_space<hbm>> -> memref<64x128xf32, #tpu.memory_space<hbm>>
      %dma_wait3A_254 = arith.constant 0 : i32
      %dma_wait3A_255 = arith.constant 0 : i32
      %dma_wait3A_256 = tpu.memref_slice %arg5[%dma_wait3A_254, %dma_wait3A_255] : memref<10000x128xf32, #tpu.memory_space<hbm>> -> memref<64x128xf32, #tpu.memory_space<hbm>>
      tpu.wait_dma2 semaphore(%arg30 : memref<!tpu.dma_semaphore, #tpu.memory_space<semaphore_mem>>) src(%dma_wait3A_256 : memref<64x128xf32, #tpu.memory_space<hbm>>) dst(%arg17 : memref<64x128xf32, #tpu.memory_space<vmem>>)
      %dma_wait3A_257 = arith.constant 0 : i32
      %dma_wait3A_258 = tpu.memref_slice %arg3[%dma_wait3A_257] : memref<10240xf32, #tpu.memory_space<hbm>> -> memref<64xf32, #tpu.memory_space<hbm>>
      %dma_wait3A_259 = arith.constant 0 : i32
      %dma_wait3A_260 = tpu.memref_slice %arg3[%dma_wait3A_259] : memref<10240xf32, #tpu.memory_space<hbm>> -> memref<64xf32, #tpu.memory_space<hbm>>
      tpu.wait_dma2 semaphore(%arg33 : memref<!tpu.dma_semaphore, #tpu.memory_space<semaphore_mem>>) src(%dma_wait3A_260 : memref<64xf32, #tpu.memory_space<hbm>>) dst(%arg20 : memref<64xf32, #tpu.memory_space<vmem>>)
      %dma_wait3A_261 = arith.constant 0 : i32
      %dma_wait3A_262 = tpu.memref_slice %arg3[%dma_wait3A_261] : memref<10240xf32, #tpu.memory_space<hbm>> -> memref<64xf32, #tpu.memory_space<hbm>>
      %dma_wait3A_263 = arith.constant 0 : i32
      %dma_wait3A_264 = tpu.memref_slice %arg3[%dma_wait3A_263] : memref<10240xf32, #tpu.memory_space<hbm>> -> memref<64xf32, #tpu.memory_space<hbm>>
      tpu.wait_dma2 semaphore(%arg33 : memref<!tpu.dma_semaphore, #tpu.memory_space<semaphore_mem>>) src(%dma_wait3A_264 : memref<64xf32, #tpu.memory_space<hbm>>) dst(%arg23 : memref<64xf32, #tpu.memory_space<vmem>>)
      %gt3A = arith.constant 0 : i32
      %gt3A_265 = arith.cmpi sgt, %while3A_245, %gt3A : i32
      %convert_element_type3A = arith.extui %gt3A_265 : i1 to i32
      %cond3A = arith.constant 0 : i32
      %cond3A_266 = arith.cmpi ne, %convert_element_type3A, %cond3A : i32
      scf.if %cond3A_266 {
        %dma_wait3A_914 = arith.constant 0 : i32
        %dma_wait3A_915 = arith.constant 0 : i32
        %dma_wait3A_916 = tpu.memref_slice %arg5[%dma_wait3A_914, %dma_wait3A_915] : memref<10000x128xf32, #tpu.memory_space<hbm>> -> memref<64x128xf32, #tpu.memory_space<hbm>>
        %dma_wait3A_917 = arith.constant 0 : i32
        %dma_wait3A_918 = arith.constant 0 : i32
        %dma_wait3A_919 = tpu.memref_slice %arg5[%dma_wait3A_917, %dma_wait3A_918] : memref<10000x128xf32, #tpu.memory_space<hbm>> -> memref<64x128xf32, #tpu.memory_space<hbm>>
        tpu.wait_dma2 semaphore(%arg38 : memref<!tpu.dma_semaphore, #tpu.memory_space<semaphore_mem>>) src(%dma_wait3A_919 : memref<64x128xf32, #tpu.memory_space<hbm>>) dst(%arg19 : memref<64x128xf32, #tpu.memory_space<vmem>>)
        %dma_wait3A_920 = arith.constant 0 : i32
        %dma_wait3A_921 = tpu.memref_slice %arg3[%dma_wait3A_920] : memref<10240xf32, #tpu.memory_space<hbm>> -> memref<64xf32, #tpu.memory_space<hbm>>
        %dma_wait3A_922 = arith.constant 0 : i32
        %dma_wait3A_923 = tpu.memref_slice %arg3[%dma_wait3A_922] : memref<10240xf32, #tpu.memory_space<hbm>> -> memref<64xf32, #tpu.memory_space<hbm>>
        tpu.wait_dma2 semaphore(%arg41 : memref<!tpu.dma_semaphore, #tpu.memory_space<semaphore_mem>>) src(%dma_wait3A_923 : memref<64xf32, #tpu.memory_space<hbm>>) dst(%arg28 : memref<64xf32, #tpu.memory_space<vmem>>)
      } else {
      }
      %add3A_267 = arith.constant 3 : i32
      %add3A_268 = arith.addi %add3A_250, %add3A_267 : i32
      %sub3A_269 = arith.constant 1 : i32
      %sub3A_270 = arith.subi %add3A_268, %sub3A_269 : i32
      %mul3A_271 = arith.constant 64 : i32
      %mul3A_272 = arith.muli %sub3A_270, %mul3A_271 : i32
      %add3A_273 = arith.constant 0 : i32
      %add3A_274 = arith.addi %mul3A_272, %add3A_273 : i32
      %get3A_275 = arith.index_cast %add3A_274 : i32 to index
      %get3A_276 = tpu.vector_load %arg10[%get3A_275] {strides = array<i32>} : memref<14784xi32, #tpu.memory_space<vmem>>, vector<16xi32>,
      %and3A_277 = arith.constant 16383 : i32
      %and3A_278 = vector.broadcast %and3A_277 : i32 to vector<16xi32>
      %and3A_279 = arith.andi %get3A_276, %and3A_278 : vector<16xi32>
      %swap3A_280 = arith.constant 0 : index
      %swap3A_281 = tpu.vector_load %arg13[%swap3A_280] {strides = array<i32>} : memref<64xi32, #tpu.memory_space<vmem>>, vector<16xi32>,
      tpu.vector_store %arg13[%swap3A_280], %and3A_279 {strides = array<i32>} : memref<64xi32, #tpu.memory_space<vmem>>, vector<16xi32>,
      %shift_right_logical3A_282 = arith.constant 14 : i32
      %shift_right_logical3A_283 = vector.broadcast %shift_right_logical3A_282 : i32 to vector<16xi32>
      %shift_right_logical3A_284 = arith.shrui %get3A_276, %shift_right_logical3A_283 : vector<16xi32>
      %swap3A_285 = arith.constant 0 : index
      %swap3A_286 = tpu.vector_load %arg16[%swap3A_285] {strides = array<i32>} : memref<64xi32, #tpu.memory_space<vmem>>, vector<16xi32>,
      tpu.vector_store %arg16[%swap3A_285], %shift_right_logical3A_284 {strides = array<i32>} : memref<64xi32, #tpu.memory_space<vmem>>, vector<16xi32>,
      %mul3A_287 = arith.constant 64 : i32
      %mul3A_288 = arith.muli %sub3A_270, %mul3A_287 : i32
      %add3A_289 = arith.constant 16 : i32
      %add3A_290 = arith.addi %mul3A_288, %add3A_289 : i32
      %get3A_291 = arith.index_cast %add3A_290 : i32 to index
      %get3A_292 = tpu.vector_load %arg10[%get3A_291] {strides = array<i32>} : memref<14784xi32, #tpu.memory_space<vmem>>, vector<16xi32>,
      %and3A_293 = arith.constant 16383 : i32
      %and3A_294 = vector.broadcast %and3A_293 : i32 to vector<16xi32>
      %and3A_295 = arith.andi %get3A_292, %and3A_294 : vector<16xi32>
      %swap3A_296 = arith.constant 16 : index
      %swap3A_297 = tpu.vector_load %arg13[%swap3A_296] {strides = array<i32>} : memref<64xi32, #tpu.memory_space<vmem>>, vector<16xi32>,
      tpu.vector_store %arg13[%swap3A_296], %and3A_295 {strides = array<i32>} : memref<64xi32, #tpu.memory_space<vmem>>, vector<16xi32>,
      %shift_right_logical3A_298 = arith.constant 14 : i32
      %shift_right_logical3A_299 = vector.broadcast %shift_right_logical3A_298 : i32 to vector<16xi32>
      %shift_right_logical3A_300 = arith.shrui %get3A_292, %shift_right_logical3A_299 : vector<16xi32>
      %swap3A_301 = arith.constant 16 : index
      %swap3A_302 = tpu.vector_load %arg16[%swap3A_301] {strides = array<i32>} : memref<64xi32, #tpu.memory_space<vmem>>, vector<16xi32>,
      tpu.vector_store %arg16[%swap3A_301], %shift_right_logical3A_300 {strides = array<i32>} : memref<64xi32, #tpu.memory_space<vmem>>, vector<16xi32>,
      %mul3A_303 = arith.constant 64 : i32
      %mul3A_304 = arith.muli %sub3A_270, %mul3A_303 : i32
      %add3A_305 = arith.constant 32 : i32
      %add3A_306 = arith.addi %mul3A_304, %add3A_305 : i32
      %get3A_307 = arith.index_cast %add3A_306 : i32 to index
      %get3A_308 = tpu.vector_load %arg10[%get3A_307] {strides = array<i32>} : memref<14784xi32, #tpu.memory_space<vmem>>, vector<16xi32>,
      %and3A_309 = arith.constant 16383 : i32
      %and3A_310 = vector.broadcast %and3A_309 : i32 to vector<16xi32>
      %and3A_311 = arith.andi %get3A_308, %and3A_310 : vector<16xi32>
      %swap3A_312 = arith.constant 32 : index
      %swap3A_313 = tpu.vector_load %arg13[%swap3A_312] {strides = array<i32>} : memref<64xi32, #tpu.memory_space<vmem>>, vector<16xi32>,
      tpu.vector_store %arg13[%swap3A_312], %and3A_311 {strides = array<i32>} : memref<64xi32, #tpu.memory_space<vmem>>, vector<16xi32>,
      %shift_right_logical3A_314 = arith.constant 14 : i32
      %shift_right_logical3A_315 = vector.broadcast %shift_right_logical3A_314 : i32 to vector<16xi32>
      %shift_right_logical3A_316 = arith.shrui %get3A_308, %shift_right_logical3A_315 : vector<16xi32>
      %swap3A_317 = arith.constant 32 : index
      %swap3A_318 = tpu.vector_load %arg16[%swap3A_317] {strides = array<i32>} : memref<64xi32, #tpu.memory_space<vmem>>, vector<16xi32>,
      tpu.vector_store %arg16[%swap3A_317], %shift_right_logical3A_316 {strides = array<i32>} : memref<64xi32, #tpu.memory_space<vmem>>, vector<16xi32>,
      %mul3A_319 = arith.constant 64 : i32
      %mul3A_320 = arith.muli %sub3A_270, %mul3A_319 : i32
      %add3A_321 = arith.constant 48 : i32
      %add3A_322 = arith.addi %mul3A_320, %add3A_321 : i32
      %get3A_323 = arith.index_cast %add3A_322 : i32 to index
      %get3A_324 = tpu.vector_load %arg10[%get3A_323] {strides = array<i32>} : memref<14784xi32, #tpu.memory_space<vmem>>, vector<16xi32>,
      %and3A_325 = arith.constant 16383 : i32
      %and3A_326 = vector.broadcast %and3A_325 : i32 to vector<16xi32>
      %and3A_327 = arith.andi %get3A_324, %and3A_326 : vector<16xi32>
      %swap3A_328 = arith.constant 48 : index
      %swap3A_329 = tpu.vector_load %arg13[%swap3A_328] {strides = array<i32>} : memref<64xi32, #tpu.memory_space<vmem>>, vector<16xi32>,
      tpu.vector_store %arg13[%swap3A_328], %and3A_327 {strides = array<i32>} : memref<64xi32, #tpu.memory_space<vmem>>, vector<16xi32>,
      %shift_right_logical3A_330 = arith.constant 14 : i32
      %shift_right_logical3A_331 = vector.broadcast %shift_right_logical3A_330 : i32 to vector<16xi32>
      %shift_right_logical3A_332 = arith.shrui %get3A_324, %shift_right_logical3A_331 : vector<16xi32>
      %swap3A_333 = arith.constant 48 : index
      %swap3A_334 = tpu.vector_load %arg16[%swap3A_333] {strides = array<i32>} : memref<64xi32, #tpu.memory_space<vmem>>, vector<16xi32>,
      tpu.vector_store %arg16[%swap3A_333], %shift_right_logical3A_332 {strides = array<i32>} : memref<64xi32, #tpu.memory_space<vmem>>, vector<16xi32>,
      %add3A_335 = arith.constant 3 : i32
      %add3A_336 = arith.addi %add3A_250, %add3A_335 : i32
      %sub3A_337 = arith.constant 1 : i32
      %sub3A_338 = arith.subi %add3A_336, %sub3A_337 : i32
      %dma_start3A_339 = arith.constant 0 : i32
      %dma_start3A_340 = arith.constant 0 : i32
      %dma_start3A_341 = tpu.memref_slice %arg5[%dma_start3A_339, %dma_start3A_340] : memref<10000x128xf32, #tpu.memory_space<hbm>> -> memref<10000x128xf32, #tpu.memory_space<hbm>>
      tpu.enqueue_indirect_dma source(%dma_start3A_341 : memref<10000x128xf32, #tpu.memory_space<hbm>>) target(%arg19 : memref<64x128xf32, #tpu.memory_space<vmem>>) offsets(%arg13 : memref<64xi32, #tpu.memory_space<vmem>>) semaphore(%arg32 : memref<!tpu.dma_semaphore, #tpu.memory_space<semaphore_mem>>)
      %dma_start3A_342 = arith.constant 0 : i32
      %dma_start3A_343 = tpu.memref_slice %arg3[%dma_start3A_342] : memref<10240xf32, #tpu.memory_space<hbm>> -> memref<10240xf32, #tpu.memory_space<hbm>>
      tpu.enqueue_indirect_dma source(%dma_start3A_343 : memref<10240xf32, #tpu.memory_space<hbm>>) target(%arg22 : memref<64xf32, #tpu.memory_space<vmem>>) offsets(%arg13 : memref<64xi32, #tpu.memory_space<vmem>>) semaphore(%arg35 : memref<!tpu.dma_semaphore, #tpu.memory_space<semaphore_mem>>)
      %dma_start3A_344 = arith.constant 0 : i32
      %dma_start3A_345 = tpu.memref_slice %arg4[%dma_start3A_344] : memref<10240xf32, #tpu.memory_space<hbm>> -> memref<10240xf32, #tpu.memory_space<hbm>>
      tpu.enqueue_indirect_dma source(%dma_start3A_345 : memref<10240xf32, #tpu.memory_space<hbm>>) target(%arg25 : memref<64xf32, #tpu.memory_space<vmem>>) offsets(%arg16 : memref<64xi32, #tpu.memory_space<vmem>>) semaphore(%arg35 : memref<!tpu.dma_semaphore, #tpu.memory_space<semaphore_mem>>)
      %mul3A_346 = arith.constant 64 : i32
      %mul3A_347 = arith.muli %add3A_250, %mul3A_346 : i32
      %add3A_348 = arith.addi %mul3A_51, %mul3A_347 : i32
      %get3A_349 = arith.constant 0 : index
      %get3A_350 = tpu.vector_load %arg20[%get3A_349] {strides = array<i32>} : memref<64xf32, #tpu.memory_space<vmem>>, vector<16xf32>,
      %get3A_351 = arith.constant 0 : index
      %get3A_352 = tpu.vector_load %arg23[%get3A_351] {strides = array<i32>} : memref<64xf32, #tpu.memory_space<vmem>>, vector<16xf32>,
      %add3A_353 = arith.addf %get3A_350, %get3A_352 : vector<16xf32>
      %ge3A = arith.constant 0.000000e+00 : f32
      %ge3A_354 = vector.broadcast %ge3A : f32 to vector<16xf32>
      %ge3A_355 = arith.cmpf oge, %add3A_353, %ge3A_354 : vector<16xf32>
      %mul3A_356 = arith.constant 2.000000e-01 : f32
      %mul3A_357 = vector.broadcast %mul3A_356 : f32 to vector<16xf32>
      %mul3A_358 = arith.mulf %mul3A_357, %add3A_353 : vector<16xf32>
      %select_n3A_359 = arith.select %ge3A_355, %add3A_353, %mul3A_358 : vector<16xi1>, vector<16xf32>
      %exp3A = math.exp %select_n3A_359 : vector<16xf32>
      %add3A_360 = arith.constant 0 : i32
      %add3A_361 = arith.addi %add3A_348, %add3A_360 : i32
      %iota3A = tpu.iota {dimensions = array<i32: 0>} : vector<16xi32>
      %add3A_362 = vector.broadcast %add3A_361 : i32 to vector<16xi32>
      %add3A_363 = arith.addi %add3A_362, %iota3A : vector<16xi32>
      %lt3A = arith.constant 330000 : i32
      %lt3A_364 = vector.broadcast %lt3A : i32 to vector<16xi32>
      %lt3A_365 = arith.cmpi slt, %add3A_363, %lt3A_364 : vector<16xi32>
      %jit3A_366 = arith.constant 0.000000e+00 : f32
      %broadcast_in_dim3A_367 = vector.broadcast %jit3A_366 : f32 to vector<16xf32>
      %select_n3A_368 = arith.select %lt3A_365, %exp3A, %broadcast_in_dim3A_367 : vector<16xi1>, vector<16xf32>
      %swap3A_369 = arith.constant 0 : index
      %swap3A_370 = tpu.vector_load %arg26[%swap3A_369] {strides = array<i32>} : memref<64xf32, #tpu.memory_space<vmem>>, vector<16xf32>,
      tpu.vector_store %arg26[%swap3A_369], %select_n3A_368 {strides = array<i32>} : memref<64xf32, #tpu.memory_space<vmem>>, vector<16xf32>,
      %get3A_371 = arith.constant 16 : index
      %get3A_372 = tpu.vector_load %arg20[%get3A_371] {strides = array<i32>} : memref<64xf32, #tpu.memory_space<vmem>>, vector<16xf32>,
      %get3A_373 = arith.constant 16 : index
      %get3A_374 = tpu.vector_load %arg23[%get3A_373] {strides = array<i32>} : memref<64xf32, #tpu.memory_space<vmem>>, vector<16xf32>,
      %add3A_375 = arith.addf %get3A_372, %get3A_374 : vector<16xf32>
      %ge3A_376 = arith.constant 0.000000e+00 : f32
      %ge3A_377 = vector.broadcast %ge3A_376 : f32 to vector<16xf32>
      %ge3A_378 = arith.cmpf oge, %add3A_375, %ge3A_377 : vector<16xf32>
      %mul3A_379 = arith.constant 2.000000e-01 : f32
      %mul3A_380 = vector.broadcast %mul3A_379 : f32 to vector<16xf32>
      %mul3A_381 = arith.mulf %mul3A_380, %add3A_375 : vector<16xf32>
      %select_n3A_382 = arith.select %ge3A_378, %add3A_375, %mul3A_381 : vector<16xi1>, vector<16xf32>
      %exp3A_383 = math.exp %select_n3A_382 : vector<16xf32>
      %add3A_384 = arith.constant 16 : i32
      %add3A_385 = arith.addi %add3A_348, %add3A_384 : i32
      %iota3A_386 = tpu.iota {dimensions = array<i32: 0>} : vector<16xi32>
      %add3A_387 = vector.broadcast %add3A_385 : i32 to vector<16xi32>
      %add3A_388 = arith.addi %add3A_387, %iota3A_386 : vector<16xi32>
      %lt3A_389 = arith.constant 330000 : i32
      %lt3A_390 = vector.broadcast %lt3A_389 : i32 to vector<16xi32>
      %lt3A_391 = arith.cmpi slt, %add3A_388, %lt3A_390 : vector<16xi32>
      %jit3A_392 = arith.constant 0.000000e+00 : f32
      %broadcast_in_dim3A_393 = vector.broadcast %jit3A_392 : f32 to vector<16xf32>
      %select_n3A_394 = arith.select %lt3A_391, %exp3A_383, %broadcast_in_dim3A_393 : vector<16xi1>, vector<16xf32>
      %swap3A_395 = arith.constant 16 : index
      %swap3A_396 = tpu.vector_load %arg26[%swap3A_395] {strides = array<i32>} : memref<64xf32, #tpu.memory_space<vmem>>, vector<16xf32>,
      tpu.vector_store %arg26[%swap3A_395], %select_n3A_394 {strides = array<i32>} : memref<64xf32, #tpu.memory_space<vmem>>, vector<16xf32>,
      %get3A_397 = arith.constant 32 : index
      %get3A_398 = tpu.vector_load %arg20[%get3A_397] {strides = array<i32>} : memref<64xf32, #tpu.memory_space<vmem>>, vector<16xf32>,
      %get3A_399 = arith.constant 32 : index
      %get3A_400 = tpu.vector_load %arg23[%get3A_399] {strides = array<i32>} : memref<64xf32, #tpu.memory_space<vmem>>, vector<16xf32>,
      %add3A_401 = arith.addf %get3A_398, %get3A_400 : vector<16xf32>
      %ge3A_402 = arith.constant 0.000000e+00 : f32
      %ge3A_403 = vector.broadcast %ge3A_402 : f32 to vector<16xf32>
      %ge3A_404 = arith.cmpf oge, %add3A_401, %ge3A_403 : vector<16xf32>
      %mul3A_405 = arith.constant 2.000000e-01 : f32
      %mul3A_406 = vector.broadcast %mul3A_405 : f32 to vector<16xf32>
      %mul3A_407 = arith.mulf %mul3A_406, %add3A_401 : vector<16xf32>
      %select_n3A_408 = arith.select %ge3A_404, %add3A_401, %mul3A_407 : vector<16xi1>, vector<16xf32>
      %exp3A_409 = math.exp %select_n3A_408 : vector<16xf32>
      %add3A_410 = arith.constant 32 : i32
      %add3A_411 = arith.addi %add3A_348, %add3A_410 : i32
      %iota3A_412 = tpu.iota {dimensions = array<i32: 0>} : vector<16xi32>
      %add3A_413 = vector.broadcast %add3A_411 : i32 to vector<16xi32>
      %add3A_414 = arith.addi %add3A_413, %iota3A_412 : vector<16xi32>
      %lt3A_415 = arith.constant 330000 : i32
      %lt3A_416 = vector.broadcast %lt3A_415 : i32 to vector<16xi32>
      %lt3A_417 = arith.cmpi slt, %add3A_414, %lt3A_416 : vector<16xi32>
      %jit3A_418 = arith.constant 0.000000e+00 : f32
      %broadcast_in_dim3A_419 = vector.broadcast %jit3A_418 : f32 to vector<16xf32>
      %select_n3A_420 = arith.select %lt3A_417, %exp3A_409, %broadcast_in_dim3A_419 : vector<16xi1>, vector<16xf32>
      %swap3A_421 = arith.constant 32 : index
      %swap3A_422 = tpu.vector_load %arg26[%swap3A_421] {strides = array<i32>} : memref<64xf32, #tpu.memory_space<vmem>>, vector<16xf32>,
      tpu.vector_store %arg26[%swap3A_421], %select_n3A_420 {strides = array<i32>} : memref<64xf32, #tpu.memory_space<vmem>>, vector<16xf32>,
      %get3A_423 = arith.constant 48 : index
      %get3A_424 = tpu.vector_load %arg20[%get3A_423] {strides = array<i32>} : memref<64xf32, #tpu.memory_space<vmem>>, vector<16xf32>,
      %get3A_425 = arith.constant 48 : index
      %get3A_426 = tpu.vector_load %arg23[%get3A_425] {strides = array<i32>} : memref<64xf32, #tpu.memory_space<vmem>>, vector<16xf32>,
      %add3A_427 = arith.addf %get3A_424, %get3A_426 : vector<16xf32>
      %ge3A_428 = arith.constant 0.000000e+00 : f32
      %ge3A_429 = vector.broadcast %ge3A_428 : f32 to vector<16xf32>
      %ge3A_430 = arith.cmpf oge, %add3A_427, %ge3A_429 : vector<16xf32>
      %mul3A_431 = arith.constant 2.000000e-01 : f32
      %mul3A_432 = vector.broadcast %mul3A_431 : f32 to vector<16xf32>
      %mul3A_433 = arith.mulf %mul3A_432, %add3A_427 : vector<16xf32>
      %select_n3A_434 = arith.select %ge3A_430, %add3A_427, %mul3A_433 : vector<16xi1>, vector<16xf32>
      %exp3A_435 = math.exp %select_n3A_434 : vector<16xf32>
      %add3A_436 = arith.constant 48 : i32
      %add3A_437 = arith.addi %add3A_348, %add3A_436 : i32
      %iota3A_438 = tpu.iota {dimensions = array<i32: 0>} : vector<16xi32>
      %add3A_439 = vector.broadcast %add3A_437 : i32 to vector<16xi32>
      %add3A_440 = arith.addi %add3A_439, %iota3A_438 : vector<16xi32>
      %lt3A_441 = arith.constant 330000 : i32
      %lt3A_442 = vector.broadcast %lt3A_441 : i32 to vector<16xi32>
      %lt3A_443 = arith.cmpi slt, %add3A_440, %lt3A_442 : vector<16xi32>
      %jit3A_444 = arith.constant 0.000000e+00 : f32
      %broadcast_in_dim3A_445 = vector.broadcast %jit3A_444 : f32 to vector<16xf32>
      %select_n3A_446 = arith.select %lt3A_443, %exp3A_435, %broadcast_in_dim3A_445 : vector<16xi1>, vector<16xf32>
      %swap3A_447 = arith.constant 48 : index
      %swap3A_448 = tpu.vector_load %arg26[%swap3A_447] {strides = array<i32>} : memref<64xf32, #tpu.memory_space<vmem>>, vector<16xf32>,
      tpu.vector_store %arg26[%swap3A_447], %select_n3A_446 {strides = array<i32>} : memref<64xf32, #tpu.memory_space<vmem>>, vector<16xf32>,
      %scan3A_449 = arith.constant 0 : i32
      %scan3A_450 = arith.constant 0 : i32
      %scan3A_451 = arith.constant 16 : i32
      %scan3A_452 = arith.addi %scan3A_450, %scan3A_451 : i32
      %scan3A_453 = arith.constant 1 : i32
      %scan3A_454 = scf.for %scan3A_914 = %scan3A_450 to %scan3A_452 step %scan3A_453 iter_args(%scan3A_915 = %scan3A_449) -> (i32)  : i32 {
        %mul3A_916 = arith.constant 4 : i32
        %mul3A_917 = arith.muli %scan3A_914, %mul3A_916 : i32
        %add3A_918 = arith.constant 0 : i32
        %add3A_919 = arith.addi %mul3A_917, %add3A_918 : i32
        %broadcast_in_dim3A_920 = vector.broadcast %add3A_919 : i32 to vector<16xi32>
        %gather3A = tpu.vector_load_idx %arg26[%broadcast_in_dim3A_920] : memref<64xf32, #tpu.memory_space<vmem>>[vector<16xi32>], vector<16xf32>,
        %get3A_921 = arith.index_cast %add3A_919 : i32 to index
        %get3A_922 = arith.constant 0 : index
        %get3A_923 = tpu.vector_load %arg17[%get3A_921, %get3A_922] {strides = array<i32>} : memref<64x128xf32, #tpu.memory_space<vmem>>, vector<16xf32>,
        %mul3A_924 = arith.mulf %get3A_923, %gather3A : vector<16xf32>
        %swap3A_925 = arith.index_cast %add3A_919 : i32 to index
        %swap3A_926 = arith.constant 0 : index
        %swap3A_927 = tpu.vector_load %arg17[%swap3A_925, %swap3A_926] {strides = array<i32>} : memref<64x128xf32, #tpu.memory_space<vmem>>, vector<16xf32>,
        tpu.vector_store %arg17[%swap3A_925, %swap3A_926], %mul3A_924 {strides = array<i32>} : memref<64x128xf32, #tpu.memory_space<vmem>>, vector<16xf32>,
        %get3A_928 = arith.index_cast %add3A_919 : i32 to index
        %get3A_929 = arith.constant 16 : index
        %get3A_930 = tpu.vector_load %arg17[%get3A_928, %get3A_929] {strides = array<i32>} : memref<64x128xf32, #tpu.memory_space<vmem>>, vector<16xf32>,
        %mul3A_931 = arith.mulf %get3A_930, %gather3A : vector<16xf32>
        %swap3A_932 = arith.index_cast %add3A_919 : i32 to index
        %swap3A_933 = arith.constant 16 : index
        %swap3A_934 = tpu.vector_load %arg17[%swap3A_932, %swap3A_933] {strides = array<i32>} : memref<64x128xf32, #tpu.memory_space<vmem>>, vector<16xf32>,
        tpu.vector_store %arg17[%swap3A_932, %swap3A_933], %mul3A_931 {strides = array<i32>} : memref<64x128xf32, #tpu.memory_space<vmem>>, vector<16xf32>,
        %get3A_935 = arith.index_cast %add3A_919 : i32 to index
        %get3A_936 = arith.constant 32 : index
        %get3A_937 = tpu.vector_load %arg17[%get3A_935, %get3A_936] {strides = array<i32>} : memref<64x128xf32, #tpu.memory_space<vmem>>, vector<16xf32>,
        %mul3A_938 = arith.mulf %get3A_937, %gather3A : vector<16xf32>
        %swap3A_939 = arith.index_cast %add3A_919 : i32 to index
        %swap3A_940 = arith.constant 32 : index
        %swap3A_941 = tpu.vector_load %arg17[%swap3A_939, %swap3A_940] {strides = array<i32>} : memref<64x128xf32, #tpu.memory_space<vmem>>, vector<16xf32>,
        tpu.vector_store %arg17[%swap3A_939, %swap3A_940], %mul3A_938 {strides = array<i32>} : memref<64x128xf32, #tpu.memory_space<vmem>>, vector<16xf32>,
        %get3A_942 = arith.index_cast %add3A_919 : i32 to index
        %get3A_943 = arith.constant 48 : index
        %get3A_944 = tpu.vector_load %arg17[%get3A_942, %get3A_943] {strides = array<i32>} : memref<64x128xf32, #tpu.memory_space<vmem>>, vector<16xf32>,
        %mul3A_945 = arith.mulf %get3A_944, %gather3A : vector<16xf32>
        %swap3A_946 = arith.index_cast %add3A_919 : i32 to index
        %swap3A_947 = arith.constant 48 : index
        %swap3A_948 = tpu.vector_load %arg17[%swap3A_946, %swap3A_947] {strides = array<i32>} : memref<64x128xf32, #tpu.memory_space<vmem>>, vector<16xf32>,
        tpu.vector_store %arg17[%swap3A_946, %swap3A_947], %mul3A_945 {strides = array<i32>} : memref<64x128xf32, #tpu.memory_space<vmem>>, vector<16xf32>,
        %get3A_949 = arith.index_cast %add3A_919 : i32 to index
        %get3A_950 = arith.constant 64 : index
        %get3A_951 = tpu.vector_load %arg17[%get3A_949, %get3A_950] {strides = array<i32>} : memref<64x128xf32, #tpu.memory_space<vmem>>, vector<16xf32>,
        %mul3A_952 = arith.mulf %get3A_951, %gather3A : vector<16xf32>
        %swap3A_953 = arith.index_cast %add3A_919 : i32 to index
        %swap3A_954 = arith.constant 64 : index
        %swap3A_955 = tpu.vector_load %arg17[%swap3A_953, %swap3A_954] {strides = array<i32>} : memref<64x128xf32, #tpu.memory_space<vmem>>, vector<16xf32>,
        tpu.vector_store %arg17[%swap3A_953, %swap3A_954], %mul3A_952 {strides = array<i32>} : memref<64x128xf32, #tpu.memory_space<vmem>>, vector<16xf32>,
        %get3A_956 = arith.index_cast %add3A_919 : i32 to index
        %get3A_957 = arith.constant 80 : index
        %get3A_958 = tpu.vector_load %arg17[%get3A_956, %get3A_957] {strides = array<i32>} : memref<64x128xf32, #tpu.memory_space<vmem>>, vector<16xf32>,
        %mul3A_959 = arith.mulf %get3A_958, %gather3A : vector<16xf32>
        %swap3A_960 = arith.index_cast %add3A_919 : i32 to index
        %swap3A_961 = arith.constant 80 : index
        %swap3A_962 = tpu.vector_load %arg17[%swap3A_960, %swap3A_961] {strides = array<i32>} : memref<64x128xf32, #tpu.memory_space<vmem>>, vector<16xf32>,
        tpu.vector_store %arg17[%swap3A_960, %swap3A_961], %mul3A_959 {strides = array<i32>} : memref<64x128xf32, #tpu.memory_space<vmem>>, vector<16xf32>,
        %get3A_963 = arith.index_cast %add3A_919 : i32 to index
        %get3A_964 = arith.constant 96 : index
        %get3A_965 = tpu.vector_load %arg17[%get3A_963, %get3A_964] {strides = array<i32>} : memref<64x128xf32, #tpu.memory_space<vmem>>, vector<16xf32>,
        %mul3A_966 = arith.mulf %get3A_965, %gather3A : vector<16xf32>
        %swap3A_967 = arith.index_cast %add3A_919 : i32 to index
        %swap3A_968 = arith.constant 96 : index
        %swap3A_969 = tpu.vector_load %arg17[%swap3A_967, %swap3A_968] {strides = array<i32>} : memref<64x128xf32, #tpu.memory_space<vmem>>, vector<16xf32>,
        tpu.vector_store %arg17[%swap3A_967, %swap3A_968], %mul3A_966 {strides = array<i32>} : memref<64x128xf32, #tpu.memory_space<vmem>>, vector<16xf32>,
        %get3A_970 = arith.index_cast %add3A_919 : i32 to index
        %get3A_971 = arith.constant 112 : index
        %get3A_972 = tpu.vector_load %arg17[%get3A_970, %get3A_971] {strides = array<i32>} : memref<64x128xf32, #tpu.memory_space<vmem>>, vector<16xf32>,
        %mul3A_973 = arith.mulf %get3A_972, %gather3A : vector<16xf32>
        %swap3A_974 = arith.index_cast %add3A_919 : i32 to index
        %swap3A_975 = arith.constant 112 : index
        %swap3A_976 = tpu.vector_load %arg17[%swap3A_974, %swap3A_975] {strides = array<i32>} : memref<64x128xf32, #tpu.memory_space<vmem>>, vector<16xf32>,
        tpu.vector_store %arg17[%swap3A_974, %swap3A_975], %mul3A_973 {strides = array<i32>} : memref<64x128xf32, #tpu.memory_space<vmem>>, vector<16xf32>,
        %mul3A_977 = arith.constant 4 : i32
        %mul3A_978 = arith.muli %scan3A_914, %mul3A_977 : i32
        %add3A_979 = arith.constant 1 : i32
        %add3A_980 = arith.addi %mul3A_978, %add3A_979 : i32
        %broadcast_in_dim3A_981 = vector.broadcast %add3A_980 : i32 to vector<16xi32>
        %gather3A_982 = tpu.vector_load_idx %arg26[%broadcast_in_dim3A_981] : memref<64xf32, #tpu.memory_space<vmem>>[vector<16xi32>], vector<16xf32>,
        %get3A_983 = arith.index_cast %add3A_980 : i32 to index
        %get3A_984 = arith.constant 0 : index
        %get3A_985 = tpu.vector_load %arg17[%get3A_983, %get3A_984] {strides = array<i32>} : memref<64x128xf32, #tpu.memory_space<vmem>>, vector<16xf32>,
        %mul3A_986 = arith.mulf %get3A_985, %gather3A_982 : vector<16xf32>
        %swap3A_987 = arith.index_cast %add3A_980 : i32 to index
        %swap3A_988 = arith.constant 0 : index
        %swap3A_989 = tpu.vector_load %arg17[%swap3A_987, %swap3A_988] {strides = array<i32>} : memref<64x128xf32, #tpu.memory_space<vmem>>, vector<16xf32>,
        tpu.vector_store %arg17[%swap3A_987, %swap3A_988], %mul3A_986 {strides = array<i32>} : memref<64x128xf32, #tpu.memory_space<vmem>>, vector<16xf32>,
        %get3A_990 = arith.index_cast %add3A_980 : i32 to index
        %get3A_991 = arith.constant 16 : index
        %get3A_992 = tpu.vector_load %arg17[%get3A_990, %get3A_991] {strides = array<i32>} : memref<64x128xf32, #tpu.memory_space<vmem>>, vector<16xf32>,
        %mul3A_993 = arith.mulf %get3A_992, %gather3A_982 : vector<16xf32>
        %swap3A_994 = arith.index_cast %add3A_980 : i32 to index
        %swap3A_995 = arith.constant 16 : index
        %swap3A_996 = tpu.vector_load %arg17[%swap3A_994, %swap3A_995] {strides = array<i32>} : memref<64x128xf32, #tpu.memory_space<vmem>>, vector<16xf32>,
        tpu.vector_store %arg17[%swap3A_994, %swap3A_995], %mul3A_993 {strides = array<i32>} : memref<64x128xf32, #tpu.memory_space<vmem>>, vector<16xf32>,
        %get3A_997 = arith.index_cast %add3A_980 : i32 to index
        %get3A_998 = arith.constant 32 : index
        %get3A_999 = tpu.vector_load %arg17[%get3A_997, %get3A_998] {strides = array<i32>} : memref<64x128xf32, #tpu.memory_space<vmem>>, vector<16xf32>,
        %mul3A_1000 = arith.mulf %get3A_999, %gather3A_982 : vector<16xf32>
        %swap3A_1001 = arith.index_cast %add3A_980 : i32 to index
        %swap3A_1002 = arith.constant 32 : index
        %swap3A_1003 = tpu.vector_load %arg17[%swap3A_1001, %swap3A_1002] {strides = array<i32>} : memref<64x128xf32, #tpu.memory_space<vmem>>, vector<16xf32>,
        tpu.vector_store %arg17[%swap3A_1001, %swap3A_1002], %mul3A_1000 {strides = array<i32>} : memref<64x128xf32, #tpu.memory_space<vmem>>, vector<16xf32>,
        %get3A_1004 = arith.index_cast %add3A_980 : i32 to index
        %get3A_1005 = arith.constant 48 : index
        %get3A_1006 = tpu.vector_load %arg17[%get3A_1004, %get3A_1005] {strides = array<i32>} : memref<64x128xf32, #tpu.memory_space<vmem>>, vector<16xf32>,
        %mul3A_1007 = arith.mulf %get3A_1006, %gather3A_982 : vector<16xf32>
        %swap3A_1008 = arith.index_cast %add3A_980 : i32 to index
        %swap3A_1009 = arith.constant 48 : index
        %swap3A_1010 = tpu.vector_load %arg17[%swap3A_1008, %swap3A_1009] {strides = array<i32>} : memref<64x128xf32, #tpu.memory_space<vmem>>, vector<16xf32>,
        tpu.vector_store %arg17[%swap3A_1008, %swap3A_1009], %mul3A_1007 {strides = array<i32>} : memref<64x128xf32, #tpu.memory_space<vmem>>, vector<16xf32>,
        %get3A_1011 = arith.index_cast %add3A_980 : i32 to index
        %get3A_1012 = arith.constant 64 : index
        %get3A_1013 = tpu.vector_load %arg17[%get3A_1011, %get3A_1012] {strides = array<i32>} : memref<64x128xf32, #tpu.memory_space<vmem>>, vector<16xf32>,
        %mul3A_1014 = arith.mulf %get3A_1013, %gather3A_982 : vector<16xf32>
        %swap3A_1015 = arith.index_cast %add3A_980 : i32 to index
        %swap3A_1016 = arith.constant 64 : index
        %swap3A_1017 = tpu.vector_load %arg17[%swap3A_1015, %swap3A_1016] {strides = array<i32>} : memref<64x128xf32, #tpu.memory_space<vmem>>, vector<16xf32>,
        tpu.vector_store %arg17[%swap3A_1015, %swap3A_1016], %mul3A_1014 {strides = array<i32>} : memref<64x128xf32, #tpu.memory_space<vmem>>, vector<16xf32>,
        %get3A_1018 = arith.index_cast %add3A_980 : i32 to index
        %get3A_1019 = arith.constant 80 : index
        %get3A_1020 = tpu.vector_load %arg17[%get3A_1018, %get3A_1019] {strides = array<i32>} : memref<64x128xf32, #tpu.memory_space<vmem>>, vector<16xf32>,
        %mul3A_1021 = arith.mulf %get3A_1020, %gather3A_982 : vector<16xf32>
        %swap3A_1022 = arith.index_cast %add3A_980 : i32 to index
        %swap3A_1023 = arith.constant 80 : index
        %swap3A_1024 = tpu.vector_load %arg17[%swap3A_1022, %swap3A_1023] {strides = array<i32>} : memref<64x128xf32, #tpu.memory_space<vmem>>, vector<16xf32>,
        tpu.vector_store %arg17[%swap3A_1022, %swap3A_1023], %mul3A_1021 {strides = array<i32>} : memref<64x128xf32, #tpu.memory_space<vmem>>, vector<16xf32>,
        %get3A_1025 = arith.index_cast %add3A_980 : i32 to index
        %get3A_1026 = arith.constant 96 : index
        %get3A_1027 = tpu.vector_load %arg17[%get3A_1025, %get3A_1026] {strides = array<i32>} : memref<64x128xf32, #tpu.memory_space<vmem>>, vector<16xf32>,
        %mul3A_1028 = arith.mulf %get3A_1027, %gather3A_982 : vector<16xf32>
        %swap3A_1029 = arith.index_cast %add3A_980 : i32 to index
        %swap3A_1030 = arith.constant 96 : index
        %swap3A_1031 = tpu.vector_load %arg17[%swap3A_1029, %swap3A_1030] {strides = array<i32>} : memref<64x128xf32, #tpu.memory_space<vmem>>, vector<16xf32>,
        tpu.vector_store %arg17[%swap3A_1029, %swap3A_1030], %mul3A_1028 {strides = array<i32>} : memref<64x128xf32, #tpu.memory_space<vmem>>, vector<16xf32>,
        %get3A_1032 = arith.index_cast %add3A_980 : i32 to index
        %get3A_1033 = arith.constant 112 : index
        %get3A_1034 = tpu.vector_load %arg17[%get3A_1032, %get3A_1033] {strides = array<i32>} : memref<64x128xf32, #tpu.memory_space<vmem>>, vector<16xf32>,
        %mul3A_1035 = arith.mulf %get3A_1034, %gather3A_982 : vector<16xf32>
        %swap3A_1036 = arith.index_cast %add3A_980 : i32 to index
        %swap3A_1037 = arith.constant 112 : index
        %swap3A_1038 = tpu.vector_load %arg17[%swap3A_1036, %swap3A_1037] {strides = array<i32>} : memref<64x128xf32, #tpu.memory_space<vmem>>, vector<16xf32>,
        tpu.vector_store %arg17[%swap3A_1036, %swap3A_1037], %mul3A_1035 {strides = array<i32>} : memref<64x128xf32, #tpu.memory_space<vmem>>, vector<16xf32>,
        %mul3A_1039 = arith.constant 4 : i32
        %mul3A_1040 = arith.muli %scan3A_914, %mul3A_1039 : i32
        %add3A_1041 = arith.constant 2 : i32
        %add3A_1042 = arith.addi %mul3A_1040, %add3A_1041 : i32
        %broadcast_in_dim3A_1043 = vector.broadcast %add3A_1042 : i32 to vector<16xi32>
        %gather3A_1044 = tpu.vector_load_idx %arg26[%broadcast_in_dim3A_1043] : memref<64xf32, #tpu.memory_space<vmem>>[vector<16xi32>], vector<16xf32>,
        %get3A_1045 = arith.index_cast %add3A_1042 : i32 to index
        %get3A_1046 = arith.constant 0 : index
        %get3A_1047 = tpu.vector_load %arg17[%get3A_1045, %get3A_1046] {strides = array<i32>} : memref<64x128xf32, #tpu.memory_space<vmem>>, vector<16xf32>,
        %mul3A_1048 = arith.mulf %get3A_1047, %gather3A_1044 : vector<16xf32>
        %swap3A_1049 = arith.index_cast %add3A_1042 : i32 to index
        %swap3A_1050 = arith.constant 0 : index
        %swap3A_1051 = tpu.vector_load %arg17[%swap3A_1049, %swap3A_1050] {strides = array<i32>} : memref<64x128xf32, #tpu.memory_space<vmem>>, vector<16xf32>,
        tpu.vector_store %arg17[%swap3A_1049, %swap3A_1050], %mul3A_1048 {strides = array<i32>} : memref<64x128xf32, #tpu.memory_space<vmem>>, vector<16xf32>,
        %get3A_1052 = arith.index_cast %add3A_1042 : i32 to index
        %get3A_1053 = arith.constant 16 : index
        %get3A_1054 = tpu.vector_load %arg17[%get3A_1052, %get3A_1053] {strides = array<i32>} : memref<64x128xf32, #tpu.memory_space<vmem>>, vector<16xf32>,
        %mul3A_1055 = arith.mulf %get3A_1054, %gather3A_1044 : vector<16xf32>
        %swap3A_1056 = arith.index_cast %add3A_1042 : i32 to index
        %swap3A_1057 = arith.constant 16 : index
        %swap3A_1058 = tpu.vector_load %arg17[%swap3A_1056, %swap3A_1057] {strides = array<i32>} : memref<64x128xf32, #tpu.memory_space<vmem>>, vector<16xf32>,
        tpu.vector_store %arg17[%swap3A_1056, %swap3A_1057], %mul3A_1055 {strides = array<i32>} : memref<64x128xf32, #tpu.memory_space<vmem>>, vector<16xf32>,
        %get3A_1059 = arith.index_cast %add3A_1042 : i32 to index
        %get3A_1060 = arith.constant 32 : index
        %get3A_1061 = tpu.vector_load %arg17[%get3A_1059, %get3A_1060] {strides = array<i32>} : memref<64x128xf32, #tpu.memory_space<vmem>>, vector<16xf32>,
        %mul3A_1062 = arith.mulf %get3A_1061, %gather3A_1044 : vector<16xf32>
        %swap3A_1063 = arith.index_cast %add3A_1042 : i32 to index
        %swap3A_1064 = arith.constant 32 : index
        %swap3A_1065 = tpu.vector_load %arg17[%swap3A_1063, %swap3A_1064] {strides = array<i32>} : memref<64x128xf32, #tpu.memory_space<vmem>>, vector<16xf32>,
        tpu.vector_store %arg17[%swap3A_1063, %swap3A_1064], %mul3A_1062 {strides = array<i32>} : memref<64x128xf32, #tpu.memory_space<vmem>>, vector<16xf32>,
        %get3A_1066 = arith.index_cast %add3A_1042 : i32 to index
        %get3A_1067 = arith.constant 48 : index
        %get3A_1068 = tpu.vector_load %arg17[%get3A_1066, %get3A_1067] {strides = array<i32>} : memref<64x128xf32, #tpu.memory_space<vmem>>, vector<16xf32>,
        %mul3A_1069 = arith.mulf %get3A_1068, %gather3A_1044 : vector<16xf32>
        %swap3A_1070 = arith.index_cast %add3A_1042 : i32 to index
        %swap3A_1071 = arith.constant 48 : index
        %swap3A_1072 = tpu.vector_load %arg17[%swap3A_1070, %swap3A_1071] {strides = array<i32>} : memref<64x128xf32, #tpu.memory_space<vmem>>, vector<16xf32>,
        tpu.vector_store %arg17[%swap3A_1070, %swap3A_1071], %mul3A_1069 {strides = array<i32>} : memref<64x128xf32, #tpu.memory_space<vmem>>, vector<16xf32>,
        %get3A_1073 = arith.index_cast %add3A_1042 : i32 to index
        %get3A_1074 = arith.constant 64 : index
        %get3A_1075 = tpu.vector_load %arg17[%get3A_1073, %get3A_1074] {strides = array<i32>} : memref<64x128xf32, #tpu.memory_space<vmem>>, vector<16xf32>,
        %mul3A_1076 = arith.mulf %get3A_1075, %gather3A_1044 : vector<16xf32>
        %swap3A_1077 = arith.index_cast %add3A_1042 : i32 to index
        %swap3A_1078 = arith.constant 64 : index
        %swap3A_1079 = tpu.vector_load %arg17[%swap3A_1077, %swap3A_1078] {strides = array<i32>} : memref<64x128xf32, #tpu.memory_space<vmem>>, vector<16xf32>,
        tpu.vector_store %arg17[%swap3A_1077, %swap3A_1078], %mul3A_1076 {strides = array<i32>} : memref<64x128xf32, #tpu.memory_space<vmem>>, vector<16xf32>,
        %get3A_1080 = arith.index_cast %add3A_1042 : i32 to index
        %get3A_1081 = arith.constant 80 : index
        %get3A_1082 = tpu.vector_load %arg17[%get3A_1080, %get3A_1081] {strides = array<i32>} : memref<64x128xf32, #tpu.memory_space<vmem>>, vector<16xf32>,
        %mul3A_1083 = arith.mulf %get3A_1082, %gather3A_1044 : vector<16xf32>
        %swap3A_1084 = arith.index_cast %add3A_1042 : i32 to index
        %swap3A_1085 = arith.constant 80 : index
        %swap3A_1086 = tpu.vector_load %arg17[%swap3A_1084, %swap3A_1085] {strides = array<i32>} : memref<64x128xf32, #tpu.memory_space<vmem>>, vector<16xf32>,
        tpu.vector_store %arg17[%swap3A_1084, %swap3A_1085], %mul3A_1083 {strides = array<i32>} : memref<64x128xf32, #tpu.memory_space<vmem>>, vector<16xf32>,
        %get3A_1087 = arith.index_cast %add3A_1042 : i32 to index
        %get3A_1088 = arith.constant 96 : index
        %get3A_1089 = tpu.vector_load %arg17[%get3A_1087, %get3A_1088] {strides = array<i32>} : memref<64x128xf32, #tpu.memory_space<vmem>>, vector<16xf32>,
        %mul3A_1090 = arith.mulf %get3A_1089, %gather3A_1044 : vector<16xf32>
        %swap3A_1091 = arith.index_cast %add3A_1042 : i32 to index
        %swap3A_1092 = arith.constant 96 : index
        %swap3A_1093 = tpu.vector_load %arg17[%swap3A_1091, %swap3A_1092] {strides = array<i32>} : memref<64x128xf32, #tpu.memory_space<vmem>>, vector<16xf32>,
        tpu.vector_store %arg17[%swap3A_1091, %swap3A_1092], %mul3A_1090 {strides = array<i32>} : memref<64x128xf32, #tpu.memory_space<vmem>>, vector<16xf32>,
        %get3A_1094 = arith.index_cast %add3A_1042 : i32 to index
        %get3A_1095 = arith.constant 112 : index
        %get3A_1096 = tpu.vector_load %arg17[%get3A_1094, %get3A_1095] {strides = array<i32>} : memref<64x128xf32, #tpu.memory_space<vmem>>, vector<16xf32>,
        %mul3A_1097 = arith.mulf %get3A_1096, %gather3A_1044 : vector<16xf32>
        %swap3A_1098 = arith.index_cast %add3A_1042 : i32 to index
        %swap3A_1099 = arith.constant 112 : index
        %swap3A_1100 = tpu.vector_load %arg17[%swap3A_1098, %swap3A_1099] {strides = array<i32>} : memref<64x128xf32, #tpu.memory_space<vmem>>, vector<16xf32>,
        tpu.vector_store %arg17[%swap3A_1098, %swap3A_1099], %mul3A_1097 {strides = array<i32>} : memref<64x128xf32, #tpu.memory_space<vmem>>, vector<16xf32>,
        %mul3A_1101 = arith.constant 4 : i32
        %mul3A_1102 = arith.muli %scan3A_914, %mul3A_1101 : i32
        %add3A_1103 = arith.constant 3 : i32
        %add3A_1104 = arith.addi %mul3A_1102, %add3A_1103 : i32
        %broadcast_in_dim3A_1105 = vector.broadcast %add3A_1104 : i32 to vector<16xi32>
        %gather3A_1106 = tpu.vector_load_idx %arg26[%broadcast_in_dim3A_1105] : memref<64xf32, #tpu.memory_space<vmem>>[vector<16xi32>], vector<16xf32>,
        %get3A_1107 = arith.index_cast %add3A_1104 : i32 to index
        %get3A_1108 = arith.constant 0 : index
        %get3A_1109 = tpu.vector_load %arg17[%get3A_1107, %get3A_1108] {strides = array<i32>} : memref<64x128xf32, #tpu.memory_space<vmem>>, vector<16xf32>,
        %mul3A_1110 = arith.mulf %get3A_1109, %gather3A_1106 : vector<16xf32>
        %swap3A_1111 = arith.index_cast %add3A_1104 : i32 to index
        %swap3A_1112 = arith.constant 0 : index
        %swap3A_1113 = tpu.vector_load %arg17[%swap3A_1111, %swap3A_1112] {strides = array<i32>} : memref<64x128xf32, #tpu.memory_space<vmem>>, vector<16xf32>,
        tpu.vector_store %arg17[%swap3A_1111, %swap3A_1112], %mul3A_1110 {strides = array<i32>} : memref<64x128xf32, #tpu.memory_space<vmem>>, vector<16xf32>,
        %get3A_1114 = arith.index_cast %add3A_1104 : i32 to index
        %get3A_1115 = arith.constant 16 : index
        %get3A_1116 = tpu.vector_load %arg17[%get3A_1114, %get3A_1115] {strides = array<i32>} : memref<64x128xf32, #tpu.memory_space<vmem>>, vector<16xf32>,
        %mul3A_1117 = arith.mulf %get3A_1116, %gather3A_1106 : vector<16xf32>
        %swap3A_1118 = arith.index_cast %add3A_1104 : i32 to index
        %swap3A_1119 = arith.constant 16 : index
        %swap3A_1120 = tpu.vector_load %arg17[%swap3A_1118, %swap3A_1119] {strides = array<i32>} : memref<64x128xf32, #tpu.memory_space<vmem>>, vector<16xf32>,
        tpu.vector_store %arg17[%swap3A_1118, %swap3A_1119], %mul3A_1117 {strides = array<i32>} : memref<64x128xf32, #tpu.memory_space<vmem>>, vector<16xf32>,
        %get3A_1121 = arith.index_cast %add3A_1104 : i32 to index
        %get3A_1122 = arith.constant 32 : index
        %get3A_1123 = tpu.vector_load %arg17[%get3A_1121, %get3A_1122] {strides = array<i32>} : memref<64x128xf32, #tpu.memory_space<vmem>>, vector<16xf32>,
        %mul3A_1124 = arith.mulf %get3A_1123, %gather3A_1106 : vector<16xf32>
        %swap3A_1125 = arith.index_cast %add3A_1104 : i32 to index
        %swap3A_1126 = arith.constant 32 : index
        %swap3A_1127 = tpu.vector_load %arg17[%swap3A_1125, %swap3A_1126] {strides = array<i32>} : memref<64x128xf32, #tpu.memory_space<vmem>>, vector<16xf32>,
        tpu.vector_store %arg17[%swap3A_1125, %swap3A_1126], %mul3A_1124 {strides = array<i32>} : memref<64x128xf32, #tpu.memory_space<vmem>>, vector<16xf32>,
        %get3A_1128 = arith.index_cast %add3A_1104 : i32 to index
        %get3A_1129 = arith.constant 48 : index
        %get3A_1130 = tpu.vector_load %arg17[%get3A_1128, %get3A_1129] {strides = array<i32>} : memref<64x128xf32, #tpu.memory_space<vmem>>, vector<16xf32>,
        %mul3A_1131 = arith.mulf %get3A_1130, %gather3A_1106 : vector<16xf32>
        %swap3A_1132 = arith.index_cast %add3A_1104 : i32 to index
        %swap3A_1133 = arith.constant 48 : index
        %swap3A_1134 = tpu.vector_load %arg17[%swap3A_1132, %swap3A_1133] {strides = array<i32>} : memref<64x128xf32, #tpu.memory_space<vmem>>, vector<16xf32>,
        tpu.vector_store %arg17[%swap3A_1132, %swap3A_1133], %mul3A_1131 {strides = array<i32>} : memref<64x128xf32, #tpu.memory_space<vmem>>, vector<16xf32>,
        %get3A_1135 = arith.index_cast %add3A_1104 : i32 to index
        %get3A_1136 = arith.constant 64 : index
        %get3A_1137 = tpu.vector_load %arg17[%get3A_1135, %get3A_1136] {strides = array<i32>} : memref<64x128xf32, #tpu.memory_space<vmem>>, vector<16xf32>,
        %mul3A_1138 = arith.mulf %get3A_1137, %gather3A_1106 : vector<16xf32>
        %swap3A_1139 = arith.index_cast %add3A_1104 : i32 to index
        %swap3A_1140 = arith.constant 64 : index
        %swap3A_1141 = tpu.vector_load %arg17[%swap3A_1139, %swap3A_1140] {strides = array<i32>} : memref<64x128xf32, #tpu.memory_space<vmem>>, vector<16xf32>,
        tpu.vector_store %arg17[%swap3A_1139, %swap3A_1140], %mul3A_1138 {strides = array<i32>} : memref<64x128xf32, #tpu.memory_space<vmem>>, vector<16xf32>,
        %get3A_1142 = arith.index_cast %add3A_1104 : i32 to index
        %get3A_1143 = arith.constant 80 : index
        %get3A_1144 = tpu.vector_load %arg17[%get3A_1142, %get3A_1143] {strides = array<i32>} : memref<64x128xf32, #tpu.memory_space<vmem>>, vector<16xf32>,
        %mul3A_1145 = arith.mulf %get3A_1144, %gather3A_1106 : vector<16xf32>
        %swap3A_1146 = arith.index_cast %add3A_1104 : i32 to index
        %swap3A_1147 = arith.constant 80 : index
        %swap3A_1148 = tpu.vector_load %arg17[%swap3A_1146, %swap3A_1147] {strides = array<i32>} : memref<64x128xf32, #tpu.memory_space<vmem>>, vector<16xf32>,
        tpu.vector_store %arg17[%swap3A_1146, %swap3A_1147], %mul3A_1145 {strides = array<i32>} : memref<64x128xf32, #tpu.memory_space<vmem>>, vector<16xf32>,
        %get3A_1149 = arith.index_cast %add3A_1104 : i32 to index
        %get3A_1150 = arith.constant 96 : index
        %get3A_1151 = tpu.vector_load %arg17[%get3A_1149, %get3A_1150] {strides = array<i32>} : memref<64x128xf32, #tpu.memory_space<vmem>>, vector<16xf32>,
        %mul3A_1152 = arith.mulf %get3A_1151, %gather3A_1106 : vector<16xf32>
        %swap3A_1153 = arith.index_cast %add3A_1104 : i32 to index
        %swap3A_1154 = arith.constant 96 : index
        %swap3A_1155 = tpu.vector_load %arg17[%swap3A_1153, %swap3A_1154] {strides = array<i32>} : memref<64x128xf32, #tpu.memory_space<vmem>>, vector<16xf32>,
        tpu.vector_store %arg17[%swap3A_1153, %swap3A_1154], %mul3A_1152 {strides = array<i32>} : memref<64x128xf32, #tpu.memory_space<vmem>>, vector<16xf32>,
        %get3A_1156 = arith.index_cast %add3A_1104 : i32 to index
        %get3A_1157 = arith.constant 112 : index
        %get3A_1158 = tpu.vector_load %arg17[%get3A_1156, %get3A_1157] {strides = array<i32>} : memref<64x128xf32, #tpu.memory_space<vmem>>, vector<16xf32>,
        %mul3A_1159 = arith.mulf %get3A_1158, %gather3A_1106 : vector<16xf32>
        %swap3A_1160 = arith.index_cast %add3A_1104 : i32 to index
        %swap3A_1161 = arith.constant 112 : index
        %swap3A_1162 = tpu.vector_load %arg17[%swap3A_1160, %swap3A_1161] {strides = array<i32>} : memref<64x128xf32, #tpu.memory_space<vmem>>, vector<16xf32>,
        tpu.vector_store %arg17[%swap3A_1160, %swap3A_1161], %mul3A_1159 {strides = array<i32>} : memref<64x128xf32, #tpu.memory_space<vmem>>, vector<16xf32>,
        %scan3A_1163 = arith.constant 0 : i32
        scf.yield %scan3A_1163 : i32
      }
      %scan3A_455 = arith.constant 16 : i32
      %dma_start3A_456 = arith.constant 0 : i32
      %dma_start3A_457 = arith.constant 0 : i32
      %dma_start3A_458 = tpu.memref_slice %arg8[%dma_start3A_456, %dma_start3A_457] : memref<10240x128xf32, #tpu.memory_space<vmem_shared>> -> memref<10240x128xf32, #tpu.memory_space<vmem_shared>>
      tpu.enqueue_indirect_dma source(%arg17 : memref<64x128xf32, #tpu.memory_space<vmem>>) target(%dma_start3A_458 : memref<10240x128xf32, #tpu.memory_space<vmem_shared>>) offsets(%arg14 : memref<64xi32, #tpu.memory_space<vmem>>) semaphore(%arg36 : memref<!tpu.dma_semaphore, #tpu.memory_space<semaphore_mem>>) {add = true}
      %dma_start3A_459 = arith.constant 0 : i32
      %dma_start3A_460 = tpu.memref_slice %arg9[%dma_start3A_459] : memref<10240xf32, #tpu.memory_space<vmem_shared>> -> memref<10240xf32, #tpu.memory_space<vmem_shared>>
      tpu.enqueue_indirect_dma source(%arg26 : memref<64xf32, #tpu.memory_space<vmem>>) target(%dma_start3A_460 : memref<10240xf32, #tpu.memory_space<vmem_shared>>) offsets(%arg14 : memref<64xi32, #tpu.memory_space<vmem>>) semaphore(%arg39 : memref<!tpu.dma_semaphore, #tpu.memory_space<semaphore_mem>>) {add = true}
      %mul3A_461 = arith.constant 3 : i32
      %mul3A_462 = arith.muli %while3A_245, %mul3A_461 : i32
      %add3A_463 = arith.constant 1 : i32
      %add3A_464 = arith.addi %mul3A_462, %add3A_463 : i32
      %dma_wait3A_465 = arith.constant 0 : i32
      %dma_wait3A_466 = arith.constant 0 : i32
      %dma_wait3A_467 = tpu.memref_slice %arg5[%dma_wait3A_465, %dma_wait3A_466] : memref<10000x128xf32, #tpu.memory_space<hbm>> -> memref<64x128xf32, #tpu.memory_space<hbm>>
      %dma_wait3A_468 = arith.constant 0 : i32
      %dma_wait3A_469 = arith.constant 0 : i32
      %dma_wait3A_470 = tpu.memref_slice %arg5[%dma_wait3A_468, %dma_wait3A_469] : memref<10000x128xf32, #tpu.memory_space<hbm>> -> memref<64x128xf32, #tpu.memory_space<hbm>>
      tpu.wait_dma2 semaphore(%arg31 : memref<!tpu.dma_semaphore, #tpu.memory_space<semaphore_mem>>) src(%dma_wait3A_470 : memref<64x128xf32, #tpu.memory_space<hbm>>) dst(%arg18 : memref<64x128xf32, #tpu.memory_space<vmem>>)
      %dma_wait3A_471 = arith.constant 0 : i32
      %dma_wait3A_472 = tpu.memref_slice %arg3[%dma_wait3A_471] : memref<10240xf32, #tpu.memory_space<hbm>> -> memref<64xf32, #tpu.memory_space<hbm>>
      %dma_wait3A_473 = arith.constant 0 : i32
      %dma_wait3A_474 = tpu.memref_slice %arg3[%dma_wait3A_473] : memref<10240xf32, #tpu.memory_space<hbm>> -> memref<64xf32, #tpu.memory_space<hbm>>
      tpu.wait_dma2 semaphore(%arg34 : memref<!tpu.dma_semaphore, #tpu.memory_space<semaphore_mem>>) src(%dma_wait3A_474 : memref<64xf32, #tpu.memory_space<hbm>>) dst(%arg21 : memref<64xf32, #tpu.memory_space<vmem>>)
      %dma_wait3A_475 = arith.constant 0 : i32
      %dma_wait3A_476 = tpu.memref_slice %arg3[%dma_wait3A_475] : memref<10240xf32, #tpu.memory_space<hbm>> -> memref<64xf32, #tpu.memory_space<hbm>>
      %dma_wait3A_477 = arith.constant 0 : i32
      %dma_wait3A_478 = tpu.memref_slice %arg3[%dma_wait3A_477] : memref<10240xf32, #tpu.memory_space<hbm>> -> memref<64xf32, #tpu.memory_space<hbm>>
      tpu.wait_dma2 semaphore(%arg34 : memref<!tpu.dma_semaphore, #tpu.memory_space<semaphore_mem>>) src(%dma_wait3A_478 : memref<64xf32, #tpu.memory_space<hbm>>) dst(%arg24 : memref<64xf32, #tpu.memory_space<vmem>>)
      %dma_wait3A_479 = arith.constant 0 : i32
      %dma_wait3A_480 = arith.constant 0 : i32
      %dma_wait3A_481 = tpu.memref_slice %arg5[%dma_wait3A_479, %dma_wait3A_480] : memref<10000x128xf32, #tpu.memory_space<hbm>> -> memref<64x128xf32, #tpu.memory_space<hbm>>
      %dma_wait3A_482 = arith.constant 0 : i32
      %dma_wait3A_483 = arith.constant 0 : i32
      %dma_wait3A_484 = tpu.memref_slice %arg5[%dma_wait3A_482, %dma_wait3A_483] : memref<10000x128xf32, #tpu.memory_space<hbm>> -> memref<64x128xf32, #tpu.memory_space<hbm>>
      tpu.wait_dma2 semaphore(%arg36 : memref<!tpu.dma_semaphore, #tpu.memory_space<semaphore_mem>>) src(%dma_wait3A_484 : memref<64x128xf32, #tpu.memory_space<hbm>>) dst(%arg17 : memref<64x128xf32, #tpu.memory_space<vmem>>)
      %dma_wait3A_485 = arith.constant 0 : i32
      %dma_wait3A_486 = tpu.memref_slice %arg3[%dma_wait3A_485] : memref<10240xf32, #tpu.memory_space<hbm>> -> memref<64xf32, #tpu.memory_space<hbm>>
      %dma_wait3A_487 = arith.constant 0 : i32
      %dma_wait3A_488 = tpu.memref_slice %arg3[%dma_wait3A_487] : memref<10240xf32, #tpu.memory_space<hbm>> -> memref<64xf32, #tpu.memory_space<hbm>>
      tpu.wait_dma2 semaphore(%arg39 : memref<!tpu.dma_semaphore, #tpu.memory_space<semaphore_mem>>) src(%dma_wait3A_488 : memref<64xf32, #tpu.memory_space<hbm>>) dst(%arg26 : memref<64xf32, #tpu.memory_space<vmem>>)
      %add3A_489 = arith.constant 3 : i32
      %add3A_490 = arith.addi %add3A_464, %add3A_489 : i32
      %sub3A_491 = arith.constant 1 : i32
      %sub3A_492 = arith.subi %add3A_490, %sub3A_491 : i32
      %mul3A_493 = arith.constant 64 : i32
      %mul3A_494 = arith.muli %sub3A_492, %mul3A_493 : i32
      %add3A_495 = arith.constant 0 : i32
      %add3A_496 = arith.addi %mul3A_494, %add3A_495 : i32
      %get3A_497 = arith.index_cast %add3A_496 : i32 to index
      %get3A_498 = tpu.vector_load %arg10[%get3A_497] {strides = array<i32>} : memref<14784xi32, #tpu.memory_space<vmem>>, vector<16xi32>,
      %and3A_499 = arith.constant 16383 : i32
      %and3A_500 = vector.broadcast %and3A_499 : i32 to vector<16xi32>
      %and3A_501 = arith.andi %get3A_498, %and3A_500 : vector<16xi32>
      %swap3A_502 = arith.constant 0 : index
      %swap3A_503 = tpu.vector_load %arg11[%swap3A_502] {strides = array<i32>} : memref<64xi32, #tpu.memory_space<vmem>>, vector<16xi32>,
      tpu.vector_store %arg11[%swap3A_502], %and3A_501 {strides = array<i32>} : memref<64xi32, #tpu.memory_space<vmem>>, vector<16xi32>,
      %shift_right_logical3A_504 = arith.constant 14 : i32
      %shift_right_logical3A_505 = vector.broadcast %shift_right_logical3A_504 : i32 to vector<16xi32>
      %shift_right_logical3A_506 = arith.shrui %get3A_498, %shift_right_logical3A_505 : vector<16xi32>
      %swap3A_507 = arith.constant 0 : index
      %swap3A_508 = tpu.vector_load %arg14[%swap3A_507] {strides = array<i32>} : memref<64xi32, #tpu.memory_space<vmem>>, vector<16xi32>,
      tpu.vector_store %arg14[%swap3A_507], %shift_right_logical3A_506 {strides = array<i32>} : memref<64xi32, #tpu.memory_space<vmem>>, vector<16xi32>,
      %mul3A_509 = arith.constant 64 : i32
      %mul3A_510 = arith.muli %sub3A_492, %mul3A_509 : i32
      %add3A_511 = arith.constant 16 : i32
      %add3A_512 = arith.addi %mul3A_510, %add3A_511 : i32
      %get3A_513 = arith.index_cast %add3A_512 : i32 to index
      %get3A_514 = tpu.vector_load %arg10[%get3A_513] {strides = array<i32>} : memref<14784xi32, #tpu.memory_space<vmem>>, vector<16xi32>,
      %and3A_515 = arith.constant 16383 : i32
      %and3A_516 = vector.broadcast %and3A_515 : i32 to vector<16xi32>
      %and3A_517 = arith.andi %get3A_514, %and3A_516 : vector<16xi32>
      %swap3A_518 = arith.constant 16 : index
      %swap3A_519 = tpu.vector_load %arg11[%swap3A_518] {strides = array<i32>} : memref<64xi32, #tpu.memory_space<vmem>>, vector<16xi32>,
      tpu.vector_store %arg11[%swap3A_518], %and3A_517 {strides = array<i32>} : memref<64xi32, #tpu.memory_space<vmem>>, vector<16xi32>,
      %shift_right_logical3A_520 = arith.constant 14 : i32
      %shift_right_logical3A_521 = vector.broadcast %shift_right_logical3A_520 : i32 to vector<16xi32>
      %shift_right_logical3A_522 = arith.shrui %get3A_514, %shift_right_logical3A_521 : vector<16xi32>
      %swap3A_523 = arith.constant 16 : index
      %swap3A_524 = tpu.vector_load %arg14[%swap3A_523] {strides = array<i32>} : memref<64xi32, #tpu.memory_space<vmem>>, vector<16xi32>,
      tpu.vector_store %arg14[%swap3A_523], %shift_right_logical3A_522 {strides = array<i32>} : memref<64xi32, #tpu.memory_space<vmem>>, vector<16xi32>,
      %mul3A_525 = arith.constant 64 : i32
      %mul3A_526 = arith.muli %sub3A_492, %mul3A_525 : i32
      %add3A_527 = arith.constant 32 : i32
      %add3A_528 = arith.addi %mul3A_526, %add3A_527 : i32
      %get3A_529 = arith.index_cast %add3A_528 : i32 to index
      %get3A_530 = tpu.vector_load %arg10[%get3A_529] {strides = array<i32>} : memref<14784xi32, #tpu.memory_space<vmem>>, vector<16xi32>,
      %and3A_531 = arith.constant 16383 : i32
      %and3A_532 = vector.broadcast %and3A_531 : i32 to vector<16xi32>
      %and3A_533 = arith.andi %get3A_530, %and3A_532 : vector<16xi32>
      %swap3A_534 = arith.constant 32 : index
      %swap3A_535 = tpu.vector_load %arg11[%swap3A_534] {strides = array<i32>} : memref<64xi32, #tpu.memory_space<vmem>>, vector<16xi32>,
      tpu.vector_store %arg11[%swap3A_534], %and3A_533 {strides = array<i32>} : memref<64xi32, #tpu.memory_space<vmem>>, vector<16xi32>,
      %shift_right_logical3A_536 = arith.constant 14 : i32
      %shift_right_logical3A_537 = vector.broadcast %shift_right_logical3A_536 : i32 to vector<16xi32>
      %shift_right_logical3A_538 = arith.shrui %get3A_530, %shift_right_logical3A_537 : vector<16xi32>
      %swap3A_539 = arith.constant 32 : index
      %swap3A_540 = tpu.vector_load %arg14[%swap3A_539] {strides = array<i32>} : memref<64xi32, #tpu.memory_space<vmem>>, vector<16xi32>,
      tpu.vector_store %arg14[%swap3A_539], %shift_right_logical3A_538 {strides = array<i32>} : memref<64xi32, #tpu.memory_space<vmem>>, vector<16xi32>,
      %mul3A_541 = arith.constant 64 : i32
      %mul3A_542 = arith.muli %sub3A_492, %mul3A_541 : i32
      %add3A_543 = arith.constant 48 : i32
      %add3A_544 = arith.addi %mul3A_542, %add3A_543 : i32
      %get3A_545 = arith.index_cast %add3A_544 : i32 to index
      %get3A_546 = tpu.vector_load %arg10[%get3A_545] {strides = array<i32>} : memref<14784xi32, #tpu.memory_space<vmem>>, vector<16xi32>,
      %and3A_547 = arith.constant 16383 : i32
      %and3A_548 = vector.broadcast %and3A_547 : i32 to vector<16xi32>
      %and3A_549 = arith.andi %get3A_546, %and3A_548 : vector<16xi32>
      %swap3A_550 = arith.constant 48 : index
      %swap3A_551 = tpu.vector_load %arg11[%swap3A_550] {strides = array<i32>} : memref<64xi32, #tpu.memory_space<vmem>>, vector<16xi32>,
      tpu.vector_store %arg11[%swap3A_550], %and3A_549 {strides = array<i32>} : memref<64xi32, #tpu.memory_space<vmem>>, vector<16xi32>,
      %shift_right_logical3A_552 = arith.constant 14 : i32
      %shift_right_logical3A_553 = vector.broadcast %shift_right_logical3A_552 : i32 to vector<16xi32>
      %shift_right_logical3A_554 = arith.shrui %get3A_546, %shift_right_logical3A_553 : vector<16xi32>
      %swap3A_555 = arith.constant 48 : index
      %swap3A_556 = tpu.vector_load %arg14[%swap3A_555] {strides = array<i32>} : memref<64xi32, #tpu.memory_space<vmem>>, vector<16xi32>,
      tpu.vector_store %arg14[%swap3A_555], %shift_right_logical3A_554 {strides = array<i32>} : memref<64xi32, #tpu.memory_space<vmem>>, vector<16xi32>,
      %add3A_557 = arith.constant 3 : i32
      %add3A_558 = arith.addi %add3A_464, %add3A_557 : i32
      %sub3A_559 = arith.constant 1 : i32
      %sub3A_560 = arith.subi %add3A_558, %sub3A_559 : i32
      %dma_start3A_561 = arith.constant 0 : i32
      %dma_start3A_562 = arith.constant 0 : i32
      %dma_start3A_563 = tpu.memref_slice %arg5[%dma_start3A_561, %dma_start3A_562] : memref<10000x128xf32, #tpu.memory_space<hbm>> -> memref<10000x128xf32, #tpu.memory_space<hbm>>
      tpu.enqueue_indirect_dma source(%dma_start3A_563 : memref<10000x128xf32, #tpu.memory_space<hbm>>) target(%arg17 : memref<64x128xf32, #tpu.memory_space<vmem>>) offsets(%arg11 : memref<64xi32, #tpu.memory_space<vmem>>) semaphore(%arg30 : memref<!tpu.dma_semaphore, #tpu.memory_space<semaphore_mem>>)
      %dma_start3A_564 = arith.constant 0 : i32
      %dma_start3A_565 = tpu.memref_slice %arg3[%dma_start3A_564] : memref<10240xf32, #tpu.memory_space<hbm>> -> memref<10240xf32, #tpu.memory_space<hbm>>
      tpu.enqueue_indirect_dma source(%dma_start3A_565 : memref<10240xf32, #tpu.memory_space<hbm>>) target(%arg20 : memref<64xf32, #tpu.memory_space<vmem>>) offsets(%arg11 : memref<64xi32, #tpu.memory_space<vmem>>) semaphore(%arg33 : memref<!tpu.dma_semaphore, #tpu.memory_space<semaphore_mem>>)
      %dma_start3A_566 = arith.constant 0 : i32
      %dma_start3A_567 = tpu.memref_slice %arg4[%dma_start3A_566] : memref<10240xf32, #tpu.memory_space<hbm>> -> memref<10240xf32, #tpu.memory_space<hbm>>
      tpu.enqueue_indirect_dma source(%dma_start3A_567 : memref<10240xf32, #tpu.memory_space<hbm>>) target(%arg23 : memref<64xf32, #tpu.memory_space<vmem>>) offsets(%arg14 : memref<64xi32, #tpu.memory_space<vmem>>) semaphore(%arg33 : memref<!tpu.dma_semaphore, #tpu.memory_space<semaphore_mem>>)
      %mul3A_568 = arith.constant 64 : i32
      %mul3A_569 = arith.muli %add3A_464, %mul3A_568 : i32
      %add3A_570 = arith.addi %mul3A_51, %mul3A_569 : i32
      %get3A_571 = arith.constant 0 : index
      %get3A_572 = tpu.vector_load %arg21[%get3A_571] {strides = array<i32>} : memref<64xf32, #tpu.memory_space<vmem>>, vector<16xf32>,
      %get3A_573 = arith.constant 0 : index
      %get3A_574 = tpu.vector_load %arg24[%get3A_573] {strides = array<i32>} : memref<64xf32, #tpu.memory_space<vmem>>, vector<16xf32>,
      %add3A_575 = arith.addf %get3A_572, %get3A_574 : vector<16xf32>
      %ge3A_576 = arith.constant 0.000000e+00 : f32
      %ge3A_577 = vector.broadcast %ge3A_576 : f32 to vector<16xf32>
      %ge3A_578 = arith.cmpf oge, %add3A_575, %ge3A_577 : vector<16xf32>
      %mul3A_579 = arith.constant 2.000000e-01 : f32
      %mul3A_580 = vector.broadcast %mul3A_579 : f32 to vector<16xf32>
      %mul3A_581 = arith.mulf %mul3A_580, %add3A_575 : vector<16xf32>
      %select_n3A_582 = arith.select %ge3A_578, %add3A_575, %mul3A_581 : vector<16xi1>, vector<16xf32>
      %exp3A_583 = math.exp %select_n3A_582 : vector<16xf32>
      %add3A_584 = arith.constant 0 : i32
      %add3A_585 = arith.addi %add3A_570, %add3A_584 : i32
      %iota3A_586 = tpu.iota {dimensions = array<i32: 0>} : vector<16xi32>
      %add3A_587 = vector.broadcast %add3A_585 : i32 to vector<16xi32>
      %add3A_588 = arith.addi %add3A_587, %iota3A_586 : vector<16xi32>
      %lt3A_589 = arith.constant 330000 : i32
      %lt3A_590 = vector.broadcast %lt3A_589 : i32 to vector<16xi32>
      %lt3A_591 = arith.cmpi slt, %add3A_588, %lt3A_590 : vector<16xi32>
      %jit3A_592 = arith.constant 0.000000e+00 : f32
      %broadcast_in_dim3A_593 = vector.broadcast %jit3A_592 : f32 to vector<16xf32>
      %select_n3A_594 = arith.select %lt3A_591, %exp3A_583, %broadcast_in_dim3A_593 : vector<16xi1>, vector<16xf32>
      %swap3A_595 = arith.constant 0 : index
      %swap3A_596 = tpu.vector_load %arg27[%swap3A_595] {strides = array<i32>} : memref<64xf32, #tpu.memory_space<vmem>>, vector<16xf32>,
      tpu.vector_store %arg27[%swap3A_595], %select_n3A_594 {strides = array<i32>} : memref<64xf32, #tpu.memory_space<vmem>>, vector<16xf32>,
      %get3A_597 = arith.constant 16 : index
      %get3A_598 = tpu.vector_load %arg21[%get3A_597] {strides = array<i32>} : memref<64xf32, #tpu.memory_space<vmem>>, vector<16xf32>,
      %get3A_599 = arith.constant 16 : index
      %get3A_600 = tpu.vector_load %arg24[%get3A_599] {strides = array<i32>} : memref<64xf32, #tpu.memory_space<vmem>>, vector<16xf32>,
      %add3A_601 = arith.addf %get3A_598, %get3A_600 : vector<16xf32>
      %ge3A_602 = arith.constant 0.000000e+00 : f32
      %ge3A_603 = vector.broadcast %ge3A_602 : f32 to vector<16xf32>
      %ge3A_604 = arith.cmpf oge, %add3A_601, %ge3A_603 : vector<16xf32>
      %mul3A_605 = arith.constant 2.000000e-01 : f32
      %mul3A_606 = vector.broadcast %mul3A_605 : f32 to vector<16xf32>
      %mul3A_607 = arith.mulf %mul3A_606, %add3A_601 : vector<16xf32>
      %select_n3A_608 = arith.select %ge3A_604, %add3A_601, %mul3A_607 : vector<16xi1>, vector<16xf32>
      %exp3A_609 = math.exp %select_n3A_608 : vector<16xf32>
      %add3A_610 = arith.constant 16 : i32
      %add3A_611 = arith.addi %add3A_570, %add3A_610 : i32
      %iota3A_612 = tpu.iota {dimensions = array<i32: 0>} : vector<16xi32>
      %add3A_613 = vector.broadcast %add3A_611 : i32 to vector<16xi32>
      %add3A_614 = arith.addi %add3A_613, %iota3A_612 : vector<16xi32>
      %lt3A_615 = arith.constant 330000 : i32
      %lt3A_616 = vector.broadcast %lt3A_615 : i32 to vector<16xi32>
      %lt3A_617 = arith.cmpi slt, %add3A_614, %lt3A_616 : vector<16xi32>
      %jit3A_618 = arith.constant 0.000000e+00 : f32
      %broadcast_in_dim3A_619 = vector.broadcast %jit3A_618 : f32 to vector<16xf32>
      %select_n3A_620 = arith.select %lt3A_617, %exp3A_609, %broadcast_in_dim3A_619 : vector<16xi1>, vector<16xf32>
      %swap3A_621 = arith.constant 16 : index
      %swap3A_622 = tpu.vector_load %arg27[%swap3A_621] {strides = array<i32>} : memref<64xf32, #tpu.memory_space<vmem>>, vector<16xf32>,
      tpu.vector_store %arg27[%swap3A_621], %select_n3A_620 {strides = array<i32>} : memref<64xf32, #tpu.memory_space<vmem>>, vector<16xf32>,
      %get3A_623 = arith.constant 32 : index
      %get3A_624 = tpu.vector_load %arg21[%get3A_623] {strides = array<i32>} : memref<64xf32, #tpu.memory_space<vmem>>, vector<16xf32>,
      %get3A_625 = arith.constant 32 : index
      %get3A_626 = tpu.vector_load %arg24[%get3A_625] {strides = array<i32>} : memref<64xf32, #tpu.memory_space<vmem>>, vector<16xf32>,
      %add3A_627 = arith.addf %get3A_624, %get3A_626 : vector<16xf32>
      %ge3A_628 = arith.constant 0.000000e+00 : f32
      %ge3A_629 = vector.broadcast %ge3A_628 : f32 to vector<16xf32>
      %ge3A_630 = arith.cmpf oge, %add3A_627, %ge3A_629 : vector<16xf32>
      %mul3A_631 = arith.constant 2.000000e-01 : f32
      %mul3A_632 = vector.broadcast %mul3A_631 : f32 to vector<16xf32>
      %mul3A_633 = arith.mulf %mul3A_632, %add3A_627 : vector<16xf32>
      %select_n3A_634 = arith.select %ge3A_630, %add3A_627, %mul3A_633 : vector<16xi1>, vector<16xf32>
      %exp3A_635 = math.exp %select_n3A_634 : vector<16xf32>
      %add3A_636 = arith.constant 32 : i32
      %add3A_637 = arith.addi %add3A_570, %add3A_636 : i32
      %iota3A_638 = tpu.iota {dimensions = array<i32: 0>} : vector<16xi32>
      %add3A_639 = vector.broadcast %add3A_637 : i32 to vector<16xi32>
      %add3A_640 = arith.addi %add3A_639, %iota3A_638 : vector<16xi32>
      %lt3A_641 = arith.constant 330000 : i32
      %lt3A_642 = vector.broadcast %lt3A_641 : i32 to vector<16xi32>
      %lt3A_643 = arith.cmpi slt, %add3A_640, %lt3A_642 : vector<16xi32>
      %jit3A_644 = arith.constant 0.000000e+00 : f32
      %broadcast_in_dim3A_645 = vector.broadcast %jit3A_644 : f32 to vector<16xf32>
      %select_n3A_646 = arith.select %lt3A_643, %exp3A_635, %broadcast_in_dim3A_645 : vector<16xi1>, vector<16xf32>
      %swap3A_647 = arith.constant 32 : index
      %swap3A_648 = tpu.vector_load %arg27[%swap3A_647] {strides = array<i32>} : memref<64xf32, #tpu.memory_space<vmem>>, vector<16xf32>,
      tpu.vector_store %arg27[%swap3A_647], %select_n3A_646 {strides = array<i32>} : memref<64xf32, #tpu.memory_space<vmem>>, vector<16xf32>,
      %get3A_649 = arith.constant 48 : index
      %get3A_650 = tpu.vector_load %arg21[%get3A_649] {strides = array<i32>} : memref<64xf32, #tpu.memory_space<vmem>>, vector<16xf32>,
      %get3A_651 = arith.constant 48 : index
      %get3A_652 = tpu.vector_load %arg24[%get3A_651] {strides = array<i32>} : memref<64xf32, #tpu.memory_space<vmem>>, vector<16xf32>,
      %add3A_653 = arith.addf %get3A_650, %get3A_652 : vector<16xf32>
      %ge3A_654 = arith.constant 0.000000e+00 : f32
      %ge3A_655 = vector.broadcast %ge3A_654 : f32 to vector<16xf32>
      %ge3A_656 = arith.cmpf oge, %add3A_653, %ge3A_655 : vector<16xf32>
      %mul3A_657 = arith.constant 2.000000e-01 : f32
      %mul3A_658 = vector.broadcast %mul3A_657 : f32 to vector<16xf32>
      %mul3A_659 = arith.mulf %mul3A_658, %add3A_653 : vector<16xf32>
      %select_n3A_660 = arith.select %ge3A_656, %add3A_653, %mul3A_659 : vector<16xi1>, vector<16xf32>
      %exp3A_661 = math.exp %select_n3A_660 : vector<16xf32>
      %add3A_662 = arith.constant 48 : i32
      %add3A_663 = arith.addi %add3A_570, %add3A_662 : i32
      %iota3A_664 = tpu.iota {dimensions = array<i32: 0>} : vector<16xi32>
      %add3A_665 = vector.broadcast %add3A_663 : i32 to vector<16xi32>
      %add3A_666 = arith.addi %add3A_665, %iota3A_664 : vector<16xi32>
      %lt3A_667 = arith.constant 330000 : i32
      %lt3A_668 = vector.broadcast %lt3A_667 : i32 to vector<16xi32>
      %lt3A_669 = arith.cmpi slt, %add3A_666, %lt3A_668 : vector<16xi32>
      %jit3A_670 = arith.constant 0.000000e+00 : f32
      %broadcast_in_dim3A_671 = vector.broadcast %jit3A_670 : f32 to vector<16xf32>
      %select_n3A_672 = arith.select %lt3A_669, %exp3A_661, %broadcast_in_dim3A_671 : vector<16xi1>, vector<16xf32>
      %swap3A_673 = arith.constant 48 : index
      %swap3A_674 = tpu.vector_load %arg27[%swap3A_673] {strides = array<i32>} : memref<64xf32, #tpu.memory_space<vmem>>, vector<16xf32>,
      tpu.vector_store %arg27[%swap3A_673], %select_n3A_672 {strides = array<i32>} : memref<64xf32, #tpu.memory_space<vmem>>, vector<16xf32>,
      %scan3A_675 = arith.constant 0 : i32
      %scan3A_676 = arith.constant 0 : i32
      %scan3A_677 = arith.constant 16 : i32
      %scan3A_678 = arith.addi %scan3A_676, %scan3A_677 : i32
      %scan3A_679 = arith.constant 1 : i32
      %scan3A_680 = scf.for %scan3A_914 = %scan3A_676 to %scan3A_678 step %scan3A_679 iter_args(%scan3A_915 = %scan3A_675) -> (i32)  : i32 {
        %mul3A_916 = arith.constant 4 : i32
        %mul3A_917 = arith.muli %scan3A_914, %mul3A_916 : i32
        %add3A_918 = arith.constant 0 : i32
        %add3A_919 = arith.addi %mul3A_917, %add3A_918 : i32
        %broadcast_in_dim3A_920 = vector.broadcast %add3A_919 : i32 to vector<16xi32>
        %gather3A = tpu.vector_load_idx %arg27[%broadcast_in_dim3A_920] : memref<64xf32, #tpu.memory_space<vmem>>[vector<16xi32>], vector<16xf32>,
        %get3A_921 = arith.index_cast %add3A_919 : i32 to index
        %get3A_922 = arith.constant 0 : index
        %get3A_923 = tpu.vector_load %arg18[%get3A_921, %get3A_922] {strides = array<i32>} : memref<64x128xf32, #tpu.memory_space<vmem>>, vector<16xf32>,
        %mul3A_924 = arith.mulf %get3A_923, %gather3A : vector<16xf32>
        %swap3A_925 = arith.index_cast %add3A_919 : i32 to index
        %swap3A_926 = arith.constant 0 : index
        %swap3A_927 = tpu.vector_load %arg18[%swap3A_925, %swap3A_926] {strides = array<i32>} : memref<64x128xf32, #tpu.memory_space<vmem>>, vector<16xf32>,
        tpu.vector_store %arg18[%swap3A_925, %swap3A_926], %mul3A_924 {strides = array<i32>} : memref<64x128xf32, #tpu.memory_space<vmem>>, vector<16xf32>,
        %get3A_928 = arith.index_cast %add3A_919 : i32 to index
        %get3A_929 = arith.constant 16 : index
        %get3A_930 = tpu.vector_load %arg18[%get3A_928, %get3A_929] {strides = array<i32>} : memref<64x128xf32, #tpu.memory_space<vmem>>, vector<16xf32>,
        %mul3A_931 = arith.mulf %get3A_930, %gather3A : vector<16xf32>
        %swap3A_932 = arith.index_cast %add3A_919 : i32 to index
        %swap3A_933 = arith.constant 16 : index
        %swap3A_934 = tpu.vector_load %arg18[%swap3A_932, %swap3A_933] {strides = array<i32>} : memref<64x128xf32, #tpu.memory_space<vmem>>, vector<16xf32>,
        tpu.vector_store %arg18[%swap3A_932, %swap3A_933], %mul3A_931 {strides = array<i32>} : memref<64x128xf32, #tpu.memory_space<vmem>>, vector<16xf32>,
        %get3A_935 = arith.index_cast %add3A_919 : i32 to index
        %get3A_936 = arith.constant 32 : index
        %get3A_937 = tpu.vector_load %arg18[%get3A_935, %get3A_936] {strides = array<i32>} : memref<64x128xf32, #tpu.memory_space<vmem>>, vector<16xf32>,
        %mul3A_938 = arith.mulf %get3A_937, %gather3A : vector<16xf32>
        %swap3A_939 = arith.index_cast %add3A_919 : i32 to index
        %swap3A_940 = arith.constant 32 : index
        %swap3A_941 = tpu.vector_load %arg18[%swap3A_939, %swap3A_940] {strides = array<i32>} : memref<64x128xf32, #tpu.memory_space<vmem>>, vector<16xf32>,
        tpu.vector_store %arg18[%swap3A_939, %swap3A_940], %mul3A_938 {strides = array<i32>} : memref<64x128xf32, #tpu.memory_space<vmem>>, vector<16xf32>,
        %get3A_942 = arith.index_cast %add3A_919 : i32 to index
        %get3A_943 = arith.constant 48 : index
        %get3A_944 = tpu.vector_load %arg18[%get3A_942, %get3A_943] {strides = array<i32>} : memref<64x128xf32, #tpu.memory_space<vmem>>, vector<16xf32>,
        %mul3A_945 = arith.mulf %get3A_944, %gather3A : vector<16xf32>
        %swap3A_946 = arith.index_cast %add3A_919 : i32 to index
        %swap3A_947 = arith.constant 48 : index
        %swap3A_948 = tpu.vector_load %arg18[%swap3A_946, %swap3A_947] {strides = array<i32>} : memref<64x128xf32, #tpu.memory_space<vmem>>, vector<16xf32>,
        tpu.vector_store %arg18[%swap3A_946, %swap3A_947], %mul3A_945 {strides = array<i32>} : memref<64x128xf32, #tpu.memory_space<vmem>>, vector<16xf32>,
        %get3A_949 = arith.index_cast %add3A_919 : i32 to index
        %get3A_950 = arith.constant 64 : index
        %get3A_951 = tpu.vector_load %arg18[%get3A_949, %get3A_950] {strides = array<i32>} : memref<64x128xf32, #tpu.memory_space<vmem>>, vector<16xf32>,
        %mul3A_952 = arith.mulf %get3A_951, %gather3A : vector<16xf32>
        %swap3A_953 = arith.index_cast %add3A_919 : i32 to index
        %swap3A_954 = arith.constant 64 : index
        %swap3A_955 = tpu.vector_load %arg18[%swap3A_953, %swap3A_954] {strides = array<i32>} : memref<64x128xf32, #tpu.memory_space<vmem>>, vector<16xf32>,
        tpu.vector_store %arg18[%swap3A_953, %swap3A_954], %mul3A_952 {strides = array<i32>} : memref<64x128xf32, #tpu.memory_space<vmem>>, vector<16xf32>,
        %get3A_956 = arith.index_cast %add3A_919 : i32 to index
        %get3A_957 = arith.constant 80 : index
        %get3A_958 = tpu.vector_load %arg18[%get3A_956, %get3A_957] {strides = array<i32>} : memref<64x128xf32, #tpu.memory_space<vmem>>, vector<16xf32>,
        %mul3A_959 = arith.mulf %get3A_958, %gather3A : vector<16xf32>
        %swap3A_960 = arith.index_cast %add3A_919 : i32 to index
        %swap3A_961 = arith.constant 80 : index
        %swap3A_962 = tpu.vector_load %arg18[%swap3A_960, %swap3A_961] {strides = array<i32>} : memref<64x128xf32, #tpu.memory_space<vmem>>, vector<16xf32>,
        tpu.vector_store %arg18[%swap3A_960, %swap3A_961], %mul3A_959 {strides = array<i32>} : memref<64x128xf32, #tpu.memory_space<vmem>>, vector<16xf32>,
        %get3A_963 = arith.index_cast %add3A_919 : i32 to index
        %get3A_964 = arith.constant 96 : index
        %get3A_965 = tpu.vector_load %arg18[%get3A_963, %get3A_964] {strides = array<i32>} : memref<64x128xf32, #tpu.memory_space<vmem>>, vector<16xf32>,
        %mul3A_966 = arith.mulf %get3A_965, %gather3A : vector<16xf32>
        %swap3A_967 = arith.index_cast %add3A_919 : i32 to index
        %swap3A_968 = arith.constant 96 : index
        %swap3A_969 = tpu.vector_load %arg18[%swap3A_967, %swap3A_968] {strides = array<i32>} : memref<64x128xf32, #tpu.memory_space<vmem>>, vector<16xf32>,
        tpu.vector_store %arg18[%swap3A_967, %swap3A_968], %mul3A_966 {strides = array<i32>} : memref<64x128xf32, #tpu.memory_space<vmem>>, vector<16xf32>,
        %get3A_970 = arith.index_cast %add3A_919 : i32 to index
        %get3A_971 = arith.constant 112 : index
        %get3A_972 = tpu.vector_load %arg18[%get3A_970, %get3A_971] {strides = array<i32>} : memref<64x128xf32, #tpu.memory_space<vmem>>, vector<16xf32>,
        %mul3A_973 = arith.mulf %get3A_972, %gather3A : vector<16xf32>
        %swap3A_974 = arith.index_cast %add3A_919 : i32 to index
        %swap3A_975 = arith.constant 112 : index
        %swap3A_976 = tpu.vector_load %arg18[%swap3A_974, %swap3A_975] {strides = array<i32>} : memref<64x128xf32, #tpu.memory_space<vmem>>, vector<16xf32>,
        tpu.vector_store %arg18[%swap3A_974, %swap3A_975], %mul3A_973 {strides = array<i32>} : memref<64x128xf32, #tpu.memory_space<vmem>>, vector<16xf32>,
        %mul3A_977 = arith.constant 4 : i32
        %mul3A_978 = arith.muli %scan3A_914, %mul3A_977 : i32
        %add3A_979 = arith.constant 1 : i32
        %add3A_980 = arith.addi %mul3A_978, %add3A_979 : i32
        %broadcast_in_dim3A_981 = vector.broadcast %add3A_980 : i32 to vector<16xi32>
        %gather3A_982 = tpu.vector_load_idx %arg27[%broadcast_in_dim3A_981] : memref<64xf32, #tpu.memory_space<vmem>>[vector<16xi32>], vector<16xf32>,
        %get3A_983 = arith.index_cast %add3A_980 : i32 to index
        %get3A_984 = arith.constant 0 : index
        %get3A_985 = tpu.vector_load %arg18[%get3A_983, %get3A_984] {strides = array<i32>} : memref<64x128xf32, #tpu.memory_space<vmem>>, vector<16xf32>,
        %mul3A_986 = arith.mulf %get3A_985, %gather3A_982 : vector<16xf32>
        %swap3A_987 = arith.index_cast %add3A_980 : i32 to index
        %swap3A_988 = arith.constant 0 : index
        %swap3A_989 = tpu.vector_load %arg18[%swap3A_987, %swap3A_988] {strides = array<i32>} : memref<64x128xf32, #tpu.memory_space<vmem>>, vector<16xf32>,
        tpu.vector_store %arg18[%swap3A_987, %swap3A_988], %mul3A_986 {strides = array<i32>} : memref<64x128xf32, #tpu.memory_space<vmem>>, vector<16xf32>,
        %get3A_990 = arith.index_cast %add3A_980 : i32 to index
        %get3A_991 = arith.constant 16 : index
        %get3A_992 = tpu.vector_load %arg18[%get3A_990, %get3A_991] {strides = array<i32>} : memref<64x128xf32, #tpu.memory_space<vmem>>, vector<16xf32>,
        %mul3A_993 = arith.mulf %get3A_992, %gather3A_982 : vector<16xf32>
        %swap3A_994 = arith.index_cast %add3A_980 : i32 to index
        %swap3A_995 = arith.constant 16 : index
        %swap3A_996 = tpu.vector_load %arg18[%swap3A_994, %swap3A_995] {strides = array<i32>} : memref<64x128xf32, #tpu.memory_space<vmem>>, vector<16xf32>,
        tpu.vector_store %arg18[%swap3A_994, %swap3A_995], %mul3A_993 {strides = array<i32>} : memref<64x128xf32, #tpu.memory_space<vmem>>, vector<16xf32>,
        %get3A_997 = arith.index_cast %add3A_980 : i32 to index
        %get3A_998 = arith.constant 32 : index
        %get3A_999 = tpu.vector_load %arg18[%get3A_997, %get3A_998] {strides = array<i32>} : memref<64x128xf32, #tpu.memory_space<vmem>>, vector<16xf32>,
        %mul3A_1000 = arith.mulf %get3A_999, %gather3A_982 : vector<16xf32>
        %swap3A_1001 = arith.index_cast %add3A_980 : i32 to index
        %swap3A_1002 = arith.constant 32 : index
        %swap3A_1003 = tpu.vector_load %arg18[%swap3A_1001, %swap3A_1002] {strides = array<i32>} : memref<64x128xf32, #tpu.memory_space<vmem>>, vector<16xf32>,
        tpu.vector_store %arg18[%swap3A_1001, %swap3A_1002], %mul3A_1000 {strides = array<i32>} : memref<64x128xf32, #tpu.memory_space<vmem>>, vector<16xf32>,
        %get3A_1004 = arith.index_cast %add3A_980 : i32 to index
        %get3A_1005 = arith.constant 48 : index
        %get3A_1006 = tpu.vector_load %arg18[%get3A_1004, %get3A_1005] {strides = array<i32>} : memref<64x128xf32, #tpu.memory_space<vmem>>, vector<16xf32>,
        %mul3A_1007 = arith.mulf %get3A_1006, %gather3A_982 : vector<16xf32>
        %swap3A_1008 = arith.index_cast %add3A_980 : i32 to index
        %swap3A_1009 = arith.constant 48 : index
        %swap3A_1010 = tpu.vector_load %arg18[%swap3A_1008, %swap3A_1009] {strides = array<i32>} : memref<64x128xf32, #tpu.memory_space<vmem>>, vector<16xf32>,
        tpu.vector_store %arg18[%swap3A_1008, %swap3A_1009], %mul3A_1007 {strides = array<i32>} : memref<64x128xf32, #tpu.memory_space<vmem>>, vector<16xf32>,
        %get3A_1011 = arith.index_cast %add3A_980 : i32 to index
        %get3A_1012 = arith.constant 64 : index
        %get3A_1013 = tpu.vector_load %arg18[%get3A_1011, %get3A_1012] {strides = array<i32>} : memref<64x128xf32, #tpu.memory_space<vmem>>, vector<16xf32>,
        %mul3A_1014 = arith.mulf %get3A_1013, %gather3A_982 : vector<16xf32>
        %swap3A_1015 = arith.index_cast %add3A_980 : i32 to index
        %swap3A_1016 = arith.constant 64 : index
        %swap3A_1017 = tpu.vector_load %arg18[%swap3A_1015, %swap3A_1016] {strides = array<i32>} : memref<64x128xf32, #tpu.memory_space<vmem>>, vector<16xf32>,
        tpu.vector_store %arg18[%swap3A_1015, %swap3A_1016], %mul3A_1014 {strides = array<i32>} : memref<64x128xf32, #tpu.memory_space<vmem>>, vector<16xf32>,
        %get3A_1018 = arith.index_cast %add3A_980 : i32 to index
        %get3A_1019 = arith.constant 80 : index
        %get3A_1020 = tpu.vector_load %arg18[%get3A_1018, %get3A_1019] {strides = array<i32>} : memref<64x128xf32, #tpu.memory_space<vmem>>, vector<16xf32>,
        %mul3A_1021 = arith.mulf %get3A_1020, %gather3A_982 : vector<16xf32>
        %swap3A_1022 = arith.index_cast %add3A_980 : i32 to index
        %swap3A_1023 = arith.constant 80 : index
        %swap3A_1024 = tpu.vector_load %arg18[%swap3A_1022, %swap3A_1023] {strides = array<i32>} : memref<64x128xf32, #tpu.memory_space<vmem>>, vector<16xf32>,
        tpu.vector_store %arg18[%swap3A_1022, %swap3A_1023], %mul3A_1021 {strides = array<i32>} : memref<64x128xf32, #tpu.memory_space<vmem>>, vector<16xf32>,
        %get3A_1025 = arith.index_cast %add3A_980 : i32 to index
        %get3A_1026 = arith.constant 96 : index
        %get3A_1027 = tpu.vector_load %arg18[%get3A_1025, %get3A_1026] {strides = array<i32>} : memref<64x128xf32, #tpu.memory_space<vmem>>, vector<16xf32>,
        %mul3A_1028 = arith.mulf %get3A_1027, %gather3A_982 : vector<16xf32>
        %swap3A_1029 = arith.index_cast %add3A_980 : i32 to index
        %swap3A_1030 = arith.constant 96 : index
        %swap3A_1031 = tpu.vector_load %arg18[%swap3A_1029, %swap3A_1030] {strides = array<i32>} : memref<64x128xf32, #tpu.memory_space<vmem>>, vector<16xf32>,
        tpu.vector_store %arg18[%swap3A_1029, %swap3A_1030], %mul3A_1028 {strides = array<i32>} : memref<64x128xf32, #tpu.memory_space<vmem>>, vector<16xf32>,
        %get3A_1032 = arith.index_cast %add3A_980 : i32 to index
        %get3A_1033 = arith.constant 112 : index
        %get3A_1034 = tpu.vector_load %arg18[%get3A_1032, %get3A_1033] {strides = array<i32>} : memref<64x128xf32, #tpu.memory_space<vmem>>, vector<16xf32>,
        %mul3A_1035 = arith.mulf %get3A_1034, %gather3A_982 : vector<16xf32>
        %swap3A_1036 = arith.index_cast %add3A_980 : i32 to index
        %swap3A_1037 = arith.constant 112 : index
        %swap3A_1038 = tpu.vector_load %arg18[%swap3A_1036, %swap3A_1037] {strides = array<i32>} : memref<64x128xf32, #tpu.memory_space<vmem>>, vector<16xf32>,
        tpu.vector_store %arg18[%swap3A_1036, %swap3A_1037], %mul3A_1035 {strides = array<i32>} : memref<64x128xf32, #tpu.memory_space<vmem>>, vector<16xf32>,
        %mul3A_1039 = arith.constant 4 : i32
        %mul3A_1040 = arith.muli %scan3A_914, %mul3A_1039 : i32
        %add3A_1041 = arith.constant 2 : i32
        %add3A_1042 = arith.addi %mul3A_1040, %add3A_1041 : i32
        %broadcast_in_dim3A_1043 = vector.broadcast %add3A_1042 : i32 to vector<16xi32>
        %gather3A_1044 = tpu.vector_load_idx %arg27[%broadcast_in_dim3A_1043] : memref<64xf32, #tpu.memory_space<vmem>>[vector<16xi32>], vector<16xf32>,
        %get3A_1045 = arith.index_cast %add3A_1042 : i32 to index
        %get3A_1046 = arith.constant 0 : index
        %get3A_1047 = tpu.vector_load %arg18[%get3A_1045, %get3A_1046] {strides = array<i32>} : memref<64x128xf32, #tpu.memory_space<vmem>>, vector<16xf32>,
        %mul3A_1048 = arith.mulf %get3A_1047, %gather3A_1044 : vector<16xf32>
        %swap3A_1049 = arith.index_cast %add3A_1042 : i32 to index
        %swap3A_1050 = arith.constant 0 : index
        %swap3A_1051 = tpu.vector_load %arg18[%swap3A_1049, %swap3A_1050] {strides = array<i32>} : memref<64x128xf32, #tpu.memory_space<vmem>>, vector<16xf32>,
        tpu.vector_store %arg18[%swap3A_1049, %swap3A_1050], %mul3A_1048 {strides = array<i32>} : memref<64x128xf32, #tpu.memory_space<vmem>>, vector<16xf32>,
        %get3A_1052 = arith.index_cast %add3A_1042 : i32 to index
        %get3A_1053 = arith.constant 16 : index
        %get3A_1054 = tpu.vector_load %arg18[%get3A_1052, %get3A_1053] {strides = array<i32>} : memref<64x128xf32, #tpu.memory_space<vmem>>, vector<16xf32>,
        %mul3A_1055 = arith.mulf %get3A_1054, %gather3A_1044 : vector<16xf32>
        %swap3A_1056 = arith.index_cast %add3A_1042 : i32 to index
        %swap3A_1057 = arith.constant 16 : index
        %swap3A_1058 = tpu.vector_load %arg18[%swap3A_1056, %swap3A_1057] {strides = array<i32>} : memref<64x128xf32, #tpu.memory_space<vmem>>, vector<16xf32>,
        tpu.vector_store %arg18[%swap3A_1056, %swap3A_1057], %mul3A_1055 {strides = array<i32>} : memref<64x128xf32, #tpu.memory_space<vmem>>, vector<16xf32>,
        %get3A_1059 = arith.index_cast %add3A_1042 : i32 to index
        %get3A_1060 = arith.constant 32 : index
        %get3A_1061 = tpu.vector_load %arg18[%get3A_1059, %get3A_1060] {strides = array<i32>} : memref<64x128xf32, #tpu.memory_space<vmem>>, vector<16xf32>,
        %mul3A_1062 = arith.mulf %get3A_1061, %gather3A_1044 : vector<16xf32>
        %swap3A_1063 = arith.index_cast %add3A_1042 : i32 to index
        %swap3A_1064 = arith.constant 32 : index
        %swap3A_1065 = tpu.vector_load %arg18[%swap3A_1063, %swap3A_1064] {strides = array<i32>} : memref<64x128xf32, #tpu.memory_space<vmem>>, vector<16xf32>,
        tpu.vector_store %arg18[%swap3A_1063, %swap3A_1064], %mul3A_1062 {strides = array<i32>} : memref<64x128xf32, #tpu.memory_space<vmem>>, vector<16xf32>,
        %get3A_1066 = arith.index_cast %add3A_1042 : i32 to index
        %get3A_1067 = arith.constant 48 : index
        %get3A_1068 = tpu.vector_load %arg18[%get3A_1066, %get3A_1067] {strides = array<i32>} : memref<64x128xf32, #tpu.memory_space<vmem>>, vector<16xf32>,
        %mul3A_1069 = arith.mulf %get3A_1068, %gather3A_1044 : vector<16xf32>
        %swap3A_1070 = arith.index_cast %add3A_1042 : i32 to index
        %swap3A_1071 = arith.constant 48 : index
        %swap3A_1072 = tpu.vector_load %arg18[%swap3A_1070, %swap3A_1071] {strides = array<i32>} : memref<64x128xf32, #tpu.memory_space<vmem>>, vector<16xf32>,
        tpu.vector_store %arg18[%swap3A_1070, %swap3A_1071], %mul3A_1069 {strides = array<i32>} : memref<64x128xf32, #tpu.memory_space<vmem>>, vector<16xf32>,
        %get3A_1073 = arith.index_cast %add3A_1042 : i32 to index
        %get3A_1074 = arith.constant 64 : index
        %get3A_1075 = tpu.vector_load %arg18[%get3A_1073, %get3A_1074] {strides = array<i32>} : memref<64x128xf32, #tpu.memory_space<vmem>>, vector<16xf32>,
        %mul3A_1076 = arith.mulf %get3A_1075, %gather3A_1044 : vector<16xf32>
        %swap3A_1077 = arith.index_cast %add3A_1042 : i32 to index
        %swap3A_1078 = arith.constant 64 : index
        %swap3A_1079 = tpu.vector_load %arg18[%swap3A_1077, %swap3A_1078] {strides = array<i32>} : memref<64x128xf32, #tpu.memory_space<vmem>>, vector<16xf32>,
        tpu.vector_store %arg18[%swap3A_1077, %swap3A_1078], %mul3A_1076 {strides = array<i32>} : memref<64x128xf32, #tpu.memory_space<vmem>>, vector<16xf32>,
        %get3A_1080 = arith.index_cast %add3A_1042 : i32 to index
        %get3A_1081 = arith.constant 80 : index
        %get3A_1082 = tpu.vector_load %arg18[%get3A_1080, %get3A_1081] {strides = array<i32>} : memref<64x128xf32, #tpu.memory_space<vmem>>, vector<16xf32>,
        %mul3A_1083 = arith.mulf %get3A_1082, %gather3A_1044 : vector<16xf32>
        %swap3A_1084 = arith.index_cast %add3A_1042 : i32 to index
        %swap3A_1085 = arith.constant 80 : index
        %swap3A_1086 = tpu.vector_load %arg18[%swap3A_1084, %swap3A_1085] {strides = array<i32>} : memref<64x128xf32, #tpu.memory_space<vmem>>, vector<16xf32>,
        tpu.vector_store %arg18[%swap3A_1084, %swap3A_1085], %mul3A_1083 {strides = array<i32>} : memref<64x128xf32, #tpu.memory_space<vmem>>, vector<16xf32>,
        %get3A_1087 = arith.index_cast %add3A_1042 : i32 to index
        %get3A_1088 = arith.constant 96 : index
        %get3A_1089 = tpu.vector_load %arg18[%get3A_1087, %get3A_1088] {strides = array<i32>} : memref<64x128xf32, #tpu.memory_space<vmem>>, vector<16xf32>,
        %mul3A_1090 = arith.mulf %get3A_1089, %gather3A_1044 : vector<16xf32>
        %swap3A_1091 = arith.index_cast %add3A_1042 : i32 to index
        %swap3A_1092 = arith.constant 96 : index
        %swap3A_1093 = tpu.vector_load %arg18[%swap3A_1091, %swap3A_1092] {strides = array<i32>} : memref<64x128xf32, #tpu.memory_space<vmem>>, vector<16xf32>,
        tpu.vector_store %arg18[%swap3A_1091, %swap3A_1092], %mul3A_1090 {strides = array<i32>} : memref<64x128xf32, #tpu.memory_space<vmem>>, vector<16xf32>,
        %get3A_1094 = arith.index_cast %add3A_1042 : i32 to index
        %get3A_1095 = arith.constant 112 : index
        %get3A_1096 = tpu.vector_load %arg18[%get3A_1094, %get3A_1095] {strides = array<i32>} : memref<64x128xf32, #tpu.memory_space<vmem>>, vector<16xf32>,
        %mul3A_1097 = arith.mulf %get3A_1096, %gather3A_1044 : vector<16xf32>
        %swap3A_1098 = arith.index_cast %add3A_1042 : i32 to index
        %swap3A_1099 = arith.constant 112 : index
        %swap3A_1100 = tpu.vector_load %arg18[%swap3A_1098, %swap3A_1099] {strides = array<i32>} : memref<64x128xf32, #tpu.memory_space<vmem>>, vector<16xf32>,
        tpu.vector_store %arg18[%swap3A_1098, %swap3A_1099], %mul3A_1097 {strides = array<i32>} : memref<64x128xf32, #tpu.memory_space<vmem>>, vector<16xf32>,
        %mul3A_1101 = arith.constant 4 : i32
        %mul3A_1102 = arith.muli %scan3A_914, %mul3A_1101 : i32
        %add3A_1103 = arith.constant 3 : i32
        %add3A_1104 = arith.addi %mul3A_1102, %add3A_1103 : i32
        %broadcast_in_dim3A_1105 = vector.broadcast %add3A_1104 : i32 to vector<16xi32>
        %gather3A_1106 = tpu.vector_load_idx %arg27[%broadcast_in_dim3A_1105] : memref<64xf32, #tpu.memory_space<vmem>>[vector<16xi32>], vector<16xf32>,
        %get3A_1107 = arith.index_cast %add3A_1104 : i32 to index
        %get3A_1108 = arith.constant 0 : index
        %get3A_1109 = tpu.vector_load %arg18[%get3A_1107, %get3A_1108] {strides = array<i32>} : memref<64x128xf32, #tpu.memory_space<vmem>>, vector<16xf32>,
        %mul3A_1110 = arith.mulf %get3A_1109, %gather3A_1106 : vector<16xf32>
        %swap3A_1111 = arith.index_cast %add3A_1104 : i32 to index
        %swap3A_1112 = arith.constant 0 : index
        %swap3A_1113 = tpu.vector_load %arg18[%swap3A_1111, %swap3A_1112] {strides = array<i32>} : memref<64x128xf32, #tpu.memory_space<vmem>>, vector<16xf32>,
        tpu.vector_store %arg18[%swap3A_1111, %swap3A_1112], %mul3A_1110 {strides = array<i32>} : memref<64x128xf32, #tpu.memory_space<vmem>>, vector<16xf32>,
        %get3A_1114 = arith.index_cast %add3A_1104 : i32 to index
        %get3A_1115 = arith.constant 16 : index
        %get3A_1116 = tpu.vector_load %arg18[%get3A_1114, %get3A_1115] {strides = array<i32>} : memref<64x128xf32, #tpu.memory_space<vmem>>, vector<16xf32>,
        %mul3A_1117 = arith.mulf %get3A_1116, %gather3A_1106 : vector<16xf32>
        %swap3A_1118 = arith.index_cast %add3A_1104 : i32 to index
        %swap3A_1119 = arith.constant 16 : index
        %swap3A_1120 = tpu.vector_load %arg18[%swap3A_1118, %swap3A_1119] {strides = array<i32>} : memref<64x128xf32, #tpu.memory_space<vmem>>, vector<16xf32>,
        tpu.vector_store %arg18[%swap3A_1118, %swap3A_1119], %mul3A_1117 {strides = array<i32>} : memref<64x128xf32, #tpu.memory_space<vmem>>, vector<16xf32>,
        %get3A_1121 = arith.index_cast %add3A_1104 : i32 to index
        %get3A_1122 = arith.constant 32 : index
        %get3A_1123 = tpu.vector_load %arg18[%get3A_1121, %get3A_1122] {strides = array<i32>} : memref<64x128xf32, #tpu.memory_space<vmem>>, vector<16xf32>,
        %mul3A_1124 = arith.mulf %get3A_1123, %gather3A_1106 : vector<16xf32>
        %swap3A_1125 = arith.index_cast %add3A_1104 : i32 to index
        %swap3A_1126 = arith.constant 32 : index
        %swap3A_1127 = tpu.vector_load %arg18[%swap3A_1125, %swap3A_1126] {strides = array<i32>} : memref<64x128xf32, #tpu.memory_space<vmem>>, vector<16xf32>,
        tpu.vector_store %arg18[%swap3A_1125, %swap3A_1126], %mul3A_1124 {strides = array<i32>} : memref<64x128xf32, #tpu.memory_space<vmem>>, vector<16xf32>,
        %get3A_1128 = arith.index_cast %add3A_1104 : i32 to index
        %get3A_1129 = arith.constant 48 : index
        %get3A_1130 = tpu.vector_load %arg18[%get3A_1128, %get3A_1129] {strides = array<i32>} : memref<64x128xf32, #tpu.memory_space<vmem>>, vector<16xf32>,
        %mul3A_1131 = arith.mulf %get3A_1130, %gather3A_1106 : vector<16xf32>
        %swap3A_1132 = arith.index_cast %add3A_1104 : i32 to index
        %swap3A_1133 = arith.constant 48 : index
        %swap3A_1134 = tpu.vector_load %arg18[%swap3A_1132, %swap3A_1133] {strides = array<i32>} : memref<64x128xf32, #tpu.memory_space<vmem>>, vector<16xf32>,
        tpu.vector_store %arg18[%swap3A_1132, %swap3A_1133], %mul3A_1131 {strides = array<i32>} : memref<64x128xf32, #tpu.memory_space<vmem>>, vector<16xf32>,
        %get3A_1135 = arith.index_cast %add3A_1104 : i32 to index
        %get3A_1136 = arith.constant 64 : index
        %get3A_1137 = tpu.vector_load %arg18[%get3A_1135, %get3A_1136] {strides = array<i32>} : memref<64x128xf32, #tpu.memory_space<vmem>>, vector<16xf32>,
        %mul3A_1138 = arith.mulf %get3A_1137, %gather3A_1106 : vector<16xf32>
        %swap3A_1139 = arith.index_cast %add3A_1104 : i32 to index
        %swap3A_1140 = arith.constant 64 : index
        %swap3A_1141 = tpu.vector_load %arg18[%swap3A_1139, %swap3A_1140] {strides = array<i32>} : memref<64x128xf32, #tpu.memory_space<vmem>>, vector<16xf32>,
        tpu.vector_store %arg18[%swap3A_1139, %swap3A_1140], %mul3A_1138 {strides = array<i32>} : memref<64x128xf32, #tpu.memory_space<vmem>>, vector<16xf32>,
        %get3A_1142 = arith.index_cast %add3A_1104 : i32 to index
        %get3A_1143 = arith.constant 80 : index
        %get3A_1144 = tpu.vector_load %arg18[%get3A_1142, %get3A_1143] {strides = array<i32>} : memref<64x128xf32, #tpu.memory_space<vmem>>, vector<16xf32>,
        %mul3A_1145 = arith.mulf %get3A_1144, %gather3A_1106 : vector<16xf32>
        %swap3A_1146 = arith.index_cast %add3A_1104 : i32 to index
        %swap3A_1147 = arith.constant 80 : index
        %swap3A_1148 = tpu.vector_load %arg18[%swap3A_1146, %swap3A_1147] {strides = array<i32>} : memref<64x128xf32, #tpu.memory_space<vmem>>, vector<16xf32>,
        tpu.vector_store %arg18[%swap3A_1146, %swap3A_1147], %mul3A_1145 {strides = array<i32>} : memref<64x128xf32, #tpu.memory_space<vmem>>, vector<16xf32>,
        %get3A_1149 = arith.index_cast %add3A_1104 : i32 to index
        %get3A_1150 = arith.constant 96 : index
        %get3A_1151 = tpu.vector_load %arg18[%get3A_1149, %get3A_1150] {strides = array<i32>} : memref<64x128xf32, #tpu.memory_space<vmem>>, vector<16xf32>,
        %mul3A_1152 = arith.mulf %get3A_1151, %gather3A_1106 : vector<16xf32>
        %swap3A_1153 = arith.index_cast %add3A_1104 : i32 to index
        %swap3A_1154 = arith.constant 96 : index
        %swap3A_1155 = tpu.vector_load %arg18[%swap3A_1153, %swap3A_1154] {strides = array<i32>} : memref<64x128xf32, #tpu.memory_space<vmem>>, vector<16xf32>,
        tpu.vector_store %arg18[%swap3A_1153, %swap3A_1154], %mul3A_1152 {strides = array<i32>} : memref<64x128xf32, #tpu.memory_space<vmem>>, vector<16xf32>,
        %get3A_1156 = arith.index_cast %add3A_1104 : i32 to index
        %get3A_1157 = arith.constant 112 : index
        %get3A_1158 = tpu.vector_load %arg18[%get3A_1156, %get3A_1157] {strides = array<i32>} : memref<64x128xf32, #tpu.memory_space<vmem>>, vector<16xf32>,
        %mul3A_1159 = arith.mulf %get3A_1158, %gather3A_1106 : vector<16xf32>
        %swap3A_1160 = arith.index_cast %add3A_1104 : i32 to index
        %swap3A_1161 = arith.constant 112 : index
        %swap3A_1162 = tpu.vector_load %arg18[%swap3A_1160, %swap3A_1161] {strides = array<i32>} : memref<64x128xf32, #tpu.memory_space<vmem>>, vector<16xf32>,
        tpu.vector_store %arg18[%swap3A_1160, %swap3A_1161], %mul3A_1159 {strides = array<i32>} : memref<64x128xf32, #tpu.memory_space<vmem>>, vector<16xf32>,
        %scan3A_1163 = arith.constant 0 : i32
        scf.yield %scan3A_1163 : i32
      }
      %scan3A_681 = arith.constant 16 : i32
      %dma_start3A_682 = arith.constant 0 : i32
      %dma_start3A_683 = arith.constant 0 : i32
      %dma_start3A_684 = tpu.memref_slice %arg8[%dma_start3A_682, %dma_start3A_683] : memref<10240x128xf32, #tpu.memory_space<vmem_shared>> -> memref<10240x128xf32, #tpu.memory_space<vmem_shared>>
      tpu.enqueue_indirect_dma source(%arg18 : memref<64x128xf32, #tpu.memory_space<vmem>>) target(%dma_start3A_684 : memref<10240x128xf32, #tpu.memory_space<vmem_shared>>) offsets(%arg15 : memref<64xi32, #tpu.memory_space<vmem>>) semaphore(%arg37 : memref<!tpu.dma_semaphore, #tpu.memory_space<semaphore_mem>>) {add = true}
      %dma_start3A_685 = arith.constant 0 : i32
      %dma_start3A_686 = tpu.memref_slice %arg9[%dma_start3A_685] : memref<10240xf32, #tpu.memory_space<vmem_shared>> -> memref<10240xf32, #tpu.memory_space<vmem_shared>>
      tpu.enqueue_indirect_dma source(%arg27 : memref<64xf32, #tpu.memory_space<vmem>>) target(%dma_start3A_686 : memref<10240xf32, #tpu.memory_space<vmem_shared>>) offsets(%arg15 : memref<64xi32, #tpu.memory_space<vmem>>) semaphore(%arg40 : memref<!tpu.dma_semaphore, #tpu.memory_space<semaphore_mem>>) {add = true}
      %mul3A_687 = arith.constant 3 : i32
      %mul3A_688 = arith.muli %while3A_245, %mul3A_687 : i32
      %add3A_689 = arith.constant 2 : i32
      %add3A_690 = arith.addi %mul3A_688, %add3A_689 : i32
      %dma_wait3A_691 = arith.constant 0 : i32
      %dma_wait3A_692 = arith.constant 0 : i32
      %dma_wait3A_693 = tpu.memref_slice %arg5[%dma_wait3A_691, %dma_wait3A_692] : memref<10000x128xf32, #tpu.memory_space<hbm>> -> memref<64x128xf32, #tpu.memory_space<hbm>>
      %dma_wait3A_694 = arith.constant 0 : i32
      %dma_wait3A_695 = arith.constant 0 : i32
      %dma_wait3A_696 = tpu.memref_slice %arg5[%dma_wait3A_694, %dma_wait3A_695] : memref<10000x128xf32, #tpu.memory_space<hbm>> -> memref<64x128xf32, #tpu.memory_space<hbm>>
      tpu.wait_dma2 semaphore(%arg32 : memref<!tpu.dma_semaphore, #tpu.memory_space<semaphore_mem>>) src(%dma_wait3A_696 : memref<64x128xf32, #tpu.memory_space<hbm>>) dst(%arg19 : memref<64x128xf32, #tpu.memory_space<vmem>>)
      %dma_wait3A_697 = arith.constant 0 : i32
      %dma_wait3A_698 = tpu.memref_slice %arg3[%dma_wait3A_697] : memref<10240xf32, #tpu.memory_space<hbm>> -> memref<64xf32, #tpu.memory_space<hbm>>
      %dma_wait3A_699 = arith.constant 0 : i32
      %dma_wait3A_700 = tpu.memref_slice %arg3[%dma_wait3A_699] : memref<10240xf32, #tpu.memory_space<hbm>> -> memref<64xf32, #tpu.memory_space<hbm>>
      tpu.wait_dma2 semaphore(%arg35 : memref<!tpu.dma_semaphore, #tpu.memory_space<semaphore_mem>>) src(%dma_wait3A_700 : memref<64xf32, #tpu.memory_space<hbm>>) dst(%arg22 : memref<64xf32, #tpu.memory_space<vmem>>)
      %dma_wait3A_701 = arith.constant 0 : i32
      %dma_wait3A_702 = tpu.memref_slice %arg3[%dma_wait3A_701] : memref<10240xf32, #tpu.memory_space<hbm>> -> memref<64xf32, #tpu.memory_space<hbm>>
      %dma_wait3A_703 = arith.constant 0 : i32
      %dma_wait3A_704 = tpu.memref_slice %arg3[%dma_wait3A_703] : memref<10240xf32, #tpu.memory_space<hbm>> -> memref<64xf32, #tpu.memory_space<hbm>>
      tpu.wait_dma2 semaphore(%arg35 : memref<!tpu.dma_semaphore, #tpu.memory_space<semaphore_mem>>) src(%dma_wait3A_704 : memref<64xf32, #tpu.memory_space<hbm>>) dst(%arg25 : memref<64xf32, #tpu.memory_space<vmem>>)
      %dma_wait3A_705 = arith.constant 0 : i32
      %dma_wait3A_706 = arith.constant 0 : i32
      %dma_wait3A_707 = tpu.memref_slice %arg5[%dma_wait3A_705, %dma_wait3A_706] : memref<10000x128xf32, #tpu.memory_space<hbm>> -> memref<64x128xf32, #tpu.memory_space<hbm>>
      %dma_wait3A_708 = arith.constant 0 : i32
      %dma_wait3A_709 = arith.constant 0 : i32
      %dma_wait3A_710 = tpu.memref_slice %arg5[%dma_wait3A_708, %dma_wait3A_709] : memref<10000x128xf32, #tpu.memory_space<hbm>> -> memref<64x128xf32, #tpu.memory_space<hbm>>
      tpu.wait_dma2 semaphore(%arg37 : memref<!tpu.dma_semaphore, #tpu.memory_space<semaphore_mem>>) src(%dma_wait3A_710 : memref<64x128xf32, #tpu.memory_space<hbm>>) dst(%arg18 : memref<64x128xf32, #tpu.memory_space<vmem>>)
      %dma_wait3A_711 = arith.constant 0 : i32
      %dma_wait3A_712 = tpu.memref_slice %arg3[%dma_wait3A_711] : memref<10240xf32, #tpu.memory_space<hbm>> -> memref<64xf32, #tpu.memory_space<hbm>>
      %dma_wait3A_713 = arith.constant 0 : i32
      %dma_wait3A_714 = tpu.memref_slice %arg3[%dma_wait3A_713] : memref<10240xf32, #tpu.memory_space<hbm>> -> memref<64xf32, #tpu.memory_space<hbm>>
      tpu.wait_dma2 semaphore(%arg40 : memref<!tpu.dma_semaphore, #tpu.memory_space<semaphore_mem>>) src(%dma_wait3A_714 : memref<64xf32, #tpu.memory_space<hbm>>) dst(%arg27 : memref<64xf32, #tpu.memory_space<vmem>>)
      %add3A_715 = arith.constant 3 : i32
      %add3A_716 = arith.addi %add3A_690, %add3A_715 : i32
      %sub3A_717 = arith.constant 1 : i32
      %sub3A_718 = arith.subi %add3A_716, %sub3A_717 : i32
      %mul3A_719 = arith.constant 64 : i32
      %mul3A_720 = arith.muli %sub3A_718, %mul3A_719 : i32
      %add3A_721 = arith.constant 0 : i32
      %add3A_722 = arith.addi %mul3A_720, %add3A_721 : i32
      %get3A_723 = arith.index_cast %add3A_722 : i32 to index
      %get3A_724 = tpu.vector_load %arg10[%get3A_723] {strides = array<i32>} : memref<14784xi32, #tpu.memory_space<vmem>>, vector<16xi32>,
      %and3A_725 = arith.constant 16383 : i32
      %and3A_726 = vector.broadcast %and3A_725 : i32 to vector<16xi32>
      %and3A_727 = arith.andi %get3A_724, %and3A_726 : vector<16xi32>
      %swap3A_728 = arith.constant 0 : index
      %swap3A_729 = tpu.vector_load %arg12[%swap3A_728] {strides = array<i32>} : memref<64xi32, #tpu.memory_space<vmem>>, vector<16xi32>,
      tpu.vector_store %arg12[%swap3A_728], %and3A_727 {strides = array<i32>} : memref<64xi32, #tpu.memory_space<vmem>>, vector<16xi32>,
      %shift_right_logical3A_730 = arith.constant 14 : i32
      %shift_right_logical3A_731 = vector.broadcast %shift_right_logical3A_730 : i32 to vector<16xi32>
      %shift_right_logical3A_732 = arith.shrui %get3A_724, %shift_right_logical3A_731 : vector<16xi32>
      %swap3A_733 = arith.constant 0 : index
      %swap3A_734 = tpu.vector_load %arg15[%swap3A_733] {strides = array<i32>} : memref<64xi32, #tpu.memory_space<vmem>>, vector<16xi32>,
      tpu.vector_store %arg15[%swap3A_733], %shift_right_logical3A_732 {strides = array<i32>} : memref<64xi32, #tpu.memory_space<vmem>>, vector<16xi32>,
      %mul3A_735 = arith.constant 64 : i32
      %mul3A_736 = arith.muli %sub3A_718, %mul3A_735 : i32
      %add3A_737 = arith.constant 16 : i32
      %add3A_738 = arith.addi %mul3A_736, %add3A_737 : i32
      %get3A_739 = arith.index_cast %add3A_738 : i32 to index
      %get3A_740 = tpu.vector_load %arg10[%get3A_739] {strides = array<i32>} : memref<14784xi32, #tpu.memory_space<vmem>>, vector<16xi32>,
      %and3A_741 = arith.constant 16383 : i32
      %and3A_742 = vector.broadcast %and3A_741 : i32 to vector<16xi32>
      %and3A_743 = arith.andi %get3A_740, %and3A_742 : vector<16xi32>
      %swap3A_744 = arith.constant 16 : index
      %swap3A_745 = tpu.vector_load %arg12[%swap3A_744] {strides = array<i32>} : memref<64xi32, #tpu.memory_space<vmem>>, vector<16xi32>,
      tpu.vector_store %arg12[%swap3A_744], %and3A_743 {strides = array<i32>} : memref<64xi32, #tpu.memory_space<vmem>>, vector<16xi32>,
      %shift_right_logical3A_746 = arith.constant 14 : i32
      %shift_right_logical3A_747 = vector.broadcast %shift_right_logical3A_746 : i32 to vector<16xi32>
      %shift_right_logical3A_748 = arith.shrui %get3A_740, %shift_right_logical3A_747 : vector<16xi32>
      %swap3A_749 = arith.constant 16 : index
      %swap3A_750 = tpu.vector_load %arg15[%swap3A_749] {strides = array<i32>} : memref<64xi32, #tpu.memory_space<vmem>>, vector<16xi32>,
      tpu.vector_store %arg15[%swap3A_749], %shift_right_logical3A_748 {strides = array<i32>} : memref<64xi32, #tpu.memory_space<vmem>>, vector<16xi32>,
      %mul3A_751 = arith.constant 64 : i32
      %mul3A_752 = arith.muli %sub3A_718, %mul3A_751 : i32
      %add3A_753 = arith.constant 32 : i32
      %add3A_754 = arith.addi %mul3A_752, %add3A_753 : i32
      %get3A_755 = arith.index_cast %add3A_754 : i32 to index
      %get3A_756 = tpu.vector_load %arg10[%get3A_755] {strides = array<i32>} : memref<14784xi32, #tpu.memory_space<vmem>>, vector<16xi32>,
      %and3A_757 = arith.constant 16383 : i32
      %and3A_758 = vector.broadcast %and3A_757 : i32 to vector<16xi32>
      %and3A_759 = arith.andi %get3A_756, %and3A_758 : vector<16xi32>
      %swap3A_760 = arith.constant 32 : index
      %swap3A_761 = tpu.vector_load %arg12[%swap3A_760] {strides = array<i32>} : memref<64xi32, #tpu.memory_space<vmem>>, vector<16xi32>,
      tpu.vector_store %arg12[%swap3A_760], %and3A_759 {strides = array<i32>} : memref<64xi32, #tpu.memory_space<vmem>>, vector<16xi32>,
      %shift_right_logical3A_762 = arith.constant 14 : i32
      %shift_right_logical3A_763 = vector.broadcast %shift_right_logical3A_762 : i32 to vector<16xi32>
      %shift_right_logical3A_764 = arith.shrui %get3A_756, %shift_right_logical3A_763 : vector<16xi32>
      %swap3A_765 = arith.constant 32 : index
      %swap3A_766 = tpu.vector_load %arg15[%swap3A_765] {strides = array<i32>} : memref<64xi32, #tpu.memory_space<vmem>>, vector<16xi32>,
      tpu.vector_store %arg15[%swap3A_765], %shift_right_logical3A_764 {strides = array<i32>} : memref<64xi32, #tpu.memory_space<vmem>>, vector<16xi32>,
      %mul3A_767 = arith.constant 64 : i32
      %mul3A_768 = arith.muli %sub3A_718, %mul3A_767 : i32
      %add3A_769 = arith.constant 48 : i32
      %add3A_770 = arith.addi %mul3A_768, %add3A_769 : i32
      %get3A_771 = arith.index_cast %add3A_770 : i32 to index
      %get3A_772 = tpu.vector_load %arg10[%get3A_771] {strides = array<i32>} : memref<14784xi32, #tpu.memory_space<vmem>>, vector<16xi32>,
      %and3A_773 = arith.constant 16383 : i32
      %and3A_774 = vector.broadcast %and3A_773 : i32 to vector<16xi32>
      %and3A_775 = arith.andi %get3A_772, %and3A_774 : vector<16xi32>
      %swap3A_776 = arith.constant 48 : index
      %swap3A_777 = tpu.vector_load %arg12[%swap3A_776] {strides = array<i32>} : memref<64xi32, #tpu.memory_space<vmem>>, vector<16xi32>,
      tpu.vector_store %arg12[%swap3A_776], %and3A_775 {strides = array<i32>} : memref<64xi32, #tpu.memory_space<vmem>>, vector<16xi32>,
      %shift_right_logical3A_778 = arith.constant 14 : i32
      %shift_right_logical3A_779 = vector.broadcast %shift_right_logical3A_778 : i32 to vector<16xi32>
      %shift_right_logical3A_780 = arith.shrui %get3A_772, %shift_right_logical3A_779 : vector<16xi32>
      %swap3A_781 = arith.constant 48 : index
      %swap3A_782 = tpu.vector_load %arg15[%swap3A_781] {strides = array<i32>} : memref<64xi32, #tpu.memory_space<vmem>>, vector<16xi32>,
      tpu.vector_store %arg15[%swap3A_781], %shift_right_logical3A_780 {strides = array<i32>} : memref<64xi32, #tpu.memory_space<vmem>>, vector<16xi32>,
      %add3A_783 = arith.constant 3 : i32
      %add3A_784 = arith.addi %add3A_690, %add3A_783 : i32
      %sub3A_785 = arith.constant 1 : i32
      %sub3A_786 = arith.subi %add3A_784, %sub3A_785 : i32
      %dma_start3A_787 = arith.constant 0 : i32
      %dma_start3A_788 = arith.constant 0 : i32
      %dma_start3A_789 = tpu.memref_slice %arg5[%dma_start3A_787, %dma_start3A_788] : memref<10000x128xf32, #tpu.memory_space<hbm>> -> memref<10000x128xf32, #tpu.memory_space<hbm>>
      tpu.enqueue_indirect_dma source(%dma_start3A_789 : memref<10000x128xf32, #tpu.memory_space<hbm>>) target(%arg18 : memref<64x128xf32, #tpu.memory_space<vmem>>) offsets(%arg12 : memref<64xi32, #tpu.memory_space<vmem>>) semaphore(%arg31 : memref<!tpu.dma_semaphore, #tpu.memory_space<semaphore_mem>>)
      %dma_start3A_790 = arith.constant 0 : i32
      %dma_start3A_791 = tpu.memref_slice %arg3[%dma_start3A_790] : memref<10240xf32, #tpu.memory_space<hbm>> -> memref<10240xf32, #tpu.memory_space<hbm>>
      tpu.enqueue_indirect_dma source(%dma_start3A_791 : memref<10240xf32, #tpu.memory_space<hbm>>) target(%arg21 : memref<64xf32, #tpu.memory_space<vmem>>) offsets(%arg12 : memref<64xi32, #tpu.memory_space<vmem>>) semaphore(%arg34 : memref<!tpu.dma_semaphore, #tpu.memory_space<semaphore_mem>>)
      %dma_start3A_792 = arith.constant 0 : i32
      %dma_start3A_793 = tpu.memref_slice %arg4[%dma_start3A_792] : memref<10240xf32, #tpu.memory_space<hbm>> -> memref<10240xf32, #tpu.memory_space<hbm>>
      tpu.enqueue_indirect_dma source(%dma_start3A_793 : memref<10240xf32, #tpu.memory_space<hbm>>) target(%arg24 : memref<64xf32, #tpu.memory_space<vmem>>) offsets(%arg15 : memref<64xi32, #tpu.memory_space<vmem>>) semaphore(%arg34 : memref<!tpu.dma_semaphore, #tpu.memory_space<semaphore_mem>>)
      %mul3A_794 = arith.constant 64 : i32
      %mul3A_795 = arith.muli %add3A_690, %mul3A_794 : i32
      %add3A_796 = arith.addi %mul3A_51, %mul3A_795 : i32
      %get3A_797 = arith.constant 0 : index
      %get3A_798 = tpu.vector_load %arg22[%get3A_797] {strides = array<i32>} : memref<64xf32, #tpu.memory_space<vmem>>, vector<16xf32>,
      %get3A_799 = arith.constant 0 : index
      %get3A_800 = tpu.vector_load %arg25[%get3A_799] {strides = array<i32>} : memref<64xf32, #tpu.memory_space<vmem>>, vector<16xf32>,
      %add3A_801 = arith.addf %get3A_798, %get3A_800 : vector<16xf32>
      %ge3A_802 = arith.constant 0.000000e+00 : f32
      %ge3A_803 = vector.broadcast %ge3A_802 : f32 to vector<16xf32>
      %ge3A_804 = arith.cmpf oge, %add3A_801, %ge3A_803 : vector<16xf32>
      %mul3A_805 = arith.constant 2.000000e-01 : f32
      %mul3A_806 = vector.broadcast %mul3A_805 : f32 to vector<16xf32>
      %mul3A_807 = arith.mulf %mul3A_806, %add3A_801 : vector<16xf32>
      %select_n3A_808 = arith.select %ge3A_804, %add3A_801, %mul3A_807 : vector<16xi1>, vector<16xf32>
      %exp3A_809 = math.exp %select_n3A_808 : vector<16xf32>
      %add3A_810 = arith.constant 0 : i32
      %add3A_811 = arith.addi %add3A_796, %add3A_810 : i32
      %iota3A_812 = tpu.iota {dimensions = array<i32: 0>} : vector<16xi32>
      %add3A_813 = vector.broadcast %add3A_811 : i32 to vector<16xi32>
      %add3A_814 = arith.addi %add3A_813, %iota3A_812 : vector<16xi32>
      %lt3A_815 = arith.constant 330000 : i32
      %lt3A_816 = vector.broadcast %lt3A_815 : i32 to vector<16xi32>
      %lt3A_817 = arith.cmpi slt, %add3A_814, %lt3A_816 : vector<16xi32>
      %jit3A_818 = arith.constant 0.000000e+00 : f32
      %broadcast_in_dim3A_819 = vector.broadcast %jit3A_818 : f32 to vector<16xf32>
      %select_n3A_820 = arith.select %lt3A_817, %exp3A_809, %broadcast_in_dim3A_819 : vector<16xi1>, vector<16xf32>
      %swap3A_821 = arith.constant 0 : index
      %swap3A_822 = tpu.vector_load %arg28[%swap3A_821] {strides = array<i32>} : memref<64xf32, #tpu.memory_space<vmem>>, vector<16xf32>,
      tpu.vector_store %arg28[%swap3A_821], %select_n3A_820 {strides = array<i32>} : memref<64xf32, #tpu.memory_space<vmem>>, vector<16xf32>,
      %get3A_823 = arith.constant 16 : index
      %get3A_824 = tpu.vector_load %arg22[%get3A_823] {strides = array<i32>} : memref<64xf32, #tpu.memory_space<vmem>>, vector<16xf32>,
      %get3A_825 = arith.constant 16 : index
      %get3A_826 = tpu.vector_load %arg25[%get3A_825] {strides = array<i32>} : memref<64xf32, #tpu.memory_space<vmem>>, vector<16xf32>,
      %add3A_827 = arith.addf %get3A_824, %get3A_826 : vector<16xf32>
      %ge3A_828 = arith.constant 0.000000e+00 : f32
      %ge3A_829 = vector.broadcast %ge3A_828 : f32 to vector<16xf32>
      %ge3A_830 = arith.cmpf oge, %add3A_827, %ge3A_829 : vector<16xf32>
      %mul3A_831 = arith.constant 2.000000e-01 : f32
      %mul3A_832 = vector.broadcast %mul3A_831 : f32 to vector<16xf32>
      %mul3A_833 = arith.mulf %mul3A_832, %add3A_827 : vector<16xf32>
      %select_n3A_834 = arith.select %ge3A_830, %add3A_827, %mul3A_833 : vector<16xi1>, vector<16xf32>
      %exp3A_835 = math.exp %select_n3A_834 : vector<16xf32>
      %add3A_836 = arith.constant 16 : i32
      %add3A_837 = arith.addi %add3A_796, %add3A_836 : i32
      %iota3A_838 = tpu.iota {dimensions = array<i32: 0>} : vector<16xi32>
      %add3A_839 = vector.broadcast %add3A_837 : i32 to vector<16xi32>
      %add3A_840 = arith.addi %add3A_839, %iota3A_838 : vector<16xi32>
      %lt3A_841 = arith.constant 330000 : i32
      %lt3A_842 = vector.broadcast %lt3A_841 : i32 to vector<16xi32>
      %lt3A_843 = arith.cmpi slt, %add3A_840, %lt3A_842 : vector<16xi32>
      %jit3A_844 = arith.constant 0.000000e+00 : f32
      %broadcast_in_dim3A_845 = vector.broadcast %jit3A_844 : f32 to vector<16xf32>
      %select_n3A_846 = arith.select %lt3A_843, %exp3A_835, %broadcast_in_dim3A_845 : vector<16xi1>, vector<16xf32>
      %swap3A_847 = arith.constant 16 : index
      %swap3A_848 = tpu.vector_load %arg28[%swap3A_847] {strides = array<i32>} : memref<64xf32, #tpu.memory_space<vmem>>, vector<16xf32>,
      tpu.vector_store %arg28[%swap3A_847], %select_n3A_846 {strides = array<i32>} : memref<64xf32, #tpu.memory_space<vmem>>, vector<16xf32>,
      %get3A_849 = arith.constant 32 : index
      %get3A_850 = tpu.vector_load %arg22[%get3A_849] {strides = array<i32>} : memref<64xf32, #tpu.memory_space<vmem>>, vector<16xf32>,
      %get3A_851 = arith.constant 32 : index
      %get3A_852 = tpu.vector_load %arg25[%get3A_851] {strides = array<i32>} : memref<64xf32, #tpu.memory_space<vmem>>, vector<16xf32>,
      %add3A_853 = arith.addf %get3A_850, %get3A_852 : vector<16xf32>
      %ge3A_854 = arith.constant 0.000000e+00 : f32
      %ge3A_855 = vector.broadcast %ge3A_854 : f32 to vector<16xf32>
      %ge3A_856 = arith.cmpf oge, %add3A_853, %ge3A_855 : vector<16xf32>
      %mul3A_857 = arith.constant 2.000000e-01 : f32
      %mul3A_858 = vector.broadcast %mul3A_857 : f32 to vector<16xf32>
      %mul3A_859 = arith.mulf %mul3A_858, %add3A_853 : vector<16xf32>
      %select_n3A_860 = arith.select %ge3A_856, %add3A_853, %mul3A_859 : vector<16xi1>, vector<16xf32>
      %exp3A_861 = math.exp %select_n3A_860 : vector<16xf32>
      %add3A_862 = arith.constant 32 : i32
      %add3A_863 = arith.addi %add3A_796, %add3A_862 : i32
      %iota3A_864 = tpu.iota {dimensions = array<i32: 0>} : vector<16xi32>
      %add3A_865 = vector.broadcast %add3A_863 : i32 to vector<16xi32>
      %add3A_866 = arith.addi %add3A_865, %iota3A_864 : vector<16xi32>
      %lt3A_867 = arith.constant 330000 : i32
      %lt3A_868 = vector.broadcast %lt3A_867 : i32 to vector<16xi32>
      %lt3A_869 = arith.cmpi slt, %add3A_866, %lt3A_868 : vector<16xi32>
      %jit3A_870 = arith.constant 0.000000e+00 : f32
      %broadcast_in_dim3A_871 = vector.broadcast %jit3A_870 : f32 to vector<16xf32>
      %select_n3A_872 = arith.select %lt3A_869, %exp3A_861, %broadcast_in_dim3A_871 : vector<16xi1>, vector<16xf32>
      %swap3A_873 = arith.constant 32 : index
      %swap3A_874 = tpu.vector_load %arg28[%swap3A_873] {strides = array<i32>} : memref<64xf32, #tpu.memory_space<vmem>>, vector<16xf32>,
      tpu.vector_store %arg28[%swap3A_873], %select_n3A_872 {strides = array<i32>} : memref<64xf32, #tpu.memory_space<vmem>>, vector<16xf32>,
      %get3A_875 = arith.constant 48 : index
      %get3A_876 = tpu.vector_load %arg22[%get3A_875] {strides = array<i32>} : memref<64xf32, #tpu.memory_space<vmem>>, vector<16xf32>,
      %get3A_877 = arith.constant 48 : index
      %get3A_878 = tpu.vector_load %arg25[%get3A_877] {strides = array<i32>} : memref<64xf32, #tpu.memory_space<vmem>>, vector<16xf32>,
      %add3A_879 = arith.addf %get3A_876, %get3A_878 : vector<16xf32>
      %ge3A_880 = arith.constant 0.000000e+00 : f32
      %ge3A_881 = vector.broadcast %ge3A_880 : f32 to vector<16xf32>
      %ge3A_882 = arith.cmpf oge, %add3A_879, %ge3A_881 : vector<16xf32>
      %mul3A_883 = arith.constant 2.000000e-01 : f32
      %mul3A_884 = vector.broadcast %mul3A_883 : f32 to vector<16xf32>
      %mul3A_885 = arith.mulf %mul3A_884, %add3A_879 : vector<16xf32>
      %select_n3A_886 = arith.select %ge3A_882, %add3A_879, %mul3A_885 : vector<16xi1>, vector<16xf32>
      %exp3A_887 = math.exp %select_n3A_886 : vector<16xf32>
      %add3A_888 = arith.constant 48 : i32
      %add3A_889 = arith.addi %add3A_796, %add3A_888 : i32
      %iota3A_890 = tpu.iota {dimensions = array<i32: 0>} : vector<16xi32>
      %add3A_891 = vector.broadcast %add3A_889 : i32 to vector<16xi32>
      %add3A_892 = arith.addi %add3A_891, %iota3A_890 : vector<16xi32>
      %lt3A_893 = arith.constant 330000 : i32
      %lt3A_894 = vector.broadcast %lt3A_893 : i32 to vector<16xi32>
      %lt3A_895 = arith.cmpi slt, %add3A_892, %lt3A_894 : vector<16xi32>
      %jit3A_896 = arith.constant 0.000000e+00 : f32
      %broadcast_in_dim3A_897 = vector.broadcast %jit3A_896 : f32 to vector<16xf32>
      %select_n3A_898 = arith.select %lt3A_895, %exp3A_887, %broadcast_in_dim3A_897 : vector<16xi1>, vector<16xf32>
      %swap3A_899 = arith.constant 48 : index
      %swap3A_900 = tpu.vector_load %arg28[%swap3A_899] {strides = array<i32>} : memref<64xf32, #tpu.memory_space<vmem>>, vector<16xf32>,
      tpu.vector_store %arg28[%swap3A_899], %select_n3A_898 {strides = array<i32>} : memref<64xf32, #tpu.memory_space<vmem>>, vector<16xf32>,
      %scan3A_901 = arith.constant 0 : i32
      %scan3A_902 = arith.constant 0 : i32
      %scan3A_903 = arith.constant 16 : i32
      %scan3A_904 = arith.addi %scan3A_902, %scan3A_903 : i32
      %scan3A_905 = arith.constant 1 : i32
      %scan3A_906 = scf.for %scan3A_914 = %scan3A_902 to %scan3A_904 step %scan3A_905 iter_args(%scan3A_915 = %scan3A_901) -> (i32)  : i32 {
        %mul3A_916 = arith.constant 4 : i32
        %mul3A_917 = arith.muli %scan3A_914, %mul3A_916 : i32
        %add3A_918 = arith.constant 0 : i32
        %add3A_919 = arith.addi %mul3A_917, %add3A_918 : i32
        %broadcast_in_dim3A_920 = vector.broadcast %add3A_919 : i32 to vector<16xi32>
        %gather3A = tpu.vector_load_idx %arg28[%broadcast_in_dim3A_920] : memref<64xf32, #tpu.memory_space<vmem>>[vector<16xi32>], vector<16xf32>,
        %get3A_921 = arith.index_cast %add3A_919 : i32 to index
        %get3A_922 = arith.constant 0 : index
        %get3A_923 = tpu.vector_load %arg19[%get3A_921, %get3A_922] {strides = array<i32>} : memref<64x128xf32, #tpu.memory_space<vmem>>, vector<16xf32>,
        %mul3A_924 = arith.mulf %get3A_923, %gather3A : vector<16xf32>
        %swap3A_925 = arith.index_cast %add3A_919 : i32 to index
        %swap3A_926 = arith.constant 0 : index
        %swap3A_927 = tpu.vector_load %arg19[%swap3A_925, %swap3A_926] {strides = array<i32>} : memref<64x128xf32, #tpu.memory_space<vmem>>, vector<16xf32>,
        tpu.vector_store %arg19[%swap3A_925, %swap3A_926], %mul3A_924 {strides = array<i32>} : memref<64x128xf32, #tpu.memory_space<vmem>>, vector<16xf32>,
        %get3A_928 = arith.index_cast %add3A_919 : i32 to index
        %get3A_929 = arith.constant 16 : index
        %get3A_930 = tpu.vector_load %arg19[%get3A_928, %get3A_929] {strides = array<i32>} : memref<64x128xf32, #tpu.memory_space<vmem>>, vector<16xf32>,
        %mul3A_931 = arith.mulf %get3A_930, %gather3A : vector<16xf32>
        %swap3A_932 = arith.index_cast %add3A_919 : i32 to index
        %swap3A_933 = arith.constant 16 : index
        %swap3A_934 = tpu.vector_load %arg19[%swap3A_932, %swap3A_933] {strides = array<i32>} : memref<64x128xf32, #tpu.memory_space<vmem>>, vector<16xf32>,
        tpu.vector_store %arg19[%swap3A_932, %swap3A_933], %mul3A_931 {strides = array<i32>} : memref<64x128xf32, #tpu.memory_space<vmem>>, vector<16xf32>,
        %get3A_935 = arith.index_cast %add3A_919 : i32 to index
        %get3A_936 = arith.constant 32 : index
        %get3A_937 = tpu.vector_load %arg19[%get3A_935, %get3A_936] {strides = array<i32>} : memref<64x128xf32, #tpu.memory_space<vmem>>, vector<16xf32>,
        %mul3A_938 = arith.mulf %get3A_937, %gather3A : vector<16xf32>
        %swap3A_939 = arith.index_cast %add3A_919 : i32 to index
        %swap3A_940 = arith.constant 32 : index
        %swap3A_941 = tpu.vector_load %arg19[%swap3A_939, %swap3A_940] {strides = array<i32>} : memref<64x128xf32, #tpu.memory_space<vmem>>, vector<16xf32>,
        tpu.vector_store %arg19[%swap3A_939, %swap3A_940], %mul3A_938 {strides = array<i32>} : memref<64x128xf32, #tpu.memory_space<vmem>>, vector<16xf32>,
        %get3A_942 = arith.index_cast %add3A_919 : i32 to index
        %get3A_943 = arith.constant 48 : index
        %get3A_944 = tpu.vector_load %arg19[%get3A_942, %get3A_943] {strides = array<i32>} : memref<64x128xf32, #tpu.memory_space<vmem>>, vector<16xf32>,
        %mul3A_945 = arith.mulf %get3A_944, %gather3A : vector<16xf32>
        %swap3A_946 = arith.index_cast %add3A_919 : i32 to index
        %swap3A_947 = arith.constant 48 : index
        %swap3A_948 = tpu.vector_load %arg19[%swap3A_946, %swap3A_947] {strides = array<i32>} : memref<64x128xf32, #tpu.memory_space<vmem>>, vector<16xf32>,
        tpu.vector_store %arg19[%swap3A_946, %swap3A_947], %mul3A_945 {strides = array<i32>} : memref<64x128xf32, #tpu.memory_space<vmem>>, vector<16xf32>,
        %get3A_949 = arith.index_cast %add3A_919 : i32 to index
        %get3A_950 = arith.constant 64 : index
        %get3A_951 = tpu.vector_load %arg19[%get3A_949, %get3A_950] {strides = array<i32>} : memref<64x128xf32, #tpu.memory_space<vmem>>, vector<16xf32>,
        %mul3A_952 = arith.mulf %get3A_951, %gather3A : vector<16xf32>
        %swap3A_953 = arith.index_cast %add3A_919 : i32 to index
        %swap3A_954 = arith.constant 64 : index
        %swap3A_955 = tpu.vector_load %arg19[%swap3A_953, %swap3A_954] {strides = array<i32>} : memref<64x128xf32, #tpu.memory_space<vmem>>, vector<16xf32>,
        tpu.vector_store %arg19[%swap3A_953, %swap3A_954], %mul3A_952 {strides = array<i32>} : memref<64x128xf32, #tpu.memory_space<vmem>>, vector<16xf32>,
        %get3A_956 = arith.index_cast %add3A_919 : i32 to index
        %get3A_957 = arith.constant 80 : index
        %get3A_958 = tpu.vector_load %arg19[%get3A_956, %get3A_957] {strides = array<i32>} : memref<64x128xf32, #tpu.memory_space<vmem>>, vector<16xf32>,
        %mul3A_959 = arith.mulf %get3A_958, %gather3A : vector<16xf32>
        %swap3A_960 = arith.index_cast %add3A_919 : i32 to index
        %swap3A_961 = arith.constant 80 : index
        %swap3A_962 = tpu.vector_load %arg19[%swap3A_960, %swap3A_961] {strides = array<i32>} : memref<64x128xf32, #tpu.memory_space<vmem>>, vector<16xf32>,
        tpu.vector_store %arg19[%swap3A_960, %swap3A_961], %mul3A_959 {strides = array<i32>} : memref<64x128xf32, #tpu.memory_space<vmem>>, vector<16xf32>,
        %get3A_963 = arith.index_cast %add3A_919 : i32 to index
        %get3A_964 = arith.constant 96 : index
        %get3A_965 = tpu.vector_load %arg19[%get3A_963, %get3A_964] {strides = array<i32>} : memref<64x128xf32, #tpu.memory_space<vmem>>, vector<16xf32>,
        %mul3A_966 = arith.mulf %get3A_965, %gather3A : vector<16xf32>
        %swap3A_967 = arith.index_cast %add3A_919 : i32 to index
        %swap3A_968 = arith.constant 96 : index
        %swap3A_969 = tpu.vector_load %arg19[%swap3A_967, %swap3A_968] {strides = array<i32>} : memref<64x128xf32, #tpu.memory_space<vmem>>, vector<16xf32>,
        tpu.vector_store %arg19[%swap3A_967, %swap3A_968], %mul3A_966 {strides = array<i32>} : memref<64x128xf32, #tpu.memory_space<vmem>>, vector<16xf32>,
        %get3A_970 = arith.index_cast %add3A_919 : i32 to index
        %get3A_971 = arith.constant 112 : index
        %get3A_972 = tpu.vector_load %arg19[%get3A_970, %get3A_971] {strides = array<i32>} : memref<64x128xf32, #tpu.memory_space<vmem>>, vector<16xf32>,
        %mul3A_973 = arith.mulf %get3A_972, %gather3A : vector<16xf32>
        %swap3A_974 = arith.index_cast %add3A_919 : i32 to index
        %swap3A_975 = arith.constant 112 : index
        %swap3A_976 = tpu.vector_load %arg19[%swap3A_974, %swap3A_975] {strides = array<i32>} : memref<64x128xf32, #tpu.memory_space<vmem>>, vector<16xf32>,
        tpu.vector_store %arg19[%swap3A_974, %swap3A_975], %mul3A_973 {strides = array<i32>} : memref<64x128xf32, #tpu.memory_space<vmem>>, vector<16xf32>,
        %mul3A_977 = arith.constant 4 : i32
        %mul3A_978 = arith.muli %scan3A_914, %mul3A_977 : i32
        %add3A_979 = arith.constant 1 : i32
        %add3A_980 = arith.addi %mul3A_978, %add3A_979 : i32
        %broadcast_in_dim3A_981 = vector.broadcast %add3A_980 : i32 to vector<16xi32>
        %gather3A_982 = tpu.vector_load_idx %arg28[%broadcast_in_dim3A_981] : memref<64xf32, #tpu.memory_space<vmem>>[vector<16xi32>], vector<16xf32>,
        %get3A_983 = arith.index_cast %add3A_980 : i32 to index
        %get3A_984 = arith.constant 0 : index
        %get3A_985 = tpu.vector_load %arg19[%get3A_983, %get3A_984] {strides = array<i32>} : memref<64x128xf32, #tpu.memory_space<vmem>>, vector<16xf32>,
        %mul3A_986 = arith.mulf %get3A_985, %gather3A_982 : vector<16xf32>
        %swap3A_987 = arith.index_cast %add3A_980 : i32 to index
        %swap3A_988 = arith.constant 0 : index
        %swap3A_989 = tpu.vector_load %arg19[%swap3A_987, %swap3A_988] {strides = array<i32>} : memref<64x128xf32, #tpu.memory_space<vmem>>, vector<16xf32>,
        tpu.vector_store %arg19[%swap3A_987, %swap3A_988], %mul3A_986 {strides = array<i32>} : memref<64x128xf32, #tpu.memory_space<vmem>>, vector<16xf32>,
        %get3A_990 = arith.index_cast %add3A_980 : i32 to index
        %get3A_991 = arith.constant 16 : index
        %get3A_992 = tpu.vector_load %arg19[%get3A_990, %get3A_991] {strides = array<i32>} : memref<64x128xf32, #tpu.memory_space<vmem>>, vector<16xf32>,
        %mul3A_993 = arith.mulf %get3A_992, %gather3A_982 : vector<16xf32>
        %swap3A_994 = arith.index_cast %add3A_980 : i32 to index
        %swap3A_995 = arith.constant 16 : index
        %swap3A_996 = tpu.vector_load %arg19[%swap3A_994, %swap3A_995] {strides = array<i32>} : memref<64x128xf32, #tpu.memory_space<vmem>>, vector<16xf32>,
        tpu.vector_store %arg19[%swap3A_994, %swap3A_995], %mul3A_993 {strides = array<i32>} : memref<64x128xf32, #tpu.memory_space<vmem>>, vector<16xf32>,
        %get3A_997 = arith.index_cast %add3A_980 : i32 to index
        %get3A_998 = arith.constant 32 : index
        %get3A_999 = tpu.vector_load %arg19[%get3A_997, %get3A_998] {strides = array<i32>} : memref<64x128xf32, #tpu.memory_space<vmem>>, vector<16xf32>,
        %mul3A_1000 = arith.mulf %get3A_999, %gather3A_982 : vector<16xf32>
        %swap3A_1001 = arith.index_cast %add3A_980 : i32 to index
        %swap3A_1002 = arith.constant 32 : index
        %swap3A_1003 = tpu.vector_load %arg19[%swap3A_1001, %swap3A_1002] {strides = array<i32>} : memref<64x128xf32, #tpu.memory_space<vmem>>, vector<16xf32>,
        tpu.vector_store %arg19[%swap3A_1001, %swap3A_1002], %mul3A_1000 {strides = array<i32>} : memref<64x128xf32, #tpu.memory_space<vmem>>, vector<16xf32>,
        %get3A_1004 = arith.index_cast %add3A_980 : i32 to index
        %get3A_1005 = arith.constant 48 : index
        %get3A_1006 = tpu.vector_load %arg19[%get3A_1004, %get3A_1005] {strides = array<i32>} : memref<64x128xf32, #tpu.memory_space<vmem>>, vector<16xf32>,
        %mul3A_1007 = arith.mulf %get3A_1006, %gather3A_982 : vector<16xf32>
        %swap3A_1008 = arith.index_cast %add3A_980 : i32 to index
        %swap3A_1009 = arith.constant 48 : index
        %swap3A_1010 = tpu.vector_load %arg19[%swap3A_1008, %swap3A_1009] {strides = array<i32>} : memref<64x128xf32, #tpu.memory_space<vmem>>, vector<16xf32>,
        tpu.vector_store %arg19[%swap3A_1008, %swap3A_1009], %mul3A_1007 {strides = array<i32>} : memref<64x128xf32, #tpu.memory_space<vmem>>, vector<16xf32>,
        %get3A_1011 = arith.index_cast %add3A_980 : i32 to index
        %get3A_1012 = arith.constant 64 : index
        %get3A_1013 = tpu.vector_load %arg19[%get3A_1011, %get3A_1012] {strides = array<i32>} : memref<64x128xf32, #tpu.memory_space<vmem>>, vector<16xf32>,
        %mul3A_1014 = arith.mulf %get3A_1013, %gather3A_982 : vector<16xf32>
        %swap3A_1015 = arith.index_cast %add3A_980 : i32 to index
        %swap3A_1016 = arith.constant 64 : index
        %swap3A_1017 = tpu.vector_load %arg19[%swap3A_1015, %swap3A_1016] {strides = array<i32>} : memref<64x128xf32, #tpu.memory_space<vmem>>, vector<16xf32>,
        tpu.vector_store %arg19[%swap3A_1015, %swap3A_1016], %mul3A_1014 {strides = array<i32>} : memref<64x128xf32, #tpu.memory_space<vmem>>, vector<16xf32>,
        %get3A_1018 = arith.index_cast %add3A_980 : i32 to index
        %get3A_1019 = arith.constant 80 : index
        %get3A_1020 = tpu.vector_load %arg19[%get3A_1018, %get3A_1019] {strides = array<i32>} : memref<64x128xf32, #tpu.memory_space<vmem>>, vector<16xf32>,
        %mul3A_1021 = arith.mulf %get3A_1020, %gather3A_982 : vector<16xf32>
        %swap3A_1022 = arith.index_cast %add3A_980 : i32 to index
        %swap3A_1023 = arith.constant 80 : index
        %swap3A_1024 = tpu.vector_load %arg19[%swap3A_1022, %swap3A_1023] {strides = array<i32>} : memref<64x128xf32, #tpu.memory_space<vmem>>, vector<16xf32>,
        tpu.vector_store %arg19[%swap3A_1022, %swap3A_1023], %mul3A_1021 {strides = array<i32>} : memref<64x128xf32, #tpu.memory_space<vmem>>, vector<16xf32>,
        %get3A_1025 = arith.index_cast %add3A_980 : i32 to index
        %get3A_1026 = arith.constant 96 : index
        %get3A_1027 = tpu.vector_load %arg19[%get3A_1025, %get3A_1026] {strides = array<i32>} : memref<64x128xf32, #tpu.memory_space<vmem>>, vector<16xf32>,
        %mul3A_1028 = arith.mulf %get3A_1027, %gather3A_982 : vector<16xf32>
        %swap3A_1029 = arith.index_cast %add3A_980 : i32 to index
        %swap3A_1030 = arith.constant 96 : index
        %swap3A_1031 = tpu.vector_load %arg19[%swap3A_1029, %swap3A_1030] {strides = array<i32>} : memref<64x128xf32, #tpu.memory_space<vmem>>, vector<16xf32>,
        tpu.vector_store %arg19[%swap3A_1029, %swap3A_1030], %mul3A_1028 {strides = array<i32>} : memref<64x128xf32, #tpu.memory_space<vmem>>, vector<16xf32>,
        %get3A_1032 = arith.index_cast %add3A_980 : i32 to index
        %get3A_1033 = arith.constant 112 : index
        %get3A_1034 = tpu.vector_load %arg19[%get3A_1032, %get3A_1033] {strides = array<i32>} : memref<64x128xf32, #tpu.memory_space<vmem>>, vector<16xf32>,
        %mul3A_1035 = arith.mulf %get3A_1034, %gather3A_982 : vector<16xf32>
        %swap3A_1036 = arith.index_cast %add3A_980 : i32 to index
        %swap3A_1037 = arith.constant 112 : index
        %swap3A_1038 = tpu.vector_load %arg19[%swap3A_1036, %swap3A_1037] {strides = array<i32>} : memref<64x128xf32, #tpu.memory_space<vmem>>, vector<16xf32>,
        tpu.vector_store %arg19[%swap3A_1036, %swap3A_1037], %mul3A_1035 {strides = array<i32>} : memref<64x128xf32, #tpu.memory_space<vmem>>, vector<16xf32>,
        %mul3A_1039 = arith.constant 4 : i32
        %mul3A_1040 = arith.muli %scan3A_914, %mul3A_1039 : i32
        %add3A_1041 = arith.constant 2 : i32
        %add3A_1042 = arith.addi %mul3A_1040, %add3A_1041 : i32
        %broadcast_in_dim3A_1043 = vector.broadcast %add3A_1042 : i32 to vector<16xi32>
        %gather3A_1044 = tpu.vector_load_idx %arg28[%broadcast_in_dim3A_1043] : memref<64xf32, #tpu.memory_space<vmem>>[vector<16xi32>], vector<16xf32>,
        %get3A_1045 = arith.index_cast %add3A_1042 : i32 to index
        %get3A_1046 = arith.constant 0 : index
        %get3A_1047 = tpu.vector_load %arg19[%get3A_1045, %get3A_1046] {strides = array<i32>} : memref<64x128xf32, #tpu.memory_space<vmem>>, vector<16xf32>,
        %mul3A_1048 = arith.mulf %get3A_1047, %gather3A_1044 : vector<16xf32>
        %swap3A_1049 = arith.index_cast %add3A_1042 : i32 to index
        %swap3A_1050 = arith.constant 0 : index
        %swap3A_1051 = tpu.vector_load %arg19[%swap3A_1049, %swap3A_1050] {strides = array<i32>} : memref<64x128xf32, #tpu.memory_space<vmem>>, vector<16xf32>,
        tpu.vector_store %arg19[%swap3A_1049, %swap3A_1050], %mul3A_1048 {strides = array<i32>} : memref<64x128xf32, #tpu.memory_space<vmem>>, vector<16xf32>,
        %get3A_1052 = arith.index_cast %add3A_1042 : i32 to index
        %get3A_1053 = arith.constant 16 : index
        %get3A_1054 = tpu.vector_load %arg19[%get3A_1052, %get3A_1053] {strides = array<i32>} : memref<64x128xf32, #tpu.memory_space<vmem>>, vector<16xf32>,
        %mul3A_1055 = arith.mulf %get3A_1054, %gather3A_1044 : vector<16xf32>
        %swap3A_1056 = arith.index_cast %add3A_1042 : i32 to index
        %swap3A_1057 = arith.constant 16 : index
        %swap3A_1058 = tpu.vector_load %arg19[%swap3A_1056, %swap3A_1057] {strides = array<i32>} : memref<64x128xf32, #tpu.memory_space<vmem>>, vector<16xf32>,
        tpu.vector_store %arg19[%swap3A_1056, %swap3A_1057], %mul3A_1055 {strides = array<i32>} : memref<64x128xf32, #tpu.memory_space<vmem>>, vector<16xf32>,
        %get3A_1059 = arith.index_cast %add3A_1042 : i32 to index
        %get3A_1060 = arith.constant 32 : index
        %get3A_1061 = tpu.vector_load %arg19[%get3A_1059, %get3A_1060] {strides = array<i32>} : memref<64x128xf32, #tpu.memory_space<vmem>>, vector<16xf32>,
        %mul3A_1062 = arith.mulf %get3A_1061, %gather3A_1044 : vector<16xf32>
        %swap3A_1063 = arith.index_cast %add3A_1042 : i32 to index
        %swap3A_1064 = arith.constant 32 : index
        %swap3A_1065 = tpu.vector_load %arg19[%swap3A_1063, %swap3A_1064] {strides = array<i32>} : memref<64x128xf32, #tpu.memory_space<vmem>>, vector<16xf32>,
        tpu.vector_store %arg19[%swap3A_1063, %swap3A_1064], %mul3A_1062 {strides = array<i32>} : memref<64x128xf32, #tpu.memory_space<vmem>>, vector<16xf32>,
        %get3A_1066 = arith.index_cast %add3A_1042 : i32 to index
        %get3A_1067 = arith.constant 48 : index
        %get3A_1068 = tpu.vector_load %arg19[%get3A_1066, %get3A_1067] {strides = array<i32>} : memref<64x128xf32, #tpu.memory_space<vmem>>, vector<16xf32>,
        %mul3A_1069 = arith.mulf %get3A_1068, %gather3A_1044 : vector<16xf32>
        %swap3A_1070 = arith.index_cast %add3A_1042 : i32 to index
        %swap3A_1071 = arith.constant 48 : index
        %swap3A_1072 = tpu.vector_load %arg19[%swap3A_1070, %swap3A_1071] {strides = array<i32>} : memref<64x128xf32, #tpu.memory_space<vmem>>, vector<16xf32>,
        tpu.vector_store %arg19[%swap3A_1070, %swap3A_1071], %mul3A_1069 {strides = array<i32>} : memref<64x128xf32, #tpu.memory_space<vmem>>, vector<16xf32>,
        %get3A_1073 = arith.index_cast %add3A_1042 : i32 to index
        %get3A_1074 = arith.constant 64 : index
        %get3A_1075 = tpu.vector_load %arg19[%get3A_1073, %get3A_1074] {strides = array<i32>} : memref<64x128xf32, #tpu.memory_space<vmem>>, vector<16xf32>,
        %mul3A_1076 = arith.mulf %get3A_1075, %gather3A_1044 : vector<16xf32>
        %swap3A_1077 = arith.index_cast %add3A_1042 : i32 to index
        %swap3A_1078 = arith.constant 64 : index
        %swap3A_1079 = tpu.vector_load %arg19[%swap3A_1077, %swap3A_1078] {strides = array<i32>} : memref<64x128xf32, #tpu.memory_space<vmem>>, vector<16xf32>,
        tpu.vector_store %arg19[%swap3A_1077, %swap3A_1078], %mul3A_1076 {strides = array<i32>} : memref<64x128xf32, #tpu.memory_space<vmem>>, vector<16xf32>,
        %get3A_1080 = arith.index_cast %add3A_1042 : i32 to index
        %get3A_1081 = arith.constant 80 : index
        %get3A_1082 = tpu.vector_load %arg19[%get3A_1080, %get3A_1081] {strides = array<i32>} : memref<64x128xf32, #tpu.memory_space<vmem>>, vector<16xf32>,
        %mul3A_1083 = arith.mulf %get3A_1082, %gather3A_1044 : vector<16xf32>
        %swap3A_1084 = arith.index_cast %add3A_1042 : i32 to index
        %swap3A_1085 = arith.constant 80 : index
        %swap3A_1086 = tpu.vector_load %arg19[%swap3A_1084, %swap3A_1085] {strides = array<i32>} : memref<64x128xf32, #tpu.memory_space<vmem>>, vector<16xf32>,
        tpu.vector_store %arg19[%swap3A_1084, %swap3A_1085], %mul3A_1083 {strides = array<i32>} : memref<64x128xf32, #tpu.memory_space<vmem>>, vector<16xf32>,
        %get3A_1087 = arith.index_cast %add3A_1042 : i32 to index
        %get3A_1088 = arith.constant 96 : index
        %get3A_1089 = tpu.vector_load %arg19[%get3A_1087, %get3A_1088] {strides = array<i32>} : memref<64x128xf32, #tpu.memory_space<vmem>>, vector<16xf32>,
        %mul3A_1090 = arith.mulf %get3A_1089, %gather3A_1044 : vector<16xf32>
        %swap3A_1091 = arith.index_cast %add3A_1042 : i32 to index
        %swap3A_1092 = arith.constant 96 : index
        %swap3A_1093 = tpu.vector_load %arg19[%swap3A_1091, %swap3A_1092] {strides = array<i32>} : memref<64x128xf32, #tpu.memory_space<vmem>>, vector<16xf32>,
        tpu.vector_store %arg19[%swap3A_1091, %swap3A_1092], %mul3A_1090 {strides = array<i32>} : memref<64x128xf32, #tpu.memory_space<vmem>>, vector<16xf32>,
        %get3A_1094 = arith.index_cast %add3A_1042 : i32 to index
        %get3A_1095 = arith.constant 112 : index
        %get3A_1096 = tpu.vector_load %arg19[%get3A_1094, %get3A_1095] {strides = array<i32>} : memref<64x128xf32, #tpu.memory_space<vmem>>, vector<16xf32>,
        %mul3A_1097 = arith.mulf %get3A_1096, %gather3A_1044 : vector<16xf32>
        %swap3A_1098 = arith.index_cast %add3A_1042 : i32 to index
        %swap3A_1099 = arith.constant 112 : index
        %swap3A_1100 = tpu.vector_load %arg19[%swap3A_1098, %swap3A_1099] {strides = array<i32>} : memref<64x128xf32, #tpu.memory_space<vmem>>, vector<16xf32>,
        tpu.vector_store %arg19[%swap3A_1098, %swap3A_1099], %mul3A_1097 {strides = array<i32>} : memref<64x128xf32, #tpu.memory_space<vmem>>, vector<16xf32>,
        %mul3A_1101 = arith.constant 4 : i32
        %mul3A_1102 = arith.muli %scan3A_914, %mul3A_1101 : i32
        %add3A_1103 = arith.constant 3 : i32
        %add3A_1104 = arith.addi %mul3A_1102, %add3A_1103 : i32
        %broadcast_in_dim3A_1105 = vector.broadcast %add3A_1104 : i32 to vector<16xi32>
        %gather3A_1106 = tpu.vector_load_idx %arg28[%broadcast_in_dim3A_1105] : memref<64xf32, #tpu.memory_space<vmem>>[vector<16xi32>], vector<16xf32>,
        %get3A_1107 = arith.index_cast %add3A_1104 : i32 to index
        %get3A_1108 = arith.constant 0 : index
        %get3A_1109 = tpu.vector_load %arg19[%get3A_1107, %get3A_1108] {strides = array<i32>} : memref<64x128xf32, #tpu.memory_space<vmem>>, vector<16xf32>,
        %mul3A_1110 = arith.mulf %get3A_1109, %gather3A_1106 : vector<16xf32>
        %swap3A_1111 = arith.index_cast %add3A_1104 : i32 to index
        %swap3A_1112 = arith.constant 0 : index
        %swap3A_1113 = tpu.vector_load %arg19[%swap3A_1111, %swap3A_1112] {strides = array<i32>} : memref<64x128xf32, #tpu.memory_space<vmem>>, vector<16xf32>,
        tpu.vector_store %arg19[%swap3A_1111, %swap3A_1112], %mul3A_1110 {strides = array<i32>} : memref<64x128xf32, #tpu.memory_space<vmem>>, vector<16xf32>,
        %get3A_1114 = arith.index_cast %add3A_1104 : i32 to index
        %get3A_1115 = arith.constant 16 : index
        %get3A_1116 = tpu.vector_load %arg19[%get3A_1114, %get3A_1115] {strides = array<i32>} : memref<64x128xf32, #tpu.memory_space<vmem>>, vector<16xf32>,
        %mul3A_1117 = arith.mulf %get3A_1116, %gather3A_1106 : vector<16xf32>
        %swap3A_1118 = arith.index_cast %add3A_1104 : i32 to index
        %swap3A_1119 = arith.constant 16 : index
        %swap3A_1120 = tpu.vector_load %arg19[%swap3A_1118, %swap3A_1119] {strides = array<i32>} : memref<64x128xf32, #tpu.memory_space<vmem>>, vector<16xf32>,
        tpu.vector_store %arg19[%swap3A_1118, %swap3A_1119], %mul3A_1117 {strides = array<i32>} : memref<64x128xf32, #tpu.memory_space<vmem>>, vector<16xf32>,
        %get3A_1121 = arith.index_cast %add3A_1104 : i32 to index
        %get3A_1122 = arith.constant 32 : index
        %get3A_1123 = tpu.vector_load %arg19[%get3A_1121, %get3A_1122] {strides = array<i32>} : memref<64x128xf32, #tpu.memory_space<vmem>>, vector<16xf32>,
        %mul3A_1124 = arith.mulf %get3A_1123, %gather3A_1106 : vector<16xf32>
        %swap3A_1125 = arith.index_cast %add3A_1104 : i32 to index
        %swap3A_1126 = arith.constant 32 : index
        %swap3A_1127 = tpu.vector_load %arg19[%swap3A_1125, %swap3A_1126] {strides = array<i32>} : memref<64x128xf32, #tpu.memory_space<vmem>>, vector<16xf32>,
        tpu.vector_store %arg19[%swap3A_1125, %swap3A_1126], %mul3A_1124 {strides = array<i32>} : memref<64x128xf32, #tpu.memory_space<vmem>>, vector<16xf32>,
        %get3A_1128 = arith.index_cast %add3A_1104 : i32 to index
        %get3A_1129 = arith.constant 48 : index
        %get3A_1130 = tpu.vector_load %arg19[%get3A_1128, %get3A_1129] {strides = array<i32>} : memref<64x128xf32, #tpu.memory_space<vmem>>, vector<16xf32>,
        %mul3A_1131 = arith.mulf %get3A_1130, %gather3A_1106 : vector<16xf32>
        %swap3A_1132 = arith.index_cast %add3A_1104 : i32 to index
        %swap3A_1133 = arith.constant 48 : index
        %swap3A_1134 = tpu.vector_load %arg19[%swap3A_1132, %swap3A_1133] {strides = array<i32>} : memref<64x128xf32, #tpu.memory_space<vmem>>, vector<16xf32>,
        tpu.vector_store %arg19[%swap3A_1132, %swap3A_1133], %mul3A_1131 {strides = array<i32>} : memref<64x128xf32, #tpu.memory_space<vmem>>, vector<16xf32>,
        %get3A_1135 = arith.index_cast %add3A_1104 : i32 to index
        %get3A_1136 = arith.constant 64 : index
        %get3A_1137 = tpu.vector_load %arg19[%get3A_1135, %get3A_1136] {strides = array<i32>} : memref<64x128xf32, #tpu.memory_space<vmem>>, vector<16xf32>,
        %mul3A_1138 = arith.mulf %get3A_1137, %gather3A_1106 : vector<16xf32>
        %swap3A_1139 = arith.index_cast %add3A_1104 : i32 to index
        %swap3A_1140 = arith.constant 64 : index
        %swap3A_1141 = tpu.vector_load %arg19[%swap3A_1139, %swap3A_1140] {strides = array<i32>} : memref<64x128xf32, #tpu.memory_space<vmem>>, vector<16xf32>,
        tpu.vector_store %arg19[%swap3A_1139, %swap3A_1140], %mul3A_1138 {strides = array<i32>} : memref<64x128xf32, #tpu.memory_space<vmem>>, vector<16xf32>,
        %get3A_1142 = arith.index_cast %add3A_1104 : i32 to index
        %get3A_1143 = arith.constant 80 : index
        %get3A_1144 = tpu.vector_load %arg19[%get3A_1142, %get3A_1143] {strides = array<i32>} : memref<64x128xf32, #tpu.memory_space<vmem>>, vector<16xf32>,
        %mul3A_1145 = arith.mulf %get3A_1144, %gather3A_1106 : vector<16xf32>
        %swap3A_1146 = arith.index_cast %add3A_1104 : i32 to index
        %swap3A_1147 = arith.constant 80 : index
        %swap3A_1148 = tpu.vector_load %arg19[%swap3A_1146, %swap3A_1147] {strides = array<i32>} : memref<64x128xf32, #tpu.memory_space<vmem>>, vector<16xf32>,
        tpu.vector_store %arg19[%swap3A_1146, %swap3A_1147], %mul3A_1145 {strides = array<i32>} : memref<64x128xf32, #tpu.memory_space<vmem>>, vector<16xf32>,
        %get3A_1149 = arith.index_cast %add3A_1104 : i32 to index
        %get3A_1150 = arith.constant 96 : index
        %get3A_1151 = tpu.vector_load %arg19[%get3A_1149, %get3A_1150] {strides = array<i32>} : memref<64x128xf32, #tpu.memory_space<vmem>>, vector<16xf32>,
        %mul3A_1152 = arith.mulf %get3A_1151, %gather3A_1106 : vector<16xf32>
        %swap3A_1153 = arith.index_cast %add3A_1104 : i32 to index
        %swap3A_1154 = arith.constant 96 : index
        %swap3A_1155 = tpu.vector_load %arg19[%swap3A_1153, %swap3A_1154] {strides = array<i32>} : memref<64x128xf32, #tpu.memory_space<vmem>>, vector<16xf32>,
        tpu.vector_store %arg19[%swap3A_1153, %swap3A_1154], %mul3A_1152 {strides = array<i32>} : memref<64x128xf32, #tpu.memory_space<vmem>>, vector<16xf32>,
        %get3A_1156 = arith.index_cast %add3A_1104 : i32 to index
        %get3A_1157 = arith.constant 112 : index
        %get3A_1158 = tpu.vector_load %arg19[%get3A_1156, %get3A_1157] {strides = array<i32>} : memref<64x128xf32, #tpu.memory_space<vmem>>, vector<16xf32>,
        %mul3A_1159 = arith.mulf %get3A_1158, %gather3A_1106 : vector<16xf32>
        %swap3A_1160 = arith.index_cast %add3A_1104 : i32 to index
        %swap3A_1161 = arith.constant 112 : index
        %swap3A_1162 = tpu.vector_load %arg19[%swap3A_1160, %swap3A_1161] {strides = array<i32>} : memref<64x128xf32, #tpu.memory_space<vmem>>, vector<16xf32>,
        tpu.vector_store %arg19[%swap3A_1160, %swap3A_1161], %mul3A_1159 {strides = array<i32>} : memref<64x128xf32, #tpu.memory_space<vmem>>, vector<16xf32>,
        %scan3A_1163 = arith.constant 0 : i32
        scf.yield %scan3A_1163 : i32
      }
      %scan3A_907 = arith.constant 16 : i32
      %dma_start3A_908 = arith.constant 0 : i32
      %dma_start3A_909 = arith.constant 0 : i32
      %dma_start3A_910 = tpu.memref_slice %arg8[%dma_start3A_908, %dma_start3A_909] : memref<10240x128xf32, #tpu.memory_space<vmem_shared>> -> memref<10240x128xf32, #tpu.memory_space<vmem_shared>>
      tpu.enqueue_indirect_dma source(%arg19 : memref<64x128xf32, #tpu.memory_space<vmem>>) target(%dma_start3A_910 : memref<10240x128xf32, #tpu.memory_space<vmem_shared>>) offsets(%arg16 : memref<64xi32, #tpu.memory_space<vmem>>) semaphore(%arg38 : memref<!tpu.dma_semaphore, #tpu.memory_space<semaphore_mem>>) {add = true}
      %dma_start3A_911 = arith.constant 0 : i32
      %dma_start3A_912 = tpu.memref_slice %arg9[%dma_start3A_911] : memref<10240xf32, #tpu.memory_space<vmem_shared>> -> memref<10240xf32, #tpu.memory_space<vmem_shared>>
      tpu.enqueue_indirect_dma source(%arg28 : memref<64xf32, #tpu.memory_space<vmem>>) target(%dma_start3A_912 : memref<10240xf32, #tpu.memory_space<vmem_shared>>) offsets(%arg16 : memref<64xi32, #tpu.memory_space<vmem>>) semaphore(%arg41 : memref<!tpu.dma_semaphore, #tpu.memory_space<semaphore_mem>>) {add = true}
      %while3A_913 = arith.constant 0 : i32
      scf.yield %while3A_913 : i32
    }
    %dma_wait3A = arith.constant 0 : i32
    %dma_wait3A_187 = arith.constant 0 : i32
    %dma_wait3A_188 = tpu.memref_slice %arg5[%dma_wait3A, %dma_wait3A_187] : memref<10000x128xf32, #tpu.memory_space<hbm>> -> memref<64x128xf32, #tpu.memory_space<hbm>>
    %dma_wait3A_189 = arith.constant 0 : i32
    %dma_wait3A_190 = arith.constant 0 : i32
    %dma_wait3A_191 = tpu.memref_slice %arg5[%dma_wait3A_189, %dma_wait3A_190] : memref<10000x128xf32, #tpu.memory_space<hbm>> -> memref<64x128xf32, #tpu.memory_space<hbm>>
    tpu.wait_dma2 semaphore(%arg38 : memref<!tpu.dma_semaphore, #tpu.memory_space<semaphore_mem>>) src(%dma_wait3A_191 : memref<64x128xf32, #tpu.memory_space<hbm>>) dst(%arg19 : memref<64x128xf32, #tpu.memory_space<vmem>>)
    %dma_wait3A_192 = arith.constant 0 : i32
    %dma_wait3A_193 = tpu.memref_slice %arg3[%dma_wait3A_192] : memref<10240xf32, #tpu.memory_space<hbm>> -> memref<64xf32, #tpu.memory_space<hbm>>
    %dma_wait3A_194 = arith.constant 0 : i32
    %dma_wait3A_195 = tpu.memref_slice %arg3[%dma_wait3A_194] : memref<10240xf32, #tpu.memory_space<hbm>> -> memref<64xf32, #tpu.memory_space<hbm>>
    tpu.wait_dma2 semaphore(%arg41 : memref<!tpu.dma_semaphore, #tpu.memory_space<semaphore_mem>>) src(%dma_wait3A_195 : memref<64xf32, #tpu.memory_space<hbm>>) dst(%arg28 : memref<64xf32, #tpu.memory_space<vmem>>)
    %dma_wait3A_196 = arith.constant 0 : i32
    %dma_wait3A_197 = arith.constant 0 : i32
    %dma_wait3A_198 = tpu.memref_slice %arg5[%dma_wait3A_196, %dma_wait3A_197] : memref<10000x128xf32, #tpu.memory_space<hbm>> -> memref<64x128xf32, #tpu.memory_space<hbm>>
    %dma_wait3A_199 = arith.constant 0 : i32
    %dma_wait3A_200 = arith.constant 0 : i32
    %dma_wait3A_201 = tpu.memref_slice %arg5[%dma_wait3A_199, %dma_wait3A_200] : memref<10000x128xf32, #tpu.memory_space<hbm>> -> memref<64x128xf32, #tpu.memory_space<hbm>>
    tpu.wait_dma2 semaphore(%arg30 : memref<!tpu.dma_semaphore, #tpu.memory_space<semaphore_mem>>) src(%dma_wait3A_201 : memref<64x128xf32, #tpu.memory_space<hbm>>) dst(%arg17 : memref<64x128xf32, #tpu.memory_space<vmem>>)
    %dma_wait3A_202 = arith.constant 0 : i32
    %dma_wait3A_203 = tpu.memref_slice %arg3[%dma_wait3A_202] : memref<10240xf32, #tpu.memory_space<hbm>> -> memref<64xf32, #tpu.memory_space<hbm>>
    %dma_wait3A_204 = arith.constant 0 : i32
    %dma_wait3A_205 = tpu.memref_slice %arg3[%dma_wait3A_204] : memref<10240xf32, #tpu.memory_space<hbm>> -> memref<64xf32, #tpu.memory_space<hbm>>
    tpu.wait_dma2 semaphore(%arg33 : memref<!tpu.dma_semaphore, #tpu.memory_space<semaphore_mem>>) src(%dma_wait3A_205 : memref<64xf32, #tpu.memory_space<hbm>>) dst(%arg20 : memref<64xf32, #tpu.memory_space<vmem>>)
    %dma_wait3A_206 = arith.constant 0 : i32
    %dma_wait3A_207 = tpu.memref_slice %arg3[%dma_wait3A_206] : memref<10240xf32, #tpu.memory_space<hbm>> -> memref<64xf32, #tpu.memory_space<hbm>>
    %dma_wait3A_208 = arith.constant 0 : i32
    %dma_wait3A_209 = tpu.memref_slice %arg3[%dma_wait3A_208] : memref<10240xf32, #tpu.memory_space<hbm>> -> memref<64xf32, #tpu.memory_space<hbm>>
    tpu.wait_dma2 semaphore(%arg33 : memref<!tpu.dma_semaphore, #tpu.memory_space<semaphore_mem>>) src(%dma_wait3A_209 : memref<64xf32, #tpu.memory_space<hbm>>) dst(%arg23 : memref<64xf32, #tpu.memory_space<vmem>>)
    %dma_wait3A_210 = arith.constant 0 : i32
    %dma_wait3A_211 = arith.constant 0 : i32
    %dma_wait3A_212 = tpu.memref_slice %arg5[%dma_wait3A_210, %dma_wait3A_211] : memref<10000x128xf32, #tpu.memory_space<hbm>> -> memref<64x128xf32, #tpu.memory_space<hbm>>
    %dma_wait3A_213 = arith.constant 0 : i32
    %dma_wait3A_214 = arith.constant 0 : i32
    %dma_wait3A_215 = tpu.memref_slice %arg5[%dma_wait3A_213, %dma_wait3A_214] : memref<10000x128xf32, #tpu.memory_space<hbm>> -> memref<64x128xf32, #tpu.memory_space<hbm>>
    tpu.wait_dma2 semaphore(%arg31 : memref<!tpu.dma_semaphore, #tpu.memory_space<semaphore_mem>>) src(%dma_wait3A_215 : memref<64x128xf32, #tpu.memory_space<hbm>>) dst(%arg18 : memref<64x128xf32, #tpu.memory_space<vmem>>)
    %dma_wait3A_216 = arith.constant 0 : i32
    %dma_wait3A_217 = tpu.memref_slice %arg3[%dma_wait3A_216] : memref<10240xf32, #tpu.memory_space<hbm>> -> memref<64xf32, #tpu.memory_space<hbm>>
    %dma_wait3A_218 = arith.constant 0 : i32
    %dma_wait3A_219 = tpu.memref_slice %arg3[%dma_wait3A_218] : memref<10240xf32, #tpu.memory_space<hbm>> -> memref<64xf32, #tpu.memory_space<hbm>>
    tpu.wait_dma2 semaphore(%arg34 : memref<!tpu.dma_semaphore, #tpu.memory_space<semaphore_mem>>) src(%dma_wait3A_219 : memref<64xf32, #tpu.memory_space<hbm>>) dst(%arg21 : memref<64xf32, #tpu.memory_space<vmem>>)
    %dma_wait3A_220 = arith.constant 0 : i32
    %dma_wait3A_221 = tpu.memref_slice %arg3[%dma_wait3A_220] : memref<10240xf32, #tpu.memory_space<hbm>> -> memref<64xf32, #tpu.memory_space<hbm>>
    %dma_wait3A_222 = arith.constant 0 : i32
    %dma_wait3A_223 = tpu.memref_slice %arg3[%dma_wait3A_222] : memref<10240xf32, #tpu.memory_space<hbm>> -> memref<64xf32, #tpu.memory_space<hbm>>
    tpu.wait_dma2 semaphore(%arg34 : memref<!tpu.dma_semaphore, #tpu.memory_space<semaphore_mem>>) src(%dma_wait3A_223 : memref<64xf32, #tpu.memory_space<hbm>>) dst(%arg24 : memref<64xf32, #tpu.memory_space<vmem>>)
    %barrier3A_224 = arith.constant 0 : index
    tpu.barrier barrier_id(%barrier3A_224)
    %add3A_225 = arith.constant 0 : i32
    %add3A_226 = arith.addi %mul3A_16, %add3A_225 : i32
    "tpu.region"() ({
      %run_scoped3A = tpu.sem_alloc : memref<!tpu.dma_semaphore, #tpu.memory_space<semaphore_mem>>
      %dma_start3A_245 = arith.constant 0 : i32
      %dma_start3A_246 = tpu.memref_slice %arg8[%add3A_226, %dma_start3A_245] : memref<10240x128xf32, #tpu.memory_space<vmem_shared>> -> memref<64x128xf32, #tpu.memory_space<vmem_shared>>
      %dma_start3A_247 = arith.constant 0 : i32
      %dma_start3A_248 = tpu.memref_slice %arg8[%add3A_226, %dma_start3A_247] : memref<10240x128xf32, #tpu.memory_space<vmem_shared>> -> memref<64x128xf32, #tpu.memory_space<vmem_shared>>
      tpu.enqueue_dma source(%dma_start3A_248 : memref<64x128xf32, #tpu.memory_space<vmem_shared>>) target(%arg17 : memref<64x128xf32, #tpu.memory_space<vmem>>) target_semaphore(%run_scoped3A : memref<!tpu.dma_semaphore, #tpu.memory_space<semaphore_mem>>)
      %dma_wait3A_249 = arith.constant 0 : i32
      %dma_wait3A_250 = tpu.memref_slice %arg8[%add3A_226, %dma_wait3A_249] : memref<10240x128xf32, #tpu.memory_space<vmem_shared>> -> memref<64x128xf32, #tpu.memory_space<vmem_shared>>
      %dma_wait3A_251 = arith.constant 0 : i32
      %dma_wait3A_252 = tpu.memref_slice %arg8[%add3A_226, %dma_wait3A_251] : memref<10240x128xf32, #tpu.memory_space<vmem_shared>> -> memref<64x128xf32, #tpu.memory_space<vmem_shared>>
      tpu.wait_dma2 semaphore(%run_scoped3A : memref<!tpu.dma_semaphore, #tpu.memory_space<semaphore_mem>>) src(%dma_wait3A_252 : memref<64x128xf32, #tpu.memory_space<vmem_shared>>) dst(%arg17 : memref<64x128xf32, #tpu.memory_space<vmem>>)
      tpu.yield
    }) : () -> ()
    "tpu.region"() ({
      %run_scoped3A = tpu.sem_alloc : memref<!tpu.dma_semaphore, #tpu.memory_space<semaphore_mem>>
      %dma_start3A_245 = arith.constant 0 : i32
      %dma_start3A_246 = tpu.memref_slice %arg6[%arg0, %add3A_226, %dma_start3A_245] : memref<2x10240x128xf32, #tpu.memory_space<hbm>> -> memref<1x64x128xf32, #tpu.memory_space<hbm>>
      %dma_start3A_247 = tpu.memref_squeeze %dma_start3A_246 : memref<1x64x128xf32, #tpu.memory_space<hbm>> -> memref<64x128xf32, #tpu.memory_space<hbm>>
      %dma_start3A_248 = arith.constant 0 : i32
      %dma_start3A_249 = tpu.memref_slice %arg6[%arg0, %add3A_226, %dma_start3A_248] : memref<2x10240x128xf32, #tpu.memory_space<hbm>> -> memref<1x64x128xf32, #tpu.memory_space<hbm>>
      %dma_start3A_250 = tpu.memref_squeeze %dma_start3A_249 : memref<1x64x128xf32, #tpu.memory_space<hbm>> -> memref<64x128xf32, #tpu.memory_space<hbm>>
      tpu.enqueue_dma source(%arg17 : memref<64x128xf32, #tpu.memory_space<vmem>>) target(%dma_start3A_250 : memref<64x128xf32, #tpu.memory_space<hbm>>) target_semaphore(%run_scoped3A : memref<!tpu.dma_semaphore, #tpu.memory_space<semaphore_mem>>)
      %dma_wait3A_251 = arith.constant 0 : i32
      %dma_wait3A_252 = tpu.memref_slice %arg6[%arg0, %add3A_226, %dma_wait3A_251] : memref<2x10240x128xf32, #tpu.memory_space<hbm>> -> memref<1x64x128xf32, #tpu.memory_space<hbm>>
      %dma_wait3A_253 = tpu.memref_squeeze %dma_wait3A_252 : memref<1x64x128xf32, #tpu.memory_space<hbm>> -> memref<64x128xf32, #tpu.memory_space<hbm>>
      %dma_wait3A_254 = arith.constant 0 : i32
      %dma_wait3A_255 = tpu.memref_slice %arg6[%arg0, %add3A_226, %dma_wait3A_254] : memref<2x10240x128xf32, #tpu.memory_space<hbm>> -> memref<1x64x128xf32, #tpu.memory_space<hbm>>
      %dma_wait3A_256 = tpu.memref_squeeze %dma_wait3A_255 : memref<1x64x128xf32, #tpu.memory_space<hbm>> -> memref<64x128xf32, #tpu.memory_space<hbm>>
      tpu.wait_dma2 semaphore(%run_scoped3A : memref<!tpu.dma_semaphore, #tpu.memory_space<semaphore_mem>>) src(%arg17 : memref<64x128xf32, #tpu.memory_space<vmem>>) dst(%dma_wait3A_256 : memref<64x128xf32, #tpu.memory_space<hbm>>)
      tpu.yield
    }) : () -> ()
    %add3A_227 = arith.constant 64 : i32
    %add3A_228 = arith.addi %mul3A_16, %add3A_227 : i32
    "tpu.region"() ({
      %run_scoped3A = tpu.sem_alloc : memref<!tpu.dma_semaphore, #tpu.memory_space<semaphore_mem>>
      %dma_start3A_245 = arith.constant 0 : i32
      %dma_start3A_246 = tpu.memref_slice %arg8[%add3A_228, %dma_start3A_245] : memref<10240x128xf32, #tpu.memory_space<vmem_shared>> -> memref<64x128xf32, #tpu.memory_space<vmem_shared>>
      %dma_start3A_247 = arith.constant 0 : i32
      %dma_start3A_248 = tpu.memref_slice %arg8[%add3A_228, %dma_start3A_247] : memref<10240x128xf32, #tpu.memory_space<vmem_shared>> -> memref<64x128xf32, #tpu.memory_space<vmem_shared>>
      tpu.enqueue_dma source(%dma_start3A_248 : memref<64x128xf32, #tpu.memory_space<vmem_shared>>) target(%arg18 : memref<64x128xf32, #tpu.memory_space<vmem>>) target_semaphore(%run_scoped3A : memref<!tpu.dma_semaphore, #tpu.memory_space<semaphore_mem>>)
      %dma_wait3A_249 = arith.constant 0 : i32
      %dma_wait3A_250 = tpu.memref_slice %arg8[%add3A_228, %dma_wait3A_249] : memref<10240x128xf32, #tpu.memory_space<vmem_shared>> -> memref<64x128xf32, #tpu.memory_space<vmem_shared>>
      %dma_wait3A_251 = arith.constant 0 : i32
      %dma_wait3A_252 = tpu.memref_slice %arg8[%add3A_228, %dma_wait3A_251] : memref<10240x128xf32, #tpu.memory_space<vmem_shared>> -> memref<64x128xf32, #tpu.memory_space<vmem_shared>>
      tpu.wait_dma2 semaphore(%run_scoped3A : memref<!tpu.dma_semaphore, #tpu.memory_space<semaphore_mem>>) src(%dma_wait3A_252 : memref<64x128xf32, #tpu.memory_space<vmem_shared>>) dst(%arg18 : memref<64x128xf32, #tpu.memory_space<vmem>>)
      tpu.yield
    }) : () -> ()
    "tpu.region"() ({
      %run_scoped3A = tpu.sem_alloc : memref<!tpu.dma_semaphore, #tpu.memory_space<semaphore_mem>>
      %dma_start3A_245 = arith.constant 0 : i32
      %dma_start3A_246 = tpu.memref_slice %arg6[%arg0, %add3A_228, %dma_start3A_245] : memref<2x10240x128xf32, #tpu.memory_space<hbm>> -> memref<1x64x128xf32, #tpu.memory_space<hbm>>
      %dma_start3A_247 = tpu.memref_squeeze %dma_start3A_246 : memref<1x64x128xf32, #tpu.memory_space<hbm>> -> memref<64x128xf32, #tpu.memory_space<hbm>>
      %dma_start3A_248 = arith.constant 0 : i32
      %dma_start3A_249 = tpu.memref_slice %arg6[%arg0, %add3A_228, %dma_start3A_248] : memref<2x10240x128xf32, #tpu.memory_space<hbm>> -> memref<1x64x128xf32, #tpu.memory_space<hbm>>
      %dma_start3A_250 = tpu.memref_squeeze %dma_start3A_249 : memref<1x64x128xf32, #tpu.memory_space<hbm>> -> memref<64x128xf32, #tpu.memory_space<hbm>>
      tpu.enqueue_dma source(%arg18 : memref<64x128xf32, #tpu.memory_space<vmem>>) target(%dma_start3A_250 : memref<64x128xf32, #tpu.memory_space<hbm>>) target_semaphore(%run_scoped3A : memref<!tpu.dma_semaphore, #tpu.memory_space<semaphore_mem>>)
      %dma_wait3A_251 = arith.constant 0 : i32
      %dma_wait3A_252 = tpu.memref_slice %arg6[%arg0, %add3A_228, %dma_wait3A_251] : memref<2x10240x128xf32, #tpu.memory_space<hbm>> -> memref<1x64x128xf32, #tpu.memory_space<hbm>>
      %dma_wait3A_253 = tpu.memref_squeeze %dma_wait3A_252 : memref<1x64x128xf32, #tpu.memory_space<hbm>> -> memref<64x128xf32, #tpu.memory_space<hbm>>
      %dma_wait3A_254 = arith.constant 0 : i32
      %dma_wait3A_255 = tpu.memref_slice %arg6[%arg0, %add3A_228, %dma_wait3A_254] : memref<2x10240x128xf32, #tpu.memory_space<hbm>> -> memref<1x64x128xf32, #tpu.memory_space<hbm>>
      %dma_wait3A_256 = tpu.memref_squeeze %dma_wait3A_255 : memref<1x64x128xf32, #tpu.memory_space<hbm>> -> memref<64x128xf32, #tpu.memory_space<hbm>>
      tpu.wait_dma2 semaphore(%run_scoped3A : memref<!tpu.dma_semaphore, #tpu.memory_space<semaphore_mem>>) src(%arg18 : memref<64x128xf32, #tpu.memory_space<vmem>>) dst(%dma_wait3A_256 : memref<64x128xf32, #tpu.memory_space<hbm>>)
      tpu.yield
    }) : () -> ()
    %add3A_229 = arith.constant 128 : i32
    %add3A_230 = arith.addi %mul3A_16, %add3A_229 : i32
    "tpu.region"() ({
      %run_scoped3A = tpu.sem_alloc : memref<!tpu.dma_semaphore, #tpu.memory_space<semaphore_mem>>
      %dma_start3A_245 = arith.constant 0 : i32
      %dma_start3A_246 = tpu.memref_slice %arg8[%add3A_230, %dma_start3A_245] : memref<10240x128xf32, #tpu.memory_space<vmem_shared>> -> memref<64x128xf32, #tpu.memory_space<vmem_shared>>
      %dma_start3A_247 = arith.constant 0 : i32
      %dma_start3A_248 = tpu.memref_slice %arg8[%add3A_230, %dma_start3A_247] : memref<10240x128xf32, #tpu.memory_space<vmem_shared>> -> memref<64x128xf32, #tpu.memory_space<vmem_shared>>
      tpu.enqueue_dma source(%dma_start3A_248 : memref<64x128xf32, #tpu.memory_space<vmem_shared>>) target(%arg19 : memref<64x128xf32, #tpu.memory_space<vmem>>) target_semaphore(%run_scoped3A : memref<!tpu.dma_semaphore, #tpu.memory_space<semaphore_mem>>)
      %dma_wait3A_249 = arith.constant 0 : i32
      %dma_wait3A_250 = tpu.memref_slice %arg8[%add3A_230, %dma_wait3A_249] : memref<10240x128xf32, #tpu.memory_space<vmem_shared>> -> memref<64x128xf32, #tpu.memory_space<vmem_shared>>
      %dma_wait3A_251 = arith.constant 0 : i32
      %dma_wait3A_252 = tpu.memref_slice %arg8[%add3A_230, %dma_wait3A_251] : memref<10240x128xf32, #tpu.memory_space<vmem_shared>> -> memref<64x128xf32, #tpu.memory_space<vmem_shared>>
      tpu.wait_dma2 semaphore(%run_scoped3A : memref<!tpu.dma_semaphore, #tpu.memory_space<semaphore_mem>>) src(%dma_wait3A_252 : memref<64x128xf32, #tpu.memory_space<vmem_shared>>) dst(%arg19 : memref<64x128xf32, #tpu.memory_space<vmem>>)
      tpu.yield
    }) : () -> ()
    "tpu.region"() ({
      %run_scoped3A = tpu.sem_alloc : memref<!tpu.dma_semaphore, #tpu.memory_space<semaphore_mem>>
      %dma_start3A_245 = arith.constant 0 : i32
      %dma_start3A_246 = tpu.memref_slice %arg6[%arg0, %add3A_230, %dma_start3A_245] : memref<2x10240x128xf32, #tpu.memory_space<hbm>> -> memref<1x64x128xf32, #tpu.memory_space<hbm>>
      %dma_start3A_247 = tpu.memref_squeeze %dma_start3A_246 : memref<1x64x128xf32, #tpu.memory_space<hbm>> -> memref<64x128xf32, #tpu.memory_space<hbm>>
      %dma_start3A_248 = arith.constant 0 : i32
      %dma_start3A_249 = tpu.memref_slice %arg6[%arg0, %add3A_230, %dma_start3A_248] : memref<2x10240x128xf32, #tpu.memory_space<hbm>> -> memref<1x64x128xf32, #tpu.memory_space<hbm>>
      %dma_start3A_250 = tpu.memref_squeeze %dma_start3A_249 : memref<1x64x128xf32, #tpu.memory_space<hbm>> -> memref<64x128xf32, #tpu.memory_space<hbm>>
      tpu.enqueue_dma source(%arg19 : memref<64x128xf32, #tpu.memory_space<vmem>>) target(%dma_start3A_250 : memref<64x128xf32, #tpu.memory_space<hbm>>) target_semaphore(%run_scoped3A : memref<!tpu.dma_semaphore, #tpu.memory_space<semaphore_mem>>)
      %dma_wait3A_251 = arith.constant 0 : i32
      %dma_wait3A_252 = tpu.memref_slice %arg6[%arg0, %add3A_230, %dma_wait3A_251] : memref<2x10240x128xf32, #tpu.memory_space<hbm>> -> memref<1x64x128xf32, #tpu.memory_space<hbm>>
      %dma_wait3A_253 = tpu.memref_squeeze %dma_wait3A_252 : memref<1x64x128xf32, #tpu.memory_space<hbm>> -> memref<64x128xf32, #tpu.memory_space<hbm>>
      %dma_wait3A_254 = arith.constant 0 : i32
      %dma_wait3A_255 = tpu.memref_slice %arg6[%arg0, %add3A_230, %dma_wait3A_254] : memref<2x10240x128xf32, #tpu.memory_space<hbm>> -> memref<1x64x128xf32, #tpu.memory_space<hbm>>
      %dma_wait3A_256 = tpu.memref_squeeze %dma_wait3A_255 : memref<1x64x128xf32, #tpu.memory_space<hbm>> -> memref<64x128xf32, #tpu.memory_space<hbm>>
      tpu.wait_dma2 semaphore(%run_scoped3A : memref<!tpu.dma_semaphore, #tpu.memory_space<semaphore_mem>>) src(%arg19 : memref<64x128xf32, #tpu.memory_space<vmem>>) dst(%dma_wait3A_256 : memref<64x128xf32, #tpu.memory_space<hbm>>)
      tpu.yield
    }) : () -> ()
    %add3A_231 = arith.constant 192 : i32
    %add3A_232 = arith.addi %mul3A_16, %add3A_231 : i32
    "tpu.region"() ({
      %run_scoped3A = tpu.sem_alloc : memref<!tpu.dma_semaphore, #tpu.memory_space<semaphore_mem>>
      %dma_start3A_245 = arith.constant 0 : i32
      %dma_start3A_246 = tpu.memref_slice %arg8[%add3A_232, %dma_start3A_245] : memref<10240x128xf32, #tpu.memory_space<vmem_shared>> -> memref<64x128xf32, #tpu.memory_space<vmem_shared>>
      %dma_start3A_247 = arith.constant 0 : i32
      %dma_start3A_248 = tpu.memref_slice %arg8[%add3A_232, %dma_start3A_247] : memref<10240x128xf32, #tpu.memory_space<vmem_shared>> -> memref<64x128xf32, #tpu.memory_space<vmem_shared>>
      tpu.enqueue_dma source(%dma_start3A_248 : memref<64x128xf32, #tpu.memory_space<vmem_shared>>) target(%arg17 : memref<64x128xf32, #tpu.memory_space<vmem>>) target_semaphore(%run_scoped3A : memref<!tpu.dma_semaphore, #tpu.memory_space<semaphore_mem>>)
      %dma_wait3A_249 = arith.constant 0 : i32
      %dma_wait3A_250 = tpu.memref_slice %arg8[%add3A_232, %dma_wait3A_249] : memref<10240x128xf32, #tpu.memory_space<vmem_shared>> -> memref<64x128xf32, #tpu.memory_space<vmem_shared>>
      %dma_wait3A_251 = arith.constant 0 : i32
      %dma_wait3A_252 = tpu.memref_slice %arg8[%add3A_232, %dma_wait3A_251] : memref<10240x128xf32, #tpu.memory_space<vmem_shared>> -> memref<64x128xf32, #tpu.memory_space<vmem_shared>>
      tpu.wait_dma2 semaphore(%run_scoped3A : memref<!tpu.dma_semaphore, #tpu.memory_space<semaphore_mem>>) src(%dma_wait3A_252 : memref<64x128xf32, #tpu.memory_space<vmem_shared>>) dst(%arg17 : memref<64x128xf32, #tpu.memory_space<vmem>>)
      tpu.yield
    }) : () -> ()
    "tpu.region"() ({
      %run_scoped3A = tpu.sem_alloc : memref<!tpu.dma_semaphore, #tpu.memory_space<semaphore_mem>>
      %dma_start3A_245 = arith.constant 0 : i32
      %dma_start3A_246 = tpu.memref_slice %arg6[%arg0, %add3A_232, %dma_start3A_245] : memref<2x10240x128xf32, #tpu.memory_space<hbm>> -> memref<1x64x128xf32, #tpu.memory_space<hbm>>
      %dma_start3A_247 = tpu.memref_squeeze %dma_start3A_246 : memref<1x64x128xf32, #tpu.memory_space<hbm>> -> memref<64x128xf32, #tpu.memory_space<hbm>>
      %dma_start3A_248 = arith.constant 0 : i32
      %dma_start3A_249 = tpu.memref_slice %arg6[%arg0, %add3A_232, %dma_start3A_248] : memref<2x10240x128xf32, #tpu.memory_space<hbm>> -> memref<1x64x128xf32, #tpu.memory_space<hbm>>
      %dma_start3A_250 = tpu.memref_squeeze %dma_start3A_249 : memref<1x64x128xf32, #tpu.memory_space<hbm>> -> memref<64x128xf32, #tpu.memory_space<hbm>>
      tpu.enqueue_dma source(%arg17 : memref<64x128xf32, #tpu.memory_space<vmem>>) target(%dma_start3A_250 : memref<64x128xf32, #tpu.memory_space<hbm>>) target_semaphore(%run_scoped3A : memref<!tpu.dma_semaphore, #tpu.memory_space<semaphore_mem>>)
      %dma_wait3A_251 = arith.constant 0 : i32
      %dma_wait3A_252 = tpu.memref_slice %arg6[%arg0, %add3A_232, %dma_wait3A_251] : memref<2x10240x128xf32, #tpu.memory_space<hbm>> -> memref<1x64x128xf32, #tpu.memory_space<hbm>>
      %dma_wait3A_253 = tpu.memref_squeeze %dma_wait3A_252 : memref<1x64x128xf32, #tpu.memory_space<hbm>> -> memref<64x128xf32, #tpu.memory_space<hbm>>
      %dma_wait3A_254 = arith.constant 0 : i32
      %dma_wait3A_255 = tpu.memref_slice %arg6[%arg0, %add3A_232, %dma_wait3A_254] : memref<2x10240x128xf32, #tpu.memory_space<hbm>> -> memref<1x64x128xf32, #tpu.memory_space<hbm>>
      %dma_wait3A_256 = tpu.memref_squeeze %dma_wait3A_255 : memref<1x64x128xf32, #tpu.memory_space<hbm>> -> memref<64x128xf32, #tpu.memory_space<hbm>>
      tpu.wait_dma2 semaphore(%run_scoped3A : memref<!tpu.dma_semaphore, #tpu.memory_space<semaphore_mem>>) src(%arg17 : memref<64x128xf32, #tpu.memory_space<vmem>>) dst(%dma_wait3A_256 : memref<64x128xf32, #tpu.memory_space<hbm>>)
      tpu.yield
    }) : () -> ()
    %add3A_233 = arith.constant 256 : i32
    %add3A_234 = arith.addi %mul3A_16, %add3A_233 : i32
    "tpu.region"() ({
      %run_scoped3A = tpu.sem_alloc : memref<!tpu.dma_semaphore, #tpu.memory_space<semaphore_mem>>
      %dma_start3A_245 = arith.constant 0 : i32
      %dma_start3A_246 = tpu.memref_slice %arg8[%add3A_234, %dma_start3A_245] : memref<10240x128xf32, #tpu.memory_space<vmem_shared>> -> memref<64x128xf32, #tpu.memory_space<vmem_shared>>
      %dma_start3A_247 = arith.constant 0 : i32
      %dma_start3A_248 = tpu.memref_slice %arg8[%add3A_234, %dma_start3A_247] : memref<10240x128xf32, #tpu.memory_space<vmem_shared>> -> memref<64x128xf32, #tpu.memory_space<vmem_shared>>
      tpu.enqueue_dma source(%dma_start3A_248 : memref<64x128xf32, #tpu.memory_space<vmem_shared>>) target(%arg18 : memref<64x128xf32, #tpu.memory_space<vmem>>) target_semaphore(%run_scoped3A : memref<!tpu.dma_semaphore, #tpu.memory_space<semaphore_mem>>)
      %dma_wait3A_249 = arith.constant 0 : i32
      %dma_wait3A_250 = tpu.memref_slice %arg8[%add3A_234, %dma_wait3A_249] : memref<10240x128xf32, #tpu.memory_space<vmem_shared>> -> memref<64x128xf32, #tpu.memory_space<vmem_shared>>
      %dma_wait3A_251 = arith.constant 0 : i32
      %dma_wait3A_252 = tpu.memref_slice %arg8[%add3A_234, %dma_wait3A_251] : memref<10240x128xf32, #tpu.memory_space<vmem_shared>> -> memref<64x128xf32, #tpu.memory_space<vmem_shared>>
      tpu.wait_dma2 semaphore(%run_scoped3A : memref<!tpu.dma_semaphore, #tpu.memory_space<semaphore_mem>>) src(%dma_wait3A_252 : memref<64x128xf32, #tpu.memory_space<vmem_shared>>) dst(%arg18 : memref<64x128xf32, #tpu.memory_space<vmem>>)
      tpu.yield
    }) : () -> ()
    "tpu.region"() ({
      %run_scoped3A = tpu.sem_alloc : memref<!tpu.dma_semaphore, #tpu.memory_space<semaphore_mem>>
      %dma_start3A_245 = arith.constant 0 : i32
      %dma_start3A_246 = tpu.memref_slice %arg6[%arg0, %add3A_234, %dma_start3A_245] : memref<2x10240x128xf32, #tpu.memory_space<hbm>> -> memref<1x64x128xf32, #tpu.memory_space<hbm>>
      %dma_start3A_247 = tpu.memref_squeeze %dma_start3A_246 : memref<1x64x128xf32, #tpu.memory_space<hbm>> -> memref<64x128xf32, #tpu.memory_space<hbm>>
      %dma_start3A_248 = arith.constant 0 : i32
      %dma_start3A_249 = tpu.memref_slice %arg6[%arg0, %add3A_234, %dma_start3A_248] : memref<2x10240x128xf32, #tpu.memory_space<hbm>> -> memref<1x64x128xf32, #tpu.memory_space<hbm>>
      %dma_start3A_250 = tpu.memref_squeeze %dma_start3A_249 : memref<1x64x128xf32, #tpu.memory_space<hbm>> -> memref<64x128xf32, #tpu.memory_space<hbm>>
      tpu.enqueue_dma source(%arg18 : memref<64x128xf32, #tpu.memory_space<vmem>>) target(%dma_start3A_250 : memref<64x128xf32, #tpu.memory_space<hbm>>) target_semaphore(%run_scoped3A : memref<!tpu.dma_semaphore, #tpu.memory_space<semaphore_mem>>)
      %dma_wait3A_251 = arith.constant 0 : i32
      %dma_wait3A_252 = tpu.memref_slice %arg6[%arg0, %add3A_234, %dma_wait3A_251] : memref<2x10240x128xf32, #tpu.memory_space<hbm>> -> memref<1x64x128xf32, #tpu.memory_space<hbm>>
      %dma_wait3A_253 = tpu.memref_squeeze %dma_wait3A_252 : memref<1x64x128xf32, #tpu.memory_space<hbm>> -> memref<64x128xf32, #tpu.memory_space<hbm>>
      %dma_wait3A_254 = arith.constant 0 : i32
      %dma_wait3A_255 = tpu.memref_slice %arg6[%arg0, %add3A_234, %dma_wait3A_254] : memref<2x10240x128xf32, #tpu.memory_space<hbm>> -> memref<1x64x128xf32, #tpu.memory_space<hbm>>
      %dma_wait3A_256 = tpu.memref_squeeze %dma_wait3A_255 : memref<1x64x128xf32, #tpu.memory_space<hbm>> -> memref<64x128xf32, #tpu.memory_space<hbm>>
      tpu.wait_dma2 semaphore(%run_scoped3A : memref<!tpu.dma_semaphore, #tpu.memory_space<semaphore_mem>>) src(%arg18 : memref<64x128xf32, #tpu.memory_space<vmem>>) dst(%dma_wait3A_256 : memref<64x128xf32, #tpu.memory_space<hbm>>)
      tpu.yield
    }) : () -> ()
    %add3A_235 = arith.constant 320 : i32
    %add3A_236 = arith.addi %mul3A_16, %add3A_235 : i32
    "tpu.region"() ({
      %run_scoped3A = tpu.sem_alloc : memref<!tpu.dma_semaphore, #tpu.memory_space<semaphore_mem>>
      %dma_start3A_245 = arith.constant 0 : i32
      %dma_start3A_246 = tpu.memref_slice %arg8[%add3A_236, %dma_start3A_245] : memref<10240x128xf32, #tpu.memory_space<vmem_shared>> -> memref<64x128xf32, #tpu.memory_space<vmem_shared>>
      %dma_start3A_247 = arith.constant 0 : i32
      %dma_start3A_248 = tpu.memref_slice %arg8[%add3A_236, %dma_start3A_247] : memref<10240x128xf32, #tpu.memory_space<vmem_shared>> -> memref<64x128xf32, #tpu.memory_space<vmem_shared>>
      tpu.enqueue_dma source(%dma_start3A_248 : memref<64x128xf32, #tpu.memory_space<vmem_shared>>) target(%arg19 : memref<64x128xf32, #tpu.memory_space<vmem>>) target_semaphore(%run_scoped3A : memref<!tpu.dma_semaphore, #tpu.memory_space<semaphore_mem>>)
      %dma_wait3A_249 = arith.constant 0 : i32
      %dma_wait3A_250 = tpu.memref_slice %arg8[%add3A_236, %dma_wait3A_249] : memref<10240x128xf32, #tpu.memory_space<vmem_shared>> -> memref<64x128xf32, #tpu.memory_space<vmem_shared>>
      %dma_wait3A_251 = arith.constant 0 : i32
      %dma_wait3A_252 = tpu.memref_slice %arg8[%add3A_236, %dma_wait3A_251] : memref<10240x128xf32, #tpu.memory_space<vmem_shared>> -> memref<64x128xf32, #tpu.memory_space<vmem_shared>>
      tpu.wait_dma2 semaphore(%run_scoped3A : memref<!tpu.dma_semaphore, #tpu.memory_space<semaphore_mem>>) src(%dma_wait3A_252 : memref<64x128xf32, #tpu.memory_space<vmem_shared>>) dst(%arg19 : memref<64x128xf32, #tpu.memory_space<vmem>>)
      tpu.yield
    }) : () -> ()
    "tpu.region"() ({
      %run_scoped3A = tpu.sem_alloc : memref<!tpu.dma_semaphore, #tpu.memory_space<semaphore_mem>>
      %dma_start3A_245 = arith.constant 0 : i32
      %dma_start3A_246 = tpu.memref_slice %arg6[%arg0, %add3A_236, %dma_start3A_245] : memref<2x10240x128xf32, #tpu.memory_space<hbm>> -> memref<1x64x128xf32, #tpu.memory_space<hbm>>
      %dma_start3A_247 = tpu.memref_squeeze %dma_start3A_246 : memref<1x64x128xf32, #tpu.memory_space<hbm>> -> memref<64x128xf32, #tpu.memory_space<hbm>>
      %dma_start3A_248 = arith.constant 0 : i32
      %dma_start3A_249 = tpu.memref_slice %arg6[%arg0, %add3A_236, %dma_start3A_248] : memref<2x10240x128xf32, #tpu.memory_space<hbm>> -> memref<1x64x128xf32, #tpu.memory_space<hbm>>
      %dma_start3A_250 = tpu.memref_squeeze %dma_start3A_249 : memref<1x64x128xf32, #tpu.memory_space<hbm>> -> memref<64x128xf32, #tpu.memory_space<hbm>>
      tpu.enqueue_dma source(%arg19 : memref<64x128xf32, #tpu.memory_space<vmem>>) target(%dma_start3A_250 : memref<64x128xf32, #tpu.memory_space<hbm>>) target_semaphore(%run_scoped3A : memref<!tpu.dma_semaphore, #tpu.memory_space<semaphore_mem>>)
      %dma_wait3A_251 = arith.constant 0 : i32
      %dma_wait3A_252 = tpu.memref_slice %arg6[%arg0, %add3A_236, %dma_wait3A_251] : memref<2x10240x128xf32, #tpu.memory_space<hbm>> -> memref<1x64x128xf32, #tpu.memory_space<hbm>>
      %dma_wait3A_253 = tpu.memref_squeeze %dma_wait3A_252 : memref<1x64x128xf32, #tpu.memory_space<hbm>> -> memref<64x128xf32, #tpu.memory_space<hbm>>
      %dma_wait3A_254 = arith.constant 0 : i32
      %dma_wait3A_255 = tpu.memref_slice %arg6[%arg0, %add3A_236, %dma_wait3A_254] : memref<2x10240x128xf32, #tpu.memory_space<hbm>> -> memref<1x64x128xf32, #tpu.memory_space<hbm>>
      %dma_wait3A_256 = tpu.memref_squeeze %dma_wait3A_255 : memref<1x64x128xf32, #tpu.memory_space<hbm>> -> memref<64x128xf32, #tpu.memory_space<hbm>>
      tpu.wait_dma2 semaphore(%run_scoped3A : memref<!tpu.dma_semaphore, #tpu.memory_space<semaphore_mem>>) src(%arg19 : memref<64x128xf32, #tpu.memory_space<vmem>>) dst(%dma_wait3A_256 : memref<64x128xf32, #tpu.memory_space<hbm>>)
      tpu.yield
    }) : () -> ()
    %add3A_237 = arith.constant 384 : i32
    %add3A_238 = arith.addi %mul3A_16, %add3A_237 : i32
    "tpu.region"() ({
      %run_scoped3A = tpu.sem_alloc : memref<!tpu.dma_semaphore, #tpu.memory_space<semaphore_mem>>
      %dma_start3A_245 = arith.constant 0 : i32
      %dma_start3A_246 = tpu.memref_slice %arg8[%add3A_238, %dma_start3A_245] : memref<10240x128xf32, #tpu.memory_space<vmem_shared>> -> memref<64x128xf32, #tpu.memory_space<vmem_shared>>
      %dma_start3A_247 = arith.constant 0 : i32
      %dma_start3A_248 = tpu.memref_slice %arg8[%add3A_238, %dma_start3A_247] : memref<10240x128xf32, #tpu.memory_space<vmem_shared>> -> memref<64x128xf32, #tpu.memory_space<vmem_shared>>
      tpu.enqueue_dma source(%dma_start3A_248 : memref<64x128xf32, #tpu.memory_space<vmem_shared>>) target(%arg17 : memref<64x128xf32, #tpu.memory_space<vmem>>) target_semaphore(%run_scoped3A : memref<!tpu.dma_semaphore, #tpu.memory_space<semaphore_mem>>)
      %dma_wait3A_249 = arith.constant 0 : i32
      %dma_wait3A_250 = tpu.memref_slice %arg8[%add3A_238, %dma_wait3A_249] : memref<10240x128xf32, #tpu.memory_space<vmem_shared>> -> memref<64x128xf32, #tpu.memory_space<vmem_shared>>
      %dma_wait3A_251 = arith.constant 0 : i32
      %dma_wait3A_252 = tpu.memref_slice %arg8[%add3A_238, %dma_wait3A_251] : memref<10240x128xf32, #tpu.memory_space<vmem_shared>> -> memref<64x128xf32, #tpu.memory_space<vmem_shared>>
      tpu.wait_dma2 semaphore(%run_scoped3A : memref<!tpu.dma_semaphore, #tpu.memory_space<semaphore_mem>>) src(%dma_wait3A_252 : memref<64x128xf32, #tpu.memory_space<vmem_shared>>) dst(%arg17 : memref<64x128xf32, #tpu.memory_space<vmem>>)
      tpu.yield
    }) : () -> ()
    "tpu.region"() ({
      %run_scoped3A = tpu.sem_alloc : memref<!tpu.dma_semaphore, #tpu.memory_space<semaphore_mem>>
      %dma_start3A_245 = arith.constant 0 : i32
      %dma_start3A_246 = tpu.memref_slice %arg6[%arg0, %add3A_238, %dma_start3A_245] : memref<2x10240x128xf32, #tpu.memory_space<hbm>> -> memref<1x64x128xf32, #tpu.memory_space<hbm>>
      %dma_start3A_247 = tpu.memref_squeeze %dma_start3A_246 : memref<1x64x128xf32, #tpu.memory_space<hbm>> -> memref<64x128xf32, #tpu.memory_space<hbm>>
      %dma_start3A_248 = arith.constant 0 : i32
      %dma_start3A_249 = tpu.memref_slice %arg6[%arg0, %add3A_238, %dma_start3A_248] : memref<2x10240x128xf32, #tpu.memory_space<hbm>> -> memref<1x64x128xf32, #tpu.memory_space<hbm>>
      %dma_start3A_250 = tpu.memref_squeeze %dma_start3A_249 : memref<1x64x128xf32, #tpu.memory_space<hbm>> -> memref<64x128xf32, #tpu.memory_space<hbm>>
      tpu.enqueue_dma source(%arg17 : memref<64x128xf32, #tpu.memory_space<vmem>>) target(%dma_start3A_250 : memref<64x128xf32, #tpu.memory_space<hbm>>) target_semaphore(%run_scoped3A : memref<!tpu.dma_semaphore, #tpu.memory_space<semaphore_mem>>)
      %dma_wait3A_251 = arith.constant 0 : i32
      %dma_wait3A_252 = tpu.memref_slice %arg6[%arg0, %add3A_238, %dma_wait3A_251] : memref<2x10240x128xf32, #tpu.memory_space<hbm>> -> memref<1x64x128xf32, #tpu.memory_space<hbm>>
      %dma_wait3A_253 = tpu.memref_squeeze %dma_wait3A_252 : memref<1x64x128xf32, #tpu.memory_space<hbm>> -> memref<64x128xf32, #tpu.memory_space<hbm>>
      %dma_wait3A_254 = arith.constant 0 : i32
      %dma_wait3A_255 = tpu.memref_slice %arg6[%arg0, %add3A_238, %dma_wait3A_254] : memref<2x10240x128xf32, #tpu.memory_space<hbm>> -> memref<1x64x128xf32, #tpu.memory_space<hbm>>
      %dma_wait3A_256 = tpu.memref_squeeze %dma_wait3A_255 : memref<1x64x128xf32, #tpu.memory_space<hbm>> -> memref<64x128xf32, #tpu.memory_space<hbm>>
      tpu.wait_dma2 semaphore(%run_scoped3A : memref<!tpu.dma_semaphore, #tpu.memory_space<semaphore_mem>>) src(%arg17 : memref<64x128xf32, #tpu.memory_space<vmem>>) dst(%dma_wait3A_256 : memref<64x128xf32, #tpu.memory_space<hbm>>)
      tpu.yield
    }) : () -> ()
    %add3A_239 = arith.constant 448 : i32
    %add3A_240 = arith.addi %mul3A_16, %add3A_239 : i32
    "tpu.region"() ({
      %run_scoped3A = tpu.sem_alloc : memref<!tpu.dma_semaphore, #tpu.memory_space<semaphore_mem>>
      %dma_start3A_245 = arith.constant 0 : i32
      %dma_start3A_246 = tpu.memref_slice %arg8[%add3A_240, %dma_start3A_245] : memref<10240x128xf32, #tpu.memory_space<vmem_shared>> -> memref<64x128xf32, #tpu.memory_space<vmem_shared>>
      %dma_start3A_247 = arith.constant 0 : i32
      %dma_start3A_248 = tpu.memref_slice %arg8[%add3A_240, %dma_start3A_247] : memref<10240x128xf32, #tpu.memory_space<vmem_shared>> -> memref<64x128xf32, #tpu.memory_space<vmem_shared>>
      tpu.enqueue_dma source(%dma_start3A_248 : memref<64x128xf32, #tpu.memory_space<vmem_shared>>) target(%arg18 : memref<64x128xf32, #tpu.memory_space<vmem>>) target_semaphore(%run_scoped3A : memref<!tpu.dma_semaphore, #tpu.memory_space<semaphore_mem>>)
      %dma_wait3A_249 = arith.constant 0 : i32
      %dma_wait3A_250 = tpu.memref_slice %arg8[%add3A_240, %dma_wait3A_249] : memref<10240x128xf32, #tpu.memory_space<vmem_shared>> -> memref<64x128xf32, #tpu.memory_space<vmem_shared>>
      %dma_wait3A_251 = arith.constant 0 : i32
      %dma_wait3A_252 = tpu.memref_slice %arg8[%add3A_240, %dma_wait3A_251] : memref<10240x128xf32, #tpu.memory_space<vmem_shared>> -> memref<64x128xf32, #tpu.memory_space<vmem_shared>>
      tpu.wait_dma2 semaphore(%run_scoped3A : memref<!tpu.dma_semaphore, #tpu.memory_space<semaphore_mem>>) src(%dma_wait3A_252 : memref<64x128xf32, #tpu.memory_space<vmem_shared>>) dst(%arg18 : memref<64x128xf32, #tpu.memory_space<vmem>>)
      tpu.yield
    }) : () -> ()
    "tpu.region"() ({
      %run_scoped3A = tpu.sem_alloc : memref<!tpu.dma_semaphore, #tpu.memory_space<semaphore_mem>>
      %dma_start3A_245 = arith.constant 0 : i32
      %dma_start3A_246 = tpu.memref_slice %arg6[%arg0, %add3A_240, %dma_start3A_245] : memref<2x10240x128xf32, #tpu.memory_space<hbm>> -> memref<1x64x128xf32, #tpu.memory_space<hbm>>
      %dma_start3A_247 = tpu.memref_squeeze %dma_start3A_246 : memref<1x64x128xf32, #tpu.memory_space<hbm>> -> memref<64x128xf32, #tpu.memory_space<hbm>>
      %dma_start3A_248 = arith.constant 0 : i32
      %dma_start3A_249 = tpu.memref_slice %arg6[%arg0, %add3A_240, %dma_start3A_248] : memref<2x10240x128xf32, #tpu.memory_space<hbm>> -> memref<1x64x128xf32, #tpu.memory_space<hbm>>
      %dma_start3A_250 = tpu.memref_squeeze %dma_start3A_249 : memref<1x64x128xf32, #tpu.memory_space<hbm>> -> memref<64x128xf32, #tpu.memory_space<hbm>>
      tpu.enqueue_dma source(%arg18 : memref<64x128xf32, #tpu.memory_space<vmem>>) target(%dma_start3A_250 : memref<64x128xf32, #tpu.memory_space<hbm>>) target_semaphore(%run_scoped3A : memref<!tpu.dma_semaphore, #tpu.memory_space<semaphore_mem>>)
      %dma_wait3A_251 = arith.constant 0 : i32
      %dma_wait3A_252 = tpu.memref_slice %arg6[%arg0, %add3A_240, %dma_wait3A_251] : memref<2x10240x128xf32, #tpu.memory_space<hbm>> -> memref<1x64x128xf32, #tpu.memory_space<hbm>>
      %dma_wait3A_253 = tpu.memref_squeeze %dma_wait3A_252 : memref<1x64x128xf32, #tpu.memory_space<hbm>> -> memref<64x128xf32, #tpu.memory_space<hbm>>
      %dma_wait3A_254 = arith.constant 0 : i32
      %dma_wait3A_255 = tpu.memref_slice %arg6[%arg0, %add3A_240, %dma_wait3A_254] : memref<2x10240x128xf32, #tpu.memory_space<hbm>> -> memref<1x64x128xf32, #tpu.memory_space<hbm>>
      %dma_wait3A_256 = tpu.memref_squeeze %dma_wait3A_255 : memref<1x64x128xf32, #tpu.memory_space<hbm>> -> memref<64x128xf32, #tpu.memory_space<hbm>>
      tpu.wait_dma2 semaphore(%run_scoped3A : memref<!tpu.dma_semaphore, #tpu.memory_space<semaphore_mem>>) src(%arg18 : memref<64x128xf32, #tpu.memory_space<vmem>>) dst(%dma_wait3A_256 : memref<64x128xf32, #tpu.memory_space<hbm>>)
      tpu.yield
    }) : () -> ()
    %add3A_241 = arith.constant 512 : i32
    %add3A_242 = arith.addi %mul3A_16, %add3A_241 : i32
    "tpu.region"() ({
      %run_scoped3A = tpu.sem_alloc : memref<!tpu.dma_semaphore, #tpu.memory_space<semaphore_mem>>
      %dma_start3A_245 = arith.constant 0 : i32
      %dma_start3A_246 = tpu.memref_slice %arg8[%add3A_242, %dma_start3A_245] : memref<10240x128xf32, #tpu.memory_space<vmem_shared>> -> memref<64x128xf32, #tpu.memory_space<vmem_shared>>
      %dma_start3A_247 = arith.constant 0 : i32
      %dma_start3A_248 = tpu.memref_slice %arg8[%add3A_242, %dma_start3A_247] : memref<10240x128xf32, #tpu.memory_space<vmem_shared>> -> memref<64x128xf32, #tpu.memory_space<vmem_shared>>
      tpu.enqueue_dma source(%dma_start3A_248 : memref<64x128xf32, #tpu.memory_space<vmem_shared>>) target(%arg19 : memref<64x128xf32, #tpu.memory_space<vmem>>) target_semaphore(%run_scoped3A : memref<!tpu.dma_semaphore, #tpu.memory_space<semaphore_mem>>)
      %dma_wait3A_249 = arith.constant 0 : i32
      %dma_wait3A_250 = tpu.memref_slice %arg8[%add3A_242, %dma_wait3A_249] : memref<10240x128xf32, #tpu.memory_space<vmem_shared>> -> memref<64x128xf32, #tpu.memory_space<vmem_shared>>
      %dma_wait3A_251 = arith.constant 0 : i32
      %dma_wait3A_252 = tpu.memref_slice %arg8[%add3A_242, %dma_wait3A_251] : memref<10240x128xf32, #tpu.memory_space<vmem_shared>> -> memref<64x128xf32, #tpu.memory_space<vmem_shared>>
      tpu.wait_dma2 semaphore(%run_scoped3A : memref<!tpu.dma_semaphore, #tpu.memory_space<semaphore_mem>>) src(%dma_wait3A_252 : memref<64x128xf32, #tpu.memory_space<vmem_shared>>) dst(%arg19 : memref<64x128xf32, #tpu.memory_space<vmem>>)
      tpu.yield
    }) : () -> ()
    "tpu.region"() ({
      %run_scoped3A = tpu.sem_alloc : memref<!tpu.dma_semaphore, #tpu.memory_space<semaphore_mem>>
      %dma_start3A_245 = arith.constant 0 : i32
      %dma_start3A_246 = tpu.memref_slice %arg6[%arg0, %add3A_242, %dma_start3A_245] : memref<2x10240x128xf32, #tpu.memory_space<hbm>> -> memref<1x64x128xf32, #tpu.memory_space<hbm>>
      %dma_start3A_247 = tpu.memref_squeeze %dma_start3A_246 : memref<1x64x128xf32, #tpu.memory_space<hbm>> -> memref<64x128xf32, #tpu.memory_space<hbm>>
      %dma_start3A_248 = arith.constant 0 : i32
      %dma_start3A_249 = tpu.memref_slice %arg6[%arg0, %add3A_242, %dma_start3A_248] : memref<2x10240x128xf32, #tpu.memory_space<hbm>> -> memref<1x64x128xf32, #tpu.memory_space<hbm>>
      %dma_start3A_250 = tpu.memref_squeeze %dma_start3A_249 : memref<1x64x128xf32, #tpu.memory_space<hbm>> -> memref<64x128xf32, #tpu.memory_space<hbm>>
      tpu.enqueue_dma source(%arg19 : memref<64x128xf32, #tpu.memory_space<vmem>>) target(%dma_start3A_250 : memref<64x128xf32, #tpu.memory_space<hbm>>) target_semaphore(%run_scoped3A : memref<!tpu.dma_semaphore, #tpu.memory_space<semaphore_mem>>)
      %dma_wait3A_251 = arith.constant 0 : i32
      %dma_wait3A_252 = tpu.memref_slice %arg6[%arg0, %add3A_242, %dma_wait3A_251] : memref<2x10240x128xf32, #tpu.memory_space<hbm>> -> memref<1x64x128xf32, #tpu.memory_space<hbm>>
      %dma_wait3A_253 = tpu.memref_squeeze %dma_wait3A_252 : memref<1x64x128xf32, #tpu.memory_space<hbm>> -> memref<64x128xf32, #tpu.memory_space<hbm>>
      %dma_wait3A_254 = arith.constant 0 : i32
      %dma_wait3A_255 = tpu.memref_slice %arg6[%arg0, %add3A_242, %dma_wait3A_254] : memref<2x10240x128xf32, #tpu.memory_space<hbm>> -> memref<1x64x128xf32, #tpu.memory_space<hbm>>
      %dma_wait3A_256 = tpu.memref_squeeze %dma_wait3A_255 : memref<1x64x128xf32, #tpu.memory_space<hbm>> -> memref<64x128xf32, #tpu.memory_space<hbm>>
      tpu.wait_dma2 semaphore(%run_scoped3A : memref<!tpu.dma_semaphore, #tpu.memory_space<semaphore_mem>>) src(%arg19 : memref<64x128xf32, #tpu.memory_space<vmem>>) dst(%dma_wait3A_256 : memref<64x128xf32, #tpu.memory_space<hbm>>)
      tpu.yield
    }) : () -> ()
    %add3A_243 = arith.constant 576 : i32
    %add3A_244 = arith.addi %mul3A_16, %add3A_243 : i32
    "tpu.region"() ({
      %run_scoped3A = tpu.sem_alloc : memref<!tpu.dma_semaphore, #tpu.memory_space<semaphore_mem>>
      %dma_start3A_245 = arith.constant 0 : i32
      %dma_start3A_246 = tpu.memref_slice %arg8[%add3A_244, %dma_start3A_245] : memref<10240x128xf32, #tpu.memory_space<vmem_shared>> -> memref<64x128xf32, #tpu.memory_space<vmem_shared>>
      %dma_start3A_247 = arith.constant 0 : i32
      %dma_start3A_248 = tpu.memref_slice %arg8[%add3A_244, %dma_start3A_247] : memref<10240x128xf32, #tpu.memory_space<vmem_shared>> -> memref<64x128xf32, #tpu.memory_space<vmem_shared>>
      tpu.enqueue_dma source(%dma_start3A_248 : memref<64x128xf32, #tpu.memory_space<vmem_shared>>) target(%arg17 : memref<64x128xf32, #tpu.memory_space<vmem>>) target_semaphore(%run_scoped3A : memref<!tpu.dma_semaphore, #tpu.memory_space<semaphore_mem>>)
      %dma_wait3A_249 = arith.constant 0 : i32
      %dma_wait3A_250 = tpu.memref_slice %arg8[%add3A_244, %dma_wait3A_249] : memref<10240x128xf32, #tpu.memory_space<vmem_shared>> -> memref<64x128xf32, #tpu.memory_space<vmem_shared>>
      %dma_wait3A_251 = arith.constant 0 : i32
      %dma_wait3A_252 = tpu.memref_slice %arg8[%add3A_244, %dma_wait3A_251] : memref<10240x128xf32, #tpu.memory_space<vmem_shared>> -> memref<64x128xf32, #tpu.memory_space<vmem_shared>>
      tpu.wait_dma2 semaphore(%run_scoped3A : memref<!tpu.dma_semaphore, #tpu.memory_space<semaphore_mem>>) src(%dma_wait3A_252 : memref<64x128xf32, #tpu.memory_space<vmem_shared>>) dst(%arg17 : memref<64x128xf32, #tpu.memory_space<vmem>>)
      tpu.yield
    }) : () -> ()
    "tpu.region"() ({
      %run_scoped3A = tpu.sem_alloc : memref<!tpu.dma_semaphore, #tpu.memory_space<semaphore_mem>>
      %dma_start3A_245 = arith.constant 0 : i32
      %dma_start3A_246 = tpu.memref_slice %arg6[%arg0, %add3A_244, %dma_start3A_245] : memref<2x10240x128xf32, #tpu.memory_space<hbm>> -> memref<1x64x128xf32, #tpu.memory_space<hbm>>
      %dma_start3A_247 = tpu.memref_squeeze %dma_start3A_246 : memref<1x64x128xf32, #tpu.memory_space<hbm>> -> memref<64x128xf32, #tpu.memory_space<hbm>>
      %dma_start3A_248 = arith.constant 0 : i32
      %dma_start3A_249 = tpu.memref_slice %arg6[%arg0, %add3A_244, %dma_start3A_248] : memref<2x10240x128xf32, #tpu.memory_space<hbm>> -> memref<1x64x128xf32, #tpu.memory_space<hbm>>
      %dma_start3A_250 = tpu.memref_squeeze %dma_start3A_249 : memref<1x64x128xf32, #tpu.memory_space<hbm>> -> memref<64x128xf32, #tpu.memory_space<hbm>>
      tpu.enqueue_dma source(%arg17 : memref<64x128xf32, #tpu.memory_space<vmem>>) target(%dma_start3A_250 : memref<64x128xf32, #tpu.memory_space<hbm>>) target_semaphore(%run_scoped3A : memref<!tpu.dma_semaphore, #tpu.memory_space<semaphore_mem>>)
      %dma_wait3A_251 = arith.constant 0 : i32
      %dma_wait3A_252 = tpu.memref_slice %arg6[%arg0, %add3A_244, %dma_wait3A_251] : memref<2x10240x128xf32, #tpu.memory_space<hbm>> -> memref<1x64x128xf32, #tpu.memory_space<hbm>>
      %dma_wait3A_253 = tpu.memref_squeeze %dma_wait3A_252 : memref<1x64x128xf32, #tpu.memory_space<hbm>> -> memref<64x128xf32, #tpu.memory_space<hbm>>
      %dma_wait3A_254 = arith.constant 0 : i32
      %dma_wait3A_255 = tpu.memref_slice %arg6[%arg0, %add3A_244, %dma_wait3A_254] : memref<2x10240x128xf32, #tpu.memory_space<hbm>> -> memref<1x64x128xf32, #tpu.memory_space<hbm>>
      %dma_wait3A_256 = tpu.memref_squeeze %dma_wait3A_255 : memref<1x64x128xf32, #tpu.memory_space<hbm>> -> memref<64x128xf32, #tpu.memory_space<hbm>>
      tpu.wait_dma2 semaphore(%run_scoped3A : memref<!tpu.dma_semaphore, #tpu.memory_space<semaphore_mem>>) src(%arg17 : memref<64x128xf32, #tpu.memory_space<vmem>>) dst(%dma_wait3A_256 : memref<64x128xf32, #tpu.memory_space<hbm>>)
      tpu.yield
    }) : () -> ()
    "tpu.region"() ({
      %run_scoped3A = tpu.sem_alloc : memref<!tpu.dma_semaphore, #tpu.memory_space<semaphore_mem>>
      %dma_start3A_245 = tpu.memref_slice %arg9[%mul3A_16] : memref<10240xf32, #tpu.memory_space<vmem_shared>> -> memref<640xf32, #tpu.memory_space<vmem_shared>>
      %dma_start3A_246 = tpu.memref_slice %arg9[%mul3A_16] : memref<10240xf32, #tpu.memory_space<vmem_shared>> -> memref<640xf32, #tpu.memory_space<vmem_shared>>
      tpu.enqueue_dma source(%dma_start3A_246 : memref<640xf32, #tpu.memory_space<vmem_shared>>) target(%arg29 : memref<640xf32, #tpu.memory_space<vmem>>) target_semaphore(%run_scoped3A : memref<!tpu.dma_semaphore, #tpu.memory_space<semaphore_mem>>)
      %dma_wait3A_247 = tpu.memref_slice %arg9[%mul3A_16] : memref<10240xf32, #tpu.memory_space<vmem_shared>> -> memref<640xf32, #tpu.memory_space<vmem_shared>>
      %dma_wait3A_248 = tpu.memref_slice %arg9[%mul3A_16] : memref<10240xf32, #tpu.memory_space<vmem_shared>> -> memref<640xf32, #tpu.memory_space<vmem_shared>>
      tpu.wait_dma2 semaphore(%run_scoped3A : memref<!tpu.dma_semaphore, #tpu.memory_space<semaphore_mem>>) src(%dma_wait3A_248 : memref<640xf32, #tpu.memory_space<vmem_shared>>) dst(%arg29 : memref<640xf32, #tpu.memory_space<vmem>>)
      tpu.yield
    }) : () -> ()
    "tpu.region"() ({
      %run_scoped3A = tpu.sem_alloc : memref<!tpu.dma_semaphore, #tpu.memory_space<semaphore_mem>>
      %dma_start3A_245 = tpu.memref_slice %arg7[%arg0, %mul3A_16] : memref<2x10240xf32, #tpu.memory_space<hbm>> -> memref<1x640xf32, #tpu.memory_space<hbm>>
      %dma_start3A_246 = tpu.memref_squeeze %dma_start3A_245 : memref<1x640xf32, #tpu.memory_space<hbm>> -> memref<640xf32, #tpu.memory_space<hbm>>
      %dma_start3A_247 = tpu.memref_slice %arg7[%arg0, %mul3A_16] : memref<2x10240xf32, #tpu.memory_space<hbm>> -> memref<1x640xf32, #tpu.memory_space<hbm>>
      %dma_start3A_248 = tpu.memref_squeeze %dma_start3A_247 : memref<1x640xf32, #tpu.memory_space<hbm>> -> memref<640xf32, #tpu.memory_space<hbm>>
      tpu.enqueue_dma source(%arg29 : memref<640xf32, #tpu.memory_space<vmem>>) target(%dma_start3A_248 : memref<640xf32, #tpu.memory_space<hbm>>) target_semaphore(%run_scoped3A : memref<!tpu.dma_semaphore, #tpu.memory_space<semaphore_mem>>)
      %dma_wait3A_249 = tpu.memref_slice %arg7[%arg0, %mul3A_16] : memref<2x10240xf32, #tpu.memory_space<hbm>> -> memref<1x640xf32, #tpu.memory_space<hbm>>
      %dma_wait3A_250 = tpu.memref_squeeze %dma_wait3A_249 : memref<1x640xf32, #tpu.memory_space<hbm>> -> memref<640xf32, #tpu.memory_space<hbm>>
      %dma_wait3A_251 = tpu.memref_slice %arg7[%arg0, %mul3A_16] : memref<2x10240xf32, #tpu.memory_space<hbm>> -> memref<1x640xf32, #tpu.memory_space<hbm>>
      %dma_wait3A_252 = tpu.memref_squeeze %dma_wait3A_251 : memref<1x640xf32, #tpu.memory_space<hbm>> -> memref<640xf32, #tpu.memory_space<hbm>>
      tpu.wait_dma2 semaphore(%run_scoped3A : memref<!tpu.dma_semaphore, #tpu.memory_space<semaphore_mem>>) src(%arg29 : memref<640xf32, #tpu.memory_space<vmem>>) dst(%dma_wait3A_252 : memref<640xf32, #tpu.memory_space<hbm>>)
      tpu.yield
    }) : () -> ()
    return
  }
}

module attributes {stable_mosaic.version = 14 : i64} {
  func.func @_stage1_body(%arg0: i32, %arg1: memref<1024x128xf32, #tpu.memory_space<vmem>>, %arg2: memref<1024x128xf32, #tpu.memory_space<vmem>>, %arg3: memref<1024x128xf32, #tpu.memory_space<vmem>>, %arg4: memref<128x128xf32, #tpu.memory_space<vmem>>, %arg5: memref<1x128xf32, #tpu.memory_space<vmem>>, %arg6: memref<128x128xf32, #tpu.memory_space<vmem>>, %arg7: memref<8x128xf32, #tpu.memory_space<vmem>>, %arg8: memref<1024x128xf32, #tpu.memory_space<vmem>>, %arg9: memref<1024x128xf32, #tpu.memory_space<vmem>>, %arg10: memref<8x1024xf32, #tpu.memory_space<vmem>>) attributes {dimension_semantics = [#tpu.dimension_semantics<arbitrary>], iteration_bounds = array<i64: 10>, scalar_prefetch = 0 : i64, scratch_operands = 0 : i64, tpu.core_type = #tpu.core_type<tc>, window_params = [{transform_indices = @transform_0, window_bounds = array<i64: 1024, 128>}, {transform_indices = @transform_1, window_bounds = array<i64: 1024, 128>}, {transform_indices = @transform_2, window_bounds = array<i64: 1024, 128>}, {pipeline_mode = #tpu.pipeline_mode<synchronous>, transform_indices = @transform_3, window_bounds = array<i64: 128, 128>}, {pipeline_mode = #tpu.pipeline_mode<synchronous>, transform_indices = @transform_4, window_bounds = array<i64: 1, 128>}, {pipeline_mode = #tpu.pipeline_mode<synchronous>, transform_indices = @transform_5, window_bounds = array<i64: 128, 128>}, {pipeline_mode = #tpu.pipeline_mode<synchronous>, transform_indices = @transform_6, window_bounds = array<i64: 8, 128>}, {transform_indices = @transform_7, window_bounds = array<i64: 1024, 128>}, {transform_indices = @transform_8, window_bounds = array<i64: 1024, 128>}, {transform_indices = @transform_9, window_bounds = array<i64: 8, 1024>}]} {
    %get3A = arith.constant 0 : index
    %get3A_0 = arith.constant 0 : index
    %get3A_1 = vector.load %arg1[%get3A, %get3A_0] : memref<1024x128xf32, #tpu.memory_space<vmem>>, vector<1024x128xf32>
    %get3A_2 = arith.constant 0 : index
    %get3A_3 = arith.constant 0 : index
    %get3A_4 = vector.load %arg4[%get3A_2, %get3A_3] : memref<128x128xf32, #tpu.memory_space<vmem>>, vector<128x128xf32>
    %dot_general3A = arith.constant dense<0.000000e+00> : vector<1024x128xf32>
    %dot_general3A_5 = tpu.matmul %get3A_1, %get3A_4, %dot_general3A {dimension_numbers = #tpu.dot_dimension_numbers<[1], [0], [0], [1], [0, 0, 1, 1], [], []>, transpose_lhs_hint = false} : vector<1024x128xf32>, vector<128x128xf32>, vector<1024x128xf32> -> vector<1024x128xf32>
    %get3A_6 = arith.constant 0 : index
    %get3A_7 = arith.constant 0 : index
    %get3A_8 = vector.load %arg5[%get3A_6, %get3A_7] : memref<1x128xf32, #tpu.memory_space<vmem>>, vector<1x128xf32>
    %add3A = vector.broadcast %get3A_8 : vector<1x128xf32> to vector<1024x128xf32>
    %add3A_9 = arith.addf %dot_general3A_5, %add3A : vector<1024x128xf32>
    %get3A_10 = arith.constant 0 : index
    %get3A_11 = arith.constant 0 : index
    %get3A_12 = vector.load %arg2[%get3A_10, %get3A_11] : memref<1024x128xf32, #tpu.memory_space<vmem>>, vector<1024x128xf32>
    %add3A_13 = arith.addf %add3A_9, %get3A_12 : vector<1024x128xf32>
    %get3A_14 = arith.constant 0 : index
    %get3A_15 = arith.constant 0 : index
    %get3A_16 = vector.load %arg3[%get3A_14, %get3A_15] : memref<1024x128xf32, #tpu.memory_space<vmem>>, vector<1024x128xf32>
    %add3A_17 = arith.addf %add3A_13, %get3A_16 : vector<1024x128xf32>
    %get3A_18 = arith.constant 0 : index
    %get3A_19 = arith.constant 0 : index
    %get3A_20 = vector.load %arg6[%get3A_18, %get3A_19] : memref<128x128xf32, #tpu.memory_space<vmem>>, vector<128x128xf32>
    %dot_general3A_21 = arith.constant dense<0.000000e+00> : vector<1024x128xf32>
    %dot_general3A_22 = tpu.matmul %add3A_17, %get3A_20, %dot_general3A_21 {dimension_numbers = #tpu.dot_dimension_numbers<[1], [0], [0], [1], [0, 0, 1, 1], [], []>, transpose_lhs_hint = false} : vector<1024x128xf32>, vector<128x128xf32>, vector<1024x128xf32> -> vector<1024x128xf32>
    %swap3A = arith.constant 0 : index
    %swap3A_23 = arith.constant 0 : index
    %swap3A_24 = vector.load %arg8[%swap3A, %swap3A_23] : memref<1024x128xf32, #tpu.memory_space<vmem>>, vector<1024x128xf32>
    tpu.vector_store %arg8[%swap3A, %swap3A_23], %add3A_17 {strides = array<i32>} : memref<1024x128xf32, #tpu.memory_space<vmem>>, vector<1024x128xf32>,
    %swap3A_25 = arith.constant 0 : index
    %swap3A_26 = arith.constant 0 : index
    %swap3A_27 = vector.load %arg9[%swap3A_25, %swap3A_26] : memref<1024x128xf32, #tpu.memory_space<vmem>>, vector<1024x128xf32>
    tpu.vector_store %arg9[%swap3A_25, %swap3A_26], %dot_general3A_22 {strides = array<i32>} : memref<1024x128xf32, #tpu.memory_space<vmem>>, vector<1024x128xf32>,
    %get3A_28 = arith.constant 0 : index
    %get3A_29 = arith.constant 0 : index
    %get3A_30 = vector.load %arg7[%get3A_28, %get3A_29] : memref<8x128xf32, #tpu.memory_space<vmem>>, vector<8x128xf32>
    %dot_general3A_31 = arith.constant dense<0.000000e+00> : vector<8x1024xf32>
    %dot_general3A_32 = tpu.matmul %get3A_30, %dot_general3A_22, %dot_general3A_31 {dimension_numbers = #tpu.dot_dimension_numbers<[1], [1], [0], [0], [0, 0, 1, 0], [], []>, transpose_lhs_hint = false} : vector<8x128xf32>, vector<1024x128xf32>, vector<8x1024xf32> -> vector<8x1024xf32>
    %swap3A_33 = arith.constant 0 : index
    %swap3A_34 = arith.constant 0 : index
    %swap3A_35 = vector.load %arg10[%swap3A_33, %swap3A_34] : memref<8x1024xf32, #tpu.memory_space<vmem>>, vector<8x1024xf32>
    tpu.vector_store %arg10[%swap3A_33, %swap3A_34], %dot_general3A_32 {strides = array<i32>} : memref<8x1024xf32, #tpu.memory_space<vmem>>, vector<8x1024xf32>,
    return
  }
  func.func @transform_0(%arg0: i32) -> (i32, i32) {
    %c0_i32 = arith.constant 0 : i32
    %c0_i32_0 = arith.constant 0 : i32
    return %arg0, %c0_i32 : i32, i32
  }
  func.func @transform_1(%arg0: i32) -> (i32, i32) {
    %c0_i32 = arith.constant 0 : i32
    %c0_i32_0 = arith.constant 0 : i32
    return %arg0, %c0_i32 : i32, i32
  }
  func.func @transform_2(%arg0: i32) -> (i32, i32) {
    %c0_i32 = arith.constant 0 : i32
    %c0_i32_0 = arith.constant 0 : i32
    return %arg0, %c0_i32 : i32, i32
  }
  func.func @transform_3(%arg0: i32) -> (i32, i32) {
    %c0_i32 = arith.constant 0 : i32
    %c0_i32_0 = arith.constant 0 : i32
    %c0_i32_1 = arith.constant 0 : i32
    return %c0_i32, %c0_i32_0 : i32, i32
  }
  func.func @transform_4(%arg0: i32) -> (i32, i32) {
    %c0_i32 = arith.constant 0 : i32
    %c0_i32_0 = arith.constant 0 : i32
    %c0_i32_1 = arith.constant 0 : i32
    return %c0_i32, %c0_i32_0 : i32, i32
  }
  func.func @transform_5(%arg0: i32) -> (i32, i32) {
    %c0_i32 = arith.constant 0 : i32
    %c0_i32_0 = arith.constant 0 : i32
    %c0_i32_1 = arith.constant 0 : i32
    return %c0_i32, %c0_i32_0 : i32, i32
  }
  func.func @transform_6(%arg0: i32) -> (i32, i32) {
    %c0_i32 = arith.constant 0 : i32
    %c0_i32_0 = arith.constant 0 : i32
    %c0_i32_1 = arith.constant 0 : i32
    return %c0_i32, %c0_i32_0 : i32, i32
  }
  func.func @transform_7(%arg0: i32) -> (i32, i32) {
    %c0_i32 = arith.constant 0 : i32
    %c0_i32_0 = arith.constant 0 : i32
    return %arg0, %c0_i32 : i32, i32
  }
  func.func @transform_8(%arg0: i32) -> (i32, i32) {
    %c0_i32 = arith.constant 0 : i32
    %c0_i32_0 = arith.constant 0 : i32
    return %arg0, %c0_i32 : i32, i32
  }
  func.func @transform_9(%arg0: i32) -> (i32, i32) {
    %c0_i32 = arith.constant 0 : i32
    %c0_i32_0 = arith.constant 0 : i32
    return %c0_i32, %arg0 : i32, i32
  }
}

module attributes {stable_mosaic.version = 14 : i64} {
  func.func @_stage2_body(%arg0: i32, %arg1: memref<1024x128xf32, #tpu.memory_space<vmem>>, %arg2: memref<1024x128xf32, #tpu.memory_space<vmem>>, %arg3: memref<2x1024x128xf32, #tpu.memory_space<vmem>>, %arg4: memref<2x1024x1xf32, #tpu.memory_space<vmem>>, %arg5: memref<1x128xf32, #tpu.memory_space<vmem>>, %arg6: memref<128x384xf32, #tpu.memory_space<vmem>>, %arg7: memref<128x384xf32, #tpu.memory_space<vmem>>, %arg8: memref<1x384xf32, #tpu.memory_space<vmem>>, %arg9: memref<1x384xf32, #tpu.memory_space<vmem>>, %arg10: memref<1024x128xf32, #tpu.memory_space<vmem>>) attributes {dimension_semantics = [#tpu.dimension_semantics<arbitrary>], iteration_bounds = array<i64: 10>, scalar_prefetch = 0 : i64, scratch_operands = 0 : i64, tpu.core_type = #tpu.core_type<tc>, window_params = [{transform_indices = @transform_0, window_bounds = array<i64: 1024, 128>}, {transform_indices = @transform_1, window_bounds = array<i64: 1024, 128>}, {transform_indices = @transform_2, window_bounds = array<i64: 2, 1024, 128>}, {transform_indices = @transform_3, window_bounds = array<i64: 2, 1024, 1>}, {pipeline_mode = #tpu.pipeline_mode<synchronous>, transform_indices = @transform_4, window_bounds = array<i64: 1, 128>}, {pipeline_mode = #tpu.pipeline_mode<synchronous>, transform_indices = @transform_5, window_bounds = array<i64: 128, 384>}, {pipeline_mode = #tpu.pipeline_mode<synchronous>, transform_indices = @transform_6, window_bounds = array<i64: 128, 384>}, {pipeline_mode = #tpu.pipeline_mode<synchronous>, transform_indices = @transform_7, window_bounds = array<i64: 1, 384>}, {pipeline_mode = #tpu.pipeline_mode<synchronous>, transform_indices = @transform_8, window_bounds = array<i64: 1, 384>}, {transform_indices = @transform_9, window_bounds = array<i64: 1024, 128>}]} {
    %get3A = arith.constant 0 : index
    %get3A_0 = arith.constant 0 : index
    %get3A_1 = arith.constant 0 : index
    %get3A_2 = vector.load %arg3[%get3A, %get3A_0, %get3A_1] : memref<2x1024x128xf32, #tpu.memory_space<vmem>>, vector<1x1024x128xf32>
    %get3A_3 = vector.shape_cast %get3A_2 : vector<1x1024x128xf32> to vector<1024x128xf32>
    %get3A_4 = arith.constant 1 : index
    %get3A_5 = arith.constant 0 : index
    %get3A_6 = arith.constant 0 : index
    %get3A_7 = vector.load %arg3[%get3A_4, %get3A_5, %get3A_6] : memref<2x1024x128xf32, #tpu.memory_space<vmem>>, vector<1x1024x128xf32>
    %get3A_8 = vector.shape_cast %get3A_7 : vector<1x1024x128xf32> to vector<1024x128xf32>
    %add3A = arith.addf %get3A_3, %get3A_8 : vector<1024x128xf32>
    %get3A_9 = arith.constant 0 : index
    %get3A_10 = arith.constant 0 : index
    %get3A_11 = arith.constant 0 : index
    %get3A_12 = vector.load %arg4[%get3A_9, %get3A_10, %get3A_11] : memref<2x1024x1xf32, #tpu.memory_space<vmem>>, vector<1x1024x1xf32>
    %get3A_13 = vector.shape_cast %get3A_12 : vector<1x1024x1xf32> to vector<1024x1xf32>
    %get3A_14 = arith.constant 1 : index
    %get3A_15 = arith.constant 0 : index
    %get3A_16 = arith.constant 0 : index
    %get3A_17 = vector.load %arg4[%get3A_14, %get3A_15, %get3A_16] : memref<2x1024x1xf32, #tpu.memory_space<vmem>>, vector<1x1024x1xf32>
    %get3A_18 = vector.shape_cast %get3A_17 : vector<1x1024x1xf32> to vector<1024x1xf32>
    %add3A_19 = arith.addf %get3A_13, %get3A_18 : vector<1024x1xf32>
    %add3A_20 = arith.constant 1.000000e-16 : f32
    %add3A_21 = vector.broadcast %add3A_20 : f32 to vector<1024x1xf32>
    %add3A_22 = arith.addf %add3A_19, %add3A_21 : vector<1024x1xf32>
    %div3A = vector.broadcast %add3A_22 : vector<1024x1xf32> to vector<1024x128xf32>
    %div3A_23 = arith.divf %add3A, %div3A : vector<1024x128xf32>
    %get3A_24 = arith.constant 0 : index
    %get3A_25 = arith.constant 0 : index
    %get3A_26 = vector.load %arg1[%get3A_24, %get3A_25] : memref<1024x128xf32, #tpu.memory_space<vmem>>, vector<1024x128xf32>
    %add3A_27 = arith.addf %get3A_26, %div3A_23 : vector<1024x128xf32>
    %get3A_28 = arith.constant 0 : index
    %get3A_29 = arith.constant 0 : index
    %get3A_30 = vector.load %arg5[%get3A_28, %get3A_29] : memref<1x128xf32, #tpu.memory_space<vmem>>, vector<1x128xf32>
    %add3A_31 = vector.broadcast %get3A_30 : vector<1x128xf32> to vector<1024x128xf32>
    %add3A_32 = arith.addf %add3A_27, %add3A_31 : vector<1024x128xf32>
    %get3A_33 = arith.constant 0 : index
    %get3A_34 = arith.constant 0 : index
    %get3A_35 = vector.load %arg6[%get3A_33, %get3A_34] : memref<128x384xf32, #tpu.memory_space<vmem>>, vector<128x384xf32>
    %dot_general3A = arith.constant dense<0.000000e+00> : vector<1024x384xf32>
    %dot_general3A_36 = tpu.matmul %add3A_32, %get3A_35, %dot_general3A {dimension_numbers = #tpu.dot_dimension_numbers<[1], [0], [0], [1], [0, 0, 1, 1], [], []>, transpose_lhs_hint = false} : vector<1024x128xf32>, vector<128x384xf32>, vector<1024x384xf32> -> vector<1024x384xf32>
    %get3A_37 = arith.constant 0 : index
    %get3A_38 = arith.constant 0 : index
    %get3A_39 = vector.load %arg8[%get3A_37, %get3A_38] : memref<1x384xf32, #tpu.memory_space<vmem>>, vector<1x384xf32>
    %add3A_40 = vector.broadcast %get3A_39 : vector<1x384xf32> to vector<1024x384xf32>
    %add3A_41 = arith.addf %dot_general3A_36, %add3A_40 : vector<1024x384xf32>
    %get3A_42 = arith.constant 0 : index
    %get3A_43 = arith.constant 0 : index
    %get3A_44 = vector.load %arg2[%get3A_42, %get3A_43] : memref<1024x128xf32, #tpu.memory_space<vmem>>, vector<1024x128xf32>
    %get3A_45 = arith.constant 0 : index
    %get3A_46 = arith.constant 0 : index
    %get3A_47 = vector.load %arg7[%get3A_45, %get3A_46] : memref<128x384xf32, #tpu.memory_space<vmem>>, vector<128x384xf32>
    %dot_general3A_48 = arith.constant dense<0.000000e+00> : vector<1024x384xf32>
    %dot_general3A_49 = tpu.matmul %get3A_44, %get3A_47, %dot_general3A_48 {dimension_numbers = #tpu.dot_dimension_numbers<[1], [0], [0], [1], [0, 0, 1, 1], [], []>, transpose_lhs_hint = false} : vector<1024x128xf32>, vector<128x384xf32>, vector<1024x384xf32> -> vector<1024x384xf32>
    %get3A_50 = arith.constant 0 : index
    %get3A_51 = arith.constant 0 : index
    %get3A_52 = vector.load %arg9[%get3A_50, %get3A_51] : memref<1x384xf32, #tpu.memory_space<vmem>>, vector<1x384xf32>
    %add3A_53 = vector.broadcast %get3A_52 : vector<1x384xf32> to vector<1024x384xf32>
    %add3A_54 = arith.addf %dot_general3A_49, %add3A_53 : vector<1024x384xf32>
    %slice3A = vector.extract_strided_slice %add3A_41 {offsets = [0, 0], sizes = [1024, 128], strides = [1, 1]} : vector<1024x384xf32> to vector<1024x128xf32>
    %slice3A_55 = vector.extract_strided_slice %add3A_54 {offsets = [0, 0], sizes = [1024, 128], strides = [1, 1]} : vector<1024x384xf32> to vector<1024x128xf32>
    %add3A_56 = arith.addf %slice3A, %slice3A_55 : vector<1024x128xf32>
    %logistic3A = arith.negf %add3A_56 : vector<1024x128xf32>
    %logistic3A_57 = math.exp %logistic3A : vector<1024x128xf32>
    %logistic3A_58 = arith.constant 1.000000e+00 : f32
    %logistic3A_59 = vector.broadcast %logistic3A_58 : f32 to vector<1024x128xf32>
    %logistic3A_60 = arith.addf %logistic3A_59, %logistic3A_57 : vector<1024x128xf32>
    %logistic3A_61 = arith.divf %logistic3A_59, %logistic3A_60 : vector<1024x128xf32>
    %slice3A_62 = vector.extract_strided_slice %add3A_41 {offsets = [0, 128], sizes = [1024, 128], strides = [1, 1]} : vector<1024x384xf32> to vector<1024x128xf32>
    %slice3A_63 = vector.extract_strided_slice %add3A_54 {offsets = [0, 128], sizes = [1024, 128], strides = [1, 1]} : vector<1024x384xf32> to vector<1024x128xf32>
    %add3A_64 = arith.addf %slice3A_62, %slice3A_63 : vector<1024x128xf32>
    %logistic3A_65 = arith.negf %add3A_64 : vector<1024x128xf32>
    %logistic3A_66 = math.exp %logistic3A_65 : vector<1024x128xf32>
    %logistic3A_67 = arith.constant 1.000000e+00 : f32
    %logistic3A_68 = vector.broadcast %logistic3A_67 : f32 to vector<1024x128xf32>
    %logistic3A_69 = arith.addf %logistic3A_68, %logistic3A_66 : vector<1024x128xf32>
    %logistic3A_70 = arith.divf %logistic3A_68, %logistic3A_69 : vector<1024x128xf32>
    %slice3A_71 = vector.extract_strided_slice %add3A_41 {offsets = [0, 256], sizes = [1024, 128], strides = [1, 1]} : vector<1024x384xf32> to vector<1024x128xf32>
    %slice3A_72 = vector.extract_strided_slice %add3A_54 {offsets = [0, 256], sizes = [1024, 128], strides = [1, 1]} : vector<1024x384xf32> to vector<1024x128xf32>
    %mul3A = arith.mulf %logistic3A_61, %slice3A_72 : vector<1024x128xf32>
    %add3A_73 = arith.addf %slice3A_71, %mul3A : vector<1024x128xf32>
    %tanh3A = math.tanh %add3A_73 : vector<1024x128xf32>
    %sub3A = arith.constant 1.000000e+00 : f32
    %sub3A_74 = vector.broadcast %sub3A : f32 to vector<1024x128xf32>
    %sub3A_75 = arith.subf %sub3A_74, %logistic3A_70 : vector<1024x128xf32>
    %mul3A_76 = arith.mulf %sub3A_75, %tanh3A : vector<1024x128xf32>
    %get3A_77 = arith.constant 0 : index
    %get3A_78 = arith.constant 0 : index
    %get3A_79 = vector.load %arg2[%get3A_77, %get3A_78] : memref<1024x128xf32, #tpu.memory_space<vmem>>, vector<1024x128xf32>
    %mul3A_80 = arith.mulf %logistic3A_70, %get3A_79 : vector<1024x128xf32>
    %add3A_81 = arith.addf %mul3A_76, %mul3A_80 : vector<1024x128xf32>
    %swap3A = arith.constant 0 : index
    %swap3A_82 = arith.constant 0 : index
    %swap3A_83 = vector.load %arg10[%swap3A, %swap3A_82] : memref<1024x128xf32, #tpu.memory_space<vmem>>, vector<1024x128xf32>
    tpu.vector_store %arg10[%swap3A, %swap3A_82], %add3A_81 {strides = array<i32>} : memref<1024x128xf32, #tpu.memory_space<vmem>>, vector<1024x128xf32>,
    return
  }
  func.func @transform_0(%arg0: i32) -> (i32, i32) {
    %c0_i32 = arith.constant 0 : i32
    %c0_i32_0 = arith.constant 0 : i32
    return %arg0, %c0_i32 : i32, i32
  }
  func.func @transform_1(%arg0: i32) -> (i32, i32) {
    %c0_i32 = arith.constant 0 : i32
    %c0_i32_0 = arith.constant 0 : i32
    return %arg0, %c0_i32 : i32, i32
  }
  func.func @transform_2(%arg0: i32) -> (i32, i32, i32) {
    %c0_i32 = arith.constant 0 : i32
    %c0_i32_0 = arith.constant 0 : i32
    %c0_i32_1 = arith.constant 0 : i32
    return %c0_i32, %arg0, %c0_i32_0 : i32, i32, i32
  }
  func.func @transform_3(%arg0: i32) -> (i32, i32, i32) {
    %c0_i32 = arith.constant 0 : i32
    %c0_i32_0 = arith.constant 0 : i32
    %c0_i32_1 = arith.constant 0 : i32
    return %c0_i32, %arg0, %c0_i32_0 : i32, i32, i32
  }
  func.func @transform_4(%arg0: i32) -> (i32, i32) {
    %c0_i32 = arith.constant 0 : i32
    %c0_i32_0 = arith.constant 0 : i32
    %c0_i32_1 = arith.constant 0 : i32
    return %c0_i32, %c0_i32_0 : i32, i32
  }
  func.func @transform_5(%arg0: i32) -> (i32, i32) {
    %c0_i32 = arith.constant 0 : i32
    %c0_i32_0 = arith.constant 0 : i32
    %c0_i32_1 = arith.constant 0 : i32
    return %c0_i32, %c0_i32_0 : i32, i32
  }
  func.func @transform_6(%arg0: i32) -> (i32, i32) {
    %c0_i32 = arith.constant 0 : i32
    %c0_i32_0 = arith.constant 0 : i32
    %c0_i32_1 = arith.constant 0 : i32
    return %c0_i32, %c0_i32_0 : i32, i32
  }
  func.func @transform_7(%arg0: i32) -> (i32, i32) {
    %c0_i32 = arith.constant 0 : i32
    %c0_i32_0 = arith.constant 0 : i32
    %c0_i32_1 = arith.constant 0 : i32
    return %c0_i32, %c0_i32_0 : i32, i32
  }
  func.func @transform_8(%arg0: i32) -> (i32, i32) {
    %c0_i32 = arith.constant 0 : i32
    %c0_i32_0 = arith.constant 0 : i32
    %c0_i32_1 = arith.constant 0 : i32
    return %c0_i32, %c0_i32_0 : i32, i32
  }
  func.func @transform_9(%arg0: i32) -> (i32, i32) {
    %c0_i32 = arith.constant 0 : i32
    %c0_i32_0 = arith.constant 0 : i32
    return %arg0, %c0_i32 : i32, i32
  }
}

</mosaic_0001>

<sc_bundles>
// kernel: kernel.5.cloned.1.call-start
scs
__scs_entry_jumppad:
0x0: {  	(pc) =	sbr.rel $0x88, $3  }
0x1: {  	(tag) =	ssettag $0x0;
	lr =	simm.s32 $0x1  }
0x2: {  	[smem:$0x3F93] =	sst lr;
	_ =	strace $0xD0000000  }
0x3: {  	_ = 	snop  }
0x4: {  	_ = 	snop  }
0x5: {  	_ = 	snop  }
0x6: {  	_ = 	snop  }
0x7: {  	_ = 	snop  }
__scs_overlays_trampoline_lowered:
0x8: {  	[smem:$0x3FA2] =	sst s0  }
0x9: {  	[smem:$0x3FA3] =	sst s1  }
0xa: {  	[smem:$0x3FA4] =	sst s2  }
0xb: {  	[smem:$0x3FA5] =	sst s3  }
0xc: {  	[smem:$0x3FA6] =	sst s4  }
0xd: {  	[smem:$0x3FA7] =	sst s5  }
0xe: {  	[smem:$0x3FA8] =	sst s6  }
0xf: {  	[smem:$0x3FA9] =	sst s7  }
0x10: {  	[smem:$0x3FAA] =	sst s8  }
0x11: {  	[smem:$0x3FAB] =	sst s9;
	s0 =	simm.s32 @!p0 $0x0  }
0x12: {  	s1 =	sld [smem:$0x3F91];
	s0 =	simm.s32 @p0 $0x1  }
0x13: {  	[smem:$0x3FAC] =	sst s0;
	s0 =	simm.s32 @!p1 $0x0  }
0x14: {  	s2 =	sld [smem:$0x3F90];
	s0 =	simm.s32 @p1 $0x1  }
0x15: {  	[smem:$0x3FAD] =	sst s0;
	s0 =	simm.s32 @!p2 $0x0  }
0x16: {  	s3 =	sld [smem:$0x3FDB];
	s0 =	simm.s32 @p2 $0x1  }
0x17: {  	s4 =	simm.s32 $0x1BF5;
	[smem:$0x3FAF] =	sst s0  }
0x18: {  	s0 =	sld [smem:$0x3F92];
	_ =	swait.ge [sflag:s4], $0x0  }
0x19: {  	s7 =	sld [smem:$0x3F93]  }
0x1a: {  	s8 =	sadd.s32 $0xFFFFE003, lr  }
0x1b: {  	s9 =	sadd.s32 $0xFFFFFEF7, lr;
	s5 =	simm.s32 $0xFFFFFFFF;
	p2 =	slt.u32 s8, $0xFFFFF086  }
0x1c: {  	p1 =	slt.u32 s9, $0xF7A;
	s5 =	simm.s32 @!p2 $0x0  }
0x1d: {  	s5 =	simm.s32 @p1 $0x1;
	p0 =	seq.s32 s7, s2  }
0x1e: {  	s7 =	smul.u32 @!p0 $0xF7A, s2;
	p2 =	seq.s32 @!p0 s5, $0x0  }
0x1f: {  	s9 =	smul.u32 $0xF7A, s1;
	s8 =	simm.s32 @!p0 $0x1BF5;
	p2 =	por !p2, p0  }
0x20: {  	[sflag:s8] =	ssyncset.s32 @!p0 $0xFFFFF086;
	s6 =	sadd.s32 @!p0 s3, s7;
	s7 =	simm.s32 @!p0 $0x108  }
0x21: {  	s3 =	sadd.s32 s3, s9;
	s6 =	sadd.s32 @!p0 $0x88, s6;
	s7 =	simm.s32 @p2 $0x1082  }
0x22: {  	[simem:s7], [sflag:s8] =	dma.local @!p0 [hbm:s6], $0xF7A  }
0x23: {  	s9 =	sor.u32 $0xD0000000, s2;
	s6 =	simm.s32 $0x108;
	_ =	swait.ge @!p0 [sflag:s8], $0x0  }
0x24: {  	s3 =	sadd.s32 $0x88, s3;
	s6 =	simm.s32 @!p1 $0x1082;
	[sflag:s4] =	ssyncset.s32 $0xFFFFF086  }
0x25: {  	[simem:s6], [sflag:s4] =	dma.local [hbm:s3], $0xF7A  }
0x26: {  	[smem:$0x3F93] =	sst s1;
	(tag) =	ssettag s2;
	_ =	strace s9  }
0x27: {  	s1 =	sld [smem:$0x3FA3]  }
0x28: {  	s2 =	sld [smem:$0x3FA4]  }
0x29: {  	s4 =	sld [smem:$0x3FA6]  }
0x2a: {  	p0 =	seq.s32 s5, $0x0;
	s5 =	sld [smem:$0x3FA7]  }
0x2b: {  	s6 =	sld [smem:$0x3FA8]  }
0x2c: {  	s7 =	sld [smem:$0x3FA9]  }
0x2d: {  	s3 =	simm.s32 $0x108;
	s8 =	sld [smem:$0x3FAA]  }
0x2e: {  	s3 =	simm.s32 @!p0 $0x1082;
	s9 =	sld [smem:$0x3FAB]  }
0x2f: {  	lr =	sadd.s32 s0, s3;
	s0 =	sld [smem:$0x3FA2]  }
0x30: {  	s3 =	sld [smem:$0x3FA5]  }
0x31: {  	[smem:$0x3FAE] =	sst s10  }
0x32: {  	s10 =	sld [smem:$0x3FAC];
	_ =	sdelay $0x3  }
0x33: {  	p0 =	seq.s32 s10, $0x1;
	s10 =	sld [smem:$0x3FAE];
	_ =	sdelay $0x3  }
0x34: {  	[smem:$0x3FAE] =	sst s10  }
0x35: {  	s10 =	sld [smem:$0x3FAD];
	_ =	sdelay $0x3  }
0x36: {  	p1 =	seq.s32 s10, $0x1;
	s10 =	sld [smem:$0x3FAE];
	_ =	sdelay $0x3  }
0x37: {  	[smem:$0x3FAE] =	sst s10  }
0x38: {  	s10 =	sld [smem:$0x3FAF]  }
0x39: {  	_ = 	snop;
	(pc) =	sbr.ind lr, $3  }
0x3a: {  	_ = 	snop  }
0x3b: {  	_ = 	snop  }
0x3c: {  	p2 =	seq.s32 s10, $0x1;
	s10 =	sld [smem:$0x3FAE]  }
0x3d: {  	_ =	shalt  }
0x3e: {  	_ =	shalt  }
0x3f: {  	_ =	shalt  }
0x40: {  	_ =	shalt  }
0x41: {  	_ =	shalt  }
0x42: {  	_ =	shalt  }
0x43: {  	_ =	shalt  }
0x44: {  	_ =	shalt  }
0x45: {  	_ =	shalt  }
0x46: {  	_ =	shalt  }
0x47: {  	_ =	shalt  }
0x48: {  	_ =	shalt  }
0x49: {  	_ =	shalt  }
0x4a: {  	_ =	shalt  }
0x4b: {  	_ =	shalt  }
0x4c: {  	_ =	shalt  }
0x4d: {  	_ =	shalt  }
0x4e: {  	_ =	shalt  }
0x4f: {  	_ =	shalt  }
0x50: {  	_ =	shalt  }
0x51: {  	_ =	shalt  }
0x52: {  	_ =	shalt  }
0x53: {  	_ =	shalt  }
0x54: {  	_ =	shalt  }
0x55: {  	_ =	shalt  }
0x56: {  	_ =	shalt  }
0x57: {  	_ =	shalt  }
0x58: {  	_ =	shalt  }
0x59: {  	_ =	shalt  }
0x5a: {  	_ =	shalt  }
0x5b: {  	_ =	shalt  }
0x5c: {  	_ =	shalt  }
0x5d: {  	_ =	shalt  }
0x5e: {  	_ =	shalt  }
0x5f: {  	_ =	shalt  }
0x60: {  	_ =	shalt  }
0x61: {  	_ =	shalt  }
0x62: {  	_ =	shalt  }
0x63: {  	_ =	shalt  }
0x64: {  	_ =	shalt  }
0x65: {  	_ =	shalt  }
0x66: {  	_ =	shalt  }
0x67: {  	_ =	shalt  }
0x68: {  	_ =	shalt  }
0x69: {  	_ =	shalt  }
0x6a: {  	_ =	shalt  }
0x6b: {  	_ =	shalt  }
0x6c: {  	_ =	shalt  }
0x6d: {  	_ =	shalt  }
0x6e: {  	_ =	shalt  }
0x6f: {  	_ =	shalt  }
0x70: {  	_ =	shalt  }
0x71: {  	_ =	shalt  }
0x72: {  	_ =	shalt  }
0x73: {  	_ =	shalt  }
0x74: {  	_ =	shalt  }
0x75: {  	_ =	shalt  }
0x76: {  	_ =	shalt  }
0x77: {  	_ =	shalt  }
0x78: {  	_ =	shalt  }
0x79: {  	_ =	shalt  }
0x7a: {  	_ =	shalt  }
0x7b: {  	_ =	shalt  }
0x7c: {  	_ =	shalt  }
0x7d: {  	_ =	shalt  }
0x7e: {  	_ =	shalt  }
0x7f: {  	_ =	shalt  }
0x80: {  	_ =	shalt  }
0x81: {  	_ =	shalt  }
0x82: {  	_ =	shalt  }
0x83: {  	_ =	shalt  }
0x84: {  	_ =	shalt  }
0x85: {  	_ =	shalt  }
0x86: {  	_ =	shalt  }
0x87: {  	_ =	shalt  }
.Lfunc_end0:
.L_simem_size_0:
called_computation_lowered:
.L_overlay_start_0:
0x88: {  	s2 =	sld [smem:$0x3FD9]  }
0x89: {  	s3 =	sld [smem:$0x3FFE];
	_ =	sdelay $0x1  }
0x8a: {  	s1 =	srdreg.scid  }
0x8b: {  	s0 =	sand.u32 $0x1, s1  }
0x8c: {  	s17 =	sshll.u32 s0, $0xA;
	s2 =	sadd.s32 s3, s2  }
0x8d: {  	s2 =	sadd.s32 s2, s17  }
0x8e: {  	[smem:$0x3FBA] =	sst s2  }
0x8f: {  	_ = 	snop  }
0x90: {  	s2 =	sld [smem:$0x3FD0];
	(tm) =	ssettm $0x1  }
0x91: {  	s18 =	sld [smem:$0x3FFB];
	_ =	sdelay $0x3  }
0x92: {  	_ =	strace s18  }
0x93: {  	s3 =	sld [smem:$0x3FFC];
	_ =	sdelay $0x3  }
0x94: {  	_ =	strace s3  }
0x95: {  	s3 =	sld [smem:$0x3FFD];
	_ =	sdelay $0x3  }
0x96: {  	_ =	strace s3  }
0x97: {  	_ =	strace $0x8FFFFFFF  }
0x98: {  	s19 =	sld [smem:$0x3FDB];
	_ =	sdelay $0x1  }
0x99: {  	s4 =	simm.s32 $_scs_section_size  }
0x9a: {  	s5 =	simm.s32 $_size__tile_overlayer_lowered;
	s6 =	simm.s32 $_tile_overlayer_lowered  }
0x9b: {  	s22 =	simm.s32 $0x1BFF;
	s21 =	sshll.u32 s6, $0x1;
	s3 =	sadd.s32 s4, s19  }
0x9c: {  	s7 =	simm.s32 $0x0;
	s20 =	sshll.u32 s5, $0x1;
	s5 =	sadd.s32 s21, s3  }
0x9d: {  	[timem:s7], [sflag:s22] =	dma.local [hbm:s5], s20  }
0x9e: {  	_ =	swait.ge [sflag:s22], s20  }
0x9f: {  	s4 =	ssub.s32 $0x0, s20;
	[sflag:s22] =	ssyncset.done $0x0  }
0xa0: {  	[sflag:s22] =	ssyncadd.s32 s4;
	_ =	sdelay $0x1  }
0xa1: {  	s23 =	simm.s32 $0x1B8B  }
0xa2: {  	_ =	swait.ge [sflag:s23], $0x1  }
0xa3: {  	[sflag:s23] =	ssyncset.done $0x0  }
0xa4: {  	s25 =	simm.s32 $0x1B8E;
	s24 =	sld [smem:$0x3FFE];
	[sflag:s23] =	ssyncadd.s32 $0xFFFFFFFF  }
0xa5: {  	s26 =	simm.s32 $execute0_lowered;
	[smem:$0x3FD2] =	sst s25  }
0xa6: {  	s5 =	sshll.u32 s26, $0x1;
	_ =	strace $0x80000046;
	[dreg:$0x1] =	wrdreg $0xFFFFFFFF  }
0xa7: {  	s28 =	simm.s32 $_size_execute0_lowered;
	s3 =	sadd.s32 s3, s5;
	[dreg:$0x0] =	wrdreg $0x0  }
0xa8: {  	s5 =	sshll.u32 s28, $0x1;
	[dreg:$0x2] =	wrdreg s3  }
0xa9: {  	[dreg:$0x3] =	wrdreg s5  }
0xaa: {  	[dreg:$0x4] =	wrdreg $0xC0  }
0xab: {  	_ =	task [dreg:s7], $0x5FFFF  }
0xac: {  	[dreg:$0x1] =	wrdreg $0xFFFFFFFF  }
0xad: {  	[dreg:$0x0] =	wrdreg $0x60  }
0xae: {  	[dreg:$0x2] =	wrdreg s24  }
0xaf: {  	[dreg:$0x3] =	wrdreg s2  }
0xb0: {  	[dreg:$0x4] =	wrdreg $0x0  }
0xb1: {  	[dreg:$0x5] =	wrdreg $0x140000  }
0xb2: {  	[dreg:$0x6] =	wrdreg $0x9  }
0xb3: {  	_ =	task.clear_ibuf [dreg:s7], $0x7FFFF;
	_ =	strace $0x90000046  }
0xb4: {  	s29 =	simm.s32 $0x9;
	_ =	strace $0x80000048  }
0xb5: {  	_ =	swait.ge [sflag:s29], $0x1  }
0xb6: {  	[sflag:s29] =	ssyncadd.s32 $0xFFFFFFFF  }
0xb7: {  	_ =	strace $0x90000048  }
0xb8: {  	_ =	sfence  }
0xb9: {  	s30 =	sld [smem:$0x0];
	_ =	sdelay $0x2  }
0xba: {  	s31 =	sshll.u32 s1, $0xD;
	s1 =	sshrl.u32 s1, $0x2  }
0xbb: {  	s3 =	sand.u32 $0x4000, s31;
	s1 =	sadd.s32 s1, s30  }
0xbc: {  	s0 =	sor.u32 s3, s0;
	s1 =	sshll.u32 s1, $0x11  }
0xbd: {  	s0 =	sor.u32 s1, s0  }
0xbe: {  	s0 =	sadd.s32 $0x8F2B, s0  }
0xbf: {  	[sflag:s0] =	ssyncadd.remote.s32 $0x1  }
0xc0: {  	_ =	sfence.sel $0xFFFF  }
0xc1: {  	[dreg:$0x0] =	wrdreg $0xFFFFFFFF;
	(pc) =	sbr.abs _section_cstart, $3  }
0xc2: {  	[dreg:$0x1] =	wrdreg $0xFFFFFFFF  }
0xc3: {  	_ =	task.clear_ibuf [dreg:s7], $0x2FFFF;
	_ =	strace $0x9FFFFFFF  }
0xc4: {  	(tm) =	ssettm $0x7FFFFFFF  }
0xc5: {  	_ =	shalt  }
tec
execute0_lowered:
.L_overlay_start_1:
0x0: {  	(tag) =	ssettag $0x1  }
0x1: {  	s1 =	rddreg [dreg:$0x0]  }
0x2: {  	s17 =	stileid.u32;
	s0 =	srdreg.scid  }
0x3: {  	s5 =	simm.s32 $0x0;
	s28 =	simm.s32 $0x2;
	s2 =	smul.u32 $0xE4, s17  }
0x4: {  	s29 =	simm.s32 $0x5;
	s31 =	simm.s32 $0x1E380;
	s3 =	smul.u32 $0x60, s17  }
0x5: {  	s4 =	sand.u32 $0x1, s0;
	[smem:$0x7FF] =	sst s5;
	s23 =	smul.u32 $0x500, s17  }
0x6: {  	s7 =	sadd.s32 $0xD200, s1;
	s10 =	smul.u32 $0x14000, s17;
	p0 =	seq.s32 s4, $0x0  }
0x7: {  	s24 =	sshll.u32 s4, $0x7;
	s6 =	ssub.s32 $0x2, s4;
	s4 =	smul.u32 $0x140000, s4  }
0x8: {  	s0 =	sadd.s32 $0x600, s2;
	s5 =	sor.u32 s24, s23;
	s25 =	sshrl.u32 s6, $0x1  }
0x9: {  	s0 =	smov.u32 @p0 s3;
	s3 =	smul.u32 $0x280, s17;
	s10 =	sadd.s32 s10, s4  }
0xa: {  	s2 =	ssub.s32 s6, s25;
	s5 =	sshrl.u32 s5, $0x3;
	s10 =	sshrl.u32 s10, $0x3  }
0xb: {  	s5 =	sadd.s32 s5, s1;
	s30 =	sshll.u32 s0, $0x6;
	s26 =	sshll.u32 s3, $0x7  }
0xc: {  	s10 =	sadd.s32 s7, s10;
	s8 =	sor.u32 $0x2000, s26;
	s9 =	sadd.s32 $0x4000, s26  }
0xd: {  	s11 =	sadd.s32 $0x6000, s26;
	s13 =	sadd.s32 $0x8000, s26;
	s14 =	sadd.s32 $0xA000, s26  }
0xe: {  	s15 =	sadd.s32 $0xC000, s26;
	s18 =	sadd.s32 $0xE000, s26;
	s19 =	sadd.s32 $0x10000, s26  }
0xf: {  	s6 =	sadd.s32 $0x12000, s26;
	[dreg:$0x5] =	wrdreg s10;
	s12 =	sadd.s32 s4, s8  }
0x10: {  	s20 =	sadd.s32 s4, s9;
	s21 =	sadd.s32 s4, s11;
	s24 =	sadd.s32 s4, s14  }
0x11: {  	s25 =	sadd.s32 s4, s15;
	s26 =	sadd.s32 s4, s18;
	s16 =	sshrl.u32 s12, $0x3  }
0x12: {  	s12 =	sshrl.u32 s21, $0x3;
	s21 =	sadd.s32 s4, s19;
	s10 =	sadd.s32 s7, s16  }
0x13: {  	s16 =	sadd.s32 s4, s13;
	s22 =	sadd.s32 s7, s12;
	s12 =	sshrl.u32 s25, $0x3  }
0x14: {  	s4 =	sadd.s32 s4, s6;
	s25 =	smul.u32 $0x50000, s17;
	[dreg:$0x6] =	wrdreg s10  }
0x15: {  	s10 =	sshrl.u32 s20, $0x3;
	[dreg:$0x8] =	wrdreg s22;
	s12 =	sadd.s32 s7, s12  }
0x16: {  	s23 =	sshrl.u32 s16, $0x3;
	s10 =	sadd.s32 s7, s10;
	[dreg:$0xb] =	wrdreg s12  }
0x17: {  	s22 =	sshrl.u32 s21, $0x3;
	s4 =	sshrl.u32 s4, $0x3;
	[dreg:$0x7] =	wrdreg s10  }
0x18: {  	s12 =	sadd.s32 s7, s22;
	s10 =	sadd.s32 s7, s23;
	s23 =	rddreg [dreg:$0x2]  }
0x19: {  	s17 =	sadd.s32 $0x1800, s1;
	s4 =	sadd.s32 s7, s4;
	[dreg:$0xd] =	wrdreg s12  }
0x1a: {  	s20 =	sshrl.u32 s26, $0x3;
	s26 =	sshll.u32 s0, $0x3;
	[dreg:$0xe] =	wrdreg s4  }
0x1b: {  	s0 =	simm.s32 $0x20;
	[dreg:$0x9] =	wrdreg s10;
	s10 =	sshrl.u32 s24, $0x3  }
0x1c: {  	s4 =	sshrl.u32 s25, $0x2;
	s24 =	rddreg [dreg:$0x3];
	s10 =	sadd.s32 s7, s10  }
0x1d: {  	s4 =	sadd.s32 s4, s23;
	[dreg:$0xa] =	wrdreg s10;
	s10 =	sadd.s32 s7, s20  }
0x1e: {  	s8 =	sadd.s32 s8, s23;
	s21 =	sadd.s32 s9, s23;
	[dreg:$0xc] =	wrdreg s10  }
0x1f: {  	s11 =	sadd.s32 s11, s23;
	_ =	strace $0x80000047;
	[dreg:$0xf] =	wrdreg s4  }
0x20: {  	s22 =	sadd.s32 s13, s23;
	s15 =	sadd.s32 s15, s23;
	[dreg:$0x10] =	wrdreg s8  }
0x21: {  	s14 =	sadd.s32 s14, s23;
	s18 =	sadd.s32 s18, s23;
	[dreg:$0x15] =	wrdreg s15  }
0x22: {  	s7 =	sadd.s32 s26, s1;
	s20 =	sadd.s32 s19, s23;
	[dreg:$0x16] =	wrdreg s18  }
0x23: {  	s10 =	sadd.s32 s6, s23;
	s23 =	sadd.s32 $0x2400, s7;
	[dreg:$0x17] =	wrdreg s20  }
0x24: {  	s16 =	sadd.s32 $0x1E00, s1;
	s0 =	simm.s32 @!p0 $0x4C;
	[dreg:$0x1b] =	wrdreg s23  }
0x25: {  	s12 =	sadd.s32 s3, s24;
	s24 =	sadd.s32 $0xC800, s5;
	[dreg:$0x1a] =	wrdreg s0  }
0x26: {  	s25 =	smax.u32 s2, $0x1;
	s2 =	simm.s32 $0x8;
	[dreg:$0x1c] =	wrdreg s24  }
0x27: {  	s13 =	simm.s32 $0x17E00;
	s26 =	sor.u32 $0x40, s30;
	[dreg:$0x1d] =	wrdreg s25  }
0x28: {  	s9 =	simm.s32 $0x3;
	s5 =	simm.s32 $0xD;
	[dreg:$0x1e] =	wrdreg s26  }
0x29: {  	s3 =	simm.s32 $0x0;
	s19 =	simm.s32 $0x1;
	[dreg:$0x11] =	wrdreg s21  }
0x2a: {  	s1 =	simm.s32 $0x7;
	s7 =	simm.s32 $0x40;
	[dreg:$0x12] =	wrdreg s11  }
0x2b: {  	v0 =	vlaneseq.u32;
	s6 =	simm.s32 $0x17E80;
	s20 =	simm.s32 $0x4;
	[dreg:$0x13] =	wrdreg s22  }
0x2c: {  	v1 =	vmul.u32 $0xFFFFFFFF, v0;
	s24 =	simm.s32 $0x17F00;
	s26 =	simm.s32 $0x1E280;
	[dreg:$0x14] =	wrdreg s14  }
0x2d: {  	s23 =	simm.s32 $0xA;
	s25 =	simm.s32 $0x1E300;
	[dreg:$0x18] =	wrdreg s10  }
0x2e: {  	v0 =	vimm.f32 $0.0e+00;
	v1 =	vadd.s32 $0x50910, v1;
	s15 =	simm.s32 $0x6;
	s18 =	simm.s32 $0xB;
	[dreg:$0x19] =	wrdreg s12  }
.LBB2_1:
0x2f: {  	[dreg:$0x1f] =	wrdreg s3;
	s0 =	simm.s32 $0x0;
	s3 =	simm.s32 $0x200  }
.LBB2_2:
0x30: {  	p0 =	sne.s32 s3, $0x7E00;
	[tilespmem:s0+$0x17FF0] =	vst v0  }
0x31: {  	[tilespmem:s0+$0x17F80] =	vst v0  }
0x32: {  	[tilespmem:s0+$0x17F90] =	vst v0  }
.Ltmp0:
0x33: {  	[tilespmem:s0+$0x17FA0] =	vst v0;
	(pc) =	sbr.rel @p0 .LBB2_2-.Ltmp0, $4  }
0x34: {  	[tilespmem:s0+$0x17FB0] =	vst v0  }
0x35: {  	[tilespmem:s0+$0x17FC0] =	vst v0  }
0x36: {  	[tilespmem:s0+$0x17FD0] =	vst v0  }
0x37: {  	[tilespmem:s0+$0x17FE0] =	vst v0;
	s0 =	sshra.s32 s3, $0x2;
	s3 =	sadd.s32 $0x200, s3  }
0x38: {  	[tilespmem:s0+$0x17FF0] =	vst v0  }
0x39: {  	[tilespmem:s0+$0x17F80] =	vst v0  }
0x3a: {  	[tilespmem:s0+$0x17F90] =	vst v0  }
0x3b: {  	[tilespmem:s0+$0x17FA0] =	vst v0  }
0x3c: {  	[tilespmem:s0+$0x17FB0] =	vst v0  }
0x3d: {  	[tilespmem:s0+$0x17FC0] =	vst v0  }
0x3e: {  	[tilespmem:s0+$0x17FD0] =	vst v0  }
0x3f: {  	[tilespmem:s0+$0x17FE0] =	vst v0  }
0x40: {  	[tilespmem:$0x1E400] =	vst v0  }
0x41: {  	[tilespmem:$0x1E410] =	vst v0  }
0x42: {  	[tilespmem:$0x1E420] =	vst v0  }
0x43: {  	[tilespmem:$0x1E430] =	vst v0  }
0x44: {  	[tilespmem:$0x1E440] =	vst v0  }
0x45: {  	[tilespmem:$0x1E450] =	vst v0  }
0x46: {  	[tilespmem:$0x1E460] =	vst v0  }
0x47: {  	[tilespmem:$0x1E470] =	vst v0  }
0x48: {  	[tilespmem:$0x1E480] =	vst v0  }
0x49: {  	[tilespmem:$0x1E490] =	vst v0  }
0x4a: {  	[tilespmem:$0x1E4A0] =	vst v0  }
0x4b: {  	[tilespmem:$0x1E4B0] =	vst v0  }
0x4c: {  	[tilespmem:$0x1E4C0] =	vst v0  }
0x4d: {  	[tilespmem:$0x1E4D0] =	vst v0  }
0x4e: {  	[tilespmem:$0x1E4E0] =	vst v0  }
0x4f: {  	[tilespmem:$0x1E4F0] =	vst v0  }
0x50: {  	[tilespmem:$0x1E500] =	vst v0  }
0x51: {  	[tilespmem:$0x1E510] =	vst v0  }
0x52: {  	[tilespmem:$0x1E520] =	vst v0  }
0x53: {  	[tilespmem:$0x1E530] =	vst v0  }
0x54: {  	[tilespmem:$0x1E540] =	vst v0  }
0x55: {  	[tilespmem:$0x1E550] =	vst v0  }
0x56: {  	[tilespmem:$0x1E560] =	vst v0  }
0x57: {  	[tilespmem:$0x1E570] =	vst v0  }
0x58: {  	[tilespmem:$0x1E580] =	vst v0  }
0x59: {  	[tilespmem:$0x1E590] =	vst v0  }
0x5a: {  	[tilespmem:$0x1E5A0] =	vst v0  }
0x5b: {  	[tilespmem:$0x1E5B0] =	vst v0  }
0x5c: {  	[tilespmem:$0x1E5C0] =	vst v0  }
0x5d: {  	[tilespmem:$0x1E5D0] =	vst v0  }
0x5e: {  	[tilespmem:$0x1E5E0] =	vst v0  }
0x5f: {  	[tilespmem:$0x1E5F0] =	vst v0  }
0x60: {  	[tilespmem:$0x1E600] =	vst v0  }
0x61: {  	[tilespmem:$0x1E610] =	vst v0  }
0x62: {  	[tilespmem:$0x1E620] =	vst v0  }
0x63: {  	[tilespmem:$0x1E630] =	vst v0  }
0x64: {  	[tilespmem:$0x1E640] =	vst v0  }
0x65: {  	[tilespmem:$0x1E650] =	vst v0  }
0x66: {  	[tilespmem:$0x1E660] =	vst v0  }
0x67: {  	s4 =	rddreg [dreg:$0xf];
	s3 =	simm.s32 $0x17F80;
	[tilespmem:$0x1E670] =	vst v0  }
0x68: {  	[spmem:s4] =	stream.linear.scatter [tilespmem:s3], [sflag:$0xD], $0x2000, $0x38;
	[tilespmem:$0x1E680] =	vst v63  }
0x69: {  	_ =	swait.ge [sflag:s5], $0x2000  }
0x6a: {  	[sflag:s5] =	ssyncset.done $0x0  }
0x6b: {  	s8 =	rddreg [dreg:$0x10];
	[sflag:s5] =	ssyncadd.s32 $0xFFFFE000  }
0x6c: {  	[spmem:s8] =	stream.linear.scatter [tilespmem:s3], [sflag:$0xD], $0x2000, $0x38;
	[tilespmem:$0x1E680] =	vst v63  }
0x6d: {  	_ =	swait.ge [sflag:s5], $0x2000  }
0x6e: {  	[sflag:s5] =	ssyncset.done $0x0  }
0x6f: {  	[sflag:s5] =	ssyncadd.s32 $0xFFFFE000  }
0x70: {  	[spmem:s21] =	stream.linear.scatter [tilespmem:s3], [sflag:$0xD], $0x2000, $0x38;
	[tilespmem:$0x1E680] =	vst v63  }
0x71: {  	_ =	swait.ge [sflag:s5], $0x2000  }
0x72: {  	[sflag:s5] =	ssyncset.done $0x0  }
0x73: {  	[sflag:s5] =	ssyncadd.s32 $0xFFFFE000  }
0x74: {  	[spmem:s11] =	stream.linear.scatter [tilespmem:s3], [sflag:$0xD], $0x2000, $0x38;
	[tilespmem:$0x1E680] =	vst v63  }
0x75: {  	_ =	swait.ge [sflag:s5], $0x2000  }
0x76: {  	[sflag:s5] =	ssyncset.done $0x0  }
0x77: {  	[sflag:s5] =	ssyncadd.s32 $0xFFFFE000  }
0x78: {  	[spmem:s22] =	stream.linear.scatter [tilespmem:s3], [sflag:$0xD], $0x2000, $0x38;
	[tilespmem:$0x1E680] =	vst v63  }
0x79: {  	_ =	swait.ge [sflag:s5], $0x2000  }
0x7a: {  	[sflag:s5] =	ssyncset.done $0x0  }
0x7b: {  	[sflag:s5] =	ssyncadd.s32 $0xFFFFE000  }
0x7c: {  	[spmem:s14] =	stream.linear.scatter [tilespmem:s3], [sflag:$0xD], $0x2000, $0x38;
	[tilespmem:$0x1E680] =	vst v63  }
0x7d: {  	_ =	swait.ge [sflag:s5], $0x2000  }
0x7e: {  	[sflag:s5] =	ssyncset.done $0x0  }
0x7f: {  	s4 =	rddreg [dreg:$0x15];
	[sflag:s5] =	ssyncadd.s32 $0xFFFFE000  }
0x80: {  	[spmem:s4] =	stream.linear.scatter [tilespmem:s3], [sflag:$0xD], $0x2000, $0x38;
	[tilespmem:$0x1E680] =	vst v63  }
0x81: {  	_ =	swait.ge [sflag:s5], $0x2000  }
0x82: {  	[sflag:s5] =	ssyncset.done $0x0  }
0x83: {  	s8 =	rddreg [dreg:$0x16];
	[sflag:s5] =	ssyncadd.s32 $0xFFFFE000  }
0x84: {  	[spmem:s8] =	stream.linear.scatter [tilespmem:s3], [sflag:$0xD], $0x2000, $0x38;
	[tilespmem:$0x1E680] =	vst v63  }
0x85: {  	_ =	swait.ge [sflag:s5], $0x2000  }
0x86: {  	[sflag:s5] =	ssyncset.done $0x0  }
0x87: {  	s11 =	rddreg [dreg:$0x17];
	[sflag:s5] =	ssyncadd.s32 $0xFFFFE000  }
0x88: {  	[spmem:s11] =	stream.linear.scatter [tilespmem:s3], [sflag:$0xD], $0x2000, $0x38;
	[tilespmem:$0x1E680] =	vst v63  }
0x89: {  	_ =	swait.ge [sflag:s5], $0x2000  }
0x8a: {  	[sflag:s5] =	ssyncset.done $0x0  }
0x8b: {  	[sflag:s5] =	ssyncadd.s32 $0xFFFFE000  }
0x8c: {  	[spmem:s10] =	stream.linear.scatter [tilespmem:s3], [sflag:$0xD], $0x2000, $0x38;
	[tilespmem:$0x1E680] =	vst v63  }
0x8d: {  	_ =	swait.ge [sflag:s5], $0x2000  }
0x8e: {  	[sflag:s5] =	ssyncset.done $0x0  }
0x8f: {  	s14 =	simm.s32 $0x1E400;
	[sflag:s5] =	ssyncadd.s32 $0xFFFFE000  }
0x90: {  	[spmem:s12] =	stream.linear.scatter [tilespmem:s14], [sflag:$0xD], $0x280, $0x38;
	[tilespmem:$0x1E680] =	vst v63  }
0x91: {  	_ =	swait.ge [sflag:s5], $0x280  }
0x92: {  	s4 =	simm.s32 $0x14280;
	[sflag:s5] =	ssyncset.done $0x0  }
0x93: {  	s8 =	simm.s32 $0x0;
	s21 =	rddreg [dreg:$0x1b];
	[sflag:s5] =	ssyncadd.s32 $0xFFFFFD80  }
0x94: {  	[tilespmem:s4], [sflag:$0xD] =	stream.linear.gather [hbm4b:s21+s8], $0x3980, $0x38;
	[tilespmem:$0x1E680] =	vst v63  }
0x95: {  	_ =	swait.ge [sflag:s5], $0x3980  }
0x96: {  	[sflag:s5] =	ssyncset.done $0x0  }
0x97: {  	[sflag:s5] =	ssyncadd.s32 $0xFFFFC680  }
0x98: {  	[bflag:$0x0] =	sbarrier.arrive $0xFFFF  }
0x99: {  	v2 =	vld [tilespmem:$0x14280];
	_ =	sdelay $0x1  }
0x9a: {  	v3 =	vld [tilespmem:$0x14290];
	_ =	sdelay $0x1  }
0x9b: {  	v4 =	vld [tilespmem:$0x142A0]  }
0x9c: {  	v5 =	vand.u32 $0x3FFF, v2  }
0x9d: {  	v60 =	vld [tilespmem:$0x142B0];
	v2 =	vshrl.u32 v2, $0xE;
	[tilespmem:$0x17C80] =	vst v5  }
0x9e: {  	[tilespmem:$0x17E00] =	vst v2;
	v2 =	vand.u32 $0x3FFF, v3  }
0x9f: {  	[tilespmem:$0x17C90] =	vst v2;
	v2 =	vshrl.u32 v3, $0xE  }
0xa0: {  	[tilespmem:$0x17E10] =	vst v2;
	v2 =	vand.u32 $0x3FFF, v4  }
0xa1: {  	[tilespmem:$0x17CA0] =	vst v2;
	v2 =	vshrl.u32 v4, $0xE  }
0xa2: {  	[tilespmem:$0x17E20] =	vst v2;
	v2 =	vand.u32 $0x3FFF, v60  }
0xa3: {  	[tilespmem:$0x17CB0] =	vst v2;
	v2 =	vshrl.u32 v60, $0xE  }
0xa4: {  	s8 =	simm.s32 $0x17C80;
	s22 =	rddreg [dreg:$0x1];
	[tilespmem:$0x17E30] =	vst v2  }
0xa5: {  	[tilespmem:s3], [sflag:$0x1] =	stream.indirect.gather [hbm4b:s22+s7], $0x80, s8, s7, $0xb8;
	[tilespmem:$0x1E680] =	vst v63  }
0xa6: {  	s10 =	simm.s32 $0x1DF80  }
0xa7: {  	[tilespmem:s10], [sflag:$0x4] =	stream.indirect.gather [hbm4b:s16+s7], $0x1, s8, s7, $0xb8;
	[tilespmem:$0x1E680] =	vst v63  }
0xa8: {  	s11 =	simm.s32 $0x1E100  }
0xa9: {  	[tilespmem:s11], [sflag:$0x4] =	stream.indirect.gather [hbm4b:s17+s7], $0x1, s13, s7, $0xb8;
	[tilespmem:$0x1E680] =	vst v63  }
0xaa: {  	v2 =	vld [tilespmem:$0x142C0];
	_ =	sdelay $0x1  }
0xab: {  	v3 =	vld [tilespmem:$0x142D0];
	_ =	sdelay $0x1  }
0xac: {  	v61 =	vld [tilespmem:$0x142E0]  }
0xad: {  	v62 =	vand.u32 $0x3FFF, v2  }
0xae: {  	v63 =	vld [tilespmem:$0x142F0];
	v2 =	vshrl.u32 v2, $0xE;
	[tilespmem:$0x17D00] =	vst v62  }
0xaf: {  	[tilespmem:$0x17E80] =	vst v2;
	v2 =	vand.u32 $0x3FFF, v3  }
0xb0: {  	[tilespmem:$0x17D10] =	vst v2;
	v2 =	vshrl.u32 v3, $0xE  }
0xb1: {  	[tilespmem:$0x17E90] =	vst v2;
	v2 =	vand.u32 $0x3FFF, v61  }
0xb2: {  	[tilespmem:$0x17D20] =	vst v2;
	v2 =	vshrl.u32 v61, $0xE  }
0xb3: {  	[tilespmem:$0x17EA0] =	vst v2;
	v2 =	vand.u32 $0x3FFF, v63  }
0xb4: {  	[tilespmem:$0x17D30] =	vst v2;
	v2 =	vshrl.u32 v63, $0xE  }
0xb5: {  	s12 =	simm.s32 $0x17D00;
	s14 =	simm.s32 $0x19F80;
	[tilespmem:$0x17EB0] =	vst v2  }
0xb6: {  	[tilespmem:s14], [sflag:$0x2] =	stream.indirect.gather [hbm4b:s22+s7], $0x80, s12, s7, $0xb8;
	[tilespmem:$0x1E680] =	vst v63  }
0xb7: {  	s21 =	simm.s32 $0x1E000  }
0xb8: {  	[tilespmem:s21], [sflag:$0x5] =	stream.indirect.gather [hbm4b:s16+s7], $0x1, s12, s7, $0xb8;
	[tilespmem:$0x1E680] =	vst v63  }
0xb9: {  	s3 =	simm.s32 $0x0;
	s22 =	simm.s32 $0x1E180;
	s14 =	simm.s32 $0x1BF80  }
0xba: {  	[tilespmem:s22], [sflag:$0x5] =	stream.indirect.gather [hbm4b:s17+s7], $0x1, s6, s7, $0xb8;
	[tilespmem:$0x1E680] =	vst v63  }
.LBB2_4:
0xbb: {  	_ =	swait.ge [sflag:s19], $0x2000  }
0xbc: {  	[sflag:s19] =	ssyncset.done $0x0  }
0xbd: {  	[sflag:s19] =	ssyncadd.s32 $0xFFFFE000  }
0xbe: {  	_ =	swait.ge [sflag:s20], $0x40  }
0xbf: {  	[sflag:s20] =	ssyncset.done $0x0  }
0xc0: {  	[sflag:s20] =	ssyncadd.s32 $0xFFFFFFC0  }
0xc1: {  	_ =	swait.ge [sflag:s20], $0x40  }
0xc2: {  	p0 =	seq.s32 s3, $0x0;
	[sflag:s20] =	ssyncset.done $0x0  }
0xc3: {  	s0 =	simm.s32 @!p0 $0x9;
	[sflag:s20] =	ssyncadd.s32 $0xFFFFFFC0  }
0xc4: {  	_ =	swait.ge @!p0 [sflag:s0], $0x2000  }
0xc5: {  	s8 =	smul.u32 $0xC0, s3;
	[sflag:s0] =	ssyncset.done @!p0 $0x0  }
0xc6: {  	[sflag:s0] =	ssyncadd.s32 @!p0 $0xFFFFE000;
	s0 =	simm.s32 @!p0 $0xC  }
0xc7: {  	s21 =	sadd.s32 $0x80, s8;
	_ =	swait.ge @!p0 [sflag:s0], $0x40  }
0xc8: {  	s11 =	sand.u32 $0x40, s8;
	s4 =	sand.u32 $0x7FFFFF80, s21;
	[sflag:s0] =	ssyncset.done @!p0 $0x0  }
0xc9: {  	s10 =	sor.u32 s11, s4;
	[sflag:s0] =	ssyncadd.s32 @!p0 $0xFFFFFFC0  }
0xca: {  	v2 =	vld [tilespmem:s10+$0x14280];
	_ =	sdelay $0x4  }
0xcb: {  	v3 =	vand.u32 $0x3FFF, v2  }
0xcc: {  	v2 =	vshrl.u32 v2, $0xE;
	[tilespmem:$0x17D80] =	vst v3  }
0xcd: {  	[tilespmem:$0x17F00] =	vst v2  }
0xce: {  	v2 =	vld [tilespmem:s8+$0x14310];
	_ =	sdelay $0x4  }
0xcf: {  	v3 =	vand.u32 $0x3FFF, v2  }
0xd0: {  	v2 =	vshrl.u32 v2, $0xE;
	[tilespmem:$0x17D90] =	vst v3  }
0xd1: {  	[tilespmem:$0x17F10] =	vst v2  }
0xd2: {  	v2 =	vld [tilespmem:s8+$0x14320];
	_ =	sdelay $0x4  }
0xd3: {  	v3 =	vand.u32 $0x3FFF, v2  }
0xd4: {  	v2 =	vshrl.u32 v2, $0xE;
	[tilespmem:$0x17DA0] =	vst v3  }
0xd5: {  	[tilespmem:$0x17F20] =	vst v2  }
0xd6: {  	v2 =	vld [tilespmem:s8+$0x14330];
	_ =	sdelay $0x4  }
0xd7: {  	v3 =	vand.u32 $0x3FFF, v2  }
0xd8: {  	v2 =	vshrl.u32 v2, $0xE;
	[tilespmem:$0x17DB0] =	vst v3  }
0xd9: {  	s22 =	simm.s32 $0x17D80;
	s12 =	rddreg [dreg:$0x1];
	[tilespmem:$0x17F30] =	vst v2  }
0xda: {  	[tilespmem:s14], [sflag:$0x3] =	stream.indirect.gather [hbm4b:s12+s7], $0x80, s22, s7, $0xb8;
	[tilespmem:$0x1E680] =	vst v63  }
0xdb: {  	s10 =	simm.s32 $0x1E080  }
0xdc: {  	[tilespmem:s10], [sflag:$0x6] =	stream.indirect.gather [hbm4b:s16+s7], $0x1, s22, s7, $0xb8;
	[tilespmem:$0x1E680] =	vst v63  }
0xdd: {  	s12 =	simm.s32 $0x1E200  }
0xde: {  	[tilespmem:s12], [sflag:$0x6] =	stream.indirect.gather [hbm4b:s17+s7], $0x1, s24, s7, $0xb8;
	[tilespmem:$0x1E680] =	vst v63  }
0xdf: {  	v2 =	vld [tilespmem:$0x1DF80]  }
0xe0: {  	v3 =	vld [tilespmem:$0x1E100]  }
0xe1: {  	v4 =	vld [tilespmem:$0x1DF90]  }
0xe2: {  	v5 =	vld [tilespmem:$0x1E110]  }
0xe3: {  	v6 =	vld [tilespmem:$0x1DFA0]  }
0xe4: {  	v7 =	vld [tilespmem:$0x1E120]  }
0xe5: {  	v8 =	vld [tilespmem:$0x1E130];
	v2 =	vadd.f32 v3, v2  }
0xe6: {  	v3 =	vld [tilespmem:$0x1DFB0]  }
0xe7: {  	v9 =	vmul.f32 $2.000000030e-01, v2  }
0xe8: {  	vm0 =	vge.f32 v2, $0.0e+00  }
0xe9: {  	v4 =	vadd.f32 v5, v4;
	v2 =	vsel vm0, v2, v9  }
0xea: {  	v5 =	vadd.f32 v7, v6;
	v2 =	vmul.f32 $1.442695020e+00, v2  }
0xeb: {  	v6 =	vmul.f32 $2.000000030e-01, v4;
	v3 =	vadd.f32 v8, v3  }
0xec: {  	vm9 =	vge.f32 v4, $0.0e+00;
	(erf) = vpow2.f32 v2;
	v2 =	vmul.f32 $2.000000030e-01, v5  }
0xed: {  	vm10 =	vge.f32 v5, $0.0e+00;
	v4 =	vsel vm9, v4, v6;
	v6 =	vmul.f32 $2.000000030e-01, v3  }
0xee: {  	v4 =	vmul.f32 $1.442695020e+00, v4;
	vm11 =	vge.f32 v3, $0.0e+00;
	v2 =	vsel vm10, v5, v2  }
0xef: {  	v3 =	vsel vm11, v3, v6;
	v2 =	vmul.f32 $1.442695020e+00, v2  }
0xf0: {  	(erf) = vpow2.f32 v4;
	v3 =	vmul.f32 $1.442695020e+00, v3  }
0xf1: {  	(erf) = vpow2.f32 v2  }
0xf2: {  	(erf) = vpow2.f32 v3;
	_ =	sdelay $0x2  }
0xf3: {  	s14 =	sadd.s32 s30, s8  }
0xf4: {  	s22 =	sor.u32 $0x10, s14;
	s10 =	simm.s32 $0x0;
	v2 =	vmov s14  }
0xf5: {  	v4 =	vmov s22;
	vm12 =	vlt.u32 v2, v1;
	v2 =	vmov s10  }
0xf6: {  	vm13 =	vlt.u32 v4, v1;
	s10 =	sor.u32 $0x20, s14;
	v2 =	vand.u32 $0xFFFFFFFC, v2;
	v3 =	vpop (erf)  }
0xf7: {  	s0 =	sor.u32 $0x30, s14;
	v4 =	vmov s10;
	v2 =	vbroadcast v2, $0x0;
	v3 =	vnsel vm12, $0x0, v3;
	v5 =	vpop (erf)  }
0xf8: {  	vm14 =	vlt.u32 v4, v1;
	v4 =	vmov s0;
	[tilespmem:$0x1E280] =	vst v3;
	v3 =	vnsel vm13, $0x0, v5;
	v6 =	vpop (erf)  }
0xf9: {  	vm15 =	vlt.u32 v4, v1;
	[tilespmem:$0x1E290] =	vst v3;
	v3 =	vnsel vm14, $0x0, v6;
	v5 =	vpop (erf)  }
0xfa: {  	[tilespmem:$0x1E2A0] =	vst v3;
	v3 =	vnsel vm15, $0x0, v5  }
0xfb: {  	s22 =	simm.s32 $0x18080;
	[tilespmem:$0x1E2B0] =	vst v3  }
0xfc: {  	v3 =	vld [tilespmem:s22+$0xFFFFFF70]  }
0xfd: {  	v2 =	vld.idx.msk [tilespmem:v2+s26+$0x0], $0xffff  }
0xfe: {  	v4 =	vld [tilespmem:s22+$0xFFFFFF00]  }
0xff: {  	v5 =	vld [tilespmem:s22+$0xFFFFFF20]  }
0x100: {  	v6 =	vld [tilespmem:s22+$0xFFFFFF50]  }
0x101: {  	v7 =	vld [tilespmem:s22+$0xFFFFFF40]  }
0x102: {  	v8 =	vld [tilespmem:s22+$0xFFFFFF60];
	v3 =	vmul.f32 v3, v2  }
0x103: {  	s12 =	simm.s32 $0x1;
	v9 =	vld [tilespmem:s22+$0xFFFFFF30];
	v4 =	vmul.f32 v4, v2  }
0x104: {  	v10 =	vld [tilespmem:s22+$0xFFFFFF10];
	v5 =	vmul.f32 v5, v2;
	[tilespmem:s22+$0xFFFFFF70] =	vst v3;
	v3 =	vmov s12  }
0x105: {  	v6 =	vmul.f32 v6, v2;
	[tilespmem:s22+$0xFFFFFF00] =	vst v4;
	v3 =	vand.u32 $0xFFFFFFFD, v3  }
0x106: {  	v4 =	vmul.f32 v7, v2;
	[tilespmem:s22+$0xFFFFFF20] =	vst v5;
	v3 =	vbroadcast v3, $0x0  }
0x107: {  	v5 =	vmul.f32 v8, v2;
	[tilespmem:s22+$0xFFFFFF50] =	vst v6  }
0x108: {  	v6 =	vmul.f32 v9, v2;
	[tilespmem:s22+$0xFFFFFF40] =	vst v4  }
0x109: {  	v2 =	vmul.f32 v10, v2;
	[tilespmem:s22+$0xFFFFFF60] =	vst v5  }
0x10a: {  	[tilespmem:s22+$0xFFFFFF30] =	vst v6  }
0x10b: {  	[tilespmem:s22+$0xFFFFFF10] =	vst v2;
	v2 =	vld [tilespmem:s22+$0xFFFFFF90]  }
0x10c: {  	v4 =	vld.idx.msk [tilespmem:v3+s26+$0x0], $0xffff  }
0x10d: {  	v3 =	vld [tilespmem:s22+$0xFFFFFFA0]  }
0x10e: {  	v5 =	vld [tilespmem:s22+$0xFFFFFF80]  }
0x10f: {  	v6 =	vld [tilespmem:s22+$0xFFFFFFB0]  }
0x110: {  	v7 =	vld [tilespmem:s22+$0xFFFFFFC0]  }
0x111: {  	v8 =	vld [tilespmem:s22+$0xFFFFFFD0];
	v2 =	vmul.f32 v2, v4  }
0x112: {  	s14 =	simm.s32 $0x2;
	v9 =	vld [tilespmem:s22+$0xFFFFFFF0];
	v3 =	vmul.f32 v3, v4  }
0x113: {  	v10 =	vld [tilespmem:s22+$0xFFFFFFE0];
	v5 =	vmul.f32 v5, v4;
	[tilespmem:s22+$0xFFFFFF90] =	vst v2;
	v2 =	vmov s14  }
0x114: {  	v6 =	vmul.f32 v6, v4;
	[tilespmem:s22+$0xFFFFFFA0] =	vst v3;
	v2 =	vand.u32 $0xFFFFFFFE, v2  }
0x115: {  	v3 =	vmul.f32 v7, v4;
	[tilespmem:s22+$0xFFFFFF80] =	vst v5;
	v7 =	vld [tilespmem:s22+$0x60];
	v11 =	vbroadcast v2, $0x0  }
0x116: {  	v5 =	vmul.f32 v8, v4;
	[tilespmem:s22+$0xFFFFFFB0] =	vst v6;
	v8 =	vld [tilespmem:s22+$0x0]  }
0x117: {  	v6 =	vmul.f32 v9, v4;
	v2 =	vld [tilespmem:s22+$0x20];
	[tilespmem:s22+$0xFFFFFFC0] =	vst v3  }
0x118: {  	v4 =	vmul.f32 v10, v4;
	v3 =	vld [tilespmem:s22+$0x30];
	[tilespmem:s22+$0xFFFFFFD0] =	vst v5  }
0x119: {  	[tilespmem:s22+$0xFFFFFFF0] =	vst v6;
	v5 =	vld [tilespmem:s22+$0x40]  }
0x11a: {  	[tilespmem:s22+$0xFFFFFFE0] =	vst v4;
	v6 =	vld [tilespmem:s22+$0x10]  }
0x11b: {  	s4 =	simm.s32 $0x4;
	s0 =	simm.s32 $0x0;
	s14 =	simm.s32 $0x18080;
	v4 =	vld.idx.msk [tilespmem:v11+s26+$0x0], $0xffff  }
.LBB2_5:
0x11c: {  	p0 =	sne.s32 s4, $0x3C  }
0x11d: {  	v9 =	vld [tilespmem:s22+$0x50];
	s14 =	sadd.s32 $0x200, s14;
	s12 =	smov.u32 s4;
	s4 =	sadd.s32 $0x4, s4  }
0x11e: {  	v10 =	vld [tilespmem:s22+$0x70];
	_ =	sdelay $0x1  }
0x11f: {  	v7 =	vmul.f32 v7, v4;
	v8 =	vmul.f32 v8, v4  }
0x120: {  	v5 =	vmul.f32 v5, v4;
	v6 =	vmul.f32 v6, v4  }
0x121: {  	v2 =	vmul.f32 v2, v4;
	v3 =	vmul.f32 v3, v4;
	[tilespmem:s22+$0x60] =	vst v7  }
0x122: {  	[tilespmem:s22+$0x40] =	vst v5;
	v5 =	vmul.f32 v9, v4;
	v4 =	vmul.f32 v10, v4  }
0x123: {  	s10 =	sadd.s32 $0x3, s0;
	s0 =	smov.u32 s12;
	[tilespmem:s22+$0x20] =	vst v2;
	v7 =	vld [tilespmem:s22+$0x80]  }
0x124: {  	v2 =	vld [tilespmem:s14+$0x20];
	[tilespmem:s22+$0x0] =	vst v8;
	v8 =	vmov s10  }
0x125: {  	[tilespmem:s22+$0x50] =	vst v5;
	v5 =	vld [tilespmem:s22+$0xE0]  }
0x126: {  	[tilespmem:s22+$0x30] =	vst v3;
	v9 =	vld [tilespmem:s22+$0xC0]  }
0x127: {  	v3 =	vld [tilespmem:s14+$0x30];
	[tilespmem:s22+$0x10] =	vst v6  }
0x128: {  	[tilespmem:s22+$0x70] =	vst v4;
	v4 =	vld [tilespmem:s22+$0xA0]  }
0x129: {  	v6 =	vld.idx.msk [tilespmem:v8+s26+$0x0], $0xffff  }
0x12a: {  	v8 =	vld [tilespmem:s22+$0x90]  }
0x12b: {  	v10 =	vld [tilespmem:s22+$0xB0]  }
0x12c: {  	v11 =	vld [tilespmem:s22+$0xD0]  }
0x12d: {  	v12 =	vld [tilespmem:s22+$0xF0];
	_ =	sdelay $0x1  }
0x12e: {  	v7 =	vmul.f32 v7, v6;
	v8 =	vmul.f32 v8, v6  }
0x12f: {  	v4 =	vmul.f32 v4, v6;
	v10 =	vmul.f32 v10, v6  }
0x130: {  	v13 =	vmov s0;
	[tilespmem:s22+$0x80] =	vst v7;
	v7 =	vmul.f32 v9, v6;
	v9 =	vmul.f32 v11, v6  }
0x131: {  	v11 =	vand.u32 $0xFFFFFFFC, v13;
	[tilespmem:s22+$0xA0] =	vst v4;
	v4 =	vmul.f32 v5, v6;
	v5 =	vmul.f32 v12, v6  }
0x132: {  	v6 =	vbroadcast v11, $0x0;
	[tilespmem:s22+$0xC0] =	vst v7  }
0x133: {  	[tilespmem:s22+$0xF0] =	vst v5  }
0x134: {  	v5 =	vld [tilespmem:s14+$0xFFFFFF40];
	[tilespmem:s22+$0xE0] =	vst v4  }
0x135: {  	v4 =	vld [tilespmem:s14+$0xFFFFFF50];
	[tilespmem:s22+$0x90] =	vst v8  }
0x136: {  	v7 =	vld [tilespmem:s14+$0xFFFFFF60];
	[tilespmem:s22+$0xB0] =	vst v10  }
0x137: {  	v8 =	vld [tilespmem:s14+$0xFFFFFF70];
	[tilespmem:s22+$0xD0] =	vst v9;
	s22 =	smov.u32 s14  }
0x138: {  	v6 =	vld.idx.msk [tilespmem:v6+s26+$0x0], $0xffff  }
0x139: {  	v9 =	vld [tilespmem:s14+$0xFFFFFF00]  }
0x13a: {  	v10 =	vld [tilespmem:s14+$0xFFFFFF20]  }
0x13b: {  	v11 =	vld [tilespmem:s14+$0xFFFFFF10]  }
0x13c: {  	v12 =	vld [tilespmem:s14+$0xFFFFFF30];
	_ =	sdelay $0x1  }
0x13d: {  	v8 =	vmul.f32 v8, v6;
	v9 =	vmul.f32 v9, v6  }
0x13e: {  	s10 =	sadd.s32 $0x1, s0;
	v7 =	vmul.f32 v7, v6;
	v10 =	vmul.f32 v10, v6  }
0x13f: {  	v4 =	vmul.f32 v4, v6;
	v11 =	vmul.f32 v11, v6;
	[tilespmem:s14+$0xFFFFFF70] =	vst v8;
	v8 =	vmov s10  }
0x140: {  	v5 =	vmul.f32 v5, v6;
	[tilespmem:s14+$0xFFFFFF00] =	vst v9;
	v9 =	vmul.f32 v12, v6;
	v6 =	vand.u32 $0xFFFFFFFD, v8  }
0x141: {  	[tilespmem:s14+$0xFFFFFF20] =	vst v10;
	v6 =	vbroadcast v6, $0x0  }
0x142: {  	[tilespmem:s14+$0xFFFFFF50] =	vst v4  }
0x143: {  	[tilespmem:s14+$0xFFFFFF40] =	vst v5;
	v4 =	vld [tilespmem:s14+$0xFFFFFFF0]  }
0x144: {  	[tilespmem:s14+$0xFFFFFF60] =	vst v7;
	v5 =	vld [tilespmem:s14+$0xFFFFFFC0]  }
0x145: {  	[tilespmem:s14+$0xFFFFFF30] =	vst v9;
	v7 =	vld [tilespmem:s14+$0xFFFFFFD0]  }
0x146: {  	[tilespmem:s14+$0xFFFFFF10] =	vst v11;
	v8 =	vld [tilespmem:s14+$0xFFFFFF90]  }
0x147: {  	v6 =	vld.idx.msk [tilespmem:v6+s26+$0x0], $0xffff  }
0x148: {  	v9 =	vld [tilespmem:s14+$0xFFFFFF80]  }
0x149: {  	v10 =	vld [tilespmem:s14+$0xFFFFFFA0]  }
0x14a: {  	v11 =	vld [tilespmem:s14+$0xFFFFFFB0]  }
0x14b: {  	v12 =	vld [tilespmem:s14+$0xFFFFFFE0];
	_ =	sdelay $0x1  }
0x14c: {  	v8 =	vmul.f32 v8, v6;
	v9 =	vmul.f32 v9, v6  }
0x14d: {  	s10 =	sadd.s32 $0x2, s0;
	v7 =	vmul.f32 v7, v6;
	v10 =	vmul.f32 v10, v6  }
0x14e: {  	v5 =	vmul.f32 v5, v6;
	[tilespmem:s14+$0xFFFFFF90] =	vst v8;
	v8 =	vmul.f32 v11, v6;
	v11 =	vmov s10  }
0x14f: {  	v4 =	vmul.f32 v4, v6;
	[tilespmem:s14+$0xFFFFFFA0] =	vst v10;
	v10 =	vmul.f32 v12, v6;
	v6 =	vand.u32 $0xFFFFFFFE, v11  }
0x150: {  	[tilespmem:s14+$0xFFFFFF80] =	vst v9;
	v6 =	vbroadcast v6, $0x0  }
0x151: {  	[tilespmem:s14+$0xFFFFFFB0] =	vst v8  }
0x152: {  	[tilespmem:s14+$0xFFFFFFC0] =	vst v5  }
0x153: {  	[tilespmem:s14+$0xFFFFFFD0] =	vst v7  }
.Ltmp1:
0x154: {  	[tilespmem:s14+$0xFFFFFFF0] =	vst v4;
	v5 =	vld [tilespmem:s14+$0x40];
	(pc) =	sbr.rel @p0 .LBB2_5-.Ltmp1, $4  }
0x155: {  	[tilespmem:s14+$0xFFFFFFE0] =	vst v10;
	v7 =	vld [tilespmem:s14+$0x60]  }
0x156: {  	v4 =	vld.idx.msk [tilespmem:v6+s26+$0x0], $0xffff  }
0x157: {  	v8 =	vld [tilespmem:s14+$0x0]  }
0x158: {  	v6 =	vld [tilespmem:s14+$0x10]  }
0x159: {  	_ =	sdelay $0x1  }
0x15a: {  	v7 =	vmul.f32 v7, v4  }
0x15b: {  	v9 =	vld [tilespmem:s22+$0x50];
	v5 =	vmul.f32 v5, v4  }
0x15c: {  	v10 =	vld [tilespmem:s22+$0x70];
	v2 =	vmul.f32 v2, v4;
	[tilespmem:s22+$0x60] =	vst v7  }
0x15d: {  	v7 =	vmul.f32 v8, v4;
	[tilespmem:s22+$0x40] =	vst v5  }
0x15e: {  	s0 =	sadd.s32 $0x3, s0;
	[tilespmem:s22+$0x20] =	vst v2;
	v2 =	vmul.f32 v3, v4  }
0x15f: {  	v6 =	vmul.f32 v6, v4;
	[tilespmem:s22+$0x0] =	vst v7;
	v7 =	vmov s0  }
0x160: {  	v5 =	vmul.f32 v9, v4;
	[tilespmem:s22+$0x30] =	vst v2  }
0x161: {  	v4 =	vmul.f32 v10, v4;
	[tilespmem:s22+$0x10] =	vst v6  }
0x162: {  	[tilespmem:s22+$0x50] =	vst v5  }
0x163: {  	v3 =	vld [tilespmem:s22+$0x80];
	[tilespmem:s22+$0x70] =	vst v4  }
0x164: {  	v2 =	vld.idx.msk [tilespmem:v7+s26+$0x0], $0xffff  }
0x165: {  	v4 =	vld [tilespmem:s22+$0xA0]  }
0x166: {  	v5 =	vld [tilespmem:s22+$0xC0]  }
0x167: {  	v6 =	vld [tilespmem:s22+$0xF0]  }
0x168: {  	v7 =	vld [tilespmem:s22+$0xE0]  }
0x169: {  	v8 =	vld [tilespmem:s22+$0x90];
	v3 =	vmul.f32 v3, v2  }
0x16a: {  	v9 =	vld [tilespmem:s22+$0xB0];
	v4 =	vmul.f32 v4, v2  }
0x16b: {  	v10 =	vld [tilespmem:s22+$0xD0];
	[tilespmem:s22+$0x80] =	vst v3;
	v3 =	vmul.f32 v5, v2  }
0x16c: {  	[tilespmem:s22+$0xA0] =	vst v4;
	v4 =	vmul.f32 v6, v2  }
0x16d: {  	v5 =	vmul.f32 v7, v2;
	[tilespmem:s22+$0xC0] =	vst v3  }
0x16e: {  	v3 =	vmul.f32 v8, v2;
	[tilespmem:s22+$0xF0] =	vst v4  }
0x16f: {  	v4 =	vmul.f32 v9, v2;
	[tilespmem:s22+$0xE0] =	vst v5  }
0x170: {  	v2 =	vmul.f32 v10, v2;
	[tilespmem:s22+$0x90] =	vst v3  }
0x171: {  	[tilespmem:s22+$0xB0] =	vst v4  }
0x172: {  	s10 =	rddreg [dreg:$0x2];
	s4 =	simm.s32 $0x17F80;
	[tilespmem:s22+$0xD0] =	vst v2  }
0x173: {  	[spmem:s10] =	stream.indirect.scatter.add.f32 [tilespmem:s4], [sflag:$0x7], $0x80, s13, s7, $0xb8;
	[tilespmem:$0x1E680] =	vst v63  }
0x174: {  	s12 =	rddreg [dreg:$0x3]  }
0x175: {  	[spmem:s12] =	stream.indirect.scatter.add.f32 [tilespmem:s26], [sflag:$0xA], $0x1, s13, s7, $0xb8;
	[tilespmem:$0x1E680] =	vst v63  }
0x176: {  	_ =	swait.ge [sflag:s28], $0x2000  }
0x177: {  	[sflag:s28] =	ssyncset.done $0x0  }
0x178: {  	[sflag:s28] =	ssyncadd.s32 $0xFFFFE000  }
0x179: {  	_ =	swait.ge [sflag:s29], $0x40  }
0x17a: {  	[sflag:s29] =	ssyncset.done $0x0  }
0x17b: {  	[sflag:s29] =	ssyncadd.s32 $0xFFFFFFC0  }
0x17c: {  	_ =	swait.ge [sflag:s29], $0x40  }
0x17d: {  	[sflag:s29] =	ssyncset.done $0x0  }
0x17e: {  	[sflag:s29] =	ssyncadd.s32 $0xFFFFFFC0  }
0x17f: {  	_ =	swait.ge [sflag:s1], $0x2000  }
0x180: {  	[sflag:s1] =	ssyncset.done $0x0  }
0x181: {  	[sflag:s1] =	ssyncadd.s32 $0xFFFFE000  }
0x182: {  	_ =	swait.ge [sflag:s23], $0x40  }
0x183: {  	[sflag:s23] =	ssyncset.done $0x0  }
0x184: {  	[sflag:s23] =	ssyncadd.s32 $0xFFFFFFC0  }
0x185: {  	v2 =	vld [tilespmem:s8+$0x14340];
	_ =	sdelay $0x4  }
0x186: {  	v3 =	vand.u32 $0x3FFF, v2  }
0x187: {  	v2 =	vshrl.u32 v2, $0xE;
	[tilespmem:$0x17C80] =	vst v3  }
0x188: {  	[tilespmem:$0x17E00] =	vst v2  }
0x189: {  	v2 =	vld [tilespmem:s8+$0x14350];
	_ =	sdelay $0x4  }
0x18a: {  	v3 =	vand.u32 $0x3FFF, v2  }
0x18b: {  	v2 =	vshrl.u32 v2, $0xE;
	[tilespmem:$0x17C90] =	vst v3  }
0x18c: {  	[tilespmem:$0x17E10] =	vst v2  }
0x18d: {  	v2 =	vld [tilespmem:s8+$0x14360];
	_ =	sdelay $0x4  }
0x18e: {  	v3 =	vand.u32 $0x3FFF, v2  }
0x18f: {  	v2 =	vshrl.u32 v2, $0xE;
	[tilespmem:$0x17CA0] =	vst v3  }
0x190: {  	[tilespmem:$0x17E20] =	vst v2  }
0x191: {  	v2 =	vld [tilespmem:s8+$0x14370];
	_ =	sdelay $0x4  }
0x192: {  	v3 =	vand.u32 $0x3FFF, v2  }
0x193: {  	v2 =	vshrl.u32 v2, $0xE;
	[tilespmem:$0x17CB0] =	vst v3  }
0x194: {  	s10 =	simm.s32 $0x17C80;
	s14 =	rddreg [dreg:$0x1];
	[tilespmem:$0x17E30] =	vst v2  }
0x195: {  	[tilespmem:s4], [sflag:$0x1] =	stream.indirect.gather [hbm4b:s14+s7], $0x80, s10, s7, $0xb8;
	[tilespmem:$0x1E680] =	vst v63  }
0x196: {  	s22 =	simm.s32 $0x1DF80  }
0x197: {  	[tilespmem:s22], [sflag:$0x4] =	stream.indirect.gather [hbm4b:s16+s7], $0x1, s10, s7, $0xb8;
	[tilespmem:$0x1E680] =	vst v63  }
0x198: {  	s4 =	simm.s32 $0x1E100  }
0x199: {  	[tilespmem:s4], [sflag:$0x4] =	stream.indirect.gather [hbm4b:s17+s7], $0x1, s13, s7, $0xb8;
	[tilespmem:$0x1E680] =	vst v63  }
0x19a: {  	v2 =	vld [tilespmem:$0x1E000]  }
0x19b: {  	v3 =	vld [tilespmem:$0x1E180]  }
0x19c: {  	v4 =	vld [tilespmem:$0x1E010]  }
0x19d: {  	v5 =	vld [tilespmem:$0x1E190]  }
0x19e: {  	v6 =	vld [tilespmem:$0x1E020]  }
0x19f: {  	v7 =	vld [tilespmem:$0x1E1A0]  }
0x1a0: {  	v8 =	vld [tilespmem:$0x1E1B0];
	v2 =	vadd.f32 v3, v2  }
0x1a1: {  	v3 =	vld [tilespmem:$0x1E030]  }
0x1a2: {  	v9 =	vmul.f32 $2.000000030e-01, v2  }
0x1a3: {  	vm0 =	vge.f32 v2, $0.0e+00  }
0x1a4: {  	v4 =	vadd.f32 v5, v4;
	v2 =	vsel vm0, v2, v9  }
0x1a5: {  	v5 =	vadd.f32 v7, v6;
	v2 =	vmul.f32 $1.442695020e+00, v2  }
0x1a6: {  	v6 =	vmul.f32 $2.000000030e-01, v4;
	v3 =	vadd.f32 v8, v3  }
0x1a7: {  	vm9 =	vge.f32 v4, $0.0e+00;
	(erf) = vpow2.f32 v2;
	v2 =	vmul.f32 $2.000000030e-01, v5  }
0x1a8: {  	vm10 =	vge.f32 v5, $0.0e+00;
	v4 =	vsel vm9, v4, v6;
	v6 =	vmul.f32 $2.000000030e-01, v3  }
0x1a9: {  	v4 =	vmul.f32 $1.442695020e+00, v4;
	vm11 =	vge.f32 v3, $0.0e+00;
	v2 =	vsel vm10, v5, v2  }
0x1aa: {  	v3 =	vsel vm11, v3, v6;
	v2 =	vmul.f32 $1.442695020e+00, v2  }
0x1ab: {  	(erf) = vpow2.f32 v4;
	v3 =	vmul.f32 $1.442695020e+00, v3  }
0x1ac: {  	(erf) = vpow2.f32 v2  }
0x1ad: {  	(erf) = vpow2.f32 v3;
	_ =	sdelay $0x1  }
0x1ae: {  	s10 =	rddreg [dreg:$0x1e]  }
0x1af: {  	s12 =	sadd.s32 s8, s10  }
0x1b0: {  	s0 =	simm.s32 $0x0;
	s14 =	sor.u32 $0x10, s12;
	v2 =	vmov s12  }
0x1b1: {  	v4 =	vmov s14;
	vm12 =	vlt.u32 v2, v1;
	v2 =	vmov s0  }
0x1b2: {  	s22 =	sor.u32 $0x20, s12;
	vm13 =	vlt.u32 v4, v1;
	v2 =	vand.u32 $0xFFFFFFFC, v2;
	v3 =	vpop (erf)  }
0x1b3: {  	s4 =	sor.u32 $0x30, s12;
	v4 =	vmov s22;
	v2 =	vbroadcast v2, $0x0;
	v3 =	vnsel vm12, $0x0, v3;
	v5 =	vpop (erf)  }
0x1b4: {  	vm14 =	vlt.u32 v4, v1;
	v4 =	vmov s4;
	[tilespmem:$0x1E300] =	vst v3;
	v3 =	vnsel vm13, $0x0, v5;
	v6 =	vpop (erf)  }
0x1b5: {  	vm15 =	vlt.u32 v4, v1;
	[tilespmem:$0x1E310] =	vst v3;
	v3 =	vnsel vm14, $0x0, v6;
	v5 =	vpop (erf)  }
0x1b6: {  	[tilespmem:$0x1E320] =	vst v3;
	v3 =	vnsel vm15, $0x0, v5  }
0x1b7: {  	s22 =	simm.s32 $0x1A080;
	[tilespmem:$0x1E330] =	vst v3  }
0x1b8: {  	v3 =	vld [tilespmem:s22+$0xFFFFFF70]  }
0x1b9: {  	v2 =	vld.idx.msk [tilespmem:v2+s25+$0x0], $0xffff  }
0x1ba: {  	v4 =	vld [tilespmem:s22+$0xFFFFFF00]  }
0x1bb: {  	v5 =	vld [tilespmem:s22+$0xFFFFFF20]  }
0x1bc: {  	v6 =	vld [tilespmem:s22+$0xFFFFFF50]  }
0x1bd: {  	v7 =	vld [tilespmem:s22+$0xFFFFFF40]  }
0x1be: {  	v8 =	vld [tilespmem:s22+$0xFFFFFF60];
	v3 =	vmul.f32 v3, v2  }
0x1bf: {  	s12 =	simm.s32 $0x1;
	v9 =	vld [tilespmem:s22+$0xFFFFFF30];
	v4 =	vmul.f32 v4, v2  }
0x1c0: {  	v10 =	vld [tilespmem:s22+$0xFFFFFF10];
	v5 =	vmul.f32 v5, v2;
	[tilespmem:s22+$0xFFFFFF70] =	vst v3;
	v3 =	vmov s12  }
0x1c1: {  	v6 =	vmul.f32 v6, v2;
	[tilespmem:s22+$0xFFFFFF00] =	vst v4;
	v3 =	vand.u32 $0xFFFFFFFD, v3  }
0x1c2: {  	v4 =	vmul.f32 v7, v2;
	[tilespmem:s22+$0xFFFFFF20] =	vst v5;
	v3 =	vbroadcast v3, $0x0  }
0x1c3: {  	v5 =	vmul.f32 v8, v2;
	[tilespmem:s22+$0xFFFFFF50] =	vst v6  }
0x1c4: {  	v6 =	vmul.f32 v9, v2;
	[tilespmem:s22+$0xFFFFFF40] =	vst v4  }
0x1c5: {  	v2 =	vmul.f32 v10, v2;
	[tilespmem:s22+$0xFFFFFF60] =	vst v5  }
0x1c6: {  	[tilespmem:s22+$0xFFFFFF30] =	vst v6  }
0x1c7: {  	[tilespmem:s22+$0xFFFFFF10] =	vst v2;
	v2 =	vld [tilespmem:s22+$0xFFFFFF90]  }
0x1c8: {  	v4 =	vld.idx.msk [tilespmem:v3+s25+$0x0], $0xffff  }
0x1c9: {  	v3 =	vld [tilespmem:s22+$0xFFFFFFA0]  }
0x1ca: {  	v5 =	vld [tilespmem:s22+$0xFFFFFF80]  }
0x1cb: {  	v6 =	vld [tilespmem:s22+$0xFFFFFFB0]  }
0x1cc: {  	v7 =	vld [tilespmem:s22+$0xFFFFFFC0]  }
0x1cd: {  	v8 =	vld [tilespmem:s22+$0xFFFFFFD0];
	v2 =	vmul.f32 v2, v4  }
0x1ce: {  	s14 =	simm.s32 $0x2;
	v9 =	vld [tilespmem:s22+$0xFFFFFFF0];
	v3 =	vmul.f32 v3, v4  }
0x1cf: {  	v10 =	vld [tilespmem:s22+$0xFFFFFFE0];
	v5 =	vmul.f32 v5, v4;
	[tilespmem:s22+$0xFFFFFF90] =	vst v2;
	v2 =	vmov s14  }
0x1d0: {  	v6 =	vmul.f32 v6, v4;
	[tilespmem:s22+$0xFFFFFFA0] =	vst v3;
	v2 =	vand.u32 $0xFFFFFFFE, v2  }
0x1d1: {  	v3 =	vmul.f32 v7, v4;
	[tilespmem:s22+$0xFFFFFF80] =	vst v5;
	v7 =	vld [tilespmem:s22+$0x60];
	v11 =	vbroadcast v2, $0x0  }
0x1d2: {  	v5 =	vmul.f32 v8, v4;
	[tilespmem:s22+$0xFFFFFFB0] =	vst v6;
	v8 =	vld [tilespmem:s22+$0x0]  }
0x1d3: {  	v6 =	vmul.f32 v9, v4;
	v2 =	vld [tilespmem:s22+$0x20];
	[tilespmem:s22+$0xFFFFFFC0] =	vst v3  }
0x1d4: {  	v4 =	vmul.f32 v10, v4;
	v3 =	vld [tilespmem:s22+$0x30];
	[tilespmem:s22+$0xFFFFFFD0] =	vst v5  }
0x1d5: {  	[tilespmem:s22+$0xFFFFFFF0] =	vst v6;
	v5 =	vld [tilespmem:s22+$0x40]  }
0x1d6: {  	[tilespmem:s22+$0xFFFFFFE0] =	vst v4;
	v6 =	vld [tilespmem:s22+$0x10]  }
0x1d7: {  	s4 =	simm.s32 $0x4;
	s14 =	simm.s32 $0x1A080;
	v4 =	vld.idx.msk [tilespmem:v11+s25+$0x0], $0xffff  }
.LBB2_7:
0x1d8: {  	p0 =	sne.s32 s4, $0x3C  }
0x1d9: {  	v9 =	vld [tilespmem:s22+$0x50];
	s14 =	sadd.s32 $0x200, s14;
	s10 =	smov.u32 s4;
	s4 =	sadd.s32 $0x4, s4  }
0x1da: {  	v10 =	vld [tilespmem:s22+$0x70];
	_ =	sdelay $0x1  }
0x1db: {  	v7 =	vmul.f32 v7, v4;
	v8 =	vmul.f32 v8, v4  }
0x1dc: {  	v5 =	vmul.f32 v5, v4;
	v6 =	vmul.f32 v6, v4  }
0x1dd: {  	v2 =	vmul.f32 v2, v4;
	v3 =	vmul.f32 v3, v4;
	[tilespmem:s22+$0x60] =	vst v7  }
0x1de: {  	[tilespmem:s22+$0x40] =	vst v5;
	v5 =	vmul.f32 v9, v4;
	v4 =	vmul.f32 v10, v4  }
0x1df: {  	s12 =	sadd.s32 $0x3, s0;
	s0 =	smov.u32 s10;
	[tilespmem:s22+$0x20] =	vst v2;
	v7 =	vld [tilespmem:s22+$0x80]  }
0x1e0: {  	v2 =	vld [tilespmem:s14+$0x20];
	[tilespmem:s22+$0x0] =	vst v8;
	v8 =	vmov s12  }
0x1e1: {  	[tilespmem:s22+$0x50] =	vst v5;
	v5 =	vld [tilespmem:s22+$0xE0]  }
0x1e2: {  	[tilespmem:s22+$0x30] =	vst v3;
	v9 =	vld [tilespmem:s22+$0xC0]  }
0x1e3: {  	v3 =	vld [tilespmem:s14+$0x30];
	[tilespmem:s22+$0x10] =	vst v6  }
0x1e4: {  	[tilespmem:s22+$0x70] =	vst v4;
	v4 =	vld [tilespmem:s22+$0xA0]  }
0x1e5: {  	v6 =	vld.idx.msk [tilespmem:v8+s25+$0x0], $0xffff  }
0x1e6: {  	v8 =	vld [tilespmem:s22+$0x90]  }
0x1e7: {  	v10 =	vld [tilespmem:s22+$0xB0]  }
0x1e8: {  	v11 =	vld [tilespmem:s22+$0xD0]  }
0x1e9: {  	v12 =	vld [tilespmem:s22+$0xF0];
	_ =	sdelay $0x1  }
0x1ea: {  	v7 =	vmul.f32 v7, v6;
	v8 =	vmul.f32 v8, v6  }
0x1eb: {  	v4 =	vmul.f32 v4, v6;
	v10 =	vmul.f32 v10, v6  }
0x1ec: {  	v13 =	vmov s0;
	[tilespmem:s22+$0x80] =	vst v7;
	v7 =	vmul.f32 v9, v6;
	v9 =	vmul.f32 v11, v6  }
0x1ed: {  	v11 =	vand.u32 $0xFFFFFFFC, v13;
	[tilespmem:s22+$0xA0] =	vst v4;
	v4 =	vmul.f32 v5, v6;
	v5 =	vmul.f32 v12, v6  }
0x1ee: {  	v6 =	vbroadcast v11, $0x0;
	[tilespmem:s22+$0xC0] =	vst v7  }
0x1ef: {  	[tilespmem:s22+$0xF0] =	vst v5  }
0x1f0: {  	v5 =	vld [tilespmem:s14+$0xFFFFFF40];
	[tilespmem:s22+$0xE0] =	vst v4  }
0x1f1: {  	v4 =	vld [tilespmem:s14+$0xFFFFFF50];
	[tilespmem:s22+$0x90] =	vst v8  }
0x1f2: {  	v7 =	vld [tilespmem:s14+$0xFFFFFF60];
	[tilespmem:s22+$0xB0] =	vst v10  }
0x1f3: {  	v8 =	vld [tilespmem:s14+$0xFFFFFF70];
	[tilespmem:s22+$0xD0] =	vst v9;
	s22 =	smov.u32 s14  }
0x1f4: {  	v6 =	vld.idx.msk [tilespmem:v6+s25+$0x0], $0xffff  }
0x1f5: {  	v9 =	vld [tilespmem:s14+$0xFFFFFF00]  }
0x1f6: {  	v10 =	vld [tilespmem:s14+$0xFFFFFF20]  }
0x1f7: {  	v11 =	vld [tilespmem:s14+$0xFFFFFF10]  }
0x1f8: {  	v12 =	vld [tilespmem:s14+$0xFFFFFF30];
	_ =	sdelay $0x1  }
0x1f9: {  	v8 =	vmul.f32 v8, v6;
	v9 =	vmul.f32 v9, v6  }
0x1fa: {  	s10 =	sadd.s32 $0x1, s0;
	v7 =	vmul.f32 v7, v6;
	v10 =	vmul.f32 v10, v6  }
0x1fb: {  	v4 =	vmul.f32 v4, v6;
	v11 =	vmul.f32 v11, v6;
	[tilespmem:s14+$0xFFFFFF70] =	vst v8;
	v8 =	vmov s10  }
0x1fc: {  	v5 =	vmul.f32 v5, v6;
	[tilespmem:s14+$0xFFFFFF00] =	vst v9;
	v9 =	vmul.f32 v12, v6;
	v6 =	vand.u32 $0xFFFFFFFD, v8  }
0x1fd: {  	[tilespmem:s14+$0xFFFFFF20] =	vst v10;
	v6 =	vbroadcast v6, $0x0  }
0x1fe: {  	[tilespmem:s14+$0xFFFFFF50] =	vst v4  }
0x1ff: {  	[tilespmem:s14+$0xFFFFFF40] =	vst v5;
	v4 =	vld [tilespmem:s14+$0xFFFFFFF0]  }
0x200: {  	[tilespmem:s14+$0xFFFFFF60] =	vst v7;
	v5 =	vld [tilespmem:s14+$0xFFFFFFC0]  }
0x201: {  	[tilespmem:s14+$0xFFFFFF30] =	vst v9;
	v7 =	vld [tilespmem:s14+$0xFFFFFFD0]  }
0x202: {  	[tilespmem:s14+$0xFFFFFF10] =	vst v11;
	v8 =	vld [tilespmem:s14+$0xFFFFFF90]  }
0x203: {  	v6 =	vld.idx.msk [tilespmem:v6+s25+$0x0], $0xffff  }
0x204: {  	v9 =	vld [tilespmem:s14+$0xFFFFFF80]  }
0x205: {  	v10 =	vld [tilespmem:s14+$0xFFFFFFA0]  }
0x206: {  	v11 =	vld [tilespmem:s14+$0xFFFFFFB0]  }
0x207: {  	v12 =	vld [tilespmem:s14+$0xFFFFFFE0];
	_ =	sdelay $0x1  }
0x208: {  	v8 =	vmul.f32 v8, v6;
	v9 =	vmul.f32 v9, v6  }
0x209: {  	s10 =	sadd.s32 $0x2, s0;
	v7 =	vmul.f32 v7, v6;
	v10 =	vmul.f32 v10, v6  }
0x20a: {  	v5 =	vmul.f32 v5, v6;
	[tilespmem:s14+$0xFFFFFF90] =	vst v8;
	v8 =	vmul.f32 v11, v6;
	v11 =	vmov s10  }
0x20b: {  	v4 =	vmul.f32 v4, v6;
	[tilespmem:s14+$0xFFFFFFA0] =	vst v10;
	v10 =	vmul.f32 v12, v6;
	v6 =	vand.u32 $0xFFFFFFFE, v11  }
0x20c: {  	[tilespmem:s14+$0xFFFFFF80] =	vst v9;
	v6 =	vbroadcast v6, $0x0  }
0x20d: {  	[tilespmem:s14+$0xFFFFFFB0] =	vst v8  }
0x20e: {  	[tilespmem:s14+$0xFFFFFFC0] =	vst v5  }
0x20f: {  	[tilespmem:s14+$0xFFFFFFD0] =	vst v7  }
.Ltmp2:
0x210: {  	[tilespmem:s14+$0xFFFFFFF0] =	vst v4;
	v5 =	vld [tilespmem:s14+$0x40];
	(pc) =	sbr.rel @p0 .LBB2_7-.Ltmp2, $4  }
0x211: {  	[tilespmem:s14+$0xFFFFFFE0] =	vst v10;
	v7 =	vld [tilespmem:s14+$0x60]  }
0x212: {  	v4 =	vld.idx.msk [tilespmem:v6+s25+$0x0], $0xffff  }
0x213: {  	v8 =	vld [tilespmem:s14+$0x0]  }
0x214: {  	v6 =	vld [tilespmem:s14+$0x10]  }
0x215: {  	_ =	sdelay $0x1  }
0x216: {  	v7 =	vmul.f32 v7, v4  }
0x217: {  	v9 =	vld [tilespmem:s22+$0x50];
	v5 =	vmul.f32 v5, v4  }
0x218: {  	v10 =	vld [tilespmem:s22+$0x70];
	v2 =	vmul.f32 v2, v4;
	[tilespmem:s22+$0x60] =	vst v7  }
0x219: {  	v7 =	vmul.f32 v8, v4;
	[tilespmem:s22+$0x40] =	vst v5  }
0x21a: {  	s0 =	sadd.s32 $0x3, s0;
	[tilespmem:s22+$0x20] =	vst v2;
	v2 =	vmul.f32 v3, v4  }
0x21b: {  	v6 =	vmul.f32 v6, v4;
	[tilespmem:s22+$0x0] =	vst v7;
	v7 =	vmov s0  }
0x21c: {  	v5 =	vmul.f32 v9, v4;
	[tilespmem:s22+$0x30] =	vst v2  }
0x21d: {  	v4 =	vmul.f32 v10, v4;
	[tilespmem:s22+$0x10] =	vst v6  }
0x21e: {  	[tilespmem:s22+$0x50] =	vst v5  }
0x21f: {  	v3 =	vld [tilespmem:s22+$0x80];
	[tilespmem:s22+$0x70] =	vst v4  }
0x220: {  	v2 =	vld.idx.msk [tilespmem:v7+s25+$0x0], $0xffff  }
0x221: {  	v4 =	vld [tilespmem:s22+$0xA0]  }
0x222: {  	v5 =	vld [tilespmem:s22+$0xC0]  }
0x223: {  	v6 =	vld [tilespmem:s22+$0xF0]  }
0x224: {  	v7 =	vld [tilespmem:s22+$0xE0]  }
0x225: {  	v8 =	vld [tilespmem:s22+$0x90];
	v3 =	vmul.f32 v3, v2  }
0x226: {  	v9 =	vld [tilespmem:s22+$0xB0];
	v4 =	vmul.f32 v4, v2  }
0x227: {  	v10 =	vld [tilespmem:s22+$0xD0];
	[tilespmem:s22+$0x80] =	vst v3;
	v3 =	vmul.f32 v5, v2  }
0x228: {  	[tilespmem:s22+$0xA0] =	vst v4;
	v4 =	vmul.f32 v6, v2  }
0x229: {  	v5 =	vmul.f32 v7, v2;
	[tilespmem:s22+$0xC0] =	vst v3  }
0x22a: {  	v3 =	vmul.f32 v8, v2;
	[tilespmem:s22+$0xF0] =	vst v4  }
0x22b: {  	v4 =	vmul.f32 v9, v2;
	[tilespmem:s22+$0xE0] =	vst v5  }
0x22c: {  	v2 =	vmul.f32 v10, v2;
	[tilespmem:s22+$0x90] =	vst v3  }
0x22d: {  	[tilespmem:s22+$0xB0] =	vst v4  }
0x22e: {  	s4 =	rddreg [dreg:$0x2];
	s10 =	simm.s32 $0x19F80;
	[tilespmem:s22+$0xD0] =	vst v2  }
0x22f: {  	[spmem:s4] =	stream.indirect.scatter.add.f32 [tilespmem:s10], [sflag:$0x8], $0x80, s6, s7, $0xb8;
	[tilespmem:$0x1E680] =	vst v63  }
0x230: {  	s12 =	rddreg [dreg:$0x3]  }
0x231: {  	[spmem:s12] =	stream.indirect.scatter.add.f32 [tilespmem:s25], [sflag:$0xB], $0x1, s6, s7, $0xb8;
	[tilespmem:$0x1E680] =	vst v63  }
0x232: {  	_ =	swait.ge [sflag:s9], $0x2000  }
0x233: {  	[sflag:s9] =	ssyncset.done $0x0  }
0x234: {  	[sflag:s9] =	ssyncadd.s32 $0xFFFFE000  }
0x235: {  	_ =	swait.ge [sflag:s15], $0x40  }
0x236: {  	[sflag:s15] =	ssyncset.done $0x0  }
0x237: {  	[sflag:s15] =	ssyncadd.s32 $0xFFFFFFC0  }
0x238: {  	_ =	swait.ge [sflag:s15], $0x40  }
0x239: {  	[sflag:s15] =	ssyncset.done $0x0  }
0x23a: {  	[sflag:s15] =	ssyncadd.s32 $0xFFFFFFC0  }
0x23b: {  	_ =	swait.ge [sflag:s2], $0x2000  }
0x23c: {  	[sflag:s2] =	ssyncset.done $0x0  }
0x23d: {  	[sflag:s2] =	ssyncadd.s32 $0xFFFFE000  }
0x23e: {  	_ =	swait.ge [sflag:s18], $0x40  }
0x23f: {  	s14 =	sand.u32 $0x7FFFFF80, s8;
	[sflag:s18] =	ssyncset.done $0x0  }
0x240: {  	s0 =	sor.u32 s11, s14;
	[sflag:s18] =	ssyncadd.s32 $0xFFFFFFC0  }
0x241: {  	v2 =	vld [tilespmem:s0+$0x14380];
	_ =	sdelay $0x4  }
0x242: {  	v3 =	vand.u32 $0x3FFF, v2  }
0x243: {  	v2 =	vshrl.u32 v2, $0xE;
	[tilespmem:$0x17D00] =	vst v3  }
0x244: {  	[tilespmem:$0x17E80] =	vst v2  }
0x245: {  	v2 =	vld [tilespmem:s8+$0x14390];
	_ =	sdelay $0x4  }
0x246: {  	v3 =	vand.u32 $0x3FFF, v2  }
0x247: {  	v2 =	vshrl.u32 v2, $0xE;
	[tilespmem:$0x17D10] =	vst v3  }
0x248: {  	[tilespmem:$0x17E90] =	vst v2  }
0x249: {  	v2 =	vld [tilespmem:s8+$0x143A0];
	_ =	sdelay $0x4  }
0x24a: {  	v3 =	vand.u32 $0x3FFF, v2  }
0x24b: {  	v2 =	vshrl.u32 v2, $0xE;
	[tilespmem:$0x17D20] =	vst v3  }
0x24c: {  	[tilespmem:$0x17EA0] =	vst v2  }
0x24d: {  	v2 =	vld [tilespmem:s8+$0x143B0];
	_ =	sdelay $0x4  }
0x24e: {  	v3 =	vand.u32 $0x3FFF, v2  }
0x24f: {  	v2 =	vshrl.u32 v2, $0xE;
	[tilespmem:$0x17D30] =	vst v3  }
0x250: {  	s4 =	simm.s32 $0x17D00;
	s22 =	rddreg [dreg:$0x1];
	[tilespmem:$0x17EB0] =	vst v2  }
0x251: {  	[tilespmem:s10], [sflag:$0x2] =	stream.indirect.gather [hbm4b:s22+s7], $0x80, s4, s7, $0xb8;
	[tilespmem:$0x1E680] =	vst v63  }
0x252: {  	s8 =	simm.s32 $0x1E000  }
0x253: {  	[tilespmem:s8], [sflag:$0x5] =	stream.indirect.gather [hbm4b:s16+s7], $0x1, s4, s7, $0xb8;
	[tilespmem:$0x1E680] =	vst v63  }
0x254: {  	s10 =	simm.s32 $0x1E180  }
0x255: {  	[tilespmem:s10], [sflag:$0x5] =	stream.indirect.gather [hbm4b:s17+s7], $0x1, s6, s7, $0xb8;
	[tilespmem:$0x1E680] =	vst v63  }
0x256: {  	v2 =	vld [tilespmem:$0x1E080]  }
0x257: {  	v3 =	vld [tilespmem:$0x1E200]  }
0x258: {  	v4 =	vld [tilespmem:$0x1E090]  }
0x259: {  	v5 =	vld [tilespmem:$0x1E210]  }
0x25a: {  	v6 =	vld [tilespmem:$0x1E0A0]  }
0x25b: {  	v7 =	vld [tilespmem:$0x1E220]  }
0x25c: {  	v8 =	vld [tilespmem:$0x1E230];
	v2 =	vadd.f32 v3, v2  }
0x25d: {  	v3 =	vld [tilespmem:$0x1E0B0]  }
0x25e: {  	v9 =	vmul.f32 $2.000000030e-01, v2  }
0x25f: {  	vm0 =	vge.f32 v2, $0.0e+00  }
0x260: {  	v4 =	vadd.f32 v5, v4;
	v2 =	vsel vm0, v2, v9  }
0x261: {  	v5 =	vadd.f32 v7, v6;
	v2 =	vmul.f32 $1.442695020e+00, v2  }
0x262: {  	v6 =	vmul.f32 $2.000000030e-01, v4;
	v3 =	vadd.f32 v8, v3  }
0x263: {  	vm9 =	vge.f32 v4, $0.0e+00;
	(erf) = vpow2.f32 v2;
	v2 =	vmul.f32 $2.000000030e-01, v5  }
0x264: {  	vm10 =	vge.f32 v5, $0.0e+00;
	v4 =	vsel vm9, v4, v6;
	v6 =	vmul.f32 $2.000000030e-01, v3  }
0x265: {  	v4 =	vmul.f32 $1.442695020e+00, v4;
	vm11 =	vge.f32 v3, $0.0e+00;
	v2 =	vsel vm10, v5, v2  }
0x266: {  	v3 =	vsel vm11, v3, v6;
	v2 =	vmul.f32 $1.442695020e+00, v2  }
0x267: {  	(erf) = vpow2.f32 v4;
	v3 =	vmul.f32 $1.442695020e+00, v3  }
0x268: {  	(erf) = vpow2.f32 v2  }
0x269: {  	(erf) = vpow2.f32 v3;
	_ =	sdelay $0x2  }
0x26a: {  	s11 =	sadd.s32 s30, s21  }
0x26b: {  	s12 =	sor.u32 $0x10, s11;
	s0 =	simm.s32 $0x0;
	v2 =	vmov s11  }
0x26c: {  	v4 =	vmov s12;
	vm12 =	vlt.u32 v2, v1;
	v2 =	vmov s0  }
0x26d: {  	s14 =	sor.u32 $0x20, s11;
	vm13 =	vlt.u32 v4, v1;
	v2 =	vand.u32 $0xFFFFFFFC, v2;
	v3 =	vpop (erf)  }
0x26e: {  	s4 =	sor.u32 $0x30, s11;
	v4 =	vmov s14;
	v2 =	vbroadcast v2, $0x0;
	v3 =	vnsel vm12, $0x0, v3;
	v5 =	vpop (erf)  }
0x26f: {  	vm14 =	vlt.u32 v4, v1;
	v4 =	vmov s4;
	[tilespmem:$0x1E380] =	vst v3;
	v3 =	vnsel vm13, $0x0, v5;
	v6 =	vpop (erf)  }
0x270: {  	vm15 =	vlt.u32 v4, v1;
	[tilespmem:$0x1E390] =	vst v3;
	v3 =	vnsel vm14, $0x0, v6;
	v5 =	vpop (erf)  }
0x271: {  	[tilespmem:$0x1E3A0] =	vst v3;
	v3 =	vnsel vm15, $0x0, v5  }
0x272: {  	s8 =	simm.s32 $0x1C080;
	[tilespmem:$0x1E3B0] =	vst v3  }
0x273: {  	v3 =	vld [tilespmem:s8+$0xFFFFFF70]  }
0x274: {  	v2 =	vld.idx.msk [tilespmem:v2+s31+$0x0], $0xffff  }
0x275: {  	v4 =	vld [tilespmem:s8+$0xFFFFFF00]  }
0x276: {  	v5 =	vld [tilespmem:s8+$0xFFFFFF20]  }
0x277: {  	v6 =	vld [tilespmem:s8+$0xFFFFFF50]  }
0x278: {  	v7 =	vld [tilespmem:s8+$0xFFFFFF40]  }
0x279: {  	v8 =	vld [tilespmem:s8+$0xFFFFFF60];
	v3 =	vmul.f32 v3, v2  }
0x27a: {  	s21 =	simm.s32 $0x1;
	v9 =	vld [tilespmem:s8+$0xFFFFFF30];
	v4 =	vmul.f32 v4, v2  }
0x27b: {  	v10 =	vld [tilespmem:s8+$0xFFFFFF10];
	v5 =	vmul.f32 v5, v2;
	[tilespmem:s8+$0xFFFFFF70] =	vst v3;
	v3 =	vmov s21  }
0x27c: {  	v6 =	vmul.f32 v6, v2;
	[tilespmem:s8+$0xFFFFFF00] =	vst v4;
	v3 =	vand.u32 $0xFFFFFFFD, v3  }
0x27d: {  	v4 =	vmul.f32 v7, v2;
	[tilespmem:s8+$0xFFFFFF20] =	vst v5;
	v3 =	vbroadcast v3, $0x0  }
0x27e: {  	v5 =	vmul.f32 v8, v2;
	[tilespmem:s8+$0xFFFFFF50] =	vst v6  }
0x27f: {  	v6 =	vmul.f32 v9, v2;
	[tilespmem:s8+$0xFFFFFF40] =	vst v4  }
0x280: {  	v2 =	vmul.f32 v10, v2;
	[tilespmem:s8+$0xFFFFFF60] =	vst v5  }
0x281: {  	[tilespmem:s8+$0xFFFFFF30] =	vst v6  }
0x282: {  	[tilespmem:s8+$0xFFFFFF10] =	vst v2;
	v2 =	vld [tilespmem:s8+$0xFFFFFF90]  }
0x283: {  	v4 =	vld.idx.msk [tilespmem:v3+s31+$0x0], $0xffff  }
0x284: {  	v3 =	vld [tilespmem:s8+$0xFFFFFFA0]  }
0x285: {  	v5 =	vld [tilespmem:s8+$0xFFFFFF80]  }
0x286: {  	v6 =	vld [tilespmem:s8+$0xFFFFFFB0]  }
0x287: {  	v7 =	vld [tilespmem:s8+$0xFFFFFFC0]  }
0x288: {  	v8 =	vld [tilespmem:s8+$0xFFFFFFD0];
	v2 =	vmul.f32 v2, v4  }
0x289: {  	s22 =	simm.s32 $0x2;
	v9 =	vld [tilespmem:s8+$0xFFFFFFF0];
	v3 =	vmul.f32 v3, v4  }
0x28a: {  	v10 =	vld [tilespmem:s8+$0xFFFFFFE0];
	v5 =	vmul.f32 v5, v4;
	[tilespmem:s8+$0xFFFFFF90] =	vst v2;
	v2 =	vmov s22  }
0x28b: {  	v6 =	vmul.f32 v6, v4;
	[tilespmem:s8+$0xFFFFFFA0] =	vst v3;
	v2 =	vand.u32 $0xFFFFFFFE, v2  }
0x28c: {  	v3 =	vmul.f32 v7, v4;
	[tilespmem:s8+$0xFFFFFF80] =	vst v5;
	v7 =	vld [tilespmem:s8+$0x60];
	v11 =	vbroadcast v2, $0x0  }
0x28d: {  	v5 =	vmul.f32 v8, v4;
	[tilespmem:s8+$0xFFFFFFB0] =	vst v6;
	v8 =	vld [tilespmem:s8+$0x0]  }
0x28e: {  	v6 =	vmul.f32 v9, v4;
	v2 =	vld [tilespmem:s8+$0x20];
	[tilespmem:s8+$0xFFFFFFC0] =	vst v3  }
0x28f: {  	v4 =	vmul.f32 v10, v4;
	v3 =	vld [tilespmem:s8+$0x30];
	[tilespmem:s8+$0xFFFFFFD0] =	vst v5  }
0x290: {  	[tilespmem:s8+$0xFFFFFFF0] =	vst v6;
	v5 =	vld [tilespmem:s8+$0x40]  }
0x291: {  	[tilespmem:s8+$0xFFFFFFE0] =	vst v4;
	v6 =	vld [tilespmem:s8+$0x10]  }
0x292: {  	s4 =	simm.s32 $0x4;
	s11 =	simm.s32 $0x1C080;
	v4 =	vld.idx.msk [tilespmem:v11+s31+$0x0], $0xffff  }
.LBB2_9:
0x293: {  	p0 =	sne.s32 s4, $0x3C  }
0x294: {  	v9 =	vld [tilespmem:s8+$0x50];
	s11 =	sadd.s32 $0x200, s11;
	s10 =	smov.u32 s4;
	s4 =	sadd.s32 $0x4, s4  }
0x295: {  	v10 =	vld [tilespmem:s8+$0x70];
	_ =	sdelay $0x1  }
0x296: {  	v7 =	vmul.f32 v7, v4;
	v8 =	vmul.f32 v8, v4  }
0x297: {  	v5 =	vmul.f32 v5, v4;
	v6 =	vmul.f32 v6, v4  }
0x298: {  	v2 =	vmul.f32 v2, v4;
	v3 =	vmul.f32 v3, v4;
	[tilespmem:s8+$0x60] =	vst v7  }
0x299: {  	[tilespmem:s8+$0x40] =	vst v5;
	v5 =	vmul.f32 v9, v4;
	v4 =	vmul.f32 v10, v4  }
0x29a: {  	s12 =	sadd.s32 $0x3, s0;
	s0 =	smov.u32 s10;
	[tilespmem:s8+$0x20] =	vst v2;
	v7 =	vld [tilespmem:s8+$0x80]  }
0x29b: {  	v2 =	vld [tilespmem:s11+$0x20];
	[tilespmem:s8+$0x0] =	vst v8;
	v8 =	vmov s12  }
0x29c: {  	[tilespmem:s8+$0x50] =	vst v5;
	v5 =	vld [tilespmem:s8+$0xE0]  }
0x29d: {  	[tilespmem:s8+$0x30] =	vst v3;
	v9 =	vld [tilespmem:s8+$0xC0]  }
0x29e: {  	v3 =	vld [tilespmem:s11+$0x30];
	[tilespmem:s8+$0x10] =	vst v6  }
0x29f: {  	[tilespmem:s8+$0x70] =	vst v4;
	v4 =	vld [tilespmem:s8+$0xA0]  }
0x2a0: {  	v6 =	vld.idx.msk [tilespmem:v8+s31+$0x0], $0xffff  }
0x2a1: {  	v8 =	vld [tilespmem:s8+$0x90]  }
0x2a2: {  	v10 =	vld [tilespmem:s8+$0xB0]  }
0x2a3: {  	v11 =	vld [tilespmem:s8+$0xD0]  }
0x2a4: {  	v12 =	vld [tilespmem:s8+$0xF0];
	_ =	sdelay $0x1  }
0x2a5: {  	v7 =	vmul.f32 v7, v6;
	v8 =	vmul.f32 v8, v6  }
0x2a6: {  	v4 =	vmul.f32 v4, v6;
	v10 =	vmul.f32 v10, v6  }
0x2a7: {  	v13 =	vmov s0;
	[tilespmem:s8+$0x80] =	vst v7;
	v7 =	vmul.f32 v9, v6;
	v9 =	vmul.f32 v11, v6  }
0x2a8: {  	v11 =	vand.u32 $0xFFFFFFFC, v13;
	[tilespmem:s8+$0xA0] =	vst v4;
	v4 =	vmul.f32 v5, v6;
	v5 =	vmul.f32 v12, v6  }
0x2a9: {  	v6 =	vbroadcast v11, $0x0;
	[tilespmem:s8+$0xC0] =	vst v7  }
0x2aa: {  	[tilespmem:s8+$0xF0] =	vst v5  }
0x2ab: {  	v5 =	vld [tilespmem:s11+$0xFFFFFF40];
	[tilespmem:s8+$0xE0] =	vst v4  }
0x2ac: {  	v4 =	vld [tilespmem:s11+$0xFFFFFF50];
	[tilespmem:s8+$0x90] =	vst v8  }
0x2ad: {  	v7 =	vld [tilespmem:s11+$0xFFFFFF60];
	[tilespmem:s8+$0xB0] =	vst v10  }
0x2ae: {  	v8 =	vld [tilespmem:s11+$0xFFFFFF70];
	[tilespmem:s8+$0xD0] =	vst v9;
	s8 =	smov.u32 s11  }
0x2af: {  	v6 =	vld.idx.msk [tilespmem:v6+s31+$0x0], $0xffff  }
0x2b0: {  	v9 =	vld [tilespmem:s11+$0xFFFFFF00]  }
0x2b1: {  	v10 =	vld [tilespmem:s11+$0xFFFFFF20]  }
0x2b2: {  	v11 =	vld [tilespmem:s11+$0xFFFFFF10]  }
0x2b3: {  	v12 =	vld [tilespmem:s11+$0xFFFFFF30];
	_ =	sdelay $0x1  }
0x2b4: {  	v8 =	vmul.f32 v8, v6;
	v9 =	vmul.f32 v9, v6  }
0x2b5: {  	s10 =	sadd.s32 $0x1, s0;
	v7 =	vmul.f32 v7, v6;
	v10 =	vmul.f32 v10, v6  }
0x2b6: {  	v4 =	vmul.f32 v4, v6;
	v11 =	vmul.f32 v11, v6;
	[tilespmem:s11+$0xFFFFFF70] =	vst v8;
	v8 =	vmov s10  }
0x2b7: {  	v5 =	vmul.f32 v5, v6;
	[tilespmem:s11+$0xFFFFFF00] =	vst v9;
	v9 =	vmul.f32 v12, v6;
	v6 =	vand.u32 $0xFFFFFFFD, v8  }
0x2b8: {  	[tilespmem:s11+$0xFFFFFF20] =	vst v10;
	v6 =	vbroadcast v6, $0x0  }
0x2b9: {  	[tilespmem:s11+$0xFFFFFF50] =	vst v4  }
0x2ba: {  	[tilespmem:s11+$0xFFFFFF40] =	vst v5;
	v4 =	vld [tilespmem:s11+$0xFFFFFFF0]  }
0x2bb: {  	[tilespmem:s11+$0xFFFFFF60] =	vst v7;
	v5 =	vld [tilespmem:s11+$0xFFFFFFC0]  }
0x2bc: {  	[tilespmem:s11+$0xFFFFFF30] =	vst v9;
	v7 =	vld [tilespmem:s11+$0xFFFFFFD0]  }
0x2bd: {  	[tilespmem:s11+$0xFFFFFF10] =	vst v11;
	v8 =	vld [tilespmem:s11+$0xFFFFFF90]  }
0x2be: {  	v6 =	vld.idx.msk [tilespmem:v6+s31+$0x0], $0xffff  }
0x2bf: {  	v9 =	vld [tilespmem:s11+$0xFFFFFF80]  }
0x2c0: {  	v10 =	vld [tilespmem:s11+$0xFFFFFFA0]  }
0x2c1: {  	v11 =	vld [tilespmem:s11+$0xFFFFFFB0]  }
0x2c2: {  	v12 =	vld [tilespmem:s11+$0xFFFFFFE0];
	_ =	sdelay $0x1  }
0x2c3: {  	v8 =	vmul.f32 v8, v6;
	v9 =	vmul.f32 v9, v6  }
0x2c4: {  	s10 =	sadd.s32 $0x2, s0;
	v7 =	vmul.f32 v7, v6;
	v10 =	vmul.f32 v10, v6  }
0x2c5: {  	v5 =	vmul.f32 v5, v6;
	[tilespmem:s11+$0xFFFFFF90] =	vst v8;
	v8 =	vmul.f32 v11, v6;
	v11 =	vmov s10  }
0x2c6: {  	v4 =	vmul.f32 v4, v6;
	[tilespmem:s11+$0xFFFFFFA0] =	vst v10;
	v10 =	vmul.f32 v12, v6;
	v6 =	vand.u32 $0xFFFFFFFE, v11  }
0x2c7: {  	[tilespmem:s11+$0xFFFFFF80] =	vst v9;
	v6 =	vbroadcast v6, $0x0  }
0x2c8: {  	[tilespmem:s11+$0xFFFFFFB0] =	vst v8  }
0x2c9: {  	[tilespmem:s11+$0xFFFFFFC0] =	vst v5  }
0x2ca: {  	[tilespmem:s11+$0xFFFFFFD0] =	vst v7  }
.Ltmp3:
0x2cb: {  	[tilespmem:s11+$0xFFFFFFF0] =	vst v4;
	v5 =	vld [tilespmem:s11+$0x40];
	(pc) =	sbr.rel @p0 .LBB2_9-.Ltmp3, $4  }
0x2cc: {  	[tilespmem:s11+$0xFFFFFFE0] =	vst v10;
	v7 =	vld [tilespmem:s11+$0x60]  }
0x2cd: {  	v4 =	vld.idx.msk [tilespmem:v6+s31+$0x0], $0xffff  }
0x2ce: {  	v8 =	vld [tilespmem:s11+$0x0]  }
0x2cf: {  	v6 =	vld [tilespmem:s11+$0x10]  }
0x2d0: {  	_ =	sdelay $0x1  }
0x2d1: {  	v7 =	vmul.f32 v7, v4  }
0x2d2: {  	v9 =	vld [tilespmem:s8+$0x50];
	v5 =	vmul.f32 v5, v4  }
0x2d3: {  	v10 =	vld [tilespmem:s8+$0x70];
	v2 =	vmul.f32 v2, v4;
	[tilespmem:s8+$0x60] =	vst v7  }
0x2d4: {  	v50 =	vmul.f32 v8, v4;
	[tilespmem:s8+$0x40] =	vst v5  }
0x2d5: {  	s0 =	sadd.s32 $0x3, s0;
	[tilespmem:s8+$0x20] =	vst v2;
	v2 =	vmul.f32 v3, v4  }
0x2d6: {  	v52 =	vmov s0;
	v6 =	vmul.f32 v6, v4;
	[tilespmem:s8+$0x0] =	vst v50  }
0x2d7: {  	v51 =	vmul.f32 v9, v4;
	[tilespmem:s8+$0x30] =	vst v2  }
0x2d8: {  	v53 =	vmul.f32 v10, v4;
	[tilespmem:s8+$0x10] =	vst v6  }
0x2d9: {  	[tilespmem:s8+$0x50] =	vst v51  }
0x2da: {  	v3 =	vld [tilespmem:s8+$0x80];
	[tilespmem:s8+$0x70] =	vst v53  }
0x2db: {  	v2 =	vld.idx.msk [tilespmem:v52+s31+$0x0], $0xffff  }
0x2dc: {  	v54 =	vld [tilespmem:s8+$0xA0]  }
0x2dd: {  	v56 =	vld [tilespmem:s8+$0xF0]  }
0x2de: {  	v57 =	vld [tilespmem:s8+$0xE0]  }
0x2df: {  	v55 =	vld [tilespmem:s8+$0xC0]  }
0x2e0: {  	v59 =	vld [tilespmem:s8+$0xB0];
	v3 =	vmul.f32 v3, v2  }
0x2e1: {  	v58 =	vld [tilespmem:s8+$0x90];
	v4 =	vmul.f32 v54, v2  }
0x2e2: {  	v60 =	vld [tilespmem:s8+$0xD0];
	v61 =	vmul.f32 v56, v2;
	[tilespmem:s8+$0x80] =	vst v3  }
0x2e3: {  	v62 =	vmul.f32 v57, v2;
	[tilespmem:s8+$0xA0] =	vst v4  }
0x2e4: {  	v3 =	vmul.f32 v55, v2;
	[tilespmem:s8+$0xF0] =	vst v61  }
0x2e5: {  	v63 =	vmul.f32 v59, v2;
	[tilespmem:s8+$0xE0] =	vst v62  }
0x2e6: {  	s3 =	sadd.s32 $0x1, s3;
	s22 =	rddreg [dreg:$0x1a];
	[tilespmem:s8+$0xC0] =	vst v3;
	v3 =	vmul.f32 v58, v2  }
0x2e7: {  	p0 =	sne.s32 s3, s22;
	[tilespmem:s8+$0xB0] =	vst v63;
	v2 =	vmul.f32 v60, v2  }
.Ltmp4:
0x2e8: {  	[tilespmem:s8+$0x90] =	vst v3;
	(pc) =	sbr.rel @p0 .LBB2_4-.Ltmp4, $4  }
0x2e9: {  	s12 =	rddreg [dreg:$0x2];
	s14 =	simm.s32 $0x1BF80;
	[tilespmem:s8+$0xD0] =	vst v2  }
0x2ea: {  	[spmem:s12] =	stream.indirect.scatter.add.f32 [tilespmem:s14], [sflag:$0x9], $0x80, s24, s7, $0xb8;
	[tilespmem:$0x1E680] =	vst v63  }
0x2eb: {  	s21 =	rddreg [dreg:$0x3]  }
0x2ec: {  	[spmem:s21] =	stream.indirect.scatter.add.f32 [tilespmem:s31], [sflag:$0xC], $0x1, s24, s7, $0xb8;
	[tilespmem:$0x1E680] =	vst v63  }
0x2ed: {  	s0 =	simm.s32 $0x9  }
0x2ee: {  	_ =	swait.ge [sflag:s0], $0x2000  }
0x2ef: {  	[sflag:s0] =	ssyncset.done $0x0  }
0x2f0: {  	s22 =	simm.s32 $0xC;
	[sflag:s0] =	ssyncadd.s32 $0xFFFFE000  }
0x2f1: {  	_ =	swait.ge [sflag:s22], $0x40  }
0x2f2: {  	[sflag:s22] =	ssyncset.done $0x0  }
0x2f3: {  	[sflag:s22] =	ssyncadd.s32 $0xFFFFFFC0  }
0x2f4: {  	_ =	swait.ge [sflag:s19], $0x2000  }
0x2f5: {  	[sflag:s19] =	ssyncset.done $0x0  }
0x2f6: {  	[sflag:s19] =	ssyncadd.s32 $0xFFFFE000  }
0x2f7: {  	_ =	swait.ge [sflag:s20], $0x40  }
0x2f8: {  	[sflag:s20] =	ssyncset.done $0x0  }
0x2f9: {  	[sflag:s20] =	ssyncadd.s32 $0xFFFFFFC0  }
0x2fa: {  	_ =	swait.ge [sflag:s20], $0x40  }
0x2fb: {  	[sflag:s20] =	ssyncset.done $0x0  }
0x2fc: {  	[sflag:s20] =	ssyncadd.s32 $0xFFFFFFC0  }
0x2fd: {  	_ =	swait.ge [sflag:s28], $0x2000  }
0x2fe: {  	[sflag:s28] =	ssyncset.done $0x0  }
0x2ff: {  	[sflag:s28] =	ssyncadd.s32 $0xFFFFE000  }
0x300: {  	_ =	swait.ge [sflag:s29], $0x40  }
0x301: {  	[sflag:s29] =	ssyncset.done $0x0  }
0x302: {  	[sflag:s29] =	ssyncadd.s32 $0xFFFFFFC0  }
0x303: {  	_ =	swait.ge [sflag:s29], $0x40  }
0x304: {  	[sflag:s29] =	ssyncset.done $0x0  }
0x305: {  	[sflag:s29] =	ssyncadd.s32 $0xFFFFFFC0  }
0x306: {  	[bflag:$0x0] =	sbarrier.arrive $0xFFFF  }
0x307: {  	s12 =	simm.s32 $0x17F80;
	s3 =	rddreg [dreg:$0xf]  }
0x308: {  	[tilespmem:s12], [sflag:$0xD] =	stream.linear.gather [spmem:s3], $0x2000, $0x38;
	[tilespmem:$0x1E680] =	vst v63  }
0x309: {  	_ =	swait.ge [sflag:s5], $0x2000  }
0x30a: {  	[sflag:s5] =	ssyncset.done $0x0  }
0x30b: {  	s0 =	simm.s32 $0x0;
	s3 =	rddreg [dreg:$0x5];
	[sflag:s5] =	ssyncadd.s32 $0xFFFFE000  }
0x30c: {  	[hbm4b:s3+s0] =	stream.linear.scatter [tilespmem:s12], [sflag:$0xD], $0x2000, $0x38;
	[tilespmem:$0x1E680] =	vst v63  }
0x30d: {  	_ =	swait.ge [sflag:s5], $0x2000  }
0x30e: {  	[sflag:s5] =	ssyncset.done $0x0  }
0x30f: {  	s10 =	simm.s32 $0x19F80;
	s4 =	rddreg [dreg:$0x10];
	[sflag:s5] =	ssyncadd.s32 $0xFFFFE000  }
0x310: {  	[tilespmem:s10], [sflag:$0xD] =	stream.linear.gather [spmem:s4], $0x2000, $0x38;
	[tilespmem:$0x1E680] =	vst v63  }
0x311: {  	_ =	swait.ge [sflag:s5], $0x2000  }
0x312: {  	[sflag:s5] =	ssyncset.done $0x0  }
0x313: {  	s8 =	rddreg [dreg:$0x6];
	[sflag:s5] =	ssyncadd.s32 $0xFFFFE000  }
0x314: {  	[hbm4b:s8+s0] =	stream.linear.scatter [tilespmem:s10], [sflag:$0xD], $0x2000, $0x38;
	[tilespmem:$0x1E680] =	vst v63  }
0x315: {  	_ =	swait.ge [sflag:s5], $0x2000  }
0x316: {  	[sflag:s5] =	ssyncset.done $0x0  }
0x317: {  	s21 =	rddreg [dreg:$0x11];
	[sflag:s5] =	ssyncadd.s32 $0xFFFFE000  }
0x318: {  	[tilespmem:s14], [sflag:$0xD] =	stream.linear.gather [spmem:s21], $0x2000, $0x38;
	[tilespmem:$0x1E680] =	vst v63  }
0x319: {  	_ =	swait.ge [sflag:s5], $0x2000  }
0x31a: {  	[sflag:s5] =	ssyncset.done $0x0  }
0x31b: {  	s11 =	rddreg [dreg:$0x7];
	[sflag:s5] =	ssyncadd.s32 $0xFFFFE000  }
0x31c: {  	[hbm4b:s11+s0] =	stream.linear.scatter [tilespmem:s14], [sflag:$0xD], $0x2000, $0x38;
	[tilespmem:$0x1E680] =	vst v63  }
0x31d: {  	_ =	swait.ge [sflag:s5], $0x2000  }
0x31e: {  	[sflag:s5] =	ssyncset.done $0x0  }
0x31f: {  	s11 =	rddreg [dreg:$0x12];
	[sflag:s5] =	ssyncadd.s32 $0xFFFFE000  }
0x320: {  	[tilespmem:s12], [sflag:$0xD] =	stream.linear.gather [spmem:s11], $0x2000, $0x38;
	[tilespmem:$0x1E680] =	vst v63  }
0x321: {  	_ =	swait.ge [sflag:s5], $0x2000  }
0x322: {  	[sflag:s5] =	ssyncset.done $0x0  }
0x323: {  	s22 =	rddreg [dreg:$0x8];
	[sflag:s5] =	ssyncadd.s32 $0xFFFFE000  }
0x324: {  	[hbm4b:s22+s0] =	stream.linear.scatter [tilespmem:s12], [sflag:$0xD], $0x2000, $0x38;
	[tilespmem:$0x1E680] =	vst v63  }
0x325: {  	_ =	swait.ge [sflag:s5], $0x2000  }
0x326: {  	[sflag:s5] =	ssyncset.done $0x0  }
0x327: {  	s22 =	rddreg [dreg:$0x13];
	[sflag:s5] =	ssyncadd.s32 $0xFFFFE000  }
0x328: {  	[tilespmem:s10], [sflag:$0xD] =	stream.linear.gather [spmem:s22], $0x2000, $0x38;
	[tilespmem:$0x1E680] =	vst v63  }
0x329: {  	_ =	swait.ge [sflag:s5], $0x2000  }
0x32a: {  	[sflag:s5] =	ssyncset.done $0x0  }
0x32b: {  	s4 =	rddreg [dreg:$0x9];
	[sflag:s5] =	ssyncadd.s32 $0xFFFFE000  }
0x32c: {  	[hbm4b:s4+s0] =	stream.linear.scatter [tilespmem:s10], [sflag:$0xD], $0x2000, $0x38;
	[tilespmem:$0x1E680] =	vst v63  }
0x32d: {  	_ =	swait.ge [sflag:s5], $0x2000  }
0x32e: {  	[sflag:s5] =	ssyncset.done $0x0  }
0x32f: {  	s4 =	simm.s32 $0x1BF80;
	s14 =	rddreg [dreg:$0x14];
	[sflag:s5] =	ssyncadd.s32 $0xFFFFE000  }
0x330: {  	[tilespmem:s4], [sflag:$0xD] =	stream.linear.gather [spmem:s14], $0x2000, $0x38;
	[tilespmem:$0x1E680] =	vst v63  }
0x331: {  	_ =	swait.ge [sflag:s5], $0x2000  }
0x332: {  	[sflag:s5] =	ssyncset.done $0x0  }
0x333: {  	s8 =	rddreg [dreg:$0xa];
	[sflag:s5] =	ssyncadd.s32 $0xFFFFE000  }
0x334: {  	[hbm4b:s8+s0] =	stream.linear.scatter [tilespmem:s4], [sflag:$0xD], $0x2000, $0x38;
	[tilespmem:$0x1E680] =	vst v63  }
0x335: {  	_ =	swait.ge [sflag:s5], $0x2000  }
0x336: {  	[sflag:s5] =	ssyncset.done $0x0  }
0x337: {  	s8 =	rddreg [dreg:$0x15];
	[sflag:s5] =	ssyncadd.s32 $0xFFFFE000  }
0x338: {  	[tilespmem:s12], [sflag:$0xD] =	stream.linear.gather [spmem:s8], $0x2000, $0x38;
	[tilespmem:$0x1E680] =	vst v63  }
0x339: {  	_ =	swait.ge [sflag:s5], $0x2000  }
0x33a: {  	[sflag:s5] =	ssyncset.done $0x0  }
0x33b: {  	s8 =	rddreg [dreg:$0xb];
	[sflag:s5] =	ssyncadd.s32 $0xFFFFE000  }
0x33c: {  	[hbm4b:s8+s0] =	stream.linear.scatter [tilespmem:s12], [sflag:$0xD], $0x2000, $0x38;
	[tilespmem:$0x1E680] =	vst v63  }
0x33d: {  	_ =	swait.ge [sflag:s5], $0x2000  }
0x33e: {  	[sflag:s5] =	ssyncset.done $0x0  }
0x33f: {  	s8 =	rddreg [dreg:$0x16];
	[sflag:s5] =	ssyncadd.s32 $0xFFFFE000  }
0x340: {  	[tilespmem:s10], [sflag:$0xD] =	stream.linear.gather [spmem:s8], $0x2000, $0x38;
	[tilespmem:$0x1E680] =	vst v63  }
0x341: {  	_ =	swait.ge [sflag:s5], $0x2000  }
0x342: {  	[sflag:s5] =	ssyncset.done $0x0  }
0x343: {  	s8 =	rddreg [dreg:$0xc];
	[sflag:s5] =	ssyncadd.s32 $0xFFFFE000  }
0x344: {  	[hbm4b:s8+s0] =	stream.linear.scatter [tilespmem:s10], [sflag:$0xD], $0x2000, $0x38;
	[tilespmem:$0x1E680] =	vst v63  }
0x345: {  	_ =	swait.ge [sflag:s5], $0x2000  }
0x346: {  	[sflag:s5] =	ssyncset.done $0x0  }
0x347: {  	s8 =	rddreg [dreg:$0x17];
	[sflag:s5] =	ssyncadd.s32 $0xFFFFE000  }
0x348: {  	[tilespmem:s4], [sflag:$0xD] =	stream.linear.gather [spmem:s8], $0x2000, $0x38;
	[tilespmem:$0x1E680] =	vst v63  }
0x349: {  	_ =	swait.ge [sflag:s5], $0x2000  }
0x34a: {  	[sflag:s5] =	ssyncset.done $0x0  }
0x34b: {  	s10 =	rddreg [dreg:$0xd];
	[sflag:s5] =	ssyncadd.s32 $0xFFFFE000  }
0x34c: {  	[hbm4b:s10+s0] =	stream.linear.scatter [tilespmem:s4], [sflag:$0xD], $0x2000, $0x38;
	[tilespmem:$0x1E680] =	vst v63  }
0x34d: {  	_ =	swait.ge [sflag:s5], $0x2000  }
0x34e: {  	[sflag:s5] =	ssyncset.done $0x0  }
0x34f: {  	s10 =	rddreg [dreg:$0x18];
	[sflag:s5] =	ssyncadd.s32 $0xFFFFE000  }
0x350: {  	[tilespmem:s12], [sflag:$0xD] =	stream.linear.gather [spmem:s10], $0x2000, $0x38;
	[tilespmem:$0x1E680] =	vst v63  }
0x351: {  	_ =	swait.ge [sflag:s5], $0x2000  }
0x352: {  	[sflag:s5] =	ssyncset.done $0x0  }
0x353: {  	s8 =	rddreg [dreg:$0xe];
	[sflag:s5] =	ssyncadd.s32 $0xFFFFE000  }
0x354: {  	[hbm4b:s8+s0] =	stream.linear.scatter [tilespmem:s12], [sflag:$0xD], $0x2000, $0x38;
	[tilespmem:$0x1E680] =	vst v63  }
0x355: {  	_ =	swait.ge [sflag:s5], $0x2000  }
0x356: {  	[sflag:s5] =	ssyncset.done $0x0  }
0x357: {  	s3 =	simm.s32 $0x1E400;
	s12 =	rddreg [dreg:$0x19];
	[sflag:s5] =	ssyncadd.s32 $0xFFFFE000  }
0x358: {  	[tilespmem:s3], [sflag:$0xD] =	stream.linear.gather [spmem:s12], $0x280, $0x38;
	[tilespmem:$0x1E680] =	vst v63  }
0x359: {  	_ =	swait.ge [sflag:s5], $0x280  }
0x35a: {  	s4 =	simm.s32 $0x80;
	[sflag:s5] =	ssyncset.done $0x0  }
0x35b: {  	s8 =	simm.s32 $0x100;
	s0 =	rddreg [dreg:$0x1c];
	[sflag:s5] =	ssyncadd.s32 $0xFFFFFD80  }
0x35c: {  	[hbm4b:s0+s4] =	stream.strided.scatter [tilespmem:s3], [sflag:$0xD], $0x280, s8, s4, $0x38;
	[tilespmem:$0x1E680] =	vst v63  }
0x35d: {  	_ =	swait.ge [sflag:s5], $0x280  }
0x35e: {  	s4 =	rddreg [dreg:$0x1f]  }
0x35f: {  	s8 =	rddreg [dreg:$0x1d];
	s3 =	sadd.s32 $0x1, s4  }
0x360: {  	p0 =	sne.s32 s3, s8  }
.Ltmp5:
0x361: {  	_ = 	snop;
	(pc) =	sbr.rel @p0 .LBB2_1-.Ltmp5, $3  }
0x362: {  	_ =	sdelay $0x1  }
0x363: {  	[sflag:s5] =	ssyncset.done $0x0  }
0x364: {  	[sflag:s5] =	ssyncadd.s32 $0xFFFFFD80  }
0x365: {  	_ =	sfence.sel $0x180000  }
0x366: {  	[bflag:$0x0] =	sbarrier.arrive $0xFFFF  }
0x367: {  	_ =	strace $0x90000047  }
0x368: {  	s0 =	stileid.u32;
	[bflag:$0x2] =	sbarrier.arrive $0xFFFF  }
0x369: {  	p0 =	sne.s32 s0, $0x0;
	s0 =	rddreg [dreg:$0x4]  }
0x36a: {  	s0 =	sadd.s32 @!p0 $0x100000, s0  }
0x36b: {  	[sflag:s0] =	ssyncadd.tile.s32 @!p0 $0x1;
	_ =	shalt  }
.Lfunc_end2:
_tile_overlayer_lowered:
.L_overlay_start_2:
0x36c: {  	(tag) =	ssettag $0x2  }
0x36d: {  	s0 =	rddreg [dreg:$0x0];
	s2 =	stileid.u32  }
0x36e: {  	s1 =	rddreg [dreg:$0x1];
	p0 =	sne.s32 s2, $0x0  }
0x36f: {  	s3 =	rddreg [dreg:$0x2];
	[bflag:$0x3] =	sbarrier.arrive $0xFFFF;
	s2 =	simm.s32 @!p0 $0x1C0D  }
0x370: {  	[timem:s3], [sflag:s2] =	dma.local @!p0 [hbm:s0], s1  }
0x371: {  	s0 =	simm.s32 @!p0 $0xD  }
0x372: {  	_ =	swait.ge @!p0 [sflag:s0], s1  }
0x373: {  	s1 =	ssub.s32 @!p0 $0x0, s1;
	[sflag:s0] =	ssyncset.done @!p0 $0x0  }
0x374: {  	[sflag:s0] =	ssyncadd.s32 @!p0 s1  }
0x375: {  	[bflag:$0x3] =	sbarrier.arrive $0xFFFF  }
0x376: {  	_ =	shalt  }

</sc_bundles>
